<compile_context>
chip_gen: v7x
topology: tpu7x:2x2x1
jax: 0.10.2.dev20260603
libtpu: 0.0.44.dev20260713+nightly
codegen_flags: <defaults>
</compile_context>

<pallas_src>
import functools

import jax
import jax.numpy as jnp
from jax import lax
from jax.experimental import pallas as pl
from jax.experimental.pallas import tpu as pltpu
from jax.experimental.pallas import tpu_sc as plsc

H = 256



@functools.lru_cache(maxsize=None)
def _make_sc_gather(V, N, CH):
    info = plsc.get_sparse_core_info()
    NC, NS = info.num_cores, info.num_subcores
    NW = NC * NS
    per_w = N // NW
    n_ch = per_w // CH
    assert per_w % CH == 0 and N % NW == 0 and CH <= 128
    mesh = plsc.VectorSubcoreMesh(core_axis_name="c", subcore_axis_name="s")

    @functools.partial(
        pl.kernel,
        mesh=mesh,
        out_type=jax.ShapeDtypeStruct((N, H), jnp.float32),
        scratch_types=[
            pltpu.VMEM((n_ch, CH), jnp.int32),
            pltpu.VMEM((3, CH, H), jnp.float32),
            pltpu.SemaphoreType.DMA,
            pltpu.SemaphoreType.DMA,
            pltpu.SemaphoreType.DMA,
            pltpu.SemaphoreType.DMA,
            pltpu.SemaphoreType.DMA,
            pltpu.SemaphoreType.DMA,
        ],
    )
    def gather_k(table_hbm, idx_hbm, out_hbm, idx_v, rows_v,
                 g0, g1, g2, o0, o1, o2):
        wid = lax.axis_index("s") * NC + lax.axis_index("c")
        base = wid * per_w
        gsems = (g0, g1, g2)
        osems = (o0, o1, o2)

        pltpu.sync_copy(idx_hbm.at[wid], idx_v)
        gathers = [None, None, None]
        wbs = [None, None, None]
        for k0 in range(min(2, n_ch)):
            gathers[k0] = pltpu.async_copy(
                table_hbm.at[idx_v.at[k0]], rows_v.at[k0], gsems[k0]
            )
        for k in range(n_ch):
            b = k % 3
            if k + 2 < n_ch:
                nb = (k + 2) % 3
                if wbs[nb] is not None:
                    wbs[nb].wait()
                gathers[nb] = pltpu.async_copy(
                    table_hbm.at[idx_v.at[k + 2]], rows_v.at[nb], gsems[nb]
                )
            gathers[b].wait()
            wbs[b] = pltpu.async_copy(
                rows_v.at[b], out_hbm.at[pl.ds(base + k * CH, CH)], osems[b]
            )
        for w in wbs:
            if w is not None:
                w.wait()

    return gather_k



def _dot(a, b):
    return jnp.dot(a.astype(jnp.bfloat16), b, preferred_element_type=jnp.float32)


def _sigmoid(x):
    return 0.5 * jnp.tanh(0.5 * x) + 0.5


def _lstm_cell(iou, ct):
    i, o, u = iou[:, :H], iou[:, H:2 * H], iou[:, 2 * H:]
    c = _sigmoid(i) * jnp.tanh(u) + ct
    h = _sigmoid(o) * jnp.tanh(c)
    return h, c


def _levels(h, c, w_ref, b_ref, n_lev):
    for _ in range(n_lev):
        k = h.shape[0] // 2
        h2 = h.reshape(k, 2 * H)
        c2 = c.reshape(k, 2 * H)
        g = _dot(h2, w_ref[...]) + b_ref[...]
        f = _sigmoid(g[:, :2 * H])
        fc = f * c2
        ct = fc[:, :H] + fc[:, H:]
        h, c = _lstm_cell(g[:, 2 * H:], ct)
    return h, c


def _blockA_body(x_ref, wl_ref, w_ref, b_ref, h_ref, c_ref):
    iou = _dot(x_ref[...], wl_ref[...]) + b_ref[...][:, 2 * H:]
    h, c = _lstm_cell(iou, 0.0)
    h, c = _levels(h, c, w_ref, b_ref, 4)
    h_ref[...] = h
    c_ref[...] = c


def _make_blockA2_body(NP):

    def body(x_ref, wl_ref, w_ref, b_ref, *rest):
        h6refs = rest[:NP]
        c6refs = rest[NP:2 * NP]
        wo_ref, bo_ref, out_ref, h6s, c6s = rest[2 * NP:]
        i = pl.program_id(0)
        n = pl.num_programs(0)
        iou = _dot(x_ref[...], wl_ref[...]) + b_ref[...][:, 2 * H:]
        h, c = _lstm_cell(iou, 0.0)
        h, c = _levels(h, c, w_ref, b_ref, 4)
        ob = h.shape[0]
        h6s[pl.ds(i * ob, ob), :] = h
        c6s[pl.ds(i * ob, ob), :] = c

        @pl.when(i == n - 1)
        def _tail():
            hh = jnp.concatenate([r[...] for r in h6refs] + [h6s[...]], axis=0)
            cc = jnp.concatenate([r[...] for r in c6refs] + [c6s[...]], axis=0)
            hr, _ = _levels(hh, cc, w_ref, b_ref, 6)
            logits = (jnp.dot(hr, wo_ref[...], preferred_element_type=jnp.float32)
                      + bo_ref[...])
            mx = jnp.max(logits, axis=-1, keepdims=True)
            e = jnp.exp(logits - mx)
            out_ref[...] = logits - mx - jnp.log(jnp.sum(e, axis=-1, keepdims=True))

    return body


def kernel(label, depth, batch, emb, W_iou, U_iou, b_iou, U_f_w, U_f_b, out_w, out_b):
    D = 10
    M = 2 ** (D + 1) - 1
    B = label.shape[0] // M
    NL = B * 2 ** D
    out_size = out_w.shape[0]

    leaf_labels = label.reshape(B, M)[:, M // 2:].reshape(-1).astype(jnp.int32)

    CH = 128
    info = plsc.get_sparse_core_info()
    NW = info.num_cores * info.num_subcores
    SPLITS = (16, 48)
    NG = len(SPLITS)
    xs = []
    off = 0
    for bt in SPLITS:
        ng = bt * 2 ** D
        xs.append(_make_sc_gather(emb.shape[0], ng, CH)(
            emb, leaf_labels[off:off + ng].reshape(NW, ng // (NW * CH), CH)))
        off += ng

    WlT = W_iou.T.astype(jnp.bfloat16)
    Wall = jnp.concatenate([U_f_w, U_iou], axis=0).T.astype(jnp.bfloat16)
    ball = jnp.concatenate([U_f_b.reshape(1, 2 * H), b_iou.reshape(1, 3 * H)],
                           axis=1)

    T = 4
    LB = T * 2 ** D
    OB = T * 2 ** 6
    parts = [pl.pallas_call(
        _blockA_body,
        grid=(bt // T,),
        in_specs=[
            pl.BlockSpec((LB, H), lambda i: (i, 0)),
            pl.BlockSpec((H, 3 * H), lambda i: (0, 0)),
            pl.BlockSpec((2 * H, 5 * H), lambda i: (0, 0)),
            pl.BlockSpec((1, 5 * H), lambda i: (0, 0)),
        ],
        out_specs=[
            pl.BlockSpec((OB, H), lambda i: (i, 0)),
            pl.BlockSpec((OB, H), lambda i: (i, 0)),
        ],
        out_shape=[jax.ShapeDtypeStruct((bt * 2 ** 6, H), jnp.float32)] * 2,
    )(xg, WlT, Wall, ball) for bt, xg in zip(SPLITS[:NG - 1], xs[:NG - 1])]

    WoPad = jnp.zeros((H, 128), jnp.float32).at[:, :out_size].set(out_w.T)
    boPad = jnp.full((1, 128), -1e30, jnp.float32).at[0, :out_size].set(out_b)
    NP = NG - 1
    BLAST = SPLITS[-1]
    NSC = BLAST * 2 ** 6
    ls = pl.pallas_call(
        _make_blockA2_body(NP),
        grid=(BLAST // T,),
        in_specs=[
            pl.BlockSpec((LB, H), lambda i: (i, 0)),
            pl.BlockSpec((H, 3 * H), lambda i: (0, 0)),
            pl.BlockSpec((2 * H, 5 * H), lambda i: (0, 0)),
            pl.BlockSpec((1, 5 * H), lambda i: (0, 0)),
        ] + [pl.BlockSpec((bt * 2 ** 6, H), lambda i: (0, 0))
             for bt in list(SPLITS[:NG - 1]) * 2] + [
            pl.BlockSpec((H, 128), lambda i: (0, 0)),
            pl.BlockSpec((1, 128), lambda i: (0, 0)),
        ],
        out_specs=pl.BlockSpec((B, 128), lambda i: (0, 0)),
        out_shape=jax.ShapeDtypeStruct((B, 128), jnp.float32),
        scratch_shapes=[
            pltpu.VMEM((NSC, H), jnp.float32),
            pltpu.VMEM((NSC, H), jnp.float32),
        ],
    )(xs[NG - 1], WlT, Wall, ball,
      *[p[0] for p in parts], *[p[1] for p in parts], WoPad, boPad)
    return ls[:, :out_size]

# --- scband reference (transcript-rebuilt; emitter-appended) ---
"""Pipeline reference for scband-tree-lstm-81973745811979 (READ-ONLY COPY).

The authoritative reference and input builder live on the scoring server;
editing this copy changes nothing except your own understanding.
"""

import jax, jax.numpy as jnp
import numpy as np


def setup_inputs(seed: int = 0) -> dict:
    key = jax.random.key(seed)
    ks = jax.random.split(key, 8)
    hidden = 256
    in_size = 32000
    out_size = 5
    D = 10
    B = 64
    M = 2 ** (D + 1) - 1
    n = B * M
    label = jax.random.randint(ks[0], (n,), 0, in_size)
    emb = jax.random.normal(ks[1], (in_size, hidden), dtype=jnp.float32) * 0.02
    W_iou = jax.random.normal(ks[2], (3 * hidden, hidden), dtype=jnp.float32) * (1.0 / np.sqrt(hidden))
    U_iou = jax.random.normal(ks[3], (3 * hidden, 2 * hidden), dtype=jnp.float32) * (1.0 / np.sqrt(2 * hidden))
    b_iou = jnp.zeros((1, 3 * hidden), dtype=jnp.float32)
    U_f_w = jax.random.normal(ks[4], (2 * hidden, 2 * hidden), dtype=jnp.float32) * (1.0 / np.sqrt(2 * hidden))
    U_f_b = jnp.zeros((2 * hidden,), dtype=jnp.float32)
    out_w = jax.random.normal(ks[5], (out_size, hidden), dtype=jnp.float32) * (1.0 / np.sqrt(hidden))
    out_b = jnp.zeros((out_size,), dtype=jnp.float32)
    return {"label": label, "depth": D, "batch": B, "emb": emb, "W_iou": W_iou,
            "U_iou": U_iou, "b_iou": b_iou, "U_f_w": U_f_w, "U_f_b": U_f_b,
            "out_w": out_w, "out_b": out_b}


def reference(label, depth, batch, emb, W_iou, U_iou, b_iou, U_f_w, U_f_b, out_w, out_b):
    D = 10
    M = 2 ** (D + 1) - 1
    B = label.shape[0] // M
    h_size = emb.shape[1]
    n = B * M
    M_t = 2 ** (jnp.asarray(depth).astype(jnp.int32) + 1) - 1
    tree_off = jnp.arange(B, dtype=jnp.int32) * M_t + (jnp.asarray(batch).astype(jnp.int32) - B)  # [B]

    # iou = W_iou(emb(label)) for every node (DGL: g.ndata['iou'])
    x = jnp.take(emb, label, axis=0)          # gather: [n, h]
    x_iou = x @ W_iou.T                        # [n, 3h]

    h = jnp.zeros((n, h_size), dtype=jnp.float32)
    c = jnp.zeros((n, h_size), dtype=jnp.float32)

    # --- leaves: apply_node_func with c = 0 ---
    leaf_heap = jnp.arange(2 ** D - 1, M, dtype=jnp.int32)
    leaf_ids = (tree_off[:, None] + leaf_heap[None, :]).reshape(-1)
    iou = x_iou[leaf_ids] + b_iou
    i, o, u = jnp.split(iou, 3, axis=1)
    c_leaf = jax.nn.sigmoid(i) * jnp.tanh(u)
    h_leaf = jax.nn.sigmoid(o) * jnp.tanh(c_leaf)
    h = h.at[leaf_ids].set(h_leaf)
    c = c.at[leaf_ids].set(c_leaf)

    # --- internal nodes, level-synchronous topological propagation ---
    # reduce_func overwrites 'iou' with U_iou(h_cat) for internal nodes (faithful to DGL cell)
    for l in range(D - 1, -1, -1):
        heap = jnp.arange(2 ** l - 1, 2 ** (l + 1) - 1, dtype=jnp.int32)
        pid = (tree_off[:, None] + heap[None, :]).reshape(-1)
        lid = (tree_off[:, None] + (2 * heap + 1)[None, :]).reshape(-1)
        rid = (tree_off[:, None] + (2 * heap + 2)[None, :]).reshape(-1)
        h_cat = jnp.concatenate([h[lid], h[rid]], axis=1)         # mailbox view [m, 2h]
        f = jax.nn.sigmoid(h_cat @ U_f_w.T + U_f_b).reshape(-1, 2, h_size)
        c_tilde = f[:, 0] * c[lid] + f[:, 1] * c[rid]              # sum(f * mailbox c)
        iou = h_cat @ U_iou.T + b_iou                              # reduce + apply bias
        i, o, u = jnp.split(iou, 3, axis=1)
        c_new = jax.nn.sigmoid(i) * jnp.tanh(u) + c_tilde
        h_new = jax.nn.sigmoid(o) * jnp.tanh(c_new)
        h = h.at[pid].set(h_new)
        c = c.at[pid].set(c_new)

    # root of each tree is heap index 0 -> global index t*M
    roots = tree_off
    final = h[roots] @ out_w.T + out_b
    return jax.nn.log_softmax(final, axis=-1)

if __name__ == "__main__":
    import jax
    _d = setup_inputs()
    print(jax.jit(kernel)(*tuple(_d.values())))

</pallas_src>

<mosaic_0001>
#map = affine_map<(d0, d1) -> (0, 0)>
#map1 = affine_map<(d0, d1) -> (0, 0, 0)>
module attributes {stable_mosaic.version = 14 : i64} {
  func.func @gather_k(%arg0: i32, %arg1: i32, %arg2: memref<32000x256xf32, #tpu.memory_space<hbm>>, %arg3: memref<32x12x128xi32, #tpu.memory_space<hbm>>, %arg4: memref<49152x256xf32, #tpu.memory_space<hbm>>, %arg5: memref<12x128xi32, #tpu.memory_space<vmem>>, %arg6: memref<3x128x256xf32, #tpu.memory_space<vmem>>, %arg7: memref<!tpu.dma_semaphore, #tpu.memory_space<semaphore_mem>>, %arg8: memref<!tpu.dma_semaphore, #tpu.memory_space<semaphore_mem>>, %arg9: memref<!tpu.dma_semaphore, #tpu.memory_space<semaphore_mem>>, %arg10: memref<!tpu.dma_semaphore, #tpu.memory_space<semaphore_mem>>, %arg11: memref<!tpu.dma_semaphore, #tpu.memory_space<semaphore_mem>>, %arg12: memref<!tpu.dma_semaphore, #tpu.memory_space<semaphore_mem>>) attributes {dimension_semantics = [#tpu.dimension_semantics<core_parallel>, #tpu.dimension_semantics<subcore_parallel>], iteration_bounds = array<i64: 2, 16>, scalar_prefetch = 0 : i64, scratch_operands = 8 : i64, tpu.core_type = #tpu.core_type<sc_vector_subcore>, window_params = [{transform_indices = #map}, {transform_indices = #map1}, {transform_indices = #map}]} {
    %mul3A = arith.constant 2 : i32
    %mul3A_0 = arith.muli %arg1, %mul3A : i32
    %add3A = arith.addi %mul3A_0, %arg0 : i32
    %mul3A_1 = arith.constant 1536 : i32
    %mul3A_2 = arith.muli %add3A, %mul3A_1 : i32
    "tpu.region"() ({
      %run_scoped3A = tpu.sem_alloc : memref<!tpu.dma_semaphore, #tpu.memory_space<semaphore_mem>>
      %dma_start3A_625 = arith.constant 0 : i32
      %dma_start3A_626 = arith.constant 0 : i32
      %dma_start3A_627 = tpu.memref_slice %arg3[%add3A, %dma_start3A_625, %dma_start3A_626] : memref<32x12x128xi32, #tpu.memory_space<hbm>> -> memref<1x12x128xi32, #tpu.memory_space<hbm>>
      %dma_start3A_628 = tpu.memref_squeeze %dma_start3A_627 : memref<1x12x128xi32, #tpu.memory_space<hbm>> -> memref<12x128xi32, #tpu.memory_space<hbm>>
      %dma_start3A_629 = arith.constant 0 : i32
      %dma_start3A_630 = arith.constant 0 : i32
      %dma_start3A_631 = tpu.memref_slice %arg3[%add3A, %dma_start3A_629, %dma_start3A_630] : memref<32x12x128xi32, #tpu.memory_space<hbm>> -> memref<1x12x128xi32, #tpu.memory_space<hbm>>
      %dma_start3A_632 = tpu.memref_squeeze %dma_start3A_631 : memref<1x12x128xi32, #tpu.memory_space<hbm>> -> memref<12x128xi32, #tpu.memory_space<hbm>>
      tpu.enqueue_dma source(%dma_start3A_632 : memref<12x128xi32, #tpu.memory_space<hbm>>) target(%arg5 : memref<12x128xi32, #tpu.memory_space<vmem>>) target_semaphore(%run_scoped3A : memref<!tpu.dma_semaphore, #tpu.memory_space<semaphore_mem>>)
      %dma_wait3A_633 = arith.constant 0 : i32
      %dma_wait3A_634 = arith.constant 0 : i32
      %dma_wait3A_635 = tpu.memref_slice %arg3[%add3A, %dma_wait3A_633, %dma_wait3A_634] : memref<32x12x128xi32, #tpu.memory_space<hbm>> -> memref<1x12x128xi32, #tpu.memory_space<hbm>>
      %dma_wait3A_636 = tpu.memref_squeeze %dma_wait3A_635 : memref<1x12x128xi32, #tpu.memory_space<hbm>> -> memref<12x128xi32, #tpu.memory_space<hbm>>
      %dma_wait3A_637 = arith.constant 0 : i32
      %dma_wait3A_638 = arith.constant 0 : i32
      %dma_wait3A_639 = tpu.memref_slice %arg3[%add3A, %dma_wait3A_637, %dma_wait3A_638] : memref<32x12x128xi32, #tpu.memory_space<hbm>> -> memref<1x12x128xi32, #tpu.memory_space<hbm>>
      %dma_wait3A_640 = tpu.memref_squeeze %dma_wait3A_639 : memref<1x12x128xi32, #tpu.memory_space<hbm>> -> memref<12x128xi32, #tpu.memory_space<hbm>>
      tpu.wait_dma2 semaphore(%run_scoped3A : memref<!tpu.dma_semaphore, #tpu.memory_space<semaphore_mem>>) src(%dma_wait3A_640 : memref<12x128xi32, #tpu.memory_space<hbm>>) dst(%arg5 : memref<12x128xi32, #tpu.memory_space<vmem>>)
      tpu.yield
    }) : () -> ()
    %dma_start3A = arith.constant 0 : i32
    %dma_start3A_3 = arith.constant 0 : i32
    %dma_start3A_4 = arith.constant 0 : i32
    %dma_start3A_5 = arith.constant 0 : i32
    %dma_start3A_6 = tpu.memref_slice %arg6[%dma_start3A_3, %dma_start3A_4, %dma_start3A_5] : memref<3x128x256xf32, #tpu.memory_space<vmem>> -> memref<1x128x256xf32, #tpu.memory_space<vmem>>
    %dma_start3A_7 = tpu.memref_squeeze %dma_start3A_6 : memref<1x128x256xf32, #tpu.memory_space<vmem>> -> memref<128x256xf32, #tpu.memory_space<vmem>>
    %dma_start3A_8 = arith.constant 0 : i32
    %dma_start3A_9 = tpu.memref_slice %arg5[%dma_start3A, %dma_start3A_8] : memref<12x128xi32, #tpu.memory_space<vmem>> -> memref<1x128xi32, #tpu.memory_space<vmem>>
    %dma_start3A_10 = tpu.memref_squeeze %dma_start3A_9 : memref<1x128xi32, #tpu.memory_space<vmem>> -> memref<128xi32, #tpu.memory_space<vmem>>
    %dma_start3A_11 = arith.constant 0 : i32
    %dma_start3A_12 = arith.constant 0 : i32
    %dma_start3A_13 = tpu.memref_slice %arg2[%dma_start3A_11, %dma_start3A_12] : memref<32000x256xf32, #tpu.memory_space<hbm>> -> memref<32000x256xf32, #tpu.memory_space<hbm>>
    tpu.enqueue_indirect_dma source(%dma_start3A_13 : memref<32000x256xf32, #tpu.memory_space<hbm>>) target(%dma_start3A_7 : memref<128x256xf32, #tpu.memory_space<vmem>>) offsets(%dma_start3A_10 : memref<128xi32, #tpu.memory_space<vmem>>) semaphore(%arg7 : memref<!tpu.dma_semaphore, #tpu.memory_space<semaphore_mem>>)
    %dma_start3A_14 = arith.constant 1 : i32
    %dma_start3A_15 = arith.constant 1 : i32
    %dma_start3A_16 = arith.constant 0 : i32
    %dma_start3A_17 = arith.constant 0 : i32
    %dma_start3A_18 = tpu.memref_slice %arg6[%dma_start3A_15, %dma_start3A_16, %dma_start3A_17] : memref<3x128x256xf32, #tpu.memory_space<vmem>> -> memref<1x128x256xf32, #tpu.memory_space<vmem>>
    %dma_start3A_19 = tpu.memref_squeeze %dma_start3A_18 : memref<1x128x256xf32, #tpu.memory_space<vmem>> -> memref<128x256xf32, #tpu.memory_space<vmem>>
    %dma_start3A_20 = arith.constant 0 : i32
    %dma_start3A_21 = tpu.memref_slice %arg5[%dma_start3A_14, %dma_start3A_20] : memref<12x128xi32, #tpu.memory_space<vmem>> -> memref<1x128xi32, #tpu.memory_space<vmem>>
    %dma_start3A_22 = tpu.memref_squeeze %dma_start3A_21 : memref<1x128xi32, #tpu.memory_space<vmem>> -> memref<128xi32, #tpu.memory_space<vmem>>
    %dma_start3A_23 = arith.constant 0 : i32
    %dma_start3A_24 = arith.constant 0 : i32
    %dma_start3A_25 = tpu.memref_slice %arg2[%dma_start3A_23, %dma_start3A_24] : memref<32000x256xf32, #tpu.memory_space<hbm>> -> memref<32000x256xf32, #tpu.memory_space<hbm>>
    tpu.enqueue_indirect_dma source(%dma_start3A_25 : memref<32000x256xf32, #tpu.memory_space<hbm>>) target(%dma_start3A_19 : memref<128x256xf32, #tpu.memory_space<vmem>>) offsets(%dma_start3A_22 : memref<128xi32, #tpu.memory_space<vmem>>) semaphore(%arg8 : memref<!tpu.dma_semaphore, #tpu.memory_space<semaphore_mem>>)
    %dma_start3A_26 = arith.constant 2 : i32
    %dma_start3A_27 = arith.constant 2 : i32
    %dma_start3A_28 = arith.constant 0 : i32
    %dma_start3A_29 = arith.constant 0 : i32
    %dma_start3A_30 = tpu.memref_slice %arg6[%dma_start3A_27, %dma_start3A_28, %dma_start3A_29] : memref<3x128x256xf32, #tpu.memory_space<vmem>> -> memref<1x128x256xf32, #tpu.memory_space<vmem>>
    %dma_start3A_31 = tpu.memref_squeeze %dma_start3A_30 : memref<1x128x256xf32, #tpu.memory_space<vmem>> -> memref<128x256xf32, #tpu.memory_space<vmem>>
    %dma_start3A_32 = arith.constant 0 : i32
    %dma_start3A_33 = tpu.memref_slice %arg5[%dma_start3A_26, %dma_start3A_32] : memref<12x128xi32, #tpu.memory_space<vmem>> -> memref<1x128xi32, #tpu.memory_space<vmem>>
    %dma_start3A_34 = tpu.memref_squeeze %dma_start3A_33 : memref<1x128xi32, #tpu.memory_space<vmem>> -> memref<128xi32, #tpu.memory_space<vmem>>
    %dma_start3A_35 = arith.constant 0 : i32
    %dma_start3A_36 = arith.constant 0 : i32
    %dma_start3A_37 = tpu.memref_slice %arg2[%dma_start3A_35, %dma_start3A_36] : memref<32000x256xf32, #tpu.memory_space<hbm>> -> memref<32000x256xf32, #tpu.memory_space<hbm>>
    tpu.enqueue_indirect_dma source(%dma_start3A_37 : memref<32000x256xf32, #tpu.memory_space<hbm>>) target(%dma_start3A_31 : memref<128x256xf32, #tpu.memory_space<vmem>>) offsets(%dma_start3A_34 : memref<128xi32, #tpu.memory_space<vmem>>) semaphore(%arg9 : memref<!tpu.dma_semaphore, #tpu.memory_space<semaphore_mem>>)
    %dma_wait3A = arith.constant 0 : i32
    %dma_wait3A_38 = arith.constant 0 : i32
    %dma_wait3A_39 = arith.constant 0 : i32
    %dma_wait3A_40 = arith.constant 0 : i32
    %dma_wait3A_41 = tpu.memref_slice %arg6[%dma_wait3A_38, %dma_wait3A_39, %dma_wait3A_40] : memref<3x128x256xf32, #tpu.memory_space<vmem>> -> memref<1x128x256xf32, #tpu.memory_space<vmem>>
    %dma_wait3A_42 = tpu.memref_squeeze %dma_wait3A_41 : memref<1x128x256xf32, #tpu.memory_space<vmem>> -> memref<128x256xf32, #tpu.memory_space<vmem>>
    %dma_wait3A_43 = arith.constant 0 : i32
    %dma_wait3A_44 = tpu.memref_slice %arg5[%dma_wait3A, %dma_wait3A_43] : memref<12x128xi32, #tpu.memory_space<vmem>> -> memref<1x128xi32, #tpu.memory_space<vmem>>
    %dma_wait3A_45 = tpu.memref_squeeze %dma_wait3A_44 : memref<1x128xi32, #tpu.memory_space<vmem>> -> memref<128xi32, #tpu.memory_space<vmem>>
    %dma_wait3A_46 = arith.constant 0 : i32
    %dma_wait3A_47 = arith.constant 0 : i32
    %dma_wait3A_48 = tpu.memref_slice %arg2[%dma_wait3A_46, %dma_wait3A_47] : memref<32000x256xf32, #tpu.memory_space<hbm>> -> memref<32000x256xf32, #tpu.memory_space<hbm>>
    tpu.wait_indirect_dma semaphore(%arg7 : memref<!tpu.dma_semaphore, #tpu.memory_space<semaphore_mem>>) src(%dma_wait3A_48 : memref<32000x256xf32, #tpu.memory_space<hbm>>) dst(%dma_wait3A_42 : memref<128x256xf32, #tpu.memory_space<vmem>>)
    %add3A_49 = arith.constant 0 : i32
    %add3A_50 = arith.addi %mul3A_2, %add3A_49 : i32
    %dma_start3A_51 = arith.constant 0 : i32
    %dma_start3A_52 = arith.constant 0 : i32
    %dma_start3A_53 = arith.constant 0 : i32
    %dma_start3A_54 = tpu.memref_slice %arg6[%dma_start3A_51, %dma_start3A_52, %dma_start3A_53] : memref<3x128x256xf32, #tpu.memory_space<vmem>> -> memref<1x128x256xf32, #tpu.memory_space<vmem>>
    %dma_start3A_55 = tpu.memref_squeeze %dma_start3A_54 : memref<1x128x256xf32, #tpu.memory_space<vmem>> -> memref<128x256xf32, #tpu.memory_space<vmem>>
    %dma_start3A_56 = arith.constant 0 : i32
    %dma_start3A_57 = tpu.memref_slice %arg4[%add3A_50, %dma_start3A_56] : memref<49152x256xf32, #tpu.memory_space<hbm>> -> memref<128x256xf32, #tpu.memory_space<hbm>>
    %dma_start3A_58 = arith.constant 0 : i32
    %dma_start3A_59 = tpu.memref_slice %arg4[%add3A_50, %dma_start3A_58] : memref<49152x256xf32, #tpu.memory_space<hbm>> -> memref<128x256xf32, #tpu.memory_space<hbm>>
    %dma_start3A_60 = arith.constant 0 : i32
    %dma_start3A_61 = arith.constant 0 : i32
    %dma_start3A_62 = tpu.memref_slice %arg6[%dma_start3A_51, %dma_start3A_60, %dma_start3A_61] : memref<3x128x256xf32, #tpu.memory_space<vmem>> -> memref<1x128x256xf32, #tpu.memory_space<vmem>>
    %dma_start3A_63 = tpu.memref_squeeze %dma_start3A_62 : memref<1x128x256xf32, #tpu.memory_space<vmem>> -> memref<128x256xf32, #tpu.memory_space<vmem>>
    tpu.enqueue_dma source(%dma_start3A_63 : memref<128x256xf32, #tpu.memory_space<vmem>>) target(%dma_start3A_59 : memref<128x256xf32, #tpu.memory_space<hbm>>) target_semaphore(%arg10 : memref<!tpu.dma_semaphore, #tpu.memory_space<semaphore_mem>>)
    %dma_wait3A_64 = arith.constant 0 : i32
    %dma_wait3A_65 = arith.constant 0 : i32
    %dma_wait3A_66 = arith.constant 0 : i32
    %dma_wait3A_67 = tpu.memref_slice %arg6[%dma_wait3A_64, %dma_wait3A_65, %dma_wait3A_66] : memref<3x128x256xf32, #tpu.memory_space<vmem>> -> memref<1x128x256xf32, #tpu.memory_space<vmem>>
    %dma_wait3A_68 = tpu.memref_squeeze %dma_wait3A_67 : memref<1x128x256xf32, #tpu.memory_space<vmem>> -> memref<128x256xf32, #tpu.memory_space<vmem>>
    %dma_wait3A_69 = arith.constant 0 : i32
    %dma_wait3A_70 = tpu.memref_slice %arg4[%add3A_50, %dma_wait3A_69] : memref<49152x256xf32, #tpu.memory_space<hbm>> -> memref<128x256xf32, #tpu.memory_space<hbm>>
    %dma_wait3A_71 = arith.constant 0 : i32
    %dma_wait3A_72 = tpu.memref_slice %arg4[%add3A_50, %dma_wait3A_71] : memref<49152x256xf32, #tpu.memory_space<hbm>> -> memref<128x256xf32, #tpu.memory_space<hbm>>
    %dma_wait3A_73 = arith.constant 0 : i32
    %dma_wait3A_74 = arith.constant 0 : i32
    %dma_wait3A_75 = tpu.memref_slice %arg6[%dma_wait3A_64, %dma_wait3A_73, %dma_wait3A_74] : memref<3x128x256xf32, #tpu.memory_space<vmem>> -> memref<1x128x256xf32, #tpu.memory_space<vmem>>
    %dma_wait3A_76 = tpu.memref_squeeze %dma_wait3A_75 : memref<1x128x256xf32, #tpu.memory_space<vmem>> -> memref<128x256xf32, #tpu.memory_space<vmem>>
    tpu.wait_dma2 semaphore(%arg10 : memref<!tpu.dma_semaphore, #tpu.memory_space<semaphore_mem>>) src(%dma_wait3A_76 : memref<128x256xf32, #tpu.memory_space<vmem>>) dst(%dma_wait3A_72 : memref<128x256xf32, #tpu.memory_space<hbm>>)
    %dma_start3A_77 = arith.constant 3 : i32
    %dma_start3A_78 = arith.constant 0 : i32
    %dma_start3A_79 = arith.constant 0 : i32
    %dma_start3A_80 = arith.constant 0 : i32
    %dma_start3A_81 = tpu.memref_slice %arg6[%dma_start3A_78, %dma_start3A_79, %dma_start3A_80] : memref<3x128x256xf32, #tpu.memory_space<vmem>> -> memref<1x128x256xf32, #tpu.memory_space<vmem>>
    %dma_start3A_82 = tpu.memref_squeeze %dma_start3A_81 : memref<1x128x256xf32, #tpu.memory_space<vmem>> -> memref<128x256xf32, #tpu.memory_space<vmem>>
    %dma_start3A_83 = arith.constant 0 : i32
    %dma_start3A_84 = tpu.memref_slice %arg5[%dma_start3A_77, %dma_start3A_83] : memref<12x128xi32, #tpu.memory_space<vmem>> -> memref<1x128xi32, #tpu.memory_space<vmem>>
    %dma_start3A_85 = tpu.memref_squeeze %dma_start3A_84 : memref<1x128xi32, #tpu.memory_space<vmem>> -> memref<128xi32, #tpu.memory_space<vmem>>
    %dma_start3A_86 = arith.constant 0 : i32
    %dma_start3A_87 = arith.constant 0 : i32
    %dma_start3A_88 = tpu.memref_slice %arg2[%dma_start3A_86, %dma_start3A_87] : memref<32000x256xf32, #tpu.memory_space<hbm>> -> memref<32000x256xf32, #tpu.memory_space<hbm>>
    tpu.enqueue_indirect_dma source(%dma_start3A_88 : memref<32000x256xf32, #tpu.memory_space<hbm>>) target(%dma_start3A_82 : memref<128x256xf32, #tpu.memory_space<vmem>>) offsets(%dma_start3A_85 : memref<128xi32, #tpu.memory_space<vmem>>) semaphore(%arg7 : memref<!tpu.dma_semaphore, #tpu.memory_space<semaphore_mem>>)
    %dma_wait3A_89 = arith.constant 1 : i32
    %dma_wait3A_90 = arith.constant 1 : i32
    %dma_wait3A_91 = arith.constant 0 : i32
    %dma_wait3A_92 = arith.constant 0 : i32
    %dma_wait3A_93 = tpu.memref_slice %arg6[%dma_wait3A_90, %dma_wait3A_91, %dma_wait3A_92] : memref<3x128x256xf32, #tpu.memory_space<vmem>> -> memref<1x128x256xf32, #tpu.memory_space<vmem>>
    %dma_wait3A_94 = tpu.memref_squeeze %dma_wait3A_93 : memref<1x128x256xf32, #tpu.memory_space<vmem>> -> memref<128x256xf32, #tpu.memory_space<vmem>>
    %dma_wait3A_95 = arith.constant 0 : i32
    %dma_wait3A_96 = tpu.memref_slice %arg5[%dma_wait3A_89, %dma_wait3A_95] : memref<12x128xi32, #tpu.memory_space<vmem>> -> memref<1x128xi32, #tpu.memory_space<vmem>>
    %dma_wait3A_97 = tpu.memref_squeeze %dma_wait3A_96 : memref<1x128xi32, #tpu.memory_space<vmem>> -> memref<128xi32, #tpu.memory_space<vmem>>
    %dma_wait3A_98 = arith.constant 0 : i32
    %dma_wait3A_99 = arith.constant 0 : i32
    %dma_wait3A_100 = tpu.memref_slice %arg2[%dma_wait3A_98, %dma_wait3A_99] : memref<32000x256xf32, #tpu.memory_space<hbm>> -> memref<32000x256xf32, #tpu.memory_space<hbm>>
    tpu.wait_indirect_dma semaphore(%arg8 : memref<!tpu.dma_semaphore, #tpu.memory_space<semaphore_mem>>) src(%dma_wait3A_100 : memref<32000x256xf32, #tpu.memory_space<hbm>>) dst(%dma_wait3A_94 : memref<128x256xf32, #tpu.memory_space<vmem>>)
    %add3A_101 = arith.constant 128 : i32
    %add3A_102 = arith.addi %mul3A_2, %add3A_101 : i32
    %dma_start3A_103 = arith.constant 1 : i32
    %dma_start3A_104 = arith.constant 0 : i32
    %dma_start3A_105 = arith.constant 0 : i32
    %dma_start3A_106 = tpu.memref_slice %arg6[%dma_start3A_103, %dma_start3A_104, %dma_start3A_105] : memref<3x128x256xf32, #tpu.memory_space<vmem>> -> memref<1x128x256xf32, #tpu.memory_space<vmem>>
    %dma_start3A_107 = tpu.memref_squeeze %dma_start3A_106 : memref<1x128x256xf32, #tpu.memory_space<vmem>> -> memref<128x256xf32, #tpu.memory_space<vmem>>
    %dma_start3A_108 = arith.constant 0 : i32
    %dma_start3A_109 = tpu.memref_slice %arg4[%add3A_102, %dma_start3A_108] : memref<49152x256xf32, #tpu.memory_space<hbm>> -> memref<128x256xf32, #tpu.memory_space<hbm>>
    %dma_start3A_110 = arith.constant 0 : i32
    %dma_start3A_111 = tpu.memref_slice %arg4[%add3A_102, %dma_start3A_110] : memref<49152x256xf32, #tpu.memory_space<hbm>> -> memref<128x256xf32, #tpu.memory_space<hbm>>
    %dma_start3A_112 = arith.constant 0 : i32
    %dma_start3A_113 = arith.constant 0 : i32
    %dma_start3A_114 = tpu.memref_slice %arg6[%dma_start3A_103, %dma_start3A_112, %dma_start3A_113] : memref<3x128x256xf32, #tpu.memory_space<vmem>> -> memref<1x128x256xf32, #tpu.memory_space<vmem>>
    %dma_start3A_115 = tpu.memref_squeeze %dma_start3A_114 : memref<1x128x256xf32, #tpu.memory_space<vmem>> -> memref<128x256xf32, #tpu.memory_space<vmem>>
    tpu.enqueue_dma source(%dma_start3A_115 : memref<128x256xf32, #tpu.memory_space<vmem>>) target(%dma_start3A_111 : memref<128x256xf32, #tpu.memory_space<hbm>>) target_semaphore(%arg11 : memref<!tpu.dma_semaphore, #tpu.memory_space<semaphore_mem>>)
    %dma_wait3A_116 = arith.constant 1 : i32
    %dma_wait3A_117 = arith.constant 0 : i32
    %dma_wait3A_118 = arith.constant 0 : i32
    %dma_wait3A_119 = tpu.memref_slice %arg6[%dma_wait3A_116, %dma_wait3A_117, %dma_wait3A_118] : memref<3x128x256xf32, #tpu.memory_space<vmem>> -> memref<1x128x256xf32, #tpu.memory_space<vmem>>
    %dma_wait3A_120 = tpu.memref_squeeze %dma_wait3A_119 : memref<1x128x256xf32, #tpu.memory_space<vmem>> -> memref<128x256xf32, #tpu.memory_space<vmem>>
    %dma_wait3A_121 = arith.constant 0 : i32
    %dma_wait3A_122 = tpu.memref_slice %arg4[%add3A_102, %dma_wait3A_121] : memref<49152x256xf32, #tpu.memory_space<hbm>> -> memref<128x256xf32, #tpu.memory_space<hbm>>
    %dma_wait3A_123 = arith.constant 0 : i32
    %dma_wait3A_124 = tpu.memref_slice %arg4[%add3A_102, %dma_wait3A_123] : memref<49152x256xf32, #tpu.memory_space<hbm>> -> memref<128x256xf32, #tpu.memory_space<hbm>>
    %dma_wait3A_125 = arith.constant 0 : i32
    %dma_wait3A_126 = arith.constant 0 : i32
    %dma_wait3A_127 = tpu.memref_slice %arg6[%dma_wait3A_116, %dma_wait3A_125, %dma_wait3A_126] : memref<3x128x256xf32, #tpu.memory_space<vmem>> -> memref<1x128x256xf32, #tpu.memory_space<vmem>>
    %dma_wait3A_128 = tpu.memref_squeeze %dma_wait3A_127 : memref<1x128x256xf32, #tpu.memory_space<vmem>> -> memref<128x256xf32, #tpu.memory_space<vmem>>
    tpu.wait_dma2 semaphore(%arg11 : memref<!tpu.dma_semaphore, #tpu.memory_space<semaphore_mem>>) src(%dma_wait3A_128 : memref<128x256xf32, #tpu.memory_space<vmem>>) dst(%dma_wait3A_124 : memref<128x256xf32, #tpu.memory_space<hbm>>)
    %dma_start3A_129 = arith.constant 4 : i32
    %dma_start3A_130 = arith.constant 1 : i32
    %dma_start3A_131 = arith.constant 0 : i32
    %dma_start3A_132 = arith.constant 0 : i32
    %dma_start3A_133 = tpu.memref_slice %arg6[%dma_start3A_130, %dma_start3A_131, %dma_start3A_132] : memref<3x128x256xf32, #tpu.memory_space<vmem>> -> memref<1x128x256xf32, #tpu.memory_space<vmem>>
    %dma_start3A_134 = tpu.memref_squeeze %dma_start3A_133 : memref<1x128x256xf32, #tpu.memory_space<vmem>> -> memref<128x256xf32, #tpu.memory_space<vmem>>
    %dma_start3A_135 = arith.constant 0 : i32
    %dma_start3A_136 = tpu.memref_slice %arg5[%dma_start3A_129, %dma_start3A_135] : memref<12x128xi32, #tpu.memory_space<vmem>> -> memref<1x128xi32, #tpu.memory_space<vmem>>
    %dma_start3A_137 = tpu.memref_squeeze %dma_start3A_136 : memref<1x128xi32, #tpu.memory_space<vmem>> -> memref<128xi32, #tpu.memory_space<vmem>>
    %dma_start3A_138 = arith.constant 0 : i32
    %dma_start3A_139 = arith.constant 0 : i32
    %dma_start3A_140 = tpu.memref_slice %arg2[%dma_start3A_138, %dma_start3A_139] : memref<32000x256xf32, #tpu.memory_space<hbm>> -> memref<32000x256xf32, #tpu.memory_space<hbm>>
    tpu.enqueue_indirect_dma source(%dma_start3A_140 : memref<32000x256xf32, #tpu.memory_space<hbm>>) target(%dma_start3A_134 : memref<128x256xf32, #tpu.memory_space<vmem>>) offsets(%dma_start3A_137 : memref<128xi32, #tpu.memory_space<vmem>>) semaphore(%arg8 : memref<!tpu.dma_semaphore, #tpu.memory_space<semaphore_mem>>)
    %dma_wait3A_141 = arith.constant 2 : i32
    %dma_wait3A_142 = arith.constant 2 : i32
    %dma_wait3A_143 = arith.constant 0 : i32
    %dma_wait3A_144 = arith.constant 0 : i32
    %dma_wait3A_145 = tpu.memref_slice %arg6[%dma_wait3A_142, %dma_wait3A_143, %dma_wait3A_144] : memref<3x128x256xf32, #tpu.memory_space<vmem>> -> memref<1x128x256xf32, #tpu.memory_space<vmem>>
    %dma_wait3A_146 = tpu.memref_squeeze %dma_wait3A_145 : memref<1x128x256xf32, #tpu.memory_space<vmem>> -> memref<128x256xf32, #tpu.memory_space<vmem>>
    %dma_wait3A_147 = arith.constant 0 : i32
    %dma_wait3A_148 = tpu.memref_slice %arg5[%dma_wait3A_141, %dma_wait3A_147] : memref<12x128xi32, #tpu.memory_space<vmem>> -> memref<1x128xi32, #tpu.memory_space<vmem>>
    %dma_wait3A_149 = tpu.memref_squeeze %dma_wait3A_148 : memref<1x128xi32, #tpu.memory_space<vmem>> -> memref<128xi32, #tpu.memory_space<vmem>>
    %dma_wait3A_150 = arith.constant 0 : i32
    %dma_wait3A_151 = arith.constant 0 : i32
    %dma_wait3A_152 = tpu.memref_slice %arg2[%dma_wait3A_150, %dma_wait3A_151] : memref<32000x256xf32, #tpu.memory_space<hbm>> -> memref<32000x256xf32, #tpu.memory_space<hbm>>
    tpu.wait_indirect_dma semaphore(%arg9 : memref<!tpu.dma_semaphore, #tpu.memory_space<semaphore_mem>>) src(%dma_wait3A_152 : memref<32000x256xf32, #tpu.memory_space<hbm>>) dst(%dma_wait3A_146 : memref<128x256xf32, #tpu.memory_space<vmem>>)
    %add3A_153 = arith.constant 256 : i32
    %add3A_154 = arith.addi %mul3A_2, %add3A_153 : i32
    %dma_start3A_155 = arith.constant 2 : i32
    %dma_start3A_156 = arith.constant 0 : i32
    %dma_start3A_157 = arith.constant 0 : i32
    %dma_start3A_158 = tpu.memref_slice %arg6[%dma_start3A_155, %dma_start3A_156, %dma_start3A_157] : memref<3x128x256xf32, #tpu.memory_space<vmem>> -> memref<1x128x256xf32, #tpu.memory_space<vmem>>
    %dma_start3A_159 = tpu.memref_squeeze %dma_start3A_158 : memref<1x128x256xf32, #tpu.memory_space<vmem>> -> memref<128x256xf32, #tpu.memory_space<vmem>>
    %dma_start3A_160 = arith.constant 0 : i32
    %dma_start3A_161 = tpu.memref_slice %arg4[%add3A_154, %dma_start3A_160] : memref<49152x256xf32, #tpu.memory_space<hbm>> -> memref<128x256xf32, #tpu.memory_space<hbm>>
    %dma_start3A_162 = arith.constant 0 : i32
    %dma_start3A_163 = tpu.memref_slice %arg4[%add3A_154, %dma_start3A_162] : memref<49152x256xf32, #tpu.memory_space<hbm>> -> memref<128x256xf32, #tpu.memory_space<hbm>>
    %dma_start3A_164 = arith.constant 0 : i32
    %dma_start3A_165 = arith.constant 0 : i32
    %dma_start3A_166 = tpu.memref_slice %arg6[%dma_start3A_155, %dma_start3A_164, %dma_start3A_165] : memref<3x128x256xf32, #tpu.memory_space<vmem>> -> memref<1x128x256xf32, #tpu.memory_space<vmem>>
    %dma_start3A_167 = tpu.memref_squeeze %dma_start3A_166 : memref<1x128x256xf32, #tpu.memory_space<vmem>> -> memref<128x256xf32, #tpu.memory_space<vmem>>
    tpu.enqueue_dma source(%dma_start3A_167 : memref<128x256xf32, #tpu.memory_space<vmem>>) target(%dma_start3A_163 : memref<128x256xf32, #tpu.memory_space<hbm>>) target_semaphore(%arg12 : memref<!tpu.dma_semaphore, #tpu.memory_space<semaphore_mem>>)
    %dma_wait3A_168 = arith.constant 2 : i32
    %dma_wait3A_169 = arith.constant 0 : i32
    %dma_wait3A_170 = arith.constant 0 : i32
    %dma_wait3A_171 = tpu.memref_slice %arg6[%dma_wait3A_168, %dma_wait3A_169, %dma_wait3A_170] : memref<3x128x256xf32, #tpu.memory_space<vmem>> -> memref<1x128x256xf32, #tpu.memory_space<vmem>>
    %dma_wait3A_172 = tpu.memref_squeeze %dma_wait3A_171 : memref<1x128x256xf32, #tpu.memory_space<vmem>> -> memref<128x256xf32, #tpu.memory_space<vmem>>
    %dma_wait3A_173 = arith.constant 0 : i32
    %dma_wait3A_174 = tpu.memref_slice %arg4[%add3A_154, %dma_wait3A_173] : memref<49152x256xf32, #tpu.memory_space<hbm>> -> memref<128x256xf32, #tpu.memory_space<hbm>>
    %dma_wait3A_175 = arith.constant 0 : i32
    %dma_wait3A_176 = tpu.memref_slice %arg4[%add3A_154, %dma_wait3A_175] : memref<49152x256xf32, #tpu.memory_space<hbm>> -> memref<128x256xf32, #tpu.memory_space<hbm>>
    %dma_wait3A_177 = arith.constant 0 : i32
    %dma_wait3A_178 = arith.constant 0 : i32
    %dma_wait3A_179 = tpu.memref_slice %arg6[%dma_wait3A_168, %dma_wait3A_177, %dma_wait3A_178] : memref<3x128x256xf32, #tpu.memory_space<vmem>> -> memref<1x128x256xf32, #tpu.memory_space<vmem>>
    %dma_wait3A_180 = tpu.memref_squeeze %dma_wait3A_179 : memref<1x128x256xf32, #tpu.memory_space<vmem>> -> memref<128x256xf32, #tpu.memory_space<vmem>>
    tpu.wait_dma2 semaphore(%arg12 : memref<!tpu.dma_semaphore, #tpu.memory_space<semaphore_mem>>) src(%dma_wait3A_180 : memref<128x256xf32, #tpu.memory_space<vmem>>) dst(%dma_wait3A_176 : memref<128x256xf32, #tpu.memory_space<hbm>>)
    %dma_start3A_181 = arith.constant 5 : i32
    %dma_start3A_182 = arith.constant 2 : i32
    %dma_start3A_183 = arith.constant 0 : i32
    %dma_start3A_184 = arith.constant 0 : i32
    %dma_start3A_185 = tpu.memref_slice %arg6[%dma_start3A_182, %dma_start3A_183, %dma_start3A_184] : memref<3x128x256xf32, #tpu.memory_space<vmem>> -> memref<1x128x256xf32, #tpu.memory_space<vmem>>
    %dma_start3A_186 = tpu.memref_squeeze %dma_start3A_185 : memref<1x128x256xf32, #tpu.memory_space<vmem>> -> memref<128x256xf32, #tpu.memory_space<vmem>>
    %dma_start3A_187 = arith.constant 0 : i32
    %dma_start3A_188 = tpu.memref_slice %arg5[%dma_start3A_181, %dma_start3A_187] : memref<12x128xi32, #tpu.memory_space<vmem>> -> memref<1x128xi32, #tpu.memory_space<vmem>>
    %dma_start3A_189 = tpu.memref_squeeze %dma_start3A_188 : memref<1x128xi32, #tpu.memory_space<vmem>> -> memref<128xi32, #tpu.memory_space<vmem>>
    %dma_start3A_190 = arith.constant 0 : i32
    %dma_start3A_191 = arith.constant 0 : i32
    %dma_start3A_192 = tpu.memref_slice %arg2[%dma_start3A_190, %dma_start3A_191] : memref<32000x256xf32, #tpu.memory_space<hbm>> -> memref<32000x256xf32, #tpu.memory_space<hbm>>
    tpu.enqueue_indirect_dma source(%dma_start3A_192 : memref<32000x256xf32, #tpu.memory_space<hbm>>) target(%dma_start3A_186 : memref<128x256xf32, #tpu.memory_space<vmem>>) offsets(%dma_start3A_189 : memref<128xi32, #tpu.memory_space<vmem>>) semaphore(%arg9 : memref<!tpu.dma_semaphore, #tpu.memory_space<semaphore_mem>>)
    %dma_wait3A_193 = arith.constant 3 : i32
    %dma_wait3A_194 = arith.constant 0 : i32
    %dma_wait3A_195 = arith.constant 0 : i32
    %dma_wait3A_196 = arith.constant 0 : i32
    %dma_wait3A_197 = tpu.memref_slice %arg6[%dma_wait3A_194, %dma_wait3A_195, %dma_wait3A_196] : memref<3x128x256xf32, #tpu.memory_space<vmem>> -> memref<1x128x256xf32, #tpu.memory_space<vmem>>
    %dma_wait3A_198 = tpu.memref_squeeze %dma_wait3A_197 : memref<1x128x256xf32, #tpu.memory_space<vmem>> -> memref<128x256xf32, #tpu.memory_space<vmem>>
    %dma_wait3A_199 = arith.constant 0 : i32
    %dma_wait3A_200 = tpu.memref_slice %arg5[%dma_wait3A_193, %dma_wait3A_199] : memref<12x128xi32, #tpu.memory_space<vmem>> -> memref<1x128xi32, #tpu.memory_space<vmem>>
    %dma_wait3A_201 = tpu.memref_squeeze %dma_wait3A_200 : memref<1x128xi32, #tpu.memory_space<vmem>> -> memref<128xi32, #tpu.memory_space<vmem>>
    %dma_wait3A_202 = arith.constant 0 : i32
    %dma_wait3A_203 = arith.constant 0 : i32
    %dma_wait3A_204 = tpu.memref_slice %arg2[%dma_wait3A_202, %dma_wait3A_203] : memref<32000x256xf32, #tpu.memory_space<hbm>> -> memref<32000x256xf32, #tpu.memory_space<hbm>>
    tpu.wait_indirect_dma semaphore(%arg7 : memref<!tpu.dma_semaphore, #tpu.memory_space<semaphore_mem>>) src(%dma_wait3A_204 : memref<32000x256xf32, #tpu.memory_space<hbm>>) dst(%dma_wait3A_198 : memref<128x256xf32, #tpu.memory_space<vmem>>)
    %add3A_205 = arith.constant 384 : i32
    %add3A_206 = arith.addi %mul3A_2, %add3A_205 : i32
    %dma_start3A_207 = arith.constant 0 : i32
    %dma_start3A_208 = arith.constant 0 : i32
    %dma_start3A_209 = arith.constant 0 : i32
    %dma_start3A_210 = tpu.memref_slice %arg6[%dma_start3A_207, %dma_start3A_208, %dma_start3A_209] : memref<3x128x256xf32, #tpu.memory_space<vmem>> -> memref<1x128x256xf32, #tpu.memory_space<vmem>>
    %dma_start3A_211 = tpu.memref_squeeze %dma_start3A_210 : memref<1x128x256xf32, #tpu.memory_space<vmem>> -> memref<128x256xf32, #tpu.memory_space<vmem>>
    %dma_start3A_212 = arith.constant 0 : i32
    %dma_start3A_213 = tpu.memref_slice %arg4[%add3A_206, %dma_start3A_212] : memref<49152x256xf32, #tpu.memory_space<hbm>> -> memref<128x256xf32, #tpu.memory_space<hbm>>
    %dma_start3A_214 = arith.constant 0 : i32
    %dma_start3A_215 = tpu.memref_slice %arg4[%add3A_206, %dma_start3A_214] : memref<49152x256xf32, #tpu.memory_space<hbm>> -> memref<128x256xf32, #tpu.memory_space<hbm>>
    %dma_start3A_216 = arith.constant 0 : i32
    %dma_start3A_217 = arith.constant 0 : i32
    %dma_start3A_218 = tpu.memref_slice %arg6[%dma_start3A_207, %dma_start3A_216, %dma_start3A_217] : memref<3x128x256xf32, #tpu.memory_space<vmem>> -> memref<1x128x256xf32, #tpu.memory_space<vmem>>
    %dma_start3A_219 = tpu.memref_squeeze %dma_start3A_218 : memref<1x128x256xf32, #tpu.memory_space<vmem>> -> memref<128x256xf32, #tpu.memory_space<vmem>>
    tpu.enqueue_dma source(%dma_start3A_219 : memref<128x256xf32, #tpu.memory_space<vmem>>) target(%dma_start3A_215 : memref<128x256xf32, #tpu.memory_space<hbm>>) target_semaphore(%arg10 : memref<!tpu.dma_semaphore, #tpu.memory_space<semaphore_mem>>)
    %dma_wait3A_220 = arith.constant 0 : i32
    %dma_wait3A_221 = arith.constant 0 : i32
    %dma_wait3A_222 = arith.constant 0 : i32
    %dma_wait3A_223 = tpu.memref_slice %arg6[%dma_wait3A_220, %dma_wait3A_221, %dma_wait3A_222] : memref<3x128x256xf32, #tpu.memory_space<vmem>> -> memref<1x128x256xf32, #tpu.memory_space<vmem>>
    %dma_wait3A_224 = tpu.memref_squeeze %dma_wait3A_223 : memref<1x128x256xf32, #tpu.memory_space<vmem>> -> memref<128x256xf32, #tpu.memory_space<vmem>>
    %dma_wait3A_225 = arith.constant 0 : i32
    %dma_wait3A_226 = tpu.memref_slice %arg4[%add3A_206, %dma_wait3A_225] : memref<49152x256xf32, #tpu.memory_space<hbm>> -> memref<128x256xf32, #tpu.memory_space<hbm>>
    %dma_wait3A_227 = arith.constant 0 : i32
    %dma_wait3A_228 = tpu.memref_slice %arg4[%add3A_206, %dma_wait3A_227] : memref<49152x256xf32, #tpu.memory_space<hbm>> -> memref<128x256xf32, #tpu.memory_space<hbm>>
    %dma_wait3A_229 = arith.constant 0 : i32
    %dma_wait3A_230 = arith.constant 0 : i32
    %dma_wait3A_231 = tpu.memref_slice %arg6[%dma_wait3A_220, %dma_wait3A_229, %dma_wait3A_230] : memref<3x128x256xf32, #tpu.memory_space<vmem>> -> memref<1x128x256xf32, #tpu.memory_space<vmem>>
    %dma_wait3A_232 = tpu.memref_squeeze %dma_wait3A_231 : memref<1x128x256xf32, #tpu.memory_space<vmem>> -> memref<128x256xf32, #tpu.memory_space<vmem>>
    tpu.wait_dma2 semaphore(%arg10 : memref<!tpu.dma_semaphore, #tpu.memory_space<semaphore_mem>>) src(%dma_wait3A_232 : memref<128x256xf32, #tpu.memory_space<vmem>>) dst(%dma_wait3A_228 : memref<128x256xf32, #tpu.memory_space<hbm>>)
    %dma_start3A_233 = arith.constant 6 : i32
    %dma_start3A_234 = arith.constant 0 : i32
    %dma_start3A_235 = arith.constant 0 : i32
    %dma_start3A_236 = arith.constant 0 : i32
    %dma_start3A_237 = tpu.memref_slice %arg6[%dma_start3A_234, %dma_start3A_235, %dma_start3A_236] : memref<3x128x256xf32, #tpu.memory_space<vmem>> -> memref<1x128x256xf32, #tpu.memory_space<vmem>>
    %dma_start3A_238 = tpu.memref_squeeze %dma_start3A_237 : memref<1x128x256xf32, #tpu.memory_space<vmem>> -> memref<128x256xf32, #tpu.memory_space<vmem>>
    %dma_start3A_239 = arith.constant 0 : i32
    %dma_start3A_240 = tpu.memref_slice %arg5[%dma_start3A_233, %dma_start3A_239] : memref<12x128xi32, #tpu.memory_space<vmem>> -> memref<1x128xi32, #tpu.memory_space<vmem>>
    %dma_start3A_241 = tpu.memref_squeeze %dma_start3A_240 : memref<1x128xi32, #tpu.memory_space<vmem>> -> memref<128xi32, #tpu.memory_space<vmem>>
    %dma_start3A_242 = arith.constant 0 : i32
    %dma_start3A_243 = arith.constant 0 : i32
    %dma_start3A_244 = tpu.memref_slice %arg2[%dma_start3A_242, %dma_start3A_243] : memref<32000x256xf32, #tpu.memory_space<hbm>> -> memref<32000x256xf32, #tpu.memory_space<hbm>>
    tpu.enqueue_indirect_dma source(%dma_start3A_244 : memref<32000x256xf32, #tpu.memory_space<hbm>>) target(%dma_start3A_238 : memref<128x256xf32, #tpu.memory_space<vmem>>) offsets(%dma_start3A_241 : memref<128xi32, #tpu.memory_space<vmem>>) semaphore(%arg7 : memref<!tpu.dma_semaphore, #tpu.memory_space<semaphore_mem>>)
    %dma_wait3A_245 = arith.constant 4 : i32
    %dma_wait3A_246 = arith.constant 1 : i32
    %dma_wait3A_247 = arith.constant 0 : i32
    %dma_wait3A_248 = arith.constant 0 : i32
    %dma_wait3A_249 = tpu.memref_slice %arg6[%dma_wait3A_246, %dma_wait3A_247, %dma_wait3A_248] : memref<3x128x256xf32, #tpu.memory_space<vmem>> -> memref<1x128x256xf32, #tpu.memory_space<vmem>>
    %dma_wait3A_250 = tpu.memref_squeeze %dma_wait3A_249 : memref<1x128x256xf32, #tpu.memory_space<vmem>> -> memref<128x256xf32, #tpu.memory_space<vmem>>
    %dma_wait3A_251 = arith.constant 0 : i32
    %dma_wait3A_252 = tpu.memref_slice %arg5[%dma_wait3A_245, %dma_wait3A_251] : memref<12x128xi32, #tpu.memory_space<vmem>> -> memref<1x128xi32, #tpu.memory_space<vmem>>
    %dma_wait3A_253 = tpu.memref_squeeze %dma_wait3A_252 : memref<1x128xi32, #tpu.memory_space<vmem>> -> memref<128xi32, #tpu.memory_space<vmem>>
    %dma_wait3A_254 = arith.constant 0 : i32
    %dma_wait3A_255 = arith.constant 0 : i32
    %dma_wait3A_256 = tpu.memref_slice %arg2[%dma_wait3A_254, %dma_wait3A_255] : memref<32000x256xf32, #tpu.memory_space<hbm>> -> memref<32000x256xf32, #tpu.memory_space<hbm>>
    tpu.wait_indirect_dma semaphore(%arg8 : memref<!tpu.dma_semaphore, #tpu.memory_space<semaphore_mem>>) src(%dma_wait3A_256 : memref<32000x256xf32, #tpu.memory_space<hbm>>) dst(%dma_wait3A_250 : memref<128x256xf32, #tpu.memory_space<vmem>>)
    %add3A_257 = arith.constant 512 : i32
    %add3A_258 = arith.addi %mul3A_2, %add3A_257 : i32
    %dma_start3A_259 = arith.constant 1 : i32
    %dma_start3A_260 = arith.constant 0 : i32
    %dma_start3A_261 = arith.constant 0 : i32
    %dma_start3A_262 = tpu.memref_slice %arg6[%dma_start3A_259, %dma_start3A_260, %dma_start3A_261] : memref<3x128x256xf32, #tpu.memory_space<vmem>> -> memref<1x128x256xf32, #tpu.memory_space<vmem>>
    %dma_start3A_263 = tpu.memref_squeeze %dma_start3A_262 : memref<1x128x256xf32, #tpu.memory_space<vmem>> -> memref<128x256xf32, #tpu.memory_space<vmem>>
    %dma_start3A_264 = arith.constant 0 : i32
    %dma_start3A_265 = tpu.memref_slice %arg4[%add3A_258, %dma_start3A_264] : memref<49152x256xf32, #tpu.memory_space<hbm>> -> memref<128x256xf32, #tpu.memory_space<hbm>>
    %dma_start3A_266 = arith.constant 0 : i32
    %dma_start3A_267 = tpu.memref_slice %arg4[%add3A_258, %dma_start3A_266] : memref<49152x256xf32, #tpu.memory_space<hbm>> -> memref<128x256xf32, #tpu.memory_space<hbm>>
    %dma_start3A_268 = arith.constant 0 : i32
    %dma_start3A_269 = arith.constant 0 : i32
    %dma_start3A_270 = tpu.memref_slice %arg6[%dma_start3A_259, %dma_start3A_268, %dma_start3A_269] : memref<3x128x256xf32, #tpu.memory_space<vmem>> -> memref<1x128x256xf32, #tpu.memory_space<vmem>>
    %dma_start3A_271 = tpu.memref_squeeze %dma_start3A_270 : memref<1x128x256xf32, #tpu.memory_space<vmem>> -> memref<128x256xf32, #tpu.memory_space<vmem>>
    tpu.enqueue_dma source(%dma_start3A_271 : memref<128x256xf32, #tpu.memory_space<vmem>>) target(%dma_start3A_267 : memref<128x256xf32, #tpu.memory_space<hbm>>) target_semaphore(%arg11 : memref<!tpu.dma_semaphore, #tpu.memory_space<semaphore_mem>>)
    %dma_wait3A_272 = arith.constant 1 : i32
    %dma_wait3A_273 = arith.constant 0 : i32
    %dma_wait3A_274 = arith.constant 0 : i32
    %dma_wait3A_275 = tpu.memref_slice %arg6[%dma_wait3A_272, %dma_wait3A_273, %dma_wait3A_274] : memref<3x128x256xf32, #tpu.memory_space<vmem>> -> memref<1x128x256xf32, #tpu.memory_space<vmem>>
    %dma_wait3A_276 = tpu.memref_squeeze %dma_wait3A_275 : memref<1x128x256xf32, #tpu.memory_space<vmem>> -> memref<128x256xf32, #tpu.memory_space<vmem>>
    %dma_wait3A_277 = arith.constant 0 : i32
    %dma_wait3A_278 = tpu.memref_slice %arg4[%add3A_258, %dma_wait3A_277] : memref<49152x256xf32, #tpu.memory_space<hbm>> -> memref<128x256xf32, #tpu.memory_space<hbm>>
    %dma_wait3A_279 = arith.constant 0 : i32
    %dma_wait3A_280 = tpu.memref_slice %arg4[%add3A_258, %dma_wait3A_279] : memref<49152x256xf32, #tpu.memory_space<hbm>> -> memref<128x256xf32, #tpu.memory_space<hbm>>
    %dma_wait3A_281 = arith.constant 0 : i32
    %dma_wait3A_282 = arith.constant 0 : i32
    %dma_wait3A_283 = tpu.memref_slice %arg6[%dma_wait3A_272, %dma_wait3A_281, %dma_wait3A_282] : memref<3x128x256xf32, #tpu.memory_space<vmem>> -> memref<1x128x256xf32, #tpu.memory_space<vmem>>
    %dma_wait3A_284 = tpu.memref_squeeze %dma_wait3A_283 : memref<1x128x256xf32, #tpu.memory_space<vmem>> -> memref<128x256xf32, #tpu.memory_space<vmem>>
    tpu.wait_dma2 semaphore(%arg11 : memref<!tpu.dma_semaphore, #tpu.memory_space<semaphore_mem>>) src(%dma_wait3A_284 : memref<128x256xf32, #tpu.memory_space<vmem>>) dst(%dma_wait3A_280 : memref<128x256xf32, #tpu.memory_space<hbm>>)
    %dma_start3A_285 = arith.constant 7 : i32
    %dma_start3A_286 = arith.constant 1 : i32
    %dma_start3A_287 = arith.constant 0 : i32
    %dma_start3A_288 = arith.constant 0 : i32
    %dma_start3A_289 = tpu.memref_slice %arg6[%dma_start3A_286, %dma_start3A_287, %dma_start3A_288] : memref<3x128x256xf32, #tpu.memory_space<vmem>> -> memref<1x128x256xf32, #tpu.memory_space<vmem>>
    %dma_start3A_290 = tpu.memref_squeeze %dma_start3A_289 : memref<1x128x256xf32, #tpu.memory_space<vmem>> -> memref<128x256xf32, #tpu.memory_space<vmem>>
    %dma_start3A_291 = arith.constant 0 : i32
    %dma_start3A_292 = tpu.memref_slice %arg5[%dma_start3A_285, %dma_start3A_291] : memref<12x128xi32, #tpu.memory_space<vmem>> -> memref<1x128xi32, #tpu.memory_space<vmem>>
    %dma_start3A_293 = tpu.memref_squeeze %dma_start3A_292 : memref<1x128xi32, #tpu.memory_space<vmem>> -> memref<128xi32, #tpu.memory_space<vmem>>
    %dma_start3A_294 = arith.constant 0 : i32
    %dma_start3A_295 = arith.constant 0 : i32
    %dma_start3A_296 = tpu.memref_slice %arg2[%dma_start3A_294, %dma_start3A_295] : memref<32000x256xf32, #tpu.memory_space<hbm>> -> memref<32000x256xf32, #tpu.memory_space<hbm>>
    tpu.enqueue_indirect_dma source(%dma_start3A_296 : memref<32000x256xf32, #tpu.memory_space<hbm>>) target(%dma_start3A_290 : memref<128x256xf32, #tpu.memory_space<vmem>>) offsets(%dma_start3A_293 : memref<128xi32, #tpu.memory_space<vmem>>) semaphore(%arg8 : memref<!tpu.dma_semaphore, #tpu.memory_space<semaphore_mem>>)
    %dma_wait3A_297 = arith.constant 5 : i32
    %dma_wait3A_298 = arith.constant 2 : i32
    %dma_wait3A_299 = arith.constant 0 : i32
    %dma_wait3A_300 = arith.constant 0 : i32
    %dma_wait3A_301 = tpu.memref_slice %arg6[%dma_wait3A_298, %dma_wait3A_299, %dma_wait3A_300] : memref<3x128x256xf32, #tpu.memory_space<vmem>> -> memref<1x128x256xf32, #tpu.memory_space<vmem>>
    %dma_wait3A_302 = tpu.memref_squeeze %dma_wait3A_301 : memref<1x128x256xf32, #tpu.memory_space<vmem>> -> memref<128x256xf32, #tpu.memory_space<vmem>>
    %dma_wait3A_303 = arith.constant 0 : i32
    %dma_wait3A_304 = tpu.memref_slice %arg5[%dma_wait3A_297, %dma_wait3A_303] : memref<12x128xi32, #tpu.memory_space<vmem>> -> memref<1x128xi32, #tpu.memory_space<vmem>>
    %dma_wait3A_305 = tpu.memref_squeeze %dma_wait3A_304 : memref<1x128xi32, #tpu.memory_space<vmem>> -> memref<128xi32, #tpu.memory_space<vmem>>
    %dma_wait3A_306 = arith.constant 0 : i32
    %dma_wait3A_307 = arith.constant 0 : i32
    %dma_wait3A_308 = tpu.memref_slice %arg2[%dma_wait3A_306, %dma_wait3A_307] : memref<32000x256xf32, #tpu.memory_space<hbm>> -> memref<32000x256xf32, #tpu.memory_space<hbm>>
    tpu.wait_indirect_dma semaphore(%arg9 : memref<!tpu.dma_semaphore, #tpu.memory_space<semaphore_mem>>) src(%dma_wait3A_308 : memref<32000x256xf32, #tpu.memory_space<hbm>>) dst(%dma_wait3A_302 : memref<128x256xf32, #tpu.memory_space<vmem>>)
    %add3A_309 = arith.constant 640 : i32
    %add3A_310 = arith.addi %mul3A_2, %add3A_309 : i32
    %dma_start3A_311 = arith.constant 2 : i32
    %dma_start3A_312 = arith.constant 0 : i32
    %dma_start3A_313 = arith.constant 0 : i32
    %dma_start3A_314 = tpu.memref_slice %arg6[%dma_start3A_311, %dma_start3A_312, %dma_start3A_313] : memref<3x128x256xf32, #tpu.memory_space<vmem>> -> memref<1x128x256xf32, #tpu.memory_space<vmem>>
    %dma_start3A_315 = tpu.memref_squeeze %dma_start3A_314 : memref<1x128x256xf32, #tpu.memory_space<vmem>> -> memref<128x256xf32, #tpu.memory_space<vmem>>
    %dma_start3A_316 = arith.constant 0 : i32
    %dma_start3A_317 = tpu.memref_slice %arg4[%add3A_310, %dma_start3A_316] : memref<49152x256xf32, #tpu.memory_space<hbm>> -> memref<128x256xf32, #tpu.memory_space<hbm>>
    %dma_start3A_318 = arith.constant 0 : i32
    %dma_start3A_319 = tpu.memref_slice %arg4[%add3A_310, %dma_start3A_318] : memref<49152x256xf32, #tpu.memory_space<hbm>> -> memref<128x256xf32, #tpu.memory_space<hbm>>
    %dma_start3A_320 = arith.constant 0 : i32
    %dma_start3A_321 = arith.constant 0 : i32
    %dma_start3A_322 = tpu.memref_slice %arg6[%dma_start3A_311, %dma_start3A_320, %dma_start3A_321] : memref<3x128x256xf32, #tpu.memory_space<vmem>> -> memref<1x128x256xf32, #tpu.memory_space<vmem>>
    %dma_start3A_323 = tpu.memref_squeeze %dma_start3A_322 : memref<1x128x256xf32, #tpu.memory_space<vmem>> -> memref<128x256xf32, #tpu.memory_space<vmem>>
    tpu.enqueue_dma source(%dma_start3A_323 : memref<128x256xf32, #tpu.memory_space<vmem>>) target(%dma_start3A_319 : memref<128x256xf32, #tpu.memory_space<hbm>>) target_semaphore(%arg12 : memref<!tpu.dma_semaphore, #tpu.memory_space<semaphore_mem>>)
    %dma_wait3A_324 = arith.constant 2 : i32
    %dma_wait3A_325 = arith.constant 0 : i32
    %dma_wait3A_326 = arith.constant 0 : i32
    %dma_wait3A_327 = tpu.memref_slice %arg6[%dma_wait3A_324, %dma_wait3A_325, %dma_wait3A_326] : memref<3x128x256xf32, #tpu.memory_space<vmem>> -> memref<1x128x256xf32, #tpu.memory_space<vmem>>
    %dma_wait3A_328 = tpu.memref_squeeze %dma_wait3A_327 : memref<1x128x256xf32, #tpu.memory_space<vmem>> -> memref<128x256xf32, #tpu.memory_space<vmem>>
    %dma_wait3A_329 = arith.constant 0 : i32
    %dma_wait3A_330 = tpu.memref_slice %arg4[%add3A_310, %dma_wait3A_329] : memref<49152x256xf32, #tpu.memory_space<hbm>> -> memref<128x256xf32, #tpu.memory_space<hbm>>
    %dma_wait3A_331 = arith.constant 0 : i32
    %dma_wait3A_332 = tpu.memref_slice %arg4[%add3A_310, %dma_wait3A_331] : memref<49152x256xf32, #tpu.memory_space<hbm>> -> memref<128x256xf32, #tpu.memory_space<hbm>>
    %dma_wait3A_333 = arith.constant 0 : i32
    %dma_wait3A_334 = arith.constant 0 : i32
    %dma_wait3A_335 = tpu.memref_slice %arg6[%dma_wait3A_324, %dma_wait3A_333, %dma_wait3A_334] : memref<3x128x256xf32, #tpu.memory_space<vmem>> -> memref<1x128x256xf32, #tpu.memory_space<vmem>>
    %dma_wait3A_336 = tpu.memref_squeeze %dma_wait3A_335 : memref<1x128x256xf32, #tpu.memory_space<vmem>> -> memref<128x256xf32, #tpu.memory_space<vmem>>
    tpu.wait_dma2 semaphore(%arg12 : memref<!tpu.dma_semaphore, #tpu.memory_space<semaphore_mem>>) src(%dma_wait3A_336 : memref<128x256xf32, #tpu.memory_space<vmem>>) dst(%dma_wait3A_332 : memref<128x256xf32, #tpu.memory_space<hbm>>)
    %dma_start3A_337 = arith.constant 8 : i32
    %dma_start3A_338 = arith.constant 2 : i32
    %dma_start3A_339 = arith.constant 0 : i32
    %dma_start3A_340 = arith.constant 0 : i32
    %dma_start3A_341 = tpu.memref_slice %arg6[%dma_start3A_338, %dma_start3A_339, %dma_start3A_340] : memref<3x128x256xf32, #tpu.memory_space<vmem>> -> memref<1x128x256xf32, #tpu.memory_space<vmem>>
    %dma_start3A_342 = tpu.memref_squeeze %dma_start3A_341 : memref<1x128x256xf32, #tpu.memory_space<vmem>> -> memref<128x256xf32, #tpu.memory_space<vmem>>
    %dma_start3A_343 = arith.constant 0 : i32
    %dma_start3A_344 = tpu.memref_slice %arg5[%dma_start3A_337, %dma_start3A_343] : memref<12x128xi32, #tpu.memory_space<vmem>> -> memref<1x128xi32, #tpu.memory_space<vmem>>
    %dma_start3A_345 = tpu.memref_squeeze %dma_start3A_344 : memref<1x128xi32, #tpu.memory_space<vmem>> -> memref<128xi32, #tpu.memory_space<vmem>>
    %dma_start3A_346 = arith.constant 0 : i32
    %dma_start3A_347 = arith.constant 0 : i32
    %dma_start3A_348 = tpu.memref_slice %arg2[%dma_start3A_346, %dma_start3A_347] : memref<32000x256xf32, #tpu.memory_space<hbm>> -> memref<32000x256xf32, #tpu.memory_space<hbm>>
    tpu.enqueue_indirect_dma source(%dma_start3A_348 : memref<32000x256xf32, #tpu.memory_space<hbm>>) target(%dma_start3A_342 : memref<128x256xf32, #tpu.memory_space<vmem>>) offsets(%dma_start3A_345 : memref<128xi32, #tpu.memory_space<vmem>>) semaphore(%arg9 : memref<!tpu.dma_semaphore, #tpu.memory_space<semaphore_mem>>)
    %dma_wait3A_349 = arith.constant 6 : i32
    %dma_wait3A_350 = arith.constant 0 : i32
    %dma_wait3A_351 = arith.constant 0 : i32
    %dma_wait3A_352 = arith.constant 0 : i32
    %dma_wait3A_353 = tpu.memref_slice %arg6[%dma_wait3A_350, %dma_wait3A_351, %dma_wait3A_352] : memref<3x128x256xf32, #tpu.memory_space<vmem>> -> memref<1x128x256xf32, #tpu.memory_space<vmem>>
    %dma_wait3A_354 = tpu.memref_squeeze %dma_wait3A_353 : memref<1x128x256xf32, #tpu.memory_space<vmem>> -> memref<128x256xf32, #tpu.memory_space<vmem>>
    %dma_wait3A_355 = arith.constant 0 : i32
    %dma_wait3A_356 = tpu.memref_slice %arg5[%dma_wait3A_349, %dma_wait3A_355] : memref<12x128xi32, #tpu.memory_space<vmem>> -> memref<1x128xi32, #tpu.memory_space<vmem>>
    %dma_wait3A_357 = tpu.memref_squeeze %dma_wait3A_356 : memref<1x128xi32, #tpu.memory_space<vmem>> -> memref<128xi32, #tpu.memory_space<vmem>>
    %dma_wait3A_358 = arith.constant 0 : i32
    %dma_wait3A_359 = arith.constant 0 : i32
    %dma_wait3A_360 = tpu.memref_slice %arg2[%dma_wait3A_358, %dma_wait3A_359] : memref<32000x256xf32, #tpu.memory_space<hbm>> -> memref<32000x256xf32, #tpu.memory_space<hbm>>
    tpu.wait_indirect_dma semaphore(%arg7 : memref<!tpu.dma_semaphore, #tpu.memory_space<semaphore_mem>>) src(%dma_wait3A_360 : memref<32000x256xf32, #tpu.memory_space<hbm>>) dst(%dma_wait3A_354 : memref<128x256xf32, #tpu.memory_space<vmem>>)
    %add3A_361 = arith.constant 768 : i32
    %add3A_362 = arith.addi %mul3A_2, %add3A_361 : i32
    %dma_start3A_363 = arith.constant 0 : i32
    %dma_start3A_364 = arith.constant 0 : i32
    %dma_start3A_365 = arith.constant 0 : i32
    %dma_start3A_366 = tpu.memref_slice %arg6[%dma_start3A_363, %dma_start3A_364, %dma_start3A_365] : memref<3x128x256xf32, #tpu.memory_space<vmem>> -> memref<1x128x256xf32, #tpu.memory_space<vmem>>
    %dma_start3A_367 = tpu.memref_squeeze %dma_start3A_366 : memref<1x128x256xf32, #tpu.memory_space<vmem>> -> memref<128x256xf32, #tpu.memory_space<vmem>>
    %dma_start3A_368 = arith.constant 0 : i32
    %dma_start3A_369 = tpu.memref_slice %arg4[%add3A_362, %dma_start3A_368] : memref<49152x256xf32, #tpu.memory_space<hbm>> -> memref<128x256xf32, #tpu.memory_space<hbm>>
    %dma_start3A_370 = arith.constant 0 : i32
    %dma_start3A_371 = tpu.memref_slice %arg4[%add3A_362, %dma_start3A_370] : memref<49152x256xf32, #tpu.memory_space<hbm>> -> memref<128x256xf32, #tpu.memory_space<hbm>>
    %dma_start3A_372 = arith.constant 0 : i32
    %dma_start3A_373 = arith.constant 0 : i32
    %dma_start3A_374 = tpu.memref_slice %arg6[%dma_start3A_363, %dma_start3A_372, %dma_start3A_373] : memref<3x128x256xf32, #tpu.memory_space<vmem>> -> memref<1x128x256xf32, #tpu.memory_space<vmem>>
    %dma_start3A_375 = tpu.memref_squeeze %dma_start3A_374 : memref<1x128x256xf32, #tpu.memory_space<vmem>> -> memref<128x256xf32, #tpu.memory_space<vmem>>
    tpu.enqueue_dma source(%dma_start3A_375 : memref<128x256xf32, #tpu.memory_space<vmem>>) target(%dma_start3A_371 : memref<128x256xf32, #tpu.memory_space<hbm>>) target_semaphore(%arg10 : memref<!tpu.dma_semaphore, #tpu.memory_space<semaphore_mem>>)
    %dma_wait3A_376 = arith.constant 0 : i32
    %dma_wait3A_377 = arith.constant 0 : i32
    %dma_wait3A_378 = arith.constant 0 : i32
    %dma_wait3A_379 = tpu.memref_slice %arg6[%dma_wait3A_376, %dma_wait3A_377, %dma_wait3A_378] : memref<3x128x256xf32, #tpu.memory_space<vmem>> -> memref<1x128x256xf32, #tpu.memory_space<vmem>>
    %dma_wait3A_380 = tpu.memref_squeeze %dma_wait3A_379 : memref<1x128x256xf32, #tpu.memory_space<vmem>> -> memref<128x256xf32, #tpu.memory_space<vmem>>
    %dma_wait3A_381 = arith.constant 0 : i32
    %dma_wait3A_382 = tpu.memref_slice %arg4[%add3A_362, %dma_wait3A_381] : memref<49152x256xf32, #tpu.memory_space<hbm>> -> memref<128x256xf32, #tpu.memory_space<hbm>>
    %dma_wait3A_383 = arith.constant 0 : i32
    %dma_wait3A_384 = tpu.memref_slice %arg4[%add3A_362, %dma_wait3A_383] : memref<49152x256xf32, #tpu.memory_space<hbm>> -> memref<128x256xf32, #tpu.memory_space<hbm>>
    %dma_wait3A_385 = arith.constant 0 : i32
    %dma_wait3A_386 = arith.constant 0 : i32
    %dma_wait3A_387 = tpu.memref_slice %arg6[%dma_wait3A_376, %dma_wait3A_385, %dma_wait3A_386] : memref<3x128x256xf32, #tpu.memory_space<vmem>> -> memref<1x128x256xf32, #tpu.memory_space<vmem>>
    %dma_wait3A_388 = tpu.memref_squeeze %dma_wait3A_387 : memref<1x128x256xf32, #tpu.memory_space<vmem>> -> memref<128x256xf32, #tpu.memory_space<vmem>>
    tpu.wait_dma2 semaphore(%arg10 : memref<!tpu.dma_semaphore, #tpu.memory_space<semaphore_mem>>) src(%dma_wait3A_388 : memref<128x256xf32, #tpu.memory_space<vmem>>) dst(%dma_wait3A_384 : memref<128x256xf32, #tpu.memory_space<hbm>>)
    %dma_start3A_389 = arith.constant 9 : i32
    %dma_start3A_390 = arith.constant 0 : i32
    %dma_start3A_391 = arith.constant 0 : i32
    %dma_start3A_392 = arith.constant 0 : i32
    %dma_start3A_393 = tpu.memref_slice %arg6[%dma_start3A_390, %dma_start3A_391, %dma_start3A_392] : memref<3x128x256xf32, #tpu.memory_space<vmem>> -> memref<1x128x256xf32, #tpu.memory_space<vmem>>
    %dma_start3A_394 = tpu.memref_squeeze %dma_start3A_393 : memref<1x128x256xf32, #tpu.memory_space<vmem>> -> memref<128x256xf32, #tpu.memory_space<vmem>>
    %dma_start3A_395 = arith.constant 0 : i32
    %dma_start3A_396 = tpu.memref_slice %arg5[%dma_start3A_389, %dma_start3A_395] : memref<12x128xi32, #tpu.memory_space<vmem>> -> memref<1x128xi32, #tpu.memory_space<vmem>>
    %dma_start3A_397 = tpu.memref_squeeze %dma_start3A_396 : memref<1x128xi32, #tpu.memory_space<vmem>> -> memref<128xi32, #tpu.memory_space<vmem>>
    %dma_start3A_398 = arith.constant 0 : i32
    %dma_start3A_399 = arith.constant 0 : i32
    %dma_start3A_400 = tpu.memref_slice %arg2[%dma_start3A_398, %dma_start3A_399] : memref<32000x256xf32, #tpu.memory_space<hbm>> -> memref<32000x256xf32, #tpu.memory_space<hbm>>
    tpu.enqueue_indirect_dma source(%dma_start3A_400 : memref<32000x256xf32, #tpu.memory_space<hbm>>) target(%dma_start3A_394 : memref<128x256xf32, #tpu.memory_space<vmem>>) offsets(%dma_start3A_397 : memref<128xi32, #tpu.memory_space<vmem>>) semaphore(%arg7 : memref<!tpu.dma_semaphore, #tpu.memory_space<semaphore_mem>>)
    %dma_wait3A_401 = arith.constant 7 : i32
    %dma_wait3A_402 = arith.constant 1 : i32
    %dma_wait3A_403 = arith.constant 0 : i32
    %dma_wait3A_404 = arith.constant 0 : i32
    %dma_wait3A_405 = tpu.memref_slice %arg6[%dma_wait3A_402, %dma_wait3A_403, %dma_wait3A_404] : memref<3x128x256xf32, #tpu.memory_space<vmem>> -> memref<1x128x256xf32, #tpu.memory_space<vmem>>
    %dma_wait3A_406 = tpu.memref_squeeze %dma_wait3A_405 : memref<1x128x256xf32, #tpu.memory_space<vmem>> -> memref<128x256xf32, #tpu.memory_space<vmem>>
    %dma_wait3A_407 = arith.constant 0 : i32
    %dma_wait3A_408 = tpu.memref_slice %arg5[%dma_wait3A_401, %dma_wait3A_407] : memref<12x128xi32, #tpu.memory_space<vmem>> -> memref<1x128xi32, #tpu.memory_space<vmem>>
    %dma_wait3A_409 = tpu.memref_squeeze %dma_wait3A_408 : memref<1x128xi32, #tpu.memory_space<vmem>> -> memref<128xi32, #tpu.memory_space<vmem>>
    %dma_wait3A_410 = arith.constant 0 : i32
    %dma_wait3A_411 = arith.constant 0 : i32
    %dma_wait3A_412 = tpu.memref_slice %arg2[%dma_wait3A_410, %dma_wait3A_411] : memref<32000x256xf32, #tpu.memory_space<hbm>> -> memref<32000x256xf32, #tpu.memory_space<hbm>>
    tpu.wait_indirect_dma semaphore(%arg8 : memref<!tpu.dma_semaphore, #tpu.memory_space<semaphore_mem>>) src(%dma_wait3A_412 : memref<32000x256xf32, #tpu.memory_space<hbm>>) dst(%dma_wait3A_406 : memref<128x256xf32, #tpu.memory_space<vmem>>)
    %add3A_413 = arith.constant 896 : i32
    %add3A_414 = arith.addi %mul3A_2, %add3A_413 : i32
    %dma_start3A_415 = arith.constant 1 : i32
    %dma_start3A_416 = arith.constant 0 : i32
    %dma_start3A_417 = arith.constant 0 : i32
    %dma_start3A_418 = tpu.memref_slice %arg6[%dma_start3A_415, %dma_start3A_416, %dma_start3A_417] : memref<3x128x256xf32, #tpu.memory_space<vmem>> -> memref<1x128x256xf32, #tpu.memory_space<vmem>>
    %dma_start3A_419 = tpu.memref_squeeze %dma_start3A_418 : memref<1x128x256xf32, #tpu.memory_space<vmem>> -> memref<128x256xf32, #tpu.memory_space<vmem>>
    %dma_start3A_420 = arith.constant 0 : i32
    %dma_start3A_421 = tpu.memref_slice %arg4[%add3A_414, %dma_start3A_420] : memref<49152x256xf32, #tpu.memory_space<hbm>> -> memref<128x256xf32, #tpu.memory_space<hbm>>
    %dma_start3A_422 = arith.constant 0 : i32
    %dma_start3A_423 = tpu.memref_slice %arg4[%add3A_414, %dma_start3A_422] : memref<49152x256xf32, #tpu.memory_space<hbm>> -> memref<128x256xf32, #tpu.memory_space<hbm>>
    %dma_start3A_424 = arith.constant 0 : i32
    %dma_start3A_425 = arith.constant 0 : i32
    %dma_start3A_426 = tpu.memref_slice %arg6[%dma_start3A_415, %dma_start3A_424, %dma_start3A_425] : memref<3x128x256xf32, #tpu.memory_space<vmem>> -> memref<1x128x256xf32, #tpu.memory_space<vmem>>
    %dma_start3A_427 = tpu.memref_squeeze %dma_start3A_426 : memref<1x128x256xf32, #tpu.memory_space<vmem>> -> memref<128x256xf32, #tpu.memory_space<vmem>>
    tpu.enqueue_dma source(%dma_start3A_427 : memref<128x256xf32, #tpu.memory_space<vmem>>) target(%dma_start3A_423 : memref<128x256xf32, #tpu.memory_space<hbm>>) target_semaphore(%arg11 : memref<!tpu.dma_semaphore, #tpu.memory_space<semaphore_mem>>)
    %dma_wait3A_428 = arith.constant 1 : i32
    %dma_wait3A_429 = arith.constant 0 : i32
    %dma_wait3A_430 = arith.constant 0 : i32
    %dma_wait3A_431 = tpu.memref_slice %arg6[%dma_wait3A_428, %dma_wait3A_429, %dma_wait3A_430] : memref<3x128x256xf32, #tpu.memory_space<vmem>> -> memref<1x128x256xf32, #tpu.memory_space<vmem>>
    %dma_wait3A_432 = tpu.memref_squeeze %dma_wait3A_431 : memref<1x128x256xf32, #tpu.memory_space<vmem>> -> memref<128x256xf32, #tpu.memory_space<vmem>>
    %dma_wait3A_433 = arith.constant 0 : i32
    %dma_wait3A_434 = tpu.memref_slice %arg4[%add3A_414, %dma_wait3A_433] : memref<49152x256xf32, #tpu.memory_space<hbm>> -> memref<128x256xf32, #tpu.memory_space<hbm>>
    %dma_wait3A_435 = arith.constant 0 : i32
    %dma_wait3A_436 = tpu.memref_slice %arg4[%add3A_414, %dma_wait3A_435] : memref<49152x256xf32, #tpu.memory_space<hbm>> -> memref<128x256xf32, #tpu.memory_space<hbm>>
    %dma_wait3A_437 = arith.constant 0 : i32
    %dma_wait3A_438 = arith.constant 0 : i32
    %dma_wait3A_439 = tpu.memref_slice %arg6[%dma_wait3A_428, %dma_wait3A_437, %dma_wait3A_438] : memref<3x128x256xf32, #tpu.memory_space<vmem>> -> memref<1x128x256xf32, #tpu.memory_space<vmem>>
    %dma_wait3A_440 = tpu.memref_squeeze %dma_wait3A_439 : memref<1x128x256xf32, #tpu.memory_space<vmem>> -> memref<128x256xf32, #tpu.memory_space<vmem>>
    tpu.wait_dma2 semaphore(%arg11 : memref<!tpu.dma_semaphore, #tpu.memory_space<semaphore_mem>>) src(%dma_wait3A_440 : memref<128x256xf32, #tpu.memory_space<vmem>>) dst(%dma_wait3A_436 : memref<128x256xf32, #tpu.memory_space<hbm>>)
    %dma_start3A_441 = arith.constant 10 : i32
    %dma_start3A_442 = arith.constant 1 : i32
    %dma_start3A_443 = arith.constant 0 : i32
    %dma_start3A_444 = arith.constant 0 : i32
    %dma_start3A_445 = tpu.memref_slice %arg6[%dma_start3A_442, %dma_start3A_443, %dma_start3A_444] : memref<3x128x256xf32, #tpu.memory_space<vmem>> -> memref<1x128x256xf32, #tpu.memory_space<vmem>>
    %dma_start3A_446 = tpu.memref_squeeze %dma_start3A_445 : memref<1x128x256xf32, #tpu.memory_space<vmem>> -> memref<128x256xf32, #tpu.memory_space<vmem>>
    %dma_start3A_447 = arith.constant 0 : i32
    %dma_start3A_448 = tpu.memref_slice %arg5[%dma_start3A_441, %dma_start3A_447] : memref<12x128xi32, #tpu.memory_space<vmem>> -> memref<1x128xi32, #tpu.memory_space<vmem>>
    %dma_start3A_449 = tpu.memref_squeeze %dma_start3A_448 : memref<1x128xi32, #tpu.memory_space<vmem>> -> memref<128xi32, #tpu.memory_space<vmem>>
    %dma_start3A_450 = arith.constant 0 : i32
    %dma_start3A_451 = arith.constant 0 : i32
    %dma_start3A_452 = tpu.memref_slice %arg2[%dma_start3A_450, %dma_start3A_451] : memref<32000x256xf32, #tpu.memory_space<hbm>> -> memref<32000x256xf32, #tpu.memory_space<hbm>>
    tpu.enqueue_indirect_dma source(%dma_start3A_452 : memref<32000x256xf32, #tpu.memory_space<hbm>>) target(%dma_start3A_446 : memref<128x256xf32, #tpu.memory_space<vmem>>) offsets(%dma_start3A_449 : memref<128xi32, #tpu.memory_space<vmem>>) semaphore(%arg8 : memref<!tpu.dma_semaphore, #tpu.memory_space<semaphore_mem>>)
    %dma_wait3A_453 = arith.constant 8 : i32
    %dma_wait3A_454 = arith.constant 2 : i32
    %dma_wait3A_455 = arith.constant 0 : i32
    %dma_wait3A_456 = arith.constant 0 : i32
    %dma_wait3A_457 = tpu.memref_slice %arg6[%dma_wait3A_454, %dma_wait3A_455, %dma_wait3A_456] : memref<3x128x256xf32, #tpu.memory_space<vmem>> -> memref<1x128x256xf32, #tpu.memory_space<vmem>>
    %dma_wait3A_458 = tpu.memref_squeeze %dma_wait3A_457 : memref<1x128x256xf32, #tpu.memory_space<vmem>> -> memref<128x256xf32, #tpu.memory_space<vmem>>
    %dma_wait3A_459 = arith.constant 0 : i32
    %dma_wait3A_460 = tpu.memref_slice %arg5[%dma_wait3A_453, %dma_wait3A_459] : memref<12x128xi32, #tpu.memory_space<vmem>> -> memref<1x128xi32, #tpu.memory_space<vmem>>
    %dma_wait3A_461 = tpu.memref_squeeze %dma_wait3A_460 : memref<1x128xi32, #tpu.memory_space<vmem>> -> memref<128xi32, #tpu.memory_space<vmem>>
    %dma_wait3A_462 = arith.constant 0 : i32
    %dma_wait3A_463 = arith.constant 0 : i32
    %dma_wait3A_464 = tpu.memref_slice %arg2[%dma_wait3A_462, %dma_wait3A_463] : memref<32000x256xf32, #tpu.memory_space<hbm>> -> memref<32000x256xf32, #tpu.memory_space<hbm>>
    tpu.wait_indirect_dma semaphore(%arg9 : memref<!tpu.dma_semaphore, #tpu.memory_space<semaphore_mem>>) src(%dma_wait3A_464 : memref<32000x256xf32, #tpu.memory_space<hbm>>) dst(%dma_wait3A_458 : memref<128x256xf32, #tpu.memory_space<vmem>>)
    %add3A_465 = arith.constant 1024 : i32
    %add3A_466 = arith.addi %mul3A_2, %add3A_465 : i32
    %dma_start3A_467 = arith.constant 2 : i32
    %dma_start3A_468 = arith.constant 0 : i32
    %dma_start3A_469 = arith.constant 0 : i32
    %dma_start3A_470 = tpu.memref_slice %arg6[%dma_start3A_467, %dma_start3A_468, %dma_start3A_469] : memref<3x128x256xf32, #tpu.memory_space<vmem>> -> memref<1x128x256xf32, #tpu.memory_space<vmem>>
    %dma_start3A_471 = tpu.memref_squeeze %dma_start3A_470 : memref<1x128x256xf32, #tpu.memory_space<vmem>> -> memref<128x256xf32, #tpu.memory_space<vmem>>
    %dma_start3A_472 = arith.constant 0 : i32
    %dma_start3A_473 = tpu.memref_slice %arg4[%add3A_466, %dma_start3A_472] : memref<49152x256xf32, #tpu.memory_space<hbm>> -> memref<128x256xf32, #tpu.memory_space<hbm>>
    %dma_start3A_474 = arith.constant 0 : i32
    %dma_start3A_475 = tpu.memref_slice %arg4[%add3A_466, %dma_start3A_474] : memref<49152x256xf32, #tpu.memory_space<hbm>> -> memref<128x256xf32, #tpu.memory_space<hbm>>
    %dma_start3A_476 = arith.constant 0 : i32
    %dma_start3A_477 = arith.constant 0 : i32
    %dma_start3A_478 = tpu.memref_slice %arg6[%dma_start3A_467, %dma_start3A_476, %dma_start3A_477] : memref<3x128x256xf32, #tpu.memory_space<vmem>> -> memref<1x128x256xf32, #tpu.memory_space<vmem>>
    %dma_start3A_479 = tpu.memref_squeeze %dma_start3A_478 : memref<1x128x256xf32, #tpu.memory_space<vmem>> -> memref<128x256xf32, #tpu.memory_space<vmem>>
    tpu.enqueue_dma source(%dma_start3A_479 : memref<128x256xf32, #tpu.memory_space<vmem>>) target(%dma_start3A_475 : memref<128x256xf32, #tpu.memory_space<hbm>>) target_semaphore(%arg12 : memref<!tpu.dma_semaphore, #tpu.memory_space<semaphore_mem>>)
    %dma_wait3A_480 = arith.constant 2 : i32
    %dma_wait3A_481 = arith.constant 0 : i32
    %dma_wait3A_482 = arith.constant 0 : i32
    %dma_wait3A_483 = tpu.memref_slice %arg6[%dma_wait3A_480, %dma_wait3A_481, %dma_wait3A_482] : memref<3x128x256xf32, #tpu.memory_space<vmem>> -> memref<1x128x256xf32, #tpu.memory_space<vmem>>
    %dma_wait3A_484 = tpu.memref_squeeze %dma_wait3A_483 : memref<1x128x256xf32, #tpu.memory_space<vmem>> -> memref<128x256xf32, #tpu.memory_space<vmem>>
    %dma_wait3A_485 = arith.constant 0 : i32
    %dma_wait3A_486 = tpu.memref_slice %arg4[%add3A_466, %dma_wait3A_485] : memref<49152x256xf32, #tpu.memory_space<hbm>> -> memref<128x256xf32, #tpu.memory_space<hbm>>
    %dma_wait3A_487 = arith.constant 0 : i32
    %dma_wait3A_488 = tpu.memref_slice %arg4[%add3A_466, %dma_wait3A_487] : memref<49152x256xf32, #tpu.memory_space<hbm>> -> memref<128x256xf32, #tpu.memory_space<hbm>>
    %dma_wait3A_489 = arith.constant 0 : i32
    %dma_wait3A_490 = arith.constant 0 : i32
    %dma_wait3A_491 = tpu.memref_slice %arg6[%dma_wait3A_480, %dma_wait3A_489, %dma_wait3A_490] : memref<3x128x256xf32, #tpu.memory_space<vmem>> -> memref<1x128x256xf32, #tpu.memory_space<vmem>>
    %dma_wait3A_492 = tpu.memref_squeeze %dma_wait3A_491 : memref<1x128x256xf32, #tpu.memory_space<vmem>> -> memref<128x256xf32, #tpu.memory_space<vmem>>
    tpu.wait_dma2 semaphore(%arg12 : memref<!tpu.dma_semaphore, #tpu.memory_space<semaphore_mem>>) src(%dma_wait3A_492 : memref<128x256xf32, #tpu.memory_space<vmem>>) dst(%dma_wait3A_488 : memref<128x256xf32, #tpu.memory_space<hbm>>)
    %dma_start3A_493 = arith.constant 11 : i32
    %dma_start3A_494 = arith.constant 2 : i32
    %dma_start3A_495 = arith.constant 0 : i32
    %dma_start3A_496 = arith.constant 0 : i32
    %dma_start3A_497 = tpu.memref_slice %arg6[%dma_start3A_494, %dma_start3A_495, %dma_start3A_496] : memref<3x128x256xf32, #tpu.memory_space<vmem>> -> memref<1x128x256xf32, #tpu.memory_space<vmem>>
    %dma_start3A_498 = tpu.memref_squeeze %dma_start3A_497 : memref<1x128x256xf32, #tpu.memory_space<vmem>> -> memref<128x256xf32, #tpu.memory_space<vmem>>
    %dma_start3A_499 = arith.constant 0 : i32
    %dma_start3A_500 = tpu.memref_slice %arg5[%dma_start3A_493, %dma_start3A_499] : memref<12x128xi32, #tpu.memory_space<vmem>> -> memref<1x128xi32, #tpu.memory_space<vmem>>
    %dma_start3A_501 = tpu.memref_squeeze %dma_start3A_500 : memref<1x128xi32, #tpu.memory_space<vmem>> -> memref<128xi32, #tpu.memory_space<vmem>>
    %dma_start3A_502 = arith.constant 0 : i32
    %dma_start3A_503 = arith.constant 0 : i32
    %dma_start3A_504 = tpu.memref_slice %arg2[%dma_start3A_502, %dma_start3A_503] : memref<32000x256xf32, #tpu.memory_space<hbm>> -> memref<32000x256xf32, #tpu.memory_space<hbm>>
    tpu.enqueue_indirect_dma source(%dma_start3A_504 : memref<32000x256xf32, #tpu.memory_space<hbm>>) target(%dma_start3A_498 : memref<128x256xf32, #tpu.memory_space<vmem>>) offsets(%dma_start3A_501 : memref<128xi32, #tpu.memory_space<vmem>>) semaphore(%arg9 : memref<!tpu.dma_semaphore, #tpu.memory_space<semaphore_mem>>)
    %dma_wait3A_505 = arith.constant 9 : i32
    %dma_wait3A_506 = arith.constant 0 : i32
    %dma_wait3A_507 = arith.constant 0 : i32
    %dma_wait3A_508 = arith.constant 0 : i32
    %dma_wait3A_509 = tpu.memref_slice %arg6[%dma_wait3A_506, %dma_wait3A_507, %dma_wait3A_508] : memref<3x128x256xf32, #tpu.memory_space<vmem>> -> memref<1x128x256xf32, #tpu.memory_space<vmem>>
    %dma_wait3A_510 = tpu.memref_squeeze %dma_wait3A_509 : memref<1x128x256xf32, #tpu.memory_space<vmem>> -> memref<128x256xf32, #tpu.memory_space<vmem>>
    %dma_wait3A_511 = arith.constant 0 : i32
    %dma_wait3A_512 = tpu.memref_slice %arg5[%dma_wait3A_505, %dma_wait3A_511] : memref<12x128xi32, #tpu.memory_space<vmem>> -> memref<1x128xi32, #tpu.memory_space<vmem>>
    %dma_wait3A_513 = tpu.memref_squeeze %dma_wait3A_512 : memref<1x128xi32, #tpu.memory_space<vmem>> -> memref<128xi32, #tpu.memory_space<vmem>>
    %dma_wait3A_514 = arith.constant 0 : i32
    %dma_wait3A_515 = arith.constant 0 : i32
    %dma_wait3A_516 = tpu.memref_slice %arg2[%dma_wait3A_514, %dma_wait3A_515] : memref<32000x256xf32, #tpu.memory_space<hbm>> -> memref<32000x256xf32, #tpu.memory_space<hbm>>
    tpu.wait_indirect_dma semaphore(%arg7 : memref<!tpu.dma_semaphore, #tpu.memory_space<semaphore_mem>>) src(%dma_wait3A_516 : memref<32000x256xf32, #tpu.memory_space<hbm>>) dst(%dma_wait3A_510 : memref<128x256xf32, #tpu.memory_space<vmem>>)
    %add3A_517 = arith.constant 1152 : i32
    %add3A_518 = arith.addi %mul3A_2, %add3A_517 : i32
    %dma_start3A_519 = arith.constant 0 : i32
    %dma_start3A_520 = arith.constant 0 : i32
    %dma_start3A_521 = arith.constant 0 : i32
    %dma_start3A_522 = tpu.memref_slice %arg6[%dma_start3A_519, %dma_start3A_520, %dma_start3A_521] : memref<3x128x256xf32, #tpu.memory_space<vmem>> -> memref<1x128x256xf32, #tpu.memory_space<vmem>>
    %dma_start3A_523 = tpu.memref_squeeze %dma_start3A_522 : memref<1x128x256xf32, #tpu.memory_space<vmem>> -> memref<128x256xf32, #tpu.memory_space<vmem>>
    %dma_start3A_524 = arith.constant 0 : i32
    %dma_start3A_525 = tpu.memref_slice %arg4[%add3A_518, %dma_start3A_524] : memref<49152x256xf32, #tpu.memory_space<hbm>> -> memref<128x256xf32, #tpu.memory_space<hbm>>
    %dma_start3A_526 = arith.constant 0 : i32
    %dma_start3A_527 = tpu.memref_slice %arg4[%add3A_518, %dma_start3A_526] : memref<49152x256xf32, #tpu.memory_space<hbm>> -> memref<128x256xf32, #tpu.memory_space<hbm>>
    %dma_start3A_528 = arith.constant 0 : i32
    %dma_start3A_529 = arith.constant 0 : i32
    %dma_start3A_530 = tpu.memref_slice %arg6[%dma_start3A_519, %dma_start3A_528, %dma_start3A_529] : memref<3x128x256xf32, #tpu.memory_space<vmem>> -> memref<1x128x256xf32, #tpu.memory_space<vmem>>
    %dma_start3A_531 = tpu.memref_squeeze %dma_start3A_530 : memref<1x128x256xf32, #tpu.memory_space<vmem>> -> memref<128x256xf32, #tpu.memory_space<vmem>>
    tpu.enqueue_dma source(%dma_start3A_531 : memref<128x256xf32, #tpu.memory_space<vmem>>) target(%dma_start3A_527 : memref<128x256xf32, #tpu.memory_space<hbm>>) target_semaphore(%arg10 : memref<!tpu.dma_semaphore, #tpu.memory_space<semaphore_mem>>)
    %dma_wait3A_532 = arith.constant 10 : i32
    %dma_wait3A_533 = arith.constant 1 : i32
    %dma_wait3A_534 = arith.constant 0 : i32
    %dma_wait3A_535 = arith.constant 0 : i32
    %dma_wait3A_536 = tpu.memref_slice %arg6[%dma_wait3A_533, %dma_wait3A_534, %dma_wait3A_535] : memref<3x128x256xf32, #tpu.memory_space<vmem>> -> memref<1x128x256xf32, #tpu.memory_space<vmem>>
    %dma_wait3A_537 = tpu.memref_squeeze %dma_wait3A_536 : memref<1x128x256xf32, #tpu.memory_space<vmem>> -> memref<128x256xf32, #tpu.memory_space<vmem>>
    %dma_wait3A_538 = arith.constant 0 : i32
    %dma_wait3A_539 = tpu.memref_slice %arg5[%dma_wait3A_532, %dma_wait3A_538] : memref<12x128xi32, #tpu.memory_space<vmem>> -> memref<1x128xi32, #tpu.memory_space<vmem>>
    %dma_wait3A_540 = tpu.memref_squeeze %dma_wait3A_539 : memref<1x128xi32, #tpu.memory_space<vmem>> -> memref<128xi32, #tpu.memory_space<vmem>>
    %dma_wait3A_541 = arith.constant 0 : i32
    %dma_wait3A_542 = arith.constant 0 : i32
    %dma_wait3A_543 = tpu.memref_slice %arg2[%dma_wait3A_541, %dma_wait3A_542] : memref<32000x256xf32, #tpu.memory_space<hbm>> -> memref<32000x256xf32, #tpu.memory_space<hbm>>
    tpu.wait_indirect_dma semaphore(%arg8 : memref<!tpu.dma_semaphore, #tpu.memory_space<semaphore_mem>>) src(%dma_wait3A_543 : memref<32000x256xf32, #tpu.memory_space<hbm>>) dst(%dma_wait3A_537 : memref<128x256xf32, #tpu.memory_space<vmem>>)
    %add3A_544 = arith.constant 1280 : i32
    %add3A_545 = arith.addi %mul3A_2, %add3A_544 : i32
    %dma_start3A_546 = arith.constant 1 : i32
    %dma_start3A_547 = arith.constant 0 : i32
    %dma_start3A_548 = arith.constant 0 : i32
    %dma_start3A_549 = tpu.memref_slice %arg6[%dma_start3A_546, %dma_start3A_547, %dma_start3A_548] : memref<3x128x256xf32, #tpu.memory_space<vmem>> -> memref<1x128x256xf32, #tpu.memory_space<vmem>>
    %dma_start3A_550 = tpu.memref_squeeze %dma_start3A_549 : memref<1x128x256xf32, #tpu.memory_space<vmem>> -> memref<128x256xf32, #tpu.memory_space<vmem>>
    %dma_start3A_551 = arith.constant 0 : i32
    %dma_start3A_552 = tpu.memref_slice %arg4[%add3A_545, %dma_start3A_551] : memref<49152x256xf32, #tpu.memory_space<hbm>> -> memref<128x256xf32, #tpu.memory_space<hbm>>
    %dma_start3A_553 = arith.constant 0 : i32
    %dma_start3A_554 = tpu.memref_slice %arg4[%add3A_545, %dma_start3A_553] : memref<49152x256xf32, #tpu.memory_space<hbm>> -> memref<128x256xf32, #tpu.memory_space<hbm>>
    %dma_start3A_555 = arith.constant 0 : i32
    %dma_start3A_556 = arith.constant 0 : i32
    %dma_start3A_557 = tpu.memref_slice %arg6[%dma_start3A_546, %dma_start3A_555, %dma_start3A_556] : memref<3x128x256xf32, #tpu.memory_space<vmem>> -> memref<1x128x256xf32, #tpu.memory_space<vmem>>
    %dma_start3A_558 = tpu.memref_squeeze %dma_start3A_557 : memref<1x128x256xf32, #tpu.memory_space<vmem>> -> memref<128x256xf32, #tpu.memory_space<vmem>>
    tpu.enqueue_dma source(%dma_start3A_558 : memref<128x256xf32, #tpu.memory_space<vmem>>) target(%dma_start3A_554 : memref<128x256xf32, #tpu.memory_space<hbm>>) target_semaphore(%arg11 : memref<!tpu.dma_semaphore, #tpu.memory_space<semaphore_mem>>)
    %dma_wait3A_559 = arith.constant 11 : i32
    %dma_wait3A_560 = arith.constant 2 : i32
    %dma_wait3A_561 = arith.constant 0 : i32
    %dma_wait3A_562 = arith.constant 0 : i32
    %dma_wait3A_563 = tpu.memref_slice %arg6[%dma_wait3A_560, %dma_wait3A_561, %dma_wait3A_562] : memref<3x128x256xf32, #tpu.memory_space<vmem>> -> memref<1x128x256xf32, #tpu.memory_space<vmem>>
    %dma_wait3A_564 = tpu.memref_squeeze %dma_wait3A_563 : memref<1x128x256xf32, #tpu.memory_space<vmem>> -> memref<128x256xf32, #tpu.memory_space<vmem>>
    %dma_wait3A_565 = arith.constant 0 : i32
    %dma_wait3A_566 = tpu.memref_slice %arg5[%dma_wait3A_559, %dma_wait3A_565] : memref<12x128xi32, #tpu.memory_space<vmem>> -> memref<1x128xi32, #tpu.memory_space<vmem>>
    %dma_wait3A_567 = tpu.memref_squeeze %dma_wait3A_566 : memref<1x128xi32, #tpu.memory_space<vmem>> -> memref<128xi32, #tpu.memory_space<vmem>>
    %dma_wait3A_568 = arith.constant 0 : i32
    %dma_wait3A_569 = arith.constant 0 : i32
    %dma_wait3A_570 = tpu.memref_slice %arg2[%dma_wait3A_568, %dma_wait3A_569] : memref<32000x256xf32, #tpu.memory_space<hbm>> -> memref<32000x256xf32, #tpu.memory_space<hbm>>
    tpu.wait_indirect_dma semaphore(%arg9 : memref<!tpu.dma_semaphore, #tpu.memory_space<semaphore_mem>>) src(%dma_wait3A_570 : memref<32000x256xf32, #tpu.memory_space<hbm>>) dst(%dma_wait3A_564 : memref<128x256xf32, #tpu.memory_space<vmem>>)
    %add3A_571 = arith.constant 1408 : i32
    %add3A_572 = arith.addi %mul3A_2, %add3A_571 : i32
    %dma_start3A_573 = arith.constant 2 : i32
    %dma_start3A_574 = arith.constant 0 : i32
    %dma_start3A_575 = arith.constant 0 : i32
    %dma_start3A_576 = tpu.memref_slice %arg6[%dma_start3A_573, %dma_start3A_574, %dma_start3A_575] : memref<3x128x256xf32, #tpu.memory_space<vmem>> -> memref<1x128x256xf32, #tpu.memory_space<vmem>>
    %dma_start3A_577 = tpu.memref_squeeze %dma_start3A_576 : memref<1x128x256xf32, #tpu.memory_space<vmem>> -> memref<128x256xf32, #tpu.memory_space<vmem>>
    %dma_start3A_578 = arith.constant 0 : i32
    %dma_start3A_579 = tpu.memref_slice %arg4[%add3A_572, %dma_start3A_578] : memref<49152x256xf32, #tpu.memory_space<hbm>> -> memref<128x256xf32, #tpu.memory_space<hbm>>
    %dma_start3A_580 = arith.constant 0 : i32
    %dma_start3A_581 = tpu.memref_slice %arg4[%add3A_572, %dma_start3A_580] : memref<49152x256xf32, #tpu.memory_space<hbm>> -> memref<128x256xf32, #tpu.memory_space<hbm>>
    %dma_start3A_582 = arith.constant 0 : i32
    %dma_start3A_583 = arith.constant 0 : i32
    %dma_start3A_584 = tpu.memref_slice %arg6[%dma_start3A_573, %dma_start3A_582, %dma_start3A_583] : memref<3x128x256xf32, #tpu.memory_space<vmem>> -> memref<1x128x256xf32, #tpu.memory_space<vmem>>
    %dma_start3A_585 = tpu.memref_squeeze %dma_start3A_584 : memref<1x128x256xf32, #tpu.memory_space<vmem>> -> memref<128x256xf32, #tpu.memory_space<vmem>>
    tpu.enqueue_dma source(%dma_start3A_585 : memref<128x256xf32, #tpu.memory_space<vmem>>) target(%dma_start3A_581 : memref<128x256xf32, #tpu.memory_space<hbm>>) target_semaphore(%arg12 : memref<!tpu.dma_semaphore, #tpu.memory_space<semaphore_mem>>)
    %dma_wait3A_586 = arith.constant 0 : i32
    %dma_wait3A_587 = arith.constant 0 : i32
    %dma_wait3A_588 = arith.constant 0 : i32
    %dma_wait3A_589 = tpu.memref_slice %arg6[%dma_wait3A_586, %dma_wait3A_587, %dma_wait3A_588] : memref<3x128x256xf32, #tpu.memory_space<vmem>> -> memref<1x128x256xf32, #tpu.memory_space<vmem>>
    %dma_wait3A_590 = tpu.memref_squeeze %dma_wait3A_589 : memref<1x128x256xf32, #tpu.memory_space<vmem>> -> memref<128x256xf32, #tpu.memory_space<vmem>>
    %dma_wait3A_591 = arith.constant 0 : i32
    %dma_wait3A_592 = tpu.memref_slice %arg4[%add3A_518, %dma_wait3A_591] : memref<49152x256xf32, #tpu.memory_space<hbm>> -> memref<128x256xf32, #tpu.memory_space<hbm>>
    %dma_wait3A_593 = arith.constant 0 : i32
    %dma_wait3A_594 = tpu.memref_slice %arg4[%add3A_518, %dma_wait3A_593] : memref<49152x256xf32, #tpu.memory_space<hbm>> -> memref<128x256xf32, #tpu.memory_space<hbm>>
    %dma_wait3A_595 = arith.constant 0 : i32
    %dma_wait3A_596 = arith.constant 0 : i32
    %dma_wait3A_597 = tpu.memref_slice %arg6[%dma_wait3A_586, %dma_wait3A_595, %dma_wait3A_596] : memref<3x128x256xf32, #tpu.memory_space<vmem>> -> memref<1x128x256xf32, #tpu.memory_space<vmem>>
    %dma_wait3A_598 = tpu.memref_squeeze %dma_wait3A_597 : memref<1x128x256xf32, #tpu.memory_space<vmem>> -> memref<128x256xf32, #tpu.memory_space<vmem>>
    tpu.wait_dma2 semaphore(%arg10 : memref<!tpu.dma_semaphore, #tpu.memory_space<semaphore_mem>>) src(%dma_wait3A_598 : memref<128x256xf32, #tpu.memory_space<vmem>>) dst(%dma_wait3A_594 : memref<128x256xf32, #tpu.memory_space<hbm>>)
    %dma_wait3A_599 = arith.constant 1 : i32
    %dma_wait3A_600 = arith.constant 0 : i32
    %dma_wait3A_601 = arith.constant 0 : i32
    %dma_wait3A_602 = tpu.memref_slice %arg6[%dma_wait3A_599, %dma_wait3A_600, %dma_wait3A_601] : memref<3x128x256xf32, #tpu.memory_space<vmem>> -> memref<1x128x256xf32, #tpu.memory_space<vmem>>
    %dma_wait3A_603 = tpu.memref_squeeze %dma_wait3A_602 : memref<1x128x256xf32, #tpu.memory_space<vmem>> -> memref<128x256xf32, #tpu.memory_space<vmem>>
    %dma_wait3A_604 = arith.constant 0 : i32
    %dma_wait3A_605 = tpu.memref_slice %arg4[%add3A_545, %dma_wait3A_604] : memref<49152x256xf32, #tpu.memory_space<hbm>> -> memref<128x256xf32, #tpu.memory_space<hbm>>
    %dma_wait3A_606 = arith.constant 0 : i32
    %dma_wait3A_607 = tpu.memref_slice %arg4[%add3A_545, %dma_wait3A_606] : memref<49152x256xf32, #tpu.memory_space<hbm>> -> memref<128x256xf32, #tpu.memory_space<hbm>>
    %dma_wait3A_608 = arith.constant 0 : i32
    %dma_wait3A_609 = arith.constant 0 : i32
    %dma_wait3A_610 = tpu.memref_slice %arg6[%dma_wait3A_599, %dma_wait3A_608, %dma_wait3A_609] : memref<3x128x256xf32, #tpu.memory_space<vmem>> -> memref<1x128x256xf32, #tpu.memory_space<vmem>>
    %dma_wait3A_611 = tpu.memref_squeeze %dma_wait3A_610 : memref<1x128x256xf32, #tpu.memory_space<vmem>> -> memref<128x256xf32, #tpu.memory_space<vmem>>
    tpu.wait_dma2 semaphore(%arg11 : memref<!tpu.dma_semaphore, #tpu.memory_space<semaphore_mem>>) src(%dma_wait3A_611 : memref<128x256xf32, #tpu.memory_space<vmem>>) dst(%dma_wait3A_607 : memref<128x256xf32, #tpu.memory_space<hbm>>)
    %dma_wait3A_612 = arith.constant 2 : i32
    %dma_wait3A_613 = arith.constant 0 : i32
    %dma_wait3A_614 = arith.constant 0 : i32
    %dma_wait3A_615 = tpu.memref_slice %arg6[%dma_wait3A_612, %dma_wait3A_613, %dma_wait3A_614] : memref<3x128x256xf32, #tpu.memory_space<vmem>> -> memref<1x128x256xf32, #tpu.memory_space<vmem>>
    %dma_wait3A_616 = tpu.memref_squeeze %dma_wait3A_615 : memref<1x128x256xf32, #tpu.memory_space<vmem>> -> memref<128x256xf32, #tpu.memory_space<vmem>>
    %dma_wait3A_617 = arith.constant 0 : i32
    %dma_wait3A_618 = tpu.memref_slice %arg4[%add3A_572, %dma_wait3A_617] : memref<49152x256xf32, #tpu.memory_space<hbm>> -> memref<128x256xf32, #tpu.memory_space<hbm>>
    %dma_wait3A_619 = arith.constant 0 : i32
    %dma_wait3A_620 = tpu.memref_slice %arg4[%add3A_572, %dma_wait3A_619] : memref<49152x256xf32, #tpu.memory_space<hbm>> -> memref<128x256xf32, #tpu.memory_space<hbm>>
    %dma_wait3A_621 = arith.constant 0 : i32
    %dma_wait3A_622 = arith.constant 0 : i32
    %dma_wait3A_623 = tpu.memref_slice %arg6[%dma_wait3A_612, %dma_wait3A_621, %dma_wait3A_622] : memref<3x128x256xf32, #tpu.memory_space<vmem>> -> memref<1x128x256xf32, #tpu.memory_space<vmem>>
    %dma_wait3A_624 = tpu.memref_squeeze %dma_wait3A_623 : memref<1x128x256xf32, #tpu.memory_space<vmem>> -> memref<128x256xf32, #tpu.memory_space<vmem>>
    tpu.wait_dma2 semaphore(%arg12 : memref<!tpu.dma_semaphore, #tpu.memory_space<semaphore_mem>>) src(%dma_wait3A_624 : memref<128x256xf32, #tpu.memory_space<vmem>>) dst(%dma_wait3A_620 : memref<128x256xf32, #tpu.memory_space<hbm>>)
    return
  }
}

#map = affine_map<(d0, d1) -> (0, 0)>
#map1 = affine_map<(d0, d1) -> (0, 0, 0)>
module attributes {stable_mosaic.version = 14 : i64} {
  func.func @gather_k(%arg0: i32, %arg1: i32, %arg2: memref<32000x256xf32, #tpu.memory_space<hbm>>, %arg3: memref<32x4x128xi32, #tpu.memory_space<hbm>>, %arg4: memref<16384x256xf32, #tpu.memory_space<hbm>>, %arg5: memref<4x128xi32, #tpu.memory_space<vmem>>, %arg6: memref<3x128x256xf32, #tpu.memory_space<vmem>>, %arg7: memref<!tpu.dma_semaphore, #tpu.memory_space<semaphore_mem>>, %arg8: memref<!tpu.dma_semaphore, #tpu.memory_space<semaphore_mem>>, %arg9: memref<!tpu.dma_semaphore, #tpu.memory_space<semaphore_mem>>, %arg10: memref<!tpu.dma_semaphore, #tpu.memory_space<semaphore_mem>>, %arg11: memref<!tpu.dma_semaphore, #tpu.memory_space<semaphore_mem>>, %arg12: memref<!tpu.dma_semaphore, #tpu.memory_space<semaphore_mem>>) attributes {dimension_semantics = [#tpu.dimension_semantics<core_parallel>, #tpu.dimension_semantics<subcore_parallel>], iteration_bounds = array<i64: 2, 16>, scalar_prefetch = 0 : i64, scratch_operands = 8 : i64, tpu.core_type = #tpu.core_type<sc_vector_subcore>, window_params = [{transform_indices = #map}, {transform_indices = #map1}, {transform_indices = #map}]} {
    %mul3A = arith.constant 2 : i32
    %mul3A_0 = arith.muli %arg1, %mul3A : i32
    %add3A = arith.addi %mul3A_0, %arg0 : i32
    %mul3A_1 = arith.constant 512 : i32
    %mul3A_2 = arith.muli %add3A, %mul3A_1 : i32
    "tpu.region"() ({
      %run_scoped3A = tpu.sem_alloc : memref<!tpu.dma_semaphore, #tpu.memory_space<semaphore_mem>>
      %dma_start3A_209 = arith.constant 0 : i32
      %dma_start3A_210 = arith.constant 0 : i32
      %dma_start3A_211 = tpu.memref_slice %arg3[%add3A, %dma_start3A_209, %dma_start3A_210] : memref<32x4x128xi32, #tpu.memory_space<hbm>> -> memref<1x4x128xi32, #tpu.memory_space<hbm>>
      %dma_start3A_212 = tpu.memref_squeeze %dma_start3A_211 : memref<1x4x128xi32, #tpu.memory_space<hbm>> -> memref<4x128xi32, #tpu.memory_space<hbm>>
      %dma_start3A_213 = arith.constant 0 : i32
      %dma_start3A_214 = arith.constant 0 : i32
      %dma_start3A_215 = tpu.memref_slice %arg3[%add3A, %dma_start3A_213, %dma_start3A_214] : memref<32x4x128xi32, #tpu.memory_space<hbm>> -> memref<1x4x128xi32, #tpu.memory_space<hbm>>
      %dma_start3A_216 = tpu.memref_squeeze %dma_start3A_215 : memref<1x4x128xi32, #tpu.memory_space<hbm>> -> memref<4x128xi32, #tpu.memory_space<hbm>>
      tpu.enqueue_dma source(%dma_start3A_216 : memref<4x128xi32, #tpu.memory_space<hbm>>) target(%arg5 : memref<4x128xi32, #tpu.memory_space<vmem>>) target_semaphore(%run_scoped3A : memref<!tpu.dma_semaphore, #tpu.memory_space<semaphore_mem>>)
      %dma_wait3A_217 = arith.constant 0 : i32
      %dma_wait3A_218 = arith.constant 0 : i32
      %dma_wait3A_219 = tpu.memref_slice %arg3[%add3A, %dma_wait3A_217, %dma_wait3A_218] : memref<32x4x128xi32, #tpu.memory_space<hbm>> -> memref<1x4x128xi32, #tpu.memory_space<hbm>>
      %dma_wait3A_220 = tpu.memref_squeeze %dma_wait3A_219 : memref<1x4x128xi32, #tpu.memory_space<hbm>> -> memref<4x128xi32, #tpu.memory_space<hbm>>
      %dma_wait3A_221 = arith.constant 0 : i32
      %dma_wait3A_222 = arith.constant 0 : i32
      %dma_wait3A_223 = tpu.memref_slice %arg3[%add3A, %dma_wait3A_221, %dma_wait3A_222] : memref<32x4x128xi32, #tpu.memory_space<hbm>> -> memref<1x4x128xi32, #tpu.memory_space<hbm>>
      %dma_wait3A_224 = tpu.memref_squeeze %dma_wait3A_223 : memref<1x4x128xi32, #tpu.memory_space<hbm>> -> memref<4x128xi32, #tpu.memory_space<hbm>>
      tpu.wait_dma2 semaphore(%run_scoped3A : memref<!tpu.dma_semaphore, #tpu.memory_space<semaphore_mem>>) src(%dma_wait3A_224 : memref<4x128xi32, #tpu.memory_space<hbm>>) dst(%arg5 : memref<4x128xi32, #tpu.memory_space<vmem>>)
      tpu.yield
    }) : () -> ()
    %dma_start3A = arith.constant 0 : i32
    %dma_start3A_3 = arith.constant 0 : i32
    %dma_start3A_4 = arith.constant 0 : i32
    %dma_start3A_5 = arith.constant 0 : i32
    %dma_start3A_6 = tpu.memref_slice %arg6[%dma_start3A_3, %dma_start3A_4, %dma_start3A_5] : memref<3x128x256xf32, #tpu.memory_space<vmem>> -> memref<1x128x256xf32, #tpu.memory_space<vmem>>
    %dma_start3A_7 = tpu.memref_squeeze %dma_start3A_6 : memref<1x128x256xf32, #tpu.memory_space<vmem>> -> memref<128x256xf32, #tpu.memory_space<vmem>>
    %dma_start3A_8 = arith.constant 0 : i32
    %dma_start3A_9 = tpu.memref_slice %arg5[%dma_start3A, %dma_start3A_8] : memref<4x128xi32, #tpu.memory_space<vmem>> -> memref<1x128xi32, #tpu.memory_space<vmem>>
    %dma_start3A_10 = tpu.memref_squeeze %dma_start3A_9 : memref<1x128xi32, #tpu.memory_space<vmem>> -> memref<128xi32, #tpu.memory_space<vmem>>
    %dma_start3A_11 = arith.constant 0 : i32
    %dma_start3A_12 = arith.constant 0 : i32
    %dma_start3A_13 = tpu.memref_slice %arg2[%dma_start3A_11, %dma_start3A_12] : memref<32000x256xf32, #tpu.memory_space<hbm>> -> memref<32000x256xf32, #tpu.memory_space<hbm>>
    tpu.enqueue_indirect_dma source(%dma_start3A_13 : memref<32000x256xf32, #tpu.memory_space<hbm>>) target(%dma_start3A_7 : memref<128x256xf32, #tpu.memory_space<vmem>>) offsets(%dma_start3A_10 : memref<128xi32, #tpu.memory_space<vmem>>) semaphore(%arg7 : memref<!tpu.dma_semaphore, #tpu.memory_space<semaphore_mem>>)
    %dma_start3A_14 = arith.constant 1 : i32
    %dma_start3A_15 = arith.constant 1 : i32
    %dma_start3A_16 = arith.constant 0 : i32
    %dma_start3A_17 = arith.constant 0 : i32
    %dma_start3A_18 = tpu.memref_slice %arg6[%dma_start3A_15, %dma_start3A_16, %dma_start3A_17] : memref<3x128x256xf32, #tpu.memory_space<vmem>> -> memref<1x128x256xf32, #tpu.memory_space<vmem>>
    %dma_start3A_19 = tpu.memref_squeeze %dma_start3A_18 : memref<1x128x256xf32, #tpu.memory_space<vmem>> -> memref<128x256xf32, #tpu.memory_space<vmem>>
    %dma_start3A_20 = arith.constant 0 : i32
    %dma_start3A_21 = tpu.memref_slice %arg5[%dma_start3A_14, %dma_start3A_20] : memref<4x128xi32, #tpu.memory_space<vmem>> -> memref<1x128xi32, #tpu.memory_space<vmem>>
    %dma_start3A_22 = tpu.memref_squeeze %dma_start3A_21 : memref<1x128xi32, #tpu.memory_space<vmem>> -> memref<128xi32, #tpu.memory_space<vmem>>
    %dma_start3A_23 = arith.constant 0 : i32
    %dma_start3A_24 = arith.constant 0 : i32
    %dma_start3A_25 = tpu.memref_slice %arg2[%dma_start3A_23, %dma_start3A_24] : memref<32000x256xf32, #tpu.memory_space<hbm>> -> memref<32000x256xf32, #tpu.memory_space<hbm>>
    tpu.enqueue_indirect_dma source(%dma_start3A_25 : memref<32000x256xf32, #tpu.memory_space<hbm>>) target(%dma_start3A_19 : memref<128x256xf32, #tpu.memory_space<vmem>>) offsets(%dma_start3A_22 : memref<128xi32, #tpu.memory_space<vmem>>) semaphore(%arg8 : memref<!tpu.dma_semaphore, #tpu.memory_space<semaphore_mem>>)
    %dma_start3A_26 = arith.constant 2 : i32
    %dma_start3A_27 = arith.constant 2 : i32
    %dma_start3A_28 = arith.constant 0 : i32
    %dma_start3A_29 = arith.constant 0 : i32
    %dma_start3A_30 = tpu.memref_slice %arg6[%dma_start3A_27, %dma_start3A_28, %dma_start3A_29] : memref<3x128x256xf32, #tpu.memory_space<vmem>> -> memref<1x128x256xf32, #tpu.memory_space<vmem>>
    %dma_start3A_31 = tpu.memref_squeeze %dma_start3A_30 : memref<1x128x256xf32, #tpu.memory_space<vmem>> -> memref<128x256xf32, #tpu.memory_space<vmem>>
    %dma_start3A_32 = arith.constant 0 : i32
    %dma_start3A_33 = tpu.memref_slice %arg5[%dma_start3A_26, %dma_start3A_32] : memref<4x128xi32, #tpu.memory_space<vmem>> -> memref<1x128xi32, #tpu.memory_space<vmem>>
    %dma_start3A_34 = tpu.memref_squeeze %dma_start3A_33 : memref<1x128xi32, #tpu.memory_space<vmem>> -> memref<128xi32, #tpu.memory_space<vmem>>
    %dma_start3A_35 = arith.constant 0 : i32
    %dma_start3A_36 = arith.constant 0 : i32
    %dma_start3A_37 = tpu.memref_slice %arg2[%dma_start3A_35, %dma_start3A_36] : memref<32000x256xf32, #tpu.memory_space<hbm>> -> memref<32000x256xf32, #tpu.memory_space<hbm>>
    tpu.enqueue_indirect_dma source(%dma_start3A_37 : memref<32000x256xf32, #tpu.memory_space<hbm>>) target(%dma_start3A_31 : memref<128x256xf32, #tpu.memory_space<vmem>>) offsets(%dma_start3A_34 : memref<128xi32, #tpu.memory_space<vmem>>) semaphore(%arg9 : memref<!tpu.dma_semaphore, #tpu.memory_space<semaphore_mem>>)
    %dma_wait3A = arith.constant 0 : i32
    %dma_wait3A_38 = arith.constant 0 : i32
    %dma_wait3A_39 = arith.constant 0 : i32
    %dma_wait3A_40 = arith.constant 0 : i32
    %dma_wait3A_41 = tpu.memref_slice %arg6[%dma_wait3A_38, %dma_wait3A_39, %dma_wait3A_40] : memref<3x128x256xf32, #tpu.memory_space<vmem>> -> memref<1x128x256xf32, #tpu.memory_space<vmem>>
    %dma_wait3A_42 = tpu.memref_squeeze %dma_wait3A_41 : memref<1x128x256xf32, #tpu.memory_space<vmem>> -> memref<128x256xf32, #tpu.memory_space<vmem>>
    %dma_wait3A_43 = arith.constant 0 : i32
    %dma_wait3A_44 = tpu.memref_slice %arg5[%dma_wait3A, %dma_wait3A_43] : memref<4x128xi32, #tpu.memory_space<vmem>> -> memref<1x128xi32, #tpu.memory_space<vmem>>
    %dma_wait3A_45 = tpu.memref_squeeze %dma_wait3A_44 : memref<1x128xi32, #tpu.memory_space<vmem>> -> memref<128xi32, #tpu.memory_space<vmem>>
    %dma_wait3A_46 = arith.constant 0 : i32
    %dma_wait3A_47 = arith.constant 0 : i32
    %dma_wait3A_48 = tpu.memref_slice %arg2[%dma_wait3A_46, %dma_wait3A_47] : memref<32000x256xf32, #tpu.memory_space<hbm>> -> memref<32000x256xf32, #tpu.memory_space<hbm>>
    tpu.wait_indirect_dma semaphore(%arg7 : memref<!tpu.dma_semaphore, #tpu.memory_space<semaphore_mem>>) src(%dma_wait3A_48 : memref<32000x256xf32, #tpu.memory_space<hbm>>) dst(%dma_wait3A_42 : memref<128x256xf32, #tpu.memory_space<vmem>>)
    %add3A_49 = arith.constant 0 : i32
    %add3A_50 = arith.addi %mul3A_2, %add3A_49 : i32
    %dma_start3A_51 = arith.constant 0 : i32
    %dma_start3A_52 = arith.constant 0 : i32
    %dma_start3A_53 = arith.constant 0 : i32
    %dma_start3A_54 = tpu.memref_slice %arg6[%dma_start3A_51, %dma_start3A_52, %dma_start3A_53] : memref<3x128x256xf32, #tpu.memory_space<vmem>> -> memref<1x128x256xf32, #tpu.memory_space<vmem>>
    %dma_start3A_55 = tpu.memref_squeeze %dma_start3A_54 : memref<1x128x256xf32, #tpu.memory_space<vmem>> -> memref<128x256xf32, #tpu.memory_space<vmem>>
    %dma_start3A_56 = arith.constant 0 : i32
    %dma_start3A_57 = tpu.memref_slice %arg4[%add3A_50, %dma_start3A_56] : memref<16384x256xf32, #tpu.memory_space<hbm>> -> memref<128x256xf32, #tpu.memory_space<hbm>>
    %dma_start3A_58 = arith.constant 0 : i32
    %dma_start3A_59 = tpu.memref_slice %arg4[%add3A_50, %dma_start3A_58] : memref<16384x256xf32, #tpu.memory_space<hbm>> -> memref<128x256xf32, #tpu.memory_space<hbm>>
    %dma_start3A_60 = arith.constant 0 : i32
    %dma_start3A_61 = arith.constant 0 : i32
    %dma_start3A_62 = tpu.memref_slice %arg6[%dma_start3A_51, %dma_start3A_60, %dma_start3A_61] : memref<3x128x256xf32, #tpu.memory_space<vmem>> -> memref<1x128x256xf32, #tpu.memory_space<vmem>>
    %dma_start3A_63 = tpu.memref_squeeze %dma_start3A_62 : memref<1x128x256xf32, #tpu.memory_space<vmem>> -> memref<128x256xf32, #tpu.memory_space<vmem>>
    tpu.enqueue_dma source(%dma_start3A_63 : memref<128x256xf32, #tpu.memory_space<vmem>>) target(%dma_start3A_59 : memref<128x256xf32, #tpu.memory_space<hbm>>) target_semaphore(%arg10 : memref<!tpu.dma_semaphore, #tpu.memory_space<semaphore_mem>>)
    %dma_wait3A_64 = arith.constant 0 : i32
    %dma_wait3A_65 = arith.constant 0 : i32
    %dma_wait3A_66 = arith.constant 0 : i32
    %dma_wait3A_67 = tpu.memref_slice %arg6[%dma_wait3A_64, %dma_wait3A_65, %dma_wait3A_66] : memref<3x128x256xf32, #tpu.memory_space<vmem>> -> memref<1x128x256xf32, #tpu.memory_space<vmem>>
    %dma_wait3A_68 = tpu.memref_squeeze %dma_wait3A_67 : memref<1x128x256xf32, #tpu.memory_space<vmem>> -> memref<128x256xf32, #tpu.memory_space<vmem>>
    %dma_wait3A_69 = arith.constant 0 : i32
    %dma_wait3A_70 = tpu.memref_slice %arg4[%add3A_50, %dma_wait3A_69] : memref<16384x256xf32, #tpu.memory_space<hbm>> -> memref<128x256xf32, #tpu.memory_space<hbm>>
    %dma_wait3A_71 = arith.constant 0 : i32
    %dma_wait3A_72 = tpu.memref_slice %arg4[%add3A_50, %dma_wait3A_71] : memref<16384x256xf32, #tpu.memory_space<hbm>> -> memref<128x256xf32, #tpu.memory_space<hbm>>
    %dma_wait3A_73 = arith.constant 0 : i32
    %dma_wait3A_74 = arith.constant 0 : i32
    %dma_wait3A_75 = tpu.memref_slice %arg6[%dma_wait3A_64, %dma_wait3A_73, %dma_wait3A_74] : memref<3x128x256xf32, #tpu.memory_space<vmem>> -> memref<1x128x256xf32, #tpu.memory_space<vmem>>
    %dma_wait3A_76 = tpu.memref_squeeze %dma_wait3A_75 : memref<1x128x256xf32, #tpu.memory_space<vmem>> -> memref<128x256xf32, #tpu.memory_space<vmem>>
    tpu.wait_dma2 semaphore(%arg10 : memref<!tpu.dma_semaphore, #tpu.memory_space<semaphore_mem>>) src(%dma_wait3A_76 : memref<128x256xf32, #tpu.memory_space<vmem>>) dst(%dma_wait3A_72 : memref<128x256xf32, #tpu.memory_space<hbm>>)
    %dma_start3A_77 = arith.constant 3 : i32
    %dma_start3A_78 = arith.constant 0 : i32
    %dma_start3A_79 = arith.constant 0 : i32
    %dma_start3A_80 = arith.constant 0 : i32
    %dma_start3A_81 = tpu.memref_slice %arg6[%dma_start3A_78, %dma_start3A_79, %dma_start3A_80] : memref<3x128x256xf32, #tpu.memory_space<vmem>> -> memref<1x128x256xf32, #tpu.memory_space<vmem>>
    %dma_start3A_82 = tpu.memref_squeeze %dma_start3A_81 : memref<1x128x256xf32, #tpu.memory_space<vmem>> -> memref<128x256xf32, #tpu.memory_space<vmem>>
    %dma_start3A_83 = arith.constant 0 : i32
    %dma_start3A_84 = tpu.memref_slice %arg5[%dma_start3A_77, %dma_start3A_83] : memref<4x128xi32, #tpu.memory_space<vmem>> -> memref<1x128xi32, #tpu.memory_space<vmem>>
    %dma_start3A_85 = tpu.memref_squeeze %dma_start3A_84 : memref<1x128xi32, #tpu.memory_space<vmem>> -> memref<128xi32, #tpu.memory_space<vmem>>
    %dma_start3A_86 = arith.constant 0 : i32
    %dma_start3A_87 = arith.constant 0 : i32
    %dma_start3A_88 = tpu.memref_slice %arg2[%dma_start3A_86, %dma_start3A_87] : memref<32000x256xf32, #tpu.memory_space<hbm>> -> memref<32000x256xf32, #tpu.memory_space<hbm>>
    tpu.enqueue_indirect_dma source(%dma_start3A_88 : memref<32000x256xf32, #tpu.memory_space<hbm>>) target(%dma_start3A_82 : memref<128x256xf32, #tpu.memory_space<vmem>>) offsets(%dma_start3A_85 : memref<128xi32, #tpu.memory_space<vmem>>) semaphore(%arg7 : memref<!tpu.dma_semaphore, #tpu.memory_space<semaphore_mem>>)
    %dma_wait3A_89 = arith.constant 1 : i32
    %dma_wait3A_90 = arith.constant 1 : i32
    %dma_wait3A_91 = arith.constant 0 : i32
    %dma_wait3A_92 = arith.constant 0 : i32
    %dma_wait3A_93 = tpu.memref_slice %arg6[%dma_wait3A_90, %dma_wait3A_91, %dma_wait3A_92] : memref<3x128x256xf32, #tpu.memory_space<vmem>> -> memref<1x128x256xf32, #tpu.memory_space<vmem>>
    %dma_wait3A_94 = tpu.memref_squeeze %dma_wait3A_93 : memref<1x128x256xf32, #tpu.memory_space<vmem>> -> memref<128x256xf32, #tpu.memory_space<vmem>>
    %dma_wait3A_95 = arith.constant 0 : i32
    %dma_wait3A_96 = tpu.memref_slice %arg5[%dma_wait3A_89, %dma_wait3A_95] : memref<4x128xi32, #tpu.memory_space<vmem>> -> memref<1x128xi32, #tpu.memory_space<vmem>>
    %dma_wait3A_97 = tpu.memref_squeeze %dma_wait3A_96 : memref<1x128xi32, #tpu.memory_space<vmem>> -> memref<128xi32, #tpu.memory_space<vmem>>
    %dma_wait3A_98 = arith.constant 0 : i32
    %dma_wait3A_99 = arith.constant 0 : i32
    %dma_wait3A_100 = tpu.memref_slice %arg2[%dma_wait3A_98, %dma_wait3A_99] : memref<32000x256xf32, #tpu.memory_space<hbm>> -> memref<32000x256xf32, #tpu.memory_space<hbm>>
    tpu.wait_indirect_dma semaphore(%arg8 : memref<!tpu.dma_semaphore, #tpu.memory_space<semaphore_mem>>) src(%dma_wait3A_100 : memref<32000x256xf32, #tpu.memory_space<hbm>>) dst(%dma_wait3A_94 : memref<128x256xf32, #tpu.memory_space<vmem>>)
    %add3A_101 = arith.constant 128 : i32
    %add3A_102 = arith.addi %mul3A_2, %add3A_101 : i32
    %dma_start3A_103 = arith.constant 1 : i32
    %dma_start3A_104 = arith.constant 0 : i32
    %dma_start3A_105 = arith.constant 0 : i32
    %dma_start3A_106 = tpu.memref_slice %arg6[%dma_start3A_103, %dma_start3A_104, %dma_start3A_105] : memref<3x128x256xf32, #tpu.memory_space<vmem>> -> memref<1x128x256xf32, #tpu.memory_space<vmem>>
    %dma_start3A_107 = tpu.memref_squeeze %dma_start3A_106 : memref<1x128x256xf32, #tpu.memory_space<vmem>> -> memref<128x256xf32, #tpu.memory_space<vmem>>
    %dma_start3A_108 = arith.constant 0 : i32
    %dma_start3A_109 = tpu.memref_slice %arg4[%add3A_102, %dma_start3A_108] : memref<16384x256xf32, #tpu.memory_space<hbm>> -> memref<128x256xf32, #tpu.memory_space<hbm>>
    %dma_start3A_110 = arith.constant 0 : i32
    %dma_start3A_111 = tpu.memref_slice %arg4[%add3A_102, %dma_start3A_110] : memref<16384x256xf32, #tpu.memory_space<hbm>> -> memref<128x256xf32, #tpu.memory_space<hbm>>
    %dma_start3A_112 = arith.constant 0 : i32
    %dma_start3A_113 = arith.constant 0 : i32
    %dma_start3A_114 = tpu.memref_slice %arg6[%dma_start3A_103, %dma_start3A_112, %dma_start3A_113] : memref<3x128x256xf32, #tpu.memory_space<vmem>> -> memref<1x128x256xf32, #tpu.memory_space<vmem>>
    %dma_start3A_115 = tpu.memref_squeeze %dma_start3A_114 : memref<1x128x256xf32, #tpu.memory_space<vmem>> -> memref<128x256xf32, #tpu.memory_space<vmem>>
    tpu.enqueue_dma source(%dma_start3A_115 : memref<128x256xf32, #tpu.memory_space<vmem>>) target(%dma_start3A_111 : memref<128x256xf32, #tpu.memory_space<hbm>>) target_semaphore(%arg11 : memref<!tpu.dma_semaphore, #tpu.memory_space<semaphore_mem>>)
    %dma_wait3A_116 = arith.constant 2 : i32
    %dma_wait3A_117 = arith.constant 2 : i32
    %dma_wait3A_118 = arith.constant 0 : i32
    %dma_wait3A_119 = arith.constant 0 : i32
    %dma_wait3A_120 = tpu.memref_slice %arg6[%dma_wait3A_117, %dma_wait3A_118, %dma_wait3A_119] : memref<3x128x256xf32, #tpu.memory_space<vmem>> -> memref<1x128x256xf32, #tpu.memory_space<vmem>>
    %dma_wait3A_121 = tpu.memref_squeeze %dma_wait3A_120 : memref<1x128x256xf32, #tpu.memory_space<vmem>> -> memref<128x256xf32, #tpu.memory_space<vmem>>
    %dma_wait3A_122 = arith.constant 0 : i32
    %dma_wait3A_123 = tpu.memref_slice %arg5[%dma_wait3A_116, %dma_wait3A_122] : memref<4x128xi32, #tpu.memory_space<vmem>> -> memref<1x128xi32, #tpu.memory_space<vmem>>
    %dma_wait3A_124 = tpu.memref_squeeze %dma_wait3A_123 : memref<1x128xi32, #tpu.memory_space<vmem>> -> memref<128xi32, #tpu.memory_space<vmem>>
    %dma_wait3A_125 = arith.constant 0 : i32
    %dma_wait3A_126 = arith.constant 0 : i32
    %dma_wait3A_127 = tpu.memref_slice %arg2[%dma_wait3A_125, %dma_wait3A_126] : memref<32000x256xf32, #tpu.memory_space<hbm>> -> memref<32000x256xf32, #tpu.memory_space<hbm>>
    tpu.wait_indirect_dma semaphore(%arg9 : memref<!tpu.dma_semaphore, #tpu.memory_space<semaphore_mem>>) src(%dma_wait3A_127 : memref<32000x256xf32, #tpu.memory_space<hbm>>) dst(%dma_wait3A_121 : memref<128x256xf32, #tpu.memory_space<vmem>>)
    %add3A_128 = arith.constant 256 : i32
    %add3A_129 = arith.addi %mul3A_2, %add3A_128 : i32
    %dma_start3A_130 = arith.constant 2 : i32
    %dma_start3A_131 = arith.constant 0 : i32
    %dma_start3A_132 = arith.constant 0 : i32
    %dma_start3A_133 = tpu.memref_slice %arg6[%dma_start3A_130, %dma_start3A_131, %dma_start3A_132] : memref<3x128x256xf32, #tpu.memory_space<vmem>> -> memref<1x128x256xf32, #tpu.memory_space<vmem>>
    %dma_start3A_134 = tpu.memref_squeeze %dma_start3A_133 : memref<1x128x256xf32, #tpu.memory_space<vmem>> -> memref<128x256xf32, #tpu.memory_space<vmem>>
    %dma_start3A_135 = arith.constant 0 : i32
    %dma_start3A_136 = tpu.memref_slice %arg4[%add3A_129, %dma_start3A_135] : memref<16384x256xf32, #tpu.memory_space<hbm>> -> memref<128x256xf32, #tpu.memory_space<hbm>>
    %dma_start3A_137 = arith.constant 0 : i32
    %dma_start3A_138 = tpu.memref_slice %arg4[%add3A_129, %dma_start3A_137] : memref<16384x256xf32, #tpu.memory_space<hbm>> -> memref<128x256xf32, #tpu.memory_space<hbm>>
    %dma_start3A_139 = arith.constant 0 : i32
    %dma_start3A_140 = arith.constant 0 : i32
    %dma_start3A_141 = tpu.memref_slice %arg6[%dma_start3A_130, %dma_start3A_139, %dma_start3A_140] : memref<3x128x256xf32, #tpu.memory_space<vmem>> -> memref<1x128x256xf32, #tpu.memory_space<vmem>>
    %dma_start3A_142 = tpu.memref_squeeze %dma_start3A_141 : memref<1x128x256xf32, #tpu.memory_space<vmem>> -> memref<128x256xf32, #tpu.memory_space<vmem>>
    tpu.enqueue_dma source(%dma_start3A_142 : memref<128x256xf32, #tpu.memory_space<vmem>>) target(%dma_start3A_138 : memref<128x256xf32, #tpu.memory_space<hbm>>) target_semaphore(%arg12 : memref<!tpu.dma_semaphore, #tpu.memory_space<semaphore_mem>>)
    %dma_wait3A_143 = arith.constant 3 : i32
    %dma_wait3A_144 = arith.constant 0 : i32
    %dma_wait3A_145 = arith.constant 0 : i32
    %dma_wait3A_146 = arith.constant 0 : i32
    %dma_wait3A_147 = tpu.memref_slice %arg6[%dma_wait3A_144, %dma_wait3A_145, %dma_wait3A_146] : memref<3x128x256xf32, #tpu.memory_space<vmem>> -> memref<1x128x256xf32, #tpu.memory_space<vmem>>
    %dma_wait3A_148 = tpu.memref_squeeze %dma_wait3A_147 : memref<1x128x256xf32, #tpu.memory_space<vmem>> -> memref<128x256xf32, #tpu.memory_space<vmem>>
    %dma_wait3A_149 = arith.constant 0 : i32
    %dma_wait3A_150 = tpu.memref_slice %arg5[%dma_wait3A_143, %dma_wait3A_149] : memref<4x128xi32, #tpu.memory_space<vmem>> -> memref<1x128xi32, #tpu.memory_space<vmem>>
    %dma_wait3A_151 = tpu.memref_squeeze %dma_wait3A_150 : memref<1x128xi32, #tpu.memory_space<vmem>> -> memref<128xi32, #tpu.memory_space<vmem>>
    %dma_wait3A_152 = arith.constant 0 : i32
    %dma_wait3A_153 = arith.constant 0 : i32
    %dma_wait3A_154 = tpu.memref_slice %arg2[%dma_wait3A_152, %dma_wait3A_153] : memref<32000x256xf32, #tpu.memory_space<hbm>> -> memref<32000x256xf32, #tpu.memory_space<hbm>>
    tpu.wait_indirect_dma semaphore(%arg7 : memref<!tpu.dma_semaphore, #tpu.memory_space<semaphore_mem>>) src(%dma_wait3A_154 : memref<32000x256xf32, #tpu.memory_space<hbm>>) dst(%dma_wait3A_148 : memref<128x256xf32, #tpu.memory_space<vmem>>)
    %add3A_155 = arith.constant 384 : i32
    %add3A_156 = arith.addi %mul3A_2, %add3A_155 : i32
    %dma_start3A_157 = arith.constant 0 : i32
    %dma_start3A_158 = arith.constant 0 : i32
    %dma_start3A_159 = arith.constant 0 : i32
    %dma_start3A_160 = tpu.memref_slice %arg6[%dma_start3A_157, %dma_start3A_158, %dma_start3A_159] : memref<3x128x256xf32, #tpu.memory_space<vmem>> -> memref<1x128x256xf32, #tpu.memory_space<vmem>>
    %dma_start3A_161 = tpu.memref_squeeze %dma_start3A_160 : memref<1x128x256xf32, #tpu.memory_space<vmem>> -> memref<128x256xf32, #tpu.memory_space<vmem>>
    %dma_start3A_162 = arith.constant 0 : i32
    %dma_start3A_163 = tpu.memref_slice %arg4[%add3A_156, %dma_start3A_162] : memref<16384x256xf32, #tpu.memory_space<hbm>> -> memref<128x256xf32, #tpu.memory_space<hbm>>
    %dma_start3A_164 = arith.constant 0 : i32
    %dma_start3A_165 = tpu.memref_slice %arg4[%add3A_156, %dma_start3A_164] : memref<16384x256xf32, #tpu.memory_space<hbm>> -> memref<128x256xf32, #tpu.memory_space<hbm>>
    %dma_start3A_166 = arith.constant 0 : i32
    %dma_start3A_167 = arith.constant 0 : i32
    %dma_start3A_168 = tpu.memref_slice %arg6[%dma_start3A_157, %dma_start3A_166, %dma_start3A_167] : memref<3x128x256xf32, #tpu.memory_space<vmem>> -> memref<1x128x256xf32, #tpu.memory_space<vmem>>
    %dma_start3A_169 = tpu.memref_squeeze %dma_start3A_168 : memref<1x128x256xf32, #tpu.memory_space<vmem>> -> memref<128x256xf32, #tpu.memory_space<vmem>>
    tpu.enqueue_dma source(%dma_start3A_169 : memref<128x256xf32, #tpu.memory_space<vmem>>) target(%dma_start3A_165 : memref<128x256xf32, #tpu.memory_space<hbm>>) target_semaphore(%arg10 : memref<!tpu.dma_semaphore, #tpu.memory_space<semaphore_mem>>)
    %dma_wait3A_170 = arith.constant 0 : i32
    %dma_wait3A_171 = arith.constant 0 : i32
    %dma_wait3A_172 = arith.constant 0 : i32
    %dma_wait3A_173 = tpu.memref_slice %arg6[%dma_wait3A_170, %dma_wait3A_171, %dma_wait3A_172] : memref<3x128x256xf32, #tpu.memory_space<vmem>> -> memref<1x128x256xf32, #tpu.memory_space<vmem>>
    %dma_wait3A_174 = tpu.memref_squeeze %dma_wait3A_173 : memref<1x128x256xf32, #tpu.memory_space<vmem>> -> memref<128x256xf32, #tpu.memory_space<vmem>>
    %dma_wait3A_175 = arith.constant 0 : i32
    %dma_wait3A_176 = tpu.memref_slice %arg4[%add3A_156, %dma_wait3A_175] : memref<16384x256xf32, #tpu.memory_space<hbm>> -> memref<128x256xf32, #tpu.memory_space<hbm>>
    %dma_wait3A_177 = arith.constant 0 : i32
    %dma_wait3A_178 = tpu.memref_slice %arg4[%add3A_156, %dma_wait3A_177] : memref<16384x256xf32, #tpu.memory_space<hbm>> -> memref<128x256xf32, #tpu.memory_space<hbm>>
    %dma_wait3A_179 = arith.constant 0 : i32
    %dma_wait3A_180 = arith.constant 0 : i32
    %dma_wait3A_181 = tpu.memref_slice %arg6[%dma_wait3A_170, %dma_wait3A_179, %dma_wait3A_180] : memref<3x128x256xf32, #tpu.memory_space<vmem>> -> memref<1x128x256xf32, #tpu.memory_space<vmem>>
    %dma_wait3A_182 = tpu.memref_squeeze %dma_wait3A_181 : memref<1x128x256xf32, #tpu.memory_space<vmem>> -> memref<128x256xf32, #tpu.memory_space<vmem>>
    tpu.wait_dma2 semaphore(%arg10 : memref<!tpu.dma_semaphore, #tpu.memory_space<semaphore_mem>>) src(%dma_wait3A_182 : memref<128x256xf32, #tpu.memory_space<vmem>>) dst(%dma_wait3A_178 : memref<128x256xf32, #tpu.memory_space<hbm>>)
    %dma_wait3A_183 = arith.constant 1 : i32
    %dma_wait3A_184 = arith.constant 0 : i32
    %dma_wait3A_185 = arith.constant 0 : i32
    %dma_wait3A_186 = tpu.memref_slice %arg6[%dma_wait3A_183, %dma_wait3A_184, %dma_wait3A_185] : memref<3x128x256xf32, #tpu.memory_space<vmem>> -> memref<1x128x256xf32, #tpu.memory_space<vmem>>
    %dma_wait3A_187 = tpu.memref_squeeze %dma_wait3A_186 : memref<1x128x256xf32, #tpu.memory_space<vmem>> -> memref<128x256xf32, #tpu.memory_space<vmem>>
    %dma_wait3A_188 = arith.constant 0 : i32
    %dma_wait3A_189 = tpu.memref_slice %arg4[%add3A_102, %dma_wait3A_188] : memref<16384x256xf32, #tpu.memory_space<hbm>> -> memref<128x256xf32, #tpu.memory_space<hbm>>
    %dma_wait3A_190 = arith.constant 0 : i32
    %dma_wait3A_191 = tpu.memref_slice %arg4[%add3A_102, %dma_wait3A_190] : memref<16384x256xf32, #tpu.memory_space<hbm>> -> memref<128x256xf32, #tpu.memory_space<hbm>>
    %dma_wait3A_192 = arith.constant 0 : i32
    %dma_wait3A_193 = arith.constant 0 : i32
    %dma_wait3A_194 = tpu.memref_slice %arg6[%dma_wait3A_183, %dma_wait3A_192, %dma_wait3A_193] : memref<3x128x256xf32, #tpu.memory_space<vmem>> -> memref<1x128x256xf32, #tpu.memory_space<vmem>>
    %dma_wait3A_195 = tpu.memref_squeeze %dma_wait3A_194 : memref<1x128x256xf32, #tpu.memory_space<vmem>> -> memref<128x256xf32, #tpu.memory_space<vmem>>
    tpu.wait_dma2 semaphore(%arg11 : memref<!tpu.dma_semaphore, #tpu.memory_space<semaphore_mem>>) src(%dma_wait3A_195 : memref<128x256xf32, #tpu.memory_space<vmem>>) dst(%dma_wait3A_191 : memref<128x256xf32, #tpu.memory_space<hbm>>)
    %dma_wait3A_196 = arith.constant 2 : i32
    %dma_wait3A_197 = arith.constant 0 : i32
    %dma_wait3A_198 = arith.constant 0 : i32
    %dma_wait3A_199 = tpu.memref_slice %arg6[%dma_wait3A_196, %dma_wait3A_197, %dma_wait3A_198] : memref<3x128x256xf32, #tpu.memory_space<vmem>> -> memref<1x128x256xf32, #tpu.memory_space<vmem>>
    %dma_wait3A_200 = tpu.memref_squeeze %dma_wait3A_199 : memref<1x128x256xf32, #tpu.memory_space<vmem>> -> memref<128x256xf32, #tpu.memory_space<vmem>>
    %dma_wait3A_201 = arith.constant 0 : i32
    %dma_wait3A_202 = tpu.memref_slice %arg4[%add3A_129, %dma_wait3A_201] : memref<16384x256xf32, #tpu.memory_space<hbm>> -> memref<128x256xf32, #tpu.memory_space<hbm>>
    %dma_wait3A_203 = arith.constant 0 : i32
    %dma_wait3A_204 = tpu.memref_slice %arg4[%add3A_129, %dma_wait3A_203] : memref<16384x256xf32, #tpu.memory_space<hbm>> -> memref<128x256xf32, #tpu.memory_space<hbm>>
    %dma_wait3A_205 = arith.constant 0 : i32
    %dma_wait3A_206 = arith.constant 0 : i32
    %dma_wait3A_207 = tpu.memref_slice %arg6[%dma_wait3A_196, %dma_wait3A_205, %dma_wait3A_206] : memref<3x128x256xf32, #tpu.memory_space<vmem>> -> memref<1x128x256xf32, #tpu.memory_space<vmem>>
    %dma_wait3A_208 = tpu.memref_squeeze %dma_wait3A_207 : memref<1x128x256xf32, #tpu.memory_space<vmem>> -> memref<128x256xf32, #tpu.memory_space<vmem>>
    tpu.wait_dma2 semaphore(%arg12 : memref<!tpu.dma_semaphore, #tpu.memory_space<semaphore_mem>>) src(%dma_wait3A_208 : memref<128x256xf32, #tpu.memory_space<vmem>>) dst(%dma_wait3A_204 : memref<128x256xf32, #tpu.memory_space<hbm>>)
    return
  }
}

module attributes {stable_mosaic.version = 14 : i64} {
  func.func @_blockA_body(%arg0: i32, %arg1: memref<4096x256xf32, #tpu.memory_space<vmem>>, %arg2: memref<256x768xbf16, #tpu.memory_space<vmem>>, %arg3: memref<512x1280xbf16, #tpu.memory_space<vmem>>, %arg4: memref<1x1280xf32, #tpu.memory_space<vmem>>, %arg5: memref<256x256xf32, #tpu.memory_space<vmem>>, %arg6: memref<256x256xf32, #tpu.memory_space<vmem>>) attributes {dimension_semantics = [#tpu.dimension_semantics<arbitrary>], iteration_bounds = array<i64: 4>, scalar_prefetch = 0 : i64, scratch_operands = 0 : i64, tpu.core_type = #tpu.core_type<tc>, window_params = [{transform_indices = @transform_0, window_bounds = array<i64: 4096, 256>}, {pipeline_mode = #tpu.pipeline_mode<synchronous>, transform_indices = @transform_1, window_bounds = array<i64: 256, 768>}, {pipeline_mode = #tpu.pipeline_mode<synchronous>, transform_indices = @transform_2, window_bounds = array<i64: 512, 1280>}, {pipeline_mode = #tpu.pipeline_mode<synchronous>, transform_indices = @transform_3, window_bounds = array<i64: 1, 1280>}, {transform_indices = @transform_4, window_bounds = array<i64: 256, 256>}, {transform_indices = @transform_5, window_bounds = array<i64: 256, 256>}]} {
    %get3A = arith.constant 0 : index
    %get3A_0 = arith.constant 0 : index
    %get3A_1 = vector.load %arg1[%get3A, %get3A_0] : memref<4096x256xf32, #tpu.memory_space<vmem>>, vector<4096x256xf32>
    %get3A_2 = arith.constant 0 : index
    %get3A_3 = arith.constant 0 : index
    %get3A_4 = vector.load %arg2[%get3A_2, %get3A_3] : memref<256x768xbf16, #tpu.memory_space<vmem>>, vector<256x768xbf16>
    %convert_element_type3A = arith.truncf %get3A_1 : vector<4096x256xf32> to vector<4096x256xbf16>
    %dot_general3A = arith.constant dense<0.000000e+00> : vector<4096x768xf32>
    %dot_general3A_5 = tpu.matmul %convert_element_type3A, %get3A_4, %dot_general3A {dimension_numbers = #tpu.dot_dimension_numbers<[1], [0], [0], [1], [0, 0, 1, 1], [], []>, transpose_lhs_hint = false} : vector<4096x256xbf16>, vector<256x768xbf16>, vector<4096x768xf32> -> vector<4096x768xf32>
    %get3A_6 = arith.constant 0 : index
    %get3A_7 = arith.constant 0 : index
    %get3A_8 = vector.load %arg4[%get3A_6, %get3A_7] : memref<1x1280xf32, #tpu.memory_space<vmem>>, vector<1x1280xf32>
    %slice3A = vector.extract_strided_slice %get3A_8 {offsets = [0, 512], sizes = [1, 768], strides = [1, 1]} : vector<1x1280xf32> to vector<1x768xf32>
    %add3A = vector.broadcast %slice3A : vector<1x768xf32> to vector<4096x768xf32>
    %add3A_9 = arith.addf %dot_general3A_5, %add3A : vector<4096x768xf32>
    %slice3A_10 = vector.extract_strided_slice %add3A_9 {offsets = [0, 0], sizes = [4096, 256], strides = [1, 1]} : vector<4096x768xf32> to vector<4096x256xf32>
    %slice3A_11 = vector.extract_strided_slice %add3A_9 {offsets = [0, 256], sizes = [4096, 256], strides = [1, 1]} : vector<4096x768xf32> to vector<4096x256xf32>
    %slice3A_12 = vector.extract_strided_slice %add3A_9 {offsets = [0, 512], sizes = [4096, 256], strides = [1, 1]} : vector<4096x768xf32> to vector<4096x256xf32>
    %mul3A = arith.constant 5.000000e-01 : f32
    %mul3A_13 = vector.broadcast %mul3A : f32 to vector<4096x256xf32>
    %mul3A_14 = arith.mulf %mul3A_13, %slice3A_10 : vector<4096x256xf32>
    %tanh3A = math.tanh %mul3A_14 : vector<4096x256xf32>
    %mul3A_15 = arith.constant 5.000000e-01 : f32
    %mul3A_16 = vector.broadcast %mul3A_15 : f32 to vector<4096x256xf32>
    %mul3A_17 = arith.mulf %mul3A_16, %tanh3A : vector<4096x256xf32>
    %add3A_18 = arith.constant 5.000000e-01 : f32
    %add3A_19 = vector.broadcast %add3A_18 : f32 to vector<4096x256xf32>
    %add3A_20 = arith.addf %mul3A_17, %add3A_19 : vector<4096x256xf32>
    %tanh3A_21 = math.tanh %slice3A_12 : vector<4096x256xf32>
    %mul3A_22 = arith.mulf %add3A_20, %tanh3A_21 : vector<4096x256xf32>
    %add3A_23 = arith.constant 0.000000e+00 : f32
    %add3A_24 = vector.broadcast %add3A_23 : f32 to vector<4096x256xf32>
    %add3A_25 = arith.addf %mul3A_22, %add3A_24 : vector<4096x256xf32>
    %mul3A_26 = arith.constant 5.000000e-01 : f32
    %mul3A_27 = vector.broadcast %mul3A_26 : f32 to vector<4096x256xf32>
    %mul3A_28 = arith.mulf %mul3A_27, %slice3A_11 : vector<4096x256xf32>
    %tanh3A_29 = math.tanh %mul3A_28 : vector<4096x256xf32>
    %mul3A_30 = arith.constant 5.000000e-01 : f32
    %mul3A_31 = vector.broadcast %mul3A_30 : f32 to vector<4096x256xf32>
    %mul3A_32 = arith.mulf %mul3A_31, %tanh3A_29 : vector<4096x256xf32>
    %add3A_33 = arith.constant 5.000000e-01 : f32
    %add3A_34 = vector.broadcast %add3A_33 : f32 to vector<4096x256xf32>
    %add3A_35 = arith.addf %mul3A_32, %add3A_34 : vector<4096x256xf32>
    %tanh3A_36 = math.tanh %add3A_25 : vector<4096x256xf32>
    %mul3A_37 = arith.mulf %add3A_35, %tanh3A_36 : vector<4096x256xf32>
    %reshape3A = vector.shape_cast %mul3A_37 : vector<4096x256xf32> to vector<2048x512xf32>
    %reshape3A_38 = vector.shape_cast %add3A_25 : vector<4096x256xf32> to vector<2048x512xf32>
    %get3A_39 = arith.constant 0 : index
    %get3A_40 = arith.constant 0 : index
    %get3A_41 = vector.load %arg3[%get3A_39, %get3A_40] : memref<512x1280xbf16, #tpu.memory_space<vmem>>, vector<512x1280xbf16>
    %convert_element_type3A_42 = arith.truncf %reshape3A : vector<2048x512xf32> to vector<2048x512xbf16>
    %dot_general3A_43 = arith.constant dense<0.000000e+00> : vector<2048x1280xf32>
    %dot_general3A_44 = tpu.matmul %convert_element_type3A_42, %get3A_41, %dot_general3A_43 {dimension_numbers = #tpu.dot_dimension_numbers<[1], [0], [0], [1], [0, 0, 1, 1], [], []>, transpose_lhs_hint = false} : vector<2048x512xbf16>, vector<512x1280xbf16>, vector<2048x1280xf32> -> vector<2048x1280xf32>
    %get3A_45 = arith.constant 0 : index
    %get3A_46 = arith.constant 0 : index
    %get3A_47 = vector.load %arg4[%get3A_45, %get3A_46] : memref<1x1280xf32, #tpu.memory_space<vmem>>, vector<1x1280xf32>
    %add3A_48 = vector.broadcast %get3A_47 : vector<1x1280xf32> to vector<2048x1280xf32>
    %add3A_49 = arith.addf %dot_general3A_44, %add3A_48 : vector<2048x1280xf32>
    %slice3A_50 = vector.extract_strided_slice %add3A_49 {offsets = [0, 0], sizes = [2048, 512], strides = [1, 1]} : vector<2048x1280xf32> to vector<2048x512xf32>
    %mul3A_51 = arith.constant 5.000000e-01 : f32
    %mul3A_52 = vector.broadcast %mul3A_51 : f32 to vector<2048x512xf32>
    %mul3A_53 = arith.mulf %mul3A_52, %slice3A_50 : vector<2048x512xf32>
    %tanh3A_54 = math.tanh %mul3A_53 : vector<2048x512xf32>
    %mul3A_55 = arith.constant 5.000000e-01 : f32
    %mul3A_56 = vector.broadcast %mul3A_55 : f32 to vector<2048x512xf32>
    %mul3A_57 = arith.mulf %mul3A_56, %tanh3A_54 : vector<2048x512xf32>
    %add3A_58 = arith.constant 5.000000e-01 : f32
    %add3A_59 = vector.broadcast %add3A_58 : f32 to vector<2048x512xf32>
    %add3A_60 = arith.addf %mul3A_57, %add3A_59 : vector<2048x512xf32>
    %mul3A_61 = arith.mulf %add3A_60, %reshape3A_38 : vector<2048x512xf32>
    %slice3A_62 = vector.extract_strided_slice %mul3A_61 {offsets = [0, 0], sizes = [2048, 256], strides = [1, 1]} : vector<2048x512xf32> to vector<2048x256xf32>
    %slice3A_63 = vector.extract_strided_slice %mul3A_61 {offsets = [0, 256], sizes = [2048, 256], strides = [1, 1]} : vector<2048x512xf32> to vector<2048x256xf32>
    %add3A_64 = arith.addf %slice3A_62, %slice3A_63 : vector<2048x256xf32>
    %slice3A_65 = vector.extract_strided_slice %add3A_49 {offsets = [0, 512], sizes = [2048, 768], strides = [1, 1]} : vector<2048x1280xf32> to vector<2048x768xf32>
    %slice3A_66 = vector.extract_strided_slice %slice3A_65 {offsets = [0, 0], sizes = [2048, 256], strides = [1, 1]} : vector<2048x768xf32> to vector<2048x256xf32>
    %slice3A_67 = vector.extract_strided_slice %slice3A_65 {offsets = [0, 256], sizes = [2048, 256], strides = [1, 1]} : vector<2048x768xf32> to vector<2048x256xf32>
    %slice3A_68 = vector.extract_strided_slice %slice3A_65 {offsets = [0, 512], sizes = [2048, 256], strides = [1, 1]} : vector<2048x768xf32> to vector<2048x256xf32>
    %mul3A_69 = arith.constant 5.000000e-01 : f32
    %mul3A_70 = vector.broadcast %mul3A_69 : f32 to vector<2048x256xf32>
    %mul3A_71 = arith.mulf %mul3A_70, %slice3A_66 : vector<2048x256xf32>
    %tanh3A_72 = math.tanh %mul3A_71 : vector<2048x256xf32>
    %mul3A_73 = arith.constant 5.000000e-01 : f32
    %mul3A_74 = vector.broadcast %mul3A_73 : f32 to vector<2048x256xf32>
    %mul3A_75 = arith.mulf %mul3A_74, %tanh3A_72 : vector<2048x256xf32>
    %add3A_76 = arith.constant 5.000000e-01 : f32
    %add3A_77 = vector.broadcast %add3A_76 : f32 to vector<2048x256xf32>
    %add3A_78 = arith.addf %mul3A_75, %add3A_77 : vector<2048x256xf32>
    %tanh3A_79 = math.tanh %slice3A_68 : vector<2048x256xf32>
    %mul3A_80 = arith.mulf %add3A_78, %tanh3A_79 : vector<2048x256xf32>
    %add3A_81 = arith.addf %mul3A_80, %add3A_64 : vector<2048x256xf32>
    %mul3A_82 = arith.constant 5.000000e-01 : f32
    %mul3A_83 = vector.broadcast %mul3A_82 : f32 to vector<2048x256xf32>
    %mul3A_84 = arith.mulf %mul3A_83, %slice3A_67 : vector<2048x256xf32>
    %tanh3A_85 = math.tanh %mul3A_84 : vector<2048x256xf32>
    %mul3A_86 = arith.constant 5.000000e-01 : f32
    %mul3A_87 = vector.broadcast %mul3A_86 : f32 to vector<2048x256xf32>
    %mul3A_88 = arith.mulf %mul3A_87, %tanh3A_85 : vector<2048x256xf32>
    %add3A_89 = arith.constant 5.000000e-01 : f32
    %add3A_90 = vector.broadcast %add3A_89 : f32 to vector<2048x256xf32>
    %add3A_91 = arith.addf %mul3A_88, %add3A_90 : vector<2048x256xf32>
    %tanh3A_92 = math.tanh %add3A_81 : vector<2048x256xf32>
    %mul3A_93 = arith.mulf %add3A_91, %tanh3A_92 : vector<2048x256xf32>
    %reshape3A_94 = vector.shape_cast %mul3A_93 : vector<2048x256xf32> to vector<1024x512xf32>
    %reshape3A_95 = vector.shape_cast %add3A_81 : vector<2048x256xf32> to vector<1024x512xf32>
    %get3A_96 = arith.constant 0 : index
    %get3A_97 = arith.constant 0 : index
    %get3A_98 = vector.load %arg3[%get3A_96, %get3A_97] : memref<512x1280xbf16, #tpu.memory_space<vmem>>, vector<512x1280xbf16>
    %convert_element_type3A_99 = arith.truncf %reshape3A_94 : vector<1024x512xf32> to vector<1024x512xbf16>
    %dot_general3A_100 = arith.constant dense<0.000000e+00> : vector<1024x1280xf32>
    %dot_general3A_101 = tpu.matmul %convert_element_type3A_99, %get3A_98, %dot_general3A_100 {dimension_numbers = #tpu.dot_dimension_numbers<[1], [0], [0], [1], [0, 0, 1, 1], [], []>, transpose_lhs_hint = false} : vector<1024x512xbf16>, vector<512x1280xbf16>, vector<1024x1280xf32> -> vector<1024x1280xf32>
    %get3A_102 = arith.constant 0 : index
    %get3A_103 = arith.constant 0 : index
    %get3A_104 = vector.load %arg4[%get3A_102, %get3A_103] : memref<1x1280xf32, #tpu.memory_space<vmem>>, vector<1x1280xf32>
    %add3A_105 = vector.broadcast %get3A_104 : vector<1x1280xf32> to vector<1024x1280xf32>
    %add3A_106 = arith.addf %dot_general3A_101, %add3A_105 : vector<1024x1280xf32>
    %slice3A_107 = vector.extract_strided_slice %add3A_106 {offsets = [0, 0], sizes = [1024, 512], strides = [1, 1]} : vector<1024x1280xf32> to vector<1024x512xf32>
    %mul3A_108 = arith.constant 5.000000e-01 : f32
    %mul3A_109 = vector.broadcast %mul3A_108 : f32 to vector<1024x512xf32>
    %mul3A_110 = arith.mulf %mul3A_109, %slice3A_107 : vector<1024x512xf32>
    %tanh3A_111 = math.tanh %mul3A_110 : vector<1024x512xf32>
    %mul3A_112 = arith.constant 5.000000e-01 : f32
    %mul3A_113 = vector.broadcast %mul3A_112 : f32 to vector<1024x512xf32>
    %mul3A_114 = arith.mulf %mul3A_113, %tanh3A_111 : vector<1024x512xf32>
    %add3A_115 = arith.constant 5.000000e-01 : f32
    %add3A_116 = vector.broadcast %add3A_115 : f32 to vector<1024x512xf32>
    %add3A_117 = arith.addf %mul3A_114, %add3A_116 : vector<1024x512xf32>
    %mul3A_118 = arith.mulf %add3A_117, %reshape3A_95 : vector<1024x512xf32>
    %slice3A_119 = vector.extract_strided_slice %mul3A_118 {offsets = [0, 0], sizes = [1024, 256], strides = [1, 1]} : vector<1024x512xf32> to vector<1024x256xf32>
    %slice3A_120 = vector.extract_strided_slice %mul3A_118 {offsets = [0, 256], sizes = [1024, 256], strides = [1, 1]} : vector<1024x512xf32> to vector<1024x256xf32>
    %add3A_121 = arith.addf %slice3A_119, %slice3A_120 : vector<1024x256xf32>
    %slice3A_122 = vector.extract_strided_slice %add3A_106 {offsets = [0, 512], sizes = [1024, 768], strides = [1, 1]} : vector<1024x1280xf32> to vector<1024x768xf32>
    %slice3A_123 = vector.extract_strided_slice %slice3A_122 {offsets = [0, 0], sizes = [1024, 256], strides = [1, 1]} : vector<1024x768xf32> to vector<1024x256xf32>
    %slice3A_124 = vector.extract_strided_slice %slice3A_122 {offsets = [0, 256], sizes = [1024, 256], strides = [1, 1]} : vector<1024x768xf32> to vector<1024x256xf32>
    %slice3A_125 = vector.extract_strided_slice %slice3A_122 {offsets = [0, 512], sizes = [1024, 256], strides = [1, 1]} : vector<1024x768xf32> to vector<1024x256xf32>
    %mul3A_126 = arith.constant 5.000000e-01 : f32
    %mul3A_127 = vector.broadcast %mul3A_126 : f32 to vector<1024x256xf32>
    %mul3A_128 = arith.mulf %mul3A_127, %slice3A_123 : vector<1024x256xf32>
    %tanh3A_129 = math.tanh %mul3A_128 : vector<1024x256xf32>
    %mul3A_130 = arith.constant 5.000000e-01 : f32
    %mul3A_131 = vector.broadcast %mul3A_130 : f32 to vector<1024x256xf32>
    %mul3A_132 = arith.mulf %mul3A_131, %tanh3A_129 : vector<1024x256xf32>
    %add3A_133 = arith.constant 5.000000e-01 : f32
    %add3A_134 = vector.broadcast %add3A_133 : f32 to vector<1024x256xf32>
    %add3A_135 = arith.addf %mul3A_132, %add3A_134 : vector<1024x256xf32>
    %tanh3A_136 = math.tanh %slice3A_125 : vector<1024x256xf32>
    %mul3A_137 = arith.mulf %add3A_135, %tanh3A_136 : vector<1024x256xf32>
    %add3A_138 = arith.addf %mul3A_137, %add3A_121 : vector<1024x256xf32>
    %mul3A_139 = arith.constant 5.000000e-01 : f32
    %mul3A_140 = vector.broadcast %mul3A_139 : f32 to vector<1024x256xf32>
    %mul3A_141 = arith.mulf %mul3A_140, %slice3A_124 : vector<1024x256xf32>
    %tanh3A_142 = math.tanh %mul3A_141 : vector<1024x256xf32>
    %mul3A_143 = arith.constant 5.000000e-01 : f32
    %mul3A_144 = vector.broadcast %mul3A_143 : f32 to vector<1024x256xf32>
    %mul3A_145 = arith.mulf %mul3A_144, %tanh3A_142 : vector<1024x256xf32>
    %add3A_146 = arith.constant 5.000000e-01 : f32
    %add3A_147 = vector.broadcast %add3A_146 : f32 to vector<1024x256xf32>
    %add3A_148 = arith.addf %mul3A_145, %add3A_147 : vector<1024x256xf32>
    %tanh3A_149 = math.tanh %add3A_138 : vector<1024x256xf32>
    %mul3A_150 = arith.mulf %add3A_148, %tanh3A_149 : vector<1024x256xf32>
    %reshape3A_151 = vector.shape_cast %mul3A_150 : vector<1024x256xf32> to vector<512x512xf32>
    %reshape3A_152 = vector.shape_cast %add3A_138 : vector<1024x256xf32> to vector<512x512xf32>
    %get3A_153 = arith.constant 0 : index
    %get3A_154 = arith.constant 0 : index
    %get3A_155 = vector.load %arg3[%get3A_153, %get3A_154] : memref<512x1280xbf16, #tpu.memory_space<vmem>>, vector<512x1280xbf16>
    %convert_element_type3A_156 = arith.truncf %reshape3A_151 : vector<512x512xf32> to vector<512x512xbf16>
    %dot_general3A_157 = arith.constant dense<0.000000e+00> : vector<512x1280xf32>
    %dot_general3A_158 = tpu.matmul %convert_element_type3A_156, %get3A_155, %dot_general3A_157 {dimension_numbers = #tpu.dot_dimension_numbers<[1], [0], [0], [1], [0, 0, 1, 1], [], []>, transpose_lhs_hint = false} : vector<512x512xbf16>, vector<512x1280xbf16>, vector<512x1280xf32> -> vector<512x1280xf32>
    %get3A_159 = arith.constant 0 : index
    %get3A_160 = arith.constant 0 : index
    %get3A_161 = vector.load %arg4[%get3A_159, %get3A_160] : memref<1x1280xf32, #tpu.memory_space<vmem>>, vector<1x1280xf32>
    %add3A_162 = vector.broadcast %get3A_161 : vector<1x1280xf32> to vector<512x1280xf32>
    %add3A_163 = arith.addf %dot_general3A_158, %add3A_162 : vector<512x1280xf32>
    %slice3A_164 = vector.extract_strided_slice %add3A_163 {offsets = [0, 0], sizes = [512, 512], strides = [1, 1]} : vector<512x1280xf32> to vector<512x512xf32>
    %mul3A_165 = arith.constant 5.000000e-01 : f32
    %mul3A_166 = vector.broadcast %mul3A_165 : f32 to vector<512x512xf32>
    %mul3A_167 = arith.mulf %mul3A_166, %slice3A_164 : vector<512x512xf32>
    %tanh3A_168 = math.tanh %mul3A_167 : vector<512x512xf32>
    %mul3A_169 = arith.constant 5.000000e-01 : f32
    %mul3A_170 = vector.broadcast %mul3A_169 : f32 to vector<512x512xf32>
    %mul3A_171 = arith.mulf %mul3A_170, %tanh3A_168 : vector<512x512xf32>
    %add3A_172 = arith.constant 5.000000e-01 : f32
    %add3A_173 = vector.broadcast %add3A_172 : f32 to vector<512x512xf32>
    %add3A_174 = arith.addf %mul3A_171, %add3A_173 : vector<512x512xf32>
    %mul3A_175 = arith.mulf %add3A_174, %reshape3A_152 : vector<512x512xf32>
    %slice3A_176 = vector.extract_strided_slice %mul3A_175 {offsets = [0, 0], sizes = [512, 256], strides = [1, 1]} : vector<512x512xf32> to vector<512x256xf32>
    %slice3A_177 = vector.extract_strided_slice %mul3A_175 {offsets = [0, 256], sizes = [512, 256], strides = [1, 1]} : vector<512x512xf32> to vector<512x256xf32>
    %add3A_178 = arith.addf %slice3A_176, %slice3A_177 : vector<512x256xf32>
    %slice3A_179 = vector.extract_strided_slice %add3A_163 {offsets = [0, 512], sizes = [512, 768], strides = [1, 1]} : vector<512x1280xf32> to vector<512x768xf32>
    %slice3A_180 = vector.extract_strided_slice %slice3A_179 {offsets = [0, 0], sizes = [512, 256], strides = [1, 1]} : vector<512x768xf32> to vector<512x256xf32>
    %slice3A_181 = vector.extract_strided_slice %slice3A_179 {offsets = [0, 256], sizes = [512, 256], strides = [1, 1]} : vector<512x768xf32> to vector<512x256xf32>
    %slice3A_182 = vector.extract_strided_slice %slice3A_179 {offsets = [0, 512], sizes = [512, 256], strides = [1, 1]} : vector<512x768xf32> to vector<512x256xf32>
    %mul3A_183 = arith.constant 5.000000e-01 : f32
    %mul3A_184 = vector.broadcast %mul3A_183 : f32 to vector<512x256xf32>
    %mul3A_185 = arith.mulf %mul3A_184, %slice3A_180 : vector<512x256xf32>
    %tanh3A_186 = math.tanh %mul3A_185 : vector<512x256xf32>
    %mul3A_187 = arith.constant 5.000000e-01 : f32
    %mul3A_188 = vector.broadcast %mul3A_187 : f32 to vector<512x256xf32>
    %mul3A_189 = arith.mulf %mul3A_188, %tanh3A_186 : vector<512x256xf32>
    %add3A_190 = arith.constant 5.000000e-01 : f32
    %add3A_191 = vector.broadcast %add3A_190 : f32 to vector<512x256xf32>
    %add3A_192 = arith.addf %mul3A_189, %add3A_191 : vector<512x256xf32>
    %tanh3A_193 = math.tanh %slice3A_182 : vector<512x256xf32>
    %mul3A_194 = arith.mulf %add3A_192, %tanh3A_193 : vector<512x256xf32>
    %add3A_195 = arith.addf %mul3A_194, %add3A_178 : vector<512x256xf32>
    %mul3A_196 = arith.constant 5.000000e-01 : f32
    %mul3A_197 = vector.broadcast %mul3A_196 : f32 to vector<512x256xf32>
    %mul3A_198 = arith.mulf %mul3A_197, %slice3A_181 : vector<512x256xf32>
    %tanh3A_199 = math.tanh %mul3A_198 : vector<512x256xf32>
    %mul3A_200 = arith.constant 5.000000e-01 : f32
    %mul3A_201 = vector.broadcast %mul3A_200 : f32 to vector<512x256xf32>
    %mul3A_202 = arith.mulf %mul3A_201, %tanh3A_199 : vector<512x256xf32>
    %add3A_203 = arith.constant 5.000000e-01 : f32
    %add3A_204 = vector.broadcast %add3A_203 : f32 to vector<512x256xf32>
    %add3A_205 = arith.addf %mul3A_202, %add3A_204 : vector<512x256xf32>
    %tanh3A_206 = math.tanh %add3A_195 : vector<512x256xf32>
    %mul3A_207 = arith.mulf %add3A_205, %tanh3A_206 : vector<512x256xf32>
    %reshape3A_208 = vector.shape_cast %mul3A_207 : vector<512x256xf32> to vector<256x512xf32>
    %reshape3A_209 = vector.shape_cast %add3A_195 : vector<512x256xf32> to vector<256x512xf32>
    %get3A_210 = arith.constant 0 : index
    %get3A_211 = arith.constant 0 : index
    %get3A_212 = vector.load %arg3[%get3A_210, %get3A_211] : memref<512x1280xbf16, #tpu.memory_space<vmem>>, vector<512x1280xbf16>
    %convert_element_type3A_213 = arith.truncf %reshape3A_208 : vector<256x512xf32> to vector<256x512xbf16>
    %dot_general3A_214 = arith.constant dense<0.000000e+00> : vector<256x1280xf32>
    %dot_general3A_215 = tpu.matmul %convert_element_type3A_213, %get3A_212, %dot_general3A_214 {dimension_numbers = #tpu.dot_dimension_numbers<[1], [0], [0], [1], [0, 0, 1, 1], [], []>, transpose_lhs_hint = false} : vector<256x512xbf16>, vector<512x1280xbf16>, vector<256x1280xf32> -> vector<256x1280xf32>
    %get3A_216 = arith.constant 0 : index
    %get3A_217 = arith.constant 0 : index
    %get3A_218 = vector.load %arg4[%get3A_216, %get3A_217] : memref<1x1280xf32, #tpu.memory_space<vmem>>, vector<1x1280xf32>
    %add3A_219 = vector.broadcast %get3A_218 : vector<1x1280xf32> to vector<256x1280xf32>
    %add3A_220 = arith.addf %dot_general3A_215, %add3A_219 : vector<256x1280xf32>
    %slice3A_221 = vector.extract_strided_slice %add3A_220 {offsets = [0, 0], sizes = [256, 512], strides = [1, 1]} : vector<256x1280xf32> to vector<256x512xf32>
    %mul3A_222 = arith.constant 5.000000e-01 : f32
    %mul3A_223 = vector.broadcast %mul3A_222 : f32 to vector<256x512xf32>
    %mul3A_224 = arith.mulf %mul3A_223, %slice3A_221 : vector<256x512xf32>
    %tanh3A_225 = math.tanh %mul3A_224 : vector<256x512xf32>
    %mul3A_226 = arith.constant 5.000000e-01 : f32
    %mul3A_227 = vector.broadcast %mul3A_226 : f32 to vector<256x512xf32>
    %mul3A_228 = arith.mulf %mul3A_227, %tanh3A_225 : vector<256x512xf32>
    %add3A_229 = arith.constant 5.000000e-01 : f32
    %add3A_230 = vector.broadcast %add3A_229 : f32 to vector<256x512xf32>
    %add3A_231 = arith.addf %mul3A_228, %add3A_230 : vector<256x512xf32>
    %mul3A_232 = arith.mulf %add3A_231, %reshape3A_209 : vector<256x512xf32>
    %slice3A_233 = vector.extract_strided_slice %mul3A_232 {offsets = [0, 0], sizes = [256, 256], strides = [1, 1]} : vector<256x512xf32> to vector<256x256xf32>
    %slice3A_234 = vector.extract_strided_slice %mul3A_232 {offsets = [0, 256], sizes = [256, 256], strides = [1, 1]} : vector<256x512xf32> to vector<256x256xf32>
    %add3A_235 = arith.addf %slice3A_233, %slice3A_234 : vector<256x256xf32>
    %slice3A_236 = vector.extract_strided_slice %add3A_220 {offsets = [0, 512], sizes = [256, 768], strides = [1, 1]} : vector<256x1280xf32> to vector<256x768xf32>
    %slice3A_237 = vector.extract_strided_slice %slice3A_236 {offsets = [0, 0], sizes = [256, 256], strides = [1, 1]} : vector<256x768xf32> to vector<256x256xf32>
    %slice3A_238 = vector.extract_strided_slice %slice3A_236 {offsets = [0, 256], sizes = [256, 256], strides = [1, 1]} : vector<256x768xf32> to vector<256x256xf32>
    %slice3A_239 = vector.extract_strided_slice %slice3A_236 {offsets = [0, 512], sizes = [256, 256], strides = [1, 1]} : vector<256x768xf32> to vector<256x256xf32>
    %mul3A_240 = arith.constant 5.000000e-01 : f32
    %mul3A_241 = vector.broadcast %mul3A_240 : f32 to vector<256x256xf32>
    %mul3A_242 = arith.mulf %mul3A_241, %slice3A_237 : vector<256x256xf32>
    %tanh3A_243 = math.tanh %mul3A_242 : vector<256x256xf32>
    %mul3A_244 = arith.constant 5.000000e-01 : f32
    %mul3A_245 = vector.broadcast %mul3A_244 : f32 to vector<256x256xf32>
    %mul3A_246 = arith.mulf %mul3A_245, %tanh3A_243 : vector<256x256xf32>
    %add3A_247 = arith.constant 5.000000e-01 : f32
    %add3A_248 = vector.broadcast %add3A_247 : f32 to vector<256x256xf32>
    %add3A_249 = arith.addf %mul3A_246, %add3A_248 : vector<256x256xf32>
    %tanh3A_250 = math.tanh %slice3A_239 : vector<256x256xf32>
    %mul3A_251 = arith.mulf %add3A_249, %tanh3A_250 : vector<256x256xf32>
    %add3A_252 = arith.addf %mul3A_251, %add3A_235 : vector<256x256xf32>
    %mul3A_253 = arith.constant 5.000000e-01 : f32
    %mul3A_254 = vector.broadcast %mul3A_253 : f32 to vector<256x256xf32>
    %mul3A_255 = arith.mulf %mul3A_254, %slice3A_238 : vector<256x256xf32>
    %tanh3A_256 = math.tanh %mul3A_255 : vector<256x256xf32>
    %mul3A_257 = arith.constant 5.000000e-01 : f32
    %mul3A_258 = vector.broadcast %mul3A_257 : f32 to vector<256x256xf32>
    %mul3A_259 = arith.mulf %mul3A_258, %tanh3A_256 : vector<256x256xf32>
    %add3A_260 = arith.constant 5.000000e-01 : f32
    %add3A_261 = vector.broadcast %add3A_260 : f32 to vector<256x256xf32>
    %add3A_262 = arith.addf %mul3A_259, %add3A_261 : vector<256x256xf32>
    %tanh3A_263 = math.tanh %add3A_252 : vector<256x256xf32>
    %mul3A_264 = arith.mulf %add3A_262, %tanh3A_263 : vector<256x256xf32>
    %swap3A = arith.constant 0 : index
    %swap3A_265 = arith.constant 0 : index
    %swap3A_266 = vector.load %arg5[%swap3A, %swap3A_265] : memref<256x256xf32, #tpu.memory_space<vmem>>, vector<256x256xf32>
    tpu.vector_store %arg5[%swap3A, %swap3A_265], %mul3A_264 {strides = array<i32>} : memref<256x256xf32, #tpu.memory_space<vmem>>, vector<256x256xf32>,
    %swap3A_267 = arith.constant 0 : index
    %swap3A_268 = arith.constant 0 : index
    %swap3A_269 = vector.load %arg6[%swap3A_267, %swap3A_268] : memref<256x256xf32, #tpu.memory_space<vmem>>, vector<256x256xf32>
    tpu.vector_store %arg6[%swap3A_267, %swap3A_268], %add3A_252 {strides = array<i32>} : memref<256x256xf32, #tpu.memory_space<vmem>>, vector<256x256xf32>,
    return
  }
  func.func @transform_0(%arg0: i32) -> (i32, i32) {
    %c0_i32 = arith.constant 0 : i32
    %c0_i32_0 = arith.constant 0 : i32
    return %arg0, %c0_i32 : i32, i32
  }
  func.func @transform_1(%arg0: i32) -> (i32, i32) {
    %c0_i32 = arith.constant 0 : i32
    %c0_i32_0 = arith.constant 0 : i32
    %c0_i32_1 = arith.constant 0 : i32
    return %c0_i32, %c0_i32_0 : i32, i32
  }
  func.func @transform_2(%arg0: i32) -> (i32, i32) {
    %c0_i32 = arith.constant 0 : i32
    %c0_i32_0 = arith.constant 0 : i32
    %c0_i32_1 = arith.constant 0 : i32
    return %c0_i32, %c0_i32_0 : i32, i32
  }
  func.func @transform_3(%arg0: i32) -> (i32, i32) {
    %c0_i32 = arith.constant 0 : i32
    %c0_i32_0 = arith.constant 0 : i32
    %c0_i32_1 = arith.constant 0 : i32
    return %c0_i32, %c0_i32_0 : i32, i32
  }
  func.func @transform_4(%arg0: i32) -> (i32, i32) {
    %c0_i32 = arith.constant 0 : i32
    %c0_i32_0 = arith.constant 0 : i32
    return %arg0, %c0_i32 : i32, i32
  }
  func.func @transform_5(%arg0: i32) -> (i32, i32) {
    %c0_i32 = arith.constant 0 : i32
    %c0_i32_0 = arith.constant 0 : i32
    return %arg0, %c0_i32 : i32, i32
  }
}

module attributes {stable_mosaic.version = 14 : i64} {
  func.func @body(%arg0: i32, %arg1: memref<4096x256xf32, #tpu.memory_space<vmem>>, %arg2: memref<256x768xbf16, #tpu.memory_space<vmem>>, %arg3: memref<512x1280xbf16, #tpu.memory_space<vmem>>, %arg4: memref<1x1280xf32, #tpu.memory_space<vmem>>, %arg5: memref<1024x256xf32, #tpu.memory_space<vmem>>, %arg6: memref<1024x256xf32, #tpu.memory_space<vmem>>, %arg7: memref<256x128xf32, #tpu.memory_space<vmem>>, %arg8: memref<1x128xf32, #tpu.memory_space<vmem>>, %arg9: memref<64x128xf32, #tpu.memory_space<vmem>>, %arg10: memref<3072x256xf32, #tpu.memory_space<vmem>>, %arg11: memref<3072x256xf32, #tpu.memory_space<vmem>>) attributes {dimension_semantics = [#tpu.dimension_semantics<arbitrary>], iteration_bounds = array<i64: 12>, scalar_prefetch = 0 : i64, scratch_operands = 2 : i64, tpu.core_type = #tpu.core_type<tc>, window_params = [{transform_indices = @transform_0, window_bounds = array<i64: 4096, 256>}, {pipeline_mode = #tpu.pipeline_mode<synchronous>, transform_indices = @transform_1, window_bounds = array<i64: 256, 768>}, {pipeline_mode = #tpu.pipeline_mode<synchronous>, transform_indices = @transform_2, window_bounds = array<i64: 512, 1280>}, {pipeline_mode = #tpu.pipeline_mode<synchronous>, transform_indices = @transform_3, window_bounds = array<i64: 1, 1280>}, {pipeline_mode = #tpu.pipeline_mode<synchronous>, transform_indices = @transform_4, window_bounds = array<i64: 1024, 256>}, {pipeline_mode = #tpu.pipeline_mode<synchronous>, transform_indices = @transform_5, window_bounds = array<i64: 1024, 256>}, {pipeline_mode = #tpu.pipeline_mode<synchronous>, transform_indices = @transform_6, window_bounds = array<i64: 256, 128>}, {pipeline_mode = #tpu.pipeline_mode<synchronous>, transform_indices = @transform_7, window_bounds = array<i64: 1, 128>}, {pipeline_mode = #tpu.pipeline_mode<synchronous>, transform_indices = @transform_8, window_bounds = array<i64: 64, 128>}]} {
    %get3A = arith.constant 0 : index
    %get3A_0 = arith.constant 0 : index
    %get3A_1 = vector.load %arg1[%get3A, %get3A_0] : memref<4096x256xf32, #tpu.memory_space<vmem>>, vector<4096x256xf32>
    %get3A_2 = arith.constant 0 : index
    %get3A_3 = arith.constant 0 : index
    %get3A_4 = vector.load %arg2[%get3A_2, %get3A_3] : memref<256x768xbf16, #tpu.memory_space<vmem>>, vector<256x768xbf16>
    %convert_element_type3A = arith.truncf %get3A_1 : vector<4096x256xf32> to vector<4096x256xbf16>
    %dot_general3A = arith.constant dense<0.000000e+00> : vector<4096x768xf32>
    %dot_general3A_5 = tpu.matmul %convert_element_type3A, %get3A_4, %dot_general3A {dimension_numbers = #tpu.dot_dimension_numbers<[1], [0], [0], [1], [0, 0, 1, 1], [], []>, transpose_lhs_hint = false} : vector<4096x256xbf16>, vector<256x768xbf16>, vector<4096x768xf32> -> vector<4096x768xf32>
    %get3A_6 = arith.constant 0 : index
    %get3A_7 = arith.constant 0 : index
    %get3A_8 = vector.load %arg4[%get3A_6, %get3A_7] : memref<1x1280xf32, #tpu.memory_space<vmem>>, vector<1x1280xf32>
    %slice3A = vector.extract_strided_slice %get3A_8 {offsets = [0, 512], sizes = [1, 768], strides = [1, 1]} : vector<1x1280xf32> to vector<1x768xf32>
    %add3A = vector.broadcast %slice3A : vector<1x768xf32> to vector<4096x768xf32>
    %add3A_9 = arith.addf %dot_general3A_5, %add3A : vector<4096x768xf32>
    %slice3A_10 = vector.extract_strided_slice %add3A_9 {offsets = [0, 0], sizes = [4096, 256], strides = [1, 1]} : vector<4096x768xf32> to vector<4096x256xf32>
    %slice3A_11 = vector.extract_strided_slice %add3A_9 {offsets = [0, 256], sizes = [4096, 256], strides = [1, 1]} : vector<4096x768xf32> to vector<4096x256xf32>
    %slice3A_12 = vector.extract_strided_slice %add3A_9 {offsets = [0, 512], sizes = [4096, 256], strides = [1, 1]} : vector<4096x768xf32> to vector<4096x256xf32>
    %mul3A = arith.constant 5.000000e-01 : f32
    %mul3A_13 = vector.broadcast %mul3A : f32 to vector<4096x256xf32>
    %mul3A_14 = arith.mulf %mul3A_13, %slice3A_10 : vector<4096x256xf32>
    %tanh3A = math.tanh %mul3A_14 : vector<4096x256xf32>
    %mul3A_15 = arith.constant 5.000000e-01 : f32
    %mul3A_16 = vector.broadcast %mul3A_15 : f32 to vector<4096x256xf32>
    %mul3A_17 = arith.mulf %mul3A_16, %tanh3A : vector<4096x256xf32>
    %add3A_18 = arith.constant 5.000000e-01 : f32
    %add3A_19 = vector.broadcast %add3A_18 : f32 to vector<4096x256xf32>
    %add3A_20 = arith.addf %mul3A_17, %add3A_19 : vector<4096x256xf32>
    %tanh3A_21 = math.tanh %slice3A_12 : vector<4096x256xf32>
    %mul3A_22 = arith.mulf %add3A_20, %tanh3A_21 : vector<4096x256xf32>
    %add3A_23 = arith.constant 0.000000e+00 : f32
    %add3A_24 = vector.broadcast %add3A_23 : f32 to vector<4096x256xf32>
    %add3A_25 = arith.addf %mul3A_22, %add3A_24 : vector<4096x256xf32>
    %mul3A_26 = arith.constant 5.000000e-01 : f32
    %mul3A_27 = vector.broadcast %mul3A_26 : f32 to vector<4096x256xf32>
    %mul3A_28 = arith.mulf %mul3A_27, %slice3A_11 : vector<4096x256xf32>
    %tanh3A_29 = math.tanh %mul3A_28 : vector<4096x256xf32>
    %mul3A_30 = arith.constant 5.000000e-01 : f32
    %mul3A_31 = vector.broadcast %mul3A_30 : f32 to vector<4096x256xf32>
    %mul3A_32 = arith.mulf %mul3A_31, %tanh3A_29 : vector<4096x256xf32>
    %add3A_33 = arith.constant 5.000000e-01 : f32
    %add3A_34 = vector.broadcast %add3A_33 : f32 to vector<4096x256xf32>
    %add3A_35 = arith.addf %mul3A_32, %add3A_34 : vector<4096x256xf32>
    %tanh3A_36 = math.tanh %add3A_25 : vector<4096x256xf32>
    %mul3A_37 = arith.mulf %add3A_35, %tanh3A_36 : vector<4096x256xf32>
    %reshape3A = vector.shape_cast %mul3A_37 : vector<4096x256xf32> to vector<2048x512xf32>
    %reshape3A_38 = vector.shape_cast %add3A_25 : vector<4096x256xf32> to vector<2048x512xf32>
    %get3A_39 = arith.constant 0 : index
    %get3A_40 = arith.constant 0 : index
    %get3A_41 = vector.load %arg3[%get3A_39, %get3A_40] : memref<512x1280xbf16, #tpu.memory_space<vmem>>, vector<512x1280xbf16>
    %convert_element_type3A_42 = arith.truncf %reshape3A : vector<2048x512xf32> to vector<2048x512xbf16>
    %dot_general3A_43 = arith.constant dense<0.000000e+00> : vector<2048x1280xf32>
    %dot_general3A_44 = tpu.matmul %convert_element_type3A_42, %get3A_41, %dot_general3A_43 {dimension_numbers = #tpu.dot_dimension_numbers<[1], [0], [0], [1], [0, 0, 1, 1], [], []>, transpose_lhs_hint = false} : vector<2048x512xbf16>, vector<512x1280xbf16>, vector<2048x1280xf32> -> vector<2048x1280xf32>
    %get3A_45 = arith.constant 0 : index
    %get3A_46 = arith.constant 0 : index
    %get3A_47 = vector.load %arg4[%get3A_45, %get3A_46] : memref<1x1280xf32, #tpu.memory_space<vmem>>, vector<1x1280xf32>
    %add3A_48 = vector.broadcast %get3A_47 : vector<1x1280xf32> to vector<2048x1280xf32>
    %add3A_49 = arith.addf %dot_general3A_44, %add3A_48 : vector<2048x1280xf32>
    %slice3A_50 = vector.extract_strided_slice %add3A_49 {offsets = [0, 0], sizes = [2048, 512], strides = [1, 1]} : vector<2048x1280xf32> to vector<2048x512xf32>
    %mul3A_51 = arith.constant 5.000000e-01 : f32
    %mul3A_52 = vector.broadcast %mul3A_51 : f32 to vector<2048x512xf32>
    %mul3A_53 = arith.mulf %mul3A_52, %slice3A_50 : vector<2048x512xf32>
    %tanh3A_54 = math.tanh %mul3A_53 : vector<2048x512xf32>
    %mul3A_55 = arith.constant 5.000000e-01 : f32
    %mul3A_56 = vector.broadcast %mul3A_55 : f32 to vector<2048x512xf32>
    %mul3A_57 = arith.mulf %mul3A_56, %tanh3A_54 : vector<2048x512xf32>
    %add3A_58 = arith.constant 5.000000e-01 : f32
    %add3A_59 = vector.broadcast %add3A_58 : f32 to vector<2048x512xf32>
    %add3A_60 = arith.addf %mul3A_57, %add3A_59 : vector<2048x512xf32>
    %mul3A_61 = arith.mulf %add3A_60, %reshape3A_38 : vector<2048x512xf32>
    %slice3A_62 = vector.extract_strided_slice %mul3A_61 {offsets = [0, 0], sizes = [2048, 256], strides = [1, 1]} : vector<2048x512xf32> to vector<2048x256xf32>
    %slice3A_63 = vector.extract_strided_slice %mul3A_61 {offsets = [0, 256], sizes = [2048, 256], strides = [1, 1]} : vector<2048x512xf32> to vector<2048x256xf32>
    %add3A_64 = arith.addf %slice3A_62, %slice3A_63 : vector<2048x256xf32>
    %slice3A_65 = vector.extract_strided_slice %add3A_49 {offsets = [0, 512], sizes = [2048, 768], strides = [1, 1]} : vector<2048x1280xf32> to vector<2048x768xf32>
    %slice3A_66 = vector.extract_strided_slice %slice3A_65 {offsets = [0, 0], sizes = [2048, 256], strides = [1, 1]} : vector<2048x768xf32> to vector<2048x256xf32>
    %slice3A_67 = vector.extract_strided_slice %slice3A_65 {offsets = [0, 256], sizes = [2048, 256], strides = [1, 1]} : vector<2048x768xf32> to vector<2048x256xf32>
    %slice3A_68 = vector.extract_strided_slice %slice3A_65 {offsets = [0, 512], sizes = [2048, 256], strides = [1, 1]} : vector<2048x768xf32> to vector<2048x256xf32>
    %mul3A_69 = arith.constant 5.000000e-01 : f32
    %mul3A_70 = vector.broadcast %mul3A_69 : f32 to vector<2048x256xf32>
    %mul3A_71 = arith.mulf %mul3A_70, %slice3A_66 : vector<2048x256xf32>
    %tanh3A_72 = math.tanh %mul3A_71 : vector<2048x256xf32>
    %mul3A_73 = arith.constant 5.000000e-01 : f32
    %mul3A_74 = vector.broadcast %mul3A_73 : f32 to vector<2048x256xf32>
    %mul3A_75 = arith.mulf %mul3A_74, %tanh3A_72 : vector<2048x256xf32>
    %add3A_76 = arith.constant 5.000000e-01 : f32
    %add3A_77 = vector.broadcast %add3A_76 : f32 to vector<2048x256xf32>
    %add3A_78 = arith.addf %mul3A_75, %add3A_77 : vector<2048x256xf32>
    %tanh3A_79 = math.tanh %slice3A_68 : vector<2048x256xf32>
    %mul3A_80 = arith.mulf %add3A_78, %tanh3A_79 : vector<2048x256xf32>
    %add3A_81 = arith.addf %mul3A_80, %add3A_64 : vector<2048x256xf32>
    %mul3A_82 = arith.constant 5.000000e-01 : f32
    %mul3A_83 = vector.broadcast %mul3A_82 : f32 to vector<2048x256xf32>
    %mul3A_84 = arith.mulf %mul3A_83, %slice3A_67 : vector<2048x256xf32>
    %tanh3A_85 = math.tanh %mul3A_84 : vector<2048x256xf32>
    %mul3A_86 = arith.constant 5.000000e-01 : f32
    %mul3A_87 = vector.broadcast %mul3A_86 : f32 to vector<2048x256xf32>
    %mul3A_88 = arith.mulf %mul3A_87, %tanh3A_85 : vector<2048x256xf32>
    %add3A_89 = arith.constant 5.000000e-01 : f32
    %add3A_90 = vector.broadcast %add3A_89 : f32 to vector<2048x256xf32>
    %add3A_91 = arith.addf %mul3A_88, %add3A_90 : vector<2048x256xf32>
    %tanh3A_92 = math.tanh %add3A_81 : vector<2048x256xf32>
    %mul3A_93 = arith.mulf %add3A_91, %tanh3A_92 : vector<2048x256xf32>
    %reshape3A_94 = vector.shape_cast %mul3A_93 : vector<2048x256xf32> to vector<1024x512xf32>
    %reshape3A_95 = vector.shape_cast %add3A_81 : vector<2048x256xf32> to vector<1024x512xf32>
    %get3A_96 = arith.constant 0 : index
    %get3A_97 = arith.constant 0 : index
    %get3A_98 = vector.load %arg3[%get3A_96, %get3A_97] : memref<512x1280xbf16, #tpu.memory_space<vmem>>, vector<512x1280xbf16>
    %convert_element_type3A_99 = arith.truncf %reshape3A_94 : vector<1024x512xf32> to vector<1024x512xbf16>
    %dot_general3A_100 = arith.constant dense<0.000000e+00> : vector<1024x1280xf32>
    %dot_general3A_101 = tpu.matmul %convert_element_type3A_99, %get3A_98, %dot_general3A_100 {dimension_numbers = #tpu.dot_dimension_numbers<[1], [0], [0], [1], [0, 0, 1, 1], [], []>, transpose_lhs_hint = false} : vector<1024x512xbf16>, vector<512x1280xbf16>, vector<1024x1280xf32> -> vector<1024x1280xf32>
    %get3A_102 = arith.constant 0 : index
    %get3A_103 = arith.constant 0 : index
    %get3A_104 = vector.load %arg4[%get3A_102, %get3A_103] : memref<1x1280xf32, #tpu.memory_space<vmem>>, vector<1x1280xf32>
    %add3A_105 = vector.broadcast %get3A_104 : vector<1x1280xf32> to vector<1024x1280xf32>
    %add3A_106 = arith.addf %dot_general3A_101, %add3A_105 : vector<1024x1280xf32>
    %slice3A_107 = vector.extract_strided_slice %add3A_106 {offsets = [0, 0], sizes = [1024, 512], strides = [1, 1]} : vector<1024x1280xf32> to vector<1024x512xf32>
    %mul3A_108 = arith.constant 5.000000e-01 : f32
    %mul3A_109 = vector.broadcast %mul3A_108 : f32 to vector<1024x512xf32>
    %mul3A_110 = arith.mulf %mul3A_109, %slice3A_107 : vector<1024x512xf32>
    %tanh3A_111 = math.tanh %mul3A_110 : vector<1024x512xf32>
    %mul3A_112 = arith.constant 5.000000e-01 : f32
    %mul3A_113 = vector.broadcast %mul3A_112 : f32 to vector<1024x512xf32>
    %mul3A_114 = arith.mulf %mul3A_113, %tanh3A_111 : vector<1024x512xf32>
    %add3A_115 = arith.constant 5.000000e-01 : f32
    %add3A_116 = vector.broadcast %add3A_115 : f32 to vector<1024x512xf32>
    %add3A_117 = arith.addf %mul3A_114, %add3A_116 : vector<1024x512xf32>
    %mul3A_118 = arith.mulf %add3A_117, %reshape3A_95 : vector<1024x512xf32>
    %slice3A_119 = vector.extract_strided_slice %mul3A_118 {offsets = [0, 0], sizes = [1024, 256], strides = [1, 1]} : vector<1024x512xf32> to vector<1024x256xf32>
    %slice3A_120 = vector.extract_strided_slice %mul3A_118 {offsets = [0, 256], sizes = [1024, 256], strides = [1, 1]} : vector<1024x512xf32> to vector<1024x256xf32>
    %add3A_121 = arith.addf %slice3A_119, %slice3A_120 : vector<1024x256xf32>
    %slice3A_122 = vector.extract_strided_slice %add3A_106 {offsets = [0, 512], sizes = [1024, 768], strides = [1, 1]} : vector<1024x1280xf32> to vector<1024x768xf32>
    %slice3A_123 = vector.extract_strided_slice %slice3A_122 {offsets = [0, 0], sizes = [1024, 256], strides = [1, 1]} : vector<1024x768xf32> to vector<1024x256xf32>
    %slice3A_124 = vector.extract_strided_slice %slice3A_122 {offsets = [0, 256], sizes = [1024, 256], strides = [1, 1]} : vector<1024x768xf32> to vector<1024x256xf32>
    %slice3A_125 = vector.extract_strided_slice %slice3A_122 {offsets = [0, 512], sizes = [1024, 256], strides = [1, 1]} : vector<1024x768xf32> to vector<1024x256xf32>
    %mul3A_126 = arith.constant 5.000000e-01 : f32
    %mul3A_127 = vector.broadcast %mul3A_126 : f32 to vector<1024x256xf32>
    %mul3A_128 = arith.mulf %mul3A_127, %slice3A_123 : vector<1024x256xf32>
    %tanh3A_129 = math.tanh %mul3A_128 : vector<1024x256xf32>
    %mul3A_130 = arith.constant 5.000000e-01 : f32
    %mul3A_131 = vector.broadcast %mul3A_130 : f32 to vector<1024x256xf32>
    %mul3A_132 = arith.mulf %mul3A_131, %tanh3A_129 : vector<1024x256xf32>
    %add3A_133 = arith.constant 5.000000e-01 : f32
    %add3A_134 = vector.broadcast %add3A_133 : f32 to vector<1024x256xf32>
    %add3A_135 = arith.addf %mul3A_132, %add3A_134 : vector<1024x256xf32>
    %tanh3A_136 = math.tanh %slice3A_125 : vector<1024x256xf32>
    %mul3A_137 = arith.mulf %add3A_135, %tanh3A_136 : vector<1024x256xf32>
    %add3A_138 = arith.addf %mul3A_137, %add3A_121 : vector<1024x256xf32>
    %mul3A_139 = arith.constant 5.000000e-01 : f32
    %mul3A_140 = vector.broadcast %mul3A_139 : f32 to vector<1024x256xf32>
    %mul3A_141 = arith.mulf %mul3A_140, %slice3A_124 : vector<1024x256xf32>
    %tanh3A_142 = math.tanh %mul3A_141 : vector<1024x256xf32>
    %mul3A_143 = arith.constant 5.000000e-01 : f32
    %mul3A_144 = vector.broadcast %mul3A_143 : f32 to vector<1024x256xf32>
    %mul3A_145 = arith.mulf %mul3A_144, %tanh3A_142 : vector<1024x256xf32>
    %add3A_146 = arith.constant 5.000000e-01 : f32
    %add3A_147 = vector.broadcast %add3A_146 : f32 to vector<1024x256xf32>
    %add3A_148 = arith.addf %mul3A_145, %add3A_147 : vector<1024x256xf32>
    %tanh3A_149 = math.tanh %add3A_138 : vector<1024x256xf32>
    %mul3A_150 = arith.mulf %add3A_148, %tanh3A_149 : vector<1024x256xf32>
    %reshape3A_151 = vector.shape_cast %mul3A_150 : vector<1024x256xf32> to vector<512x512xf32>
    %reshape3A_152 = vector.shape_cast %add3A_138 : vector<1024x256xf32> to vector<512x512xf32>
    %get3A_153 = arith.constant 0 : index
    %get3A_154 = arith.constant 0 : index
    %get3A_155 = vector.load %arg3[%get3A_153, %get3A_154] : memref<512x1280xbf16, #tpu.memory_space<vmem>>, vector<512x1280xbf16>
    %convert_element_type3A_156 = arith.truncf %reshape3A_151 : vector<512x512xf32> to vector<512x512xbf16>
    %dot_general3A_157 = arith.constant dense<0.000000e+00> : vector<512x1280xf32>
    %dot_general3A_158 = tpu.matmul %convert_element_type3A_156, %get3A_155, %dot_general3A_157 {dimension_numbers = #tpu.dot_dimension_numbers<[1], [0], [0], [1], [0, 0, 1, 1], [], []>, transpose_lhs_hint = false} : vector<512x512xbf16>, vector<512x1280xbf16>, vector<512x1280xf32> -> vector<512x1280xf32>
    %get3A_159 = arith.constant 0 : index
    %get3A_160 = arith.constant 0 : index
    %get3A_161 = vector.load %arg4[%get3A_159, %get3A_160] : memref<1x1280xf32, #tpu.memory_space<vmem>>, vector<1x1280xf32>
    %add3A_162 = vector.broadcast %get3A_161 : vector<1x1280xf32> to vector<512x1280xf32>
    %add3A_163 = arith.addf %dot_general3A_158, %add3A_162 : vector<512x1280xf32>
    %slice3A_164 = vector.extract_strided_slice %add3A_163 {offsets = [0, 0], sizes = [512, 512], strides = [1, 1]} : vector<512x1280xf32> to vector<512x512xf32>
    %mul3A_165 = arith.constant 5.000000e-01 : f32
    %mul3A_166 = vector.broadcast %mul3A_165 : f32 to vector<512x512xf32>
    %mul3A_167 = arith.mulf %mul3A_166, %slice3A_164 : vector<512x512xf32>
    %tanh3A_168 = math.tanh %mul3A_167 : vector<512x512xf32>
    %mul3A_169 = arith.constant 5.000000e-01 : f32
    %mul3A_170 = vector.broadcast %mul3A_169 : f32 to vector<512x512xf32>
    %mul3A_171 = arith.mulf %mul3A_170, %tanh3A_168 : vector<512x512xf32>
    %add3A_172 = arith.constant 5.000000e-01 : f32
    %add3A_173 = vector.broadcast %add3A_172 : f32 to vector<512x512xf32>
    %add3A_174 = arith.addf %mul3A_171, %add3A_173 : vector<512x512xf32>
    %mul3A_175 = arith.mulf %add3A_174, %reshape3A_152 : vector<512x512xf32>
    %slice3A_176 = vector.extract_strided_slice %mul3A_175 {offsets = [0, 0], sizes = [512, 256], strides = [1, 1]} : vector<512x512xf32> to vector<512x256xf32>
    %slice3A_177 = vector.extract_strided_slice %mul3A_175 {offsets = [0, 256], sizes = [512, 256], strides = [1, 1]} : vector<512x512xf32> to vector<512x256xf32>
    %add3A_178 = arith.addf %slice3A_176, %slice3A_177 : vector<512x256xf32>
    %slice3A_179 = vector.extract_strided_slice %add3A_163 {offsets = [0, 512], sizes = [512, 768], strides = [1, 1]} : vector<512x1280xf32> to vector<512x768xf32>
    %slice3A_180 = vector.extract_strided_slice %slice3A_179 {offsets = [0, 0], sizes = [512, 256], strides = [1, 1]} : vector<512x768xf32> to vector<512x256xf32>
    %slice3A_181 = vector.extract_strided_slice %slice3A_179 {offsets = [0, 256], sizes = [512, 256], strides = [1, 1]} : vector<512x768xf32> to vector<512x256xf32>
    %slice3A_182 = vector.extract_strided_slice %slice3A_179 {offsets = [0, 512], sizes = [512, 256], strides = [1, 1]} : vector<512x768xf32> to vector<512x256xf32>
    %mul3A_183 = arith.constant 5.000000e-01 : f32
    %mul3A_184 = vector.broadcast %mul3A_183 : f32 to vector<512x256xf32>
    %mul3A_185 = arith.mulf %mul3A_184, %slice3A_180 : vector<512x256xf32>
    %tanh3A_186 = math.tanh %mul3A_185 : vector<512x256xf32>
    %mul3A_187 = arith.constant 5.000000e-01 : f32
    %mul3A_188 = vector.broadcast %mul3A_187 : f32 to vector<512x256xf32>
    %mul3A_189 = arith.mulf %mul3A_188, %tanh3A_186 : vector<512x256xf32>
    %add3A_190 = arith.constant 5.000000e-01 : f32
    %add3A_191 = vector.broadcast %add3A_190 : f32 to vector<512x256xf32>
    %add3A_192 = arith.addf %mul3A_189, %add3A_191 : vector<512x256xf32>
    %tanh3A_193 = math.tanh %slice3A_182 : vector<512x256xf32>
    %mul3A_194 = arith.mulf %add3A_192, %tanh3A_193 : vector<512x256xf32>
    %add3A_195 = arith.addf %mul3A_194, %add3A_178 : vector<512x256xf32>
    %mul3A_196 = arith.constant 5.000000e-01 : f32
    %mul3A_197 = vector.broadcast %mul3A_196 : f32 to vector<512x256xf32>
    %mul3A_198 = arith.mulf %mul3A_197, %slice3A_181 : vector<512x256xf32>
    %tanh3A_199 = math.tanh %mul3A_198 : vector<512x256xf32>
    %mul3A_200 = arith.constant 5.000000e-01 : f32
    %mul3A_201 = vector.broadcast %mul3A_200 : f32 to vector<512x256xf32>
    %mul3A_202 = arith.mulf %mul3A_201, %tanh3A_199 : vector<512x256xf32>
    %add3A_203 = arith.constant 5.000000e-01 : f32
    %add3A_204 = vector.broadcast %add3A_203 : f32 to vector<512x256xf32>
    %add3A_205 = arith.addf %mul3A_202, %add3A_204 : vector<512x256xf32>
    %tanh3A_206 = math.tanh %add3A_195 : vector<512x256xf32>
    %mul3A_207 = arith.mulf %add3A_205, %tanh3A_206 : vector<512x256xf32>
    %reshape3A_208 = vector.shape_cast %mul3A_207 : vector<512x256xf32> to vector<256x512xf32>
    %reshape3A_209 = vector.shape_cast %add3A_195 : vector<512x256xf32> to vector<256x512xf32>
    %get3A_210 = arith.constant 0 : index
    %get3A_211 = arith.constant 0 : index
    %get3A_212 = vector.load %arg3[%get3A_210, %get3A_211] : memref<512x1280xbf16, #tpu.memory_space<vmem>>, vector<512x1280xbf16>
    %convert_element_type3A_213 = arith.truncf %reshape3A_208 : vector<256x512xf32> to vector<256x512xbf16>
    %dot_general3A_214 = arith.constant dense<0.000000e+00> : vector<256x1280xf32>
    %dot_general3A_215 = tpu.matmul %convert_element_type3A_213, %get3A_212, %dot_general3A_214 {dimension_numbers = #tpu.dot_dimension_numbers<[1], [0], [0], [1], [0, 0, 1, 1], [], []>, transpose_lhs_hint = false} : vector<256x512xbf16>, vector<512x1280xbf16>, vector<256x1280xf32> -> vector<256x1280xf32>
    %get3A_216 = arith.constant 0 : index
    %get3A_217 = arith.constant 0 : index
    %get3A_218 = vector.load %arg4[%get3A_216, %get3A_217] : memref<1x1280xf32, #tpu.memory_space<vmem>>, vector<1x1280xf32>
    %add3A_219 = vector.broadcast %get3A_218 : vector<1x1280xf32> to vector<256x1280xf32>
    %add3A_220 = arith.addf %dot_general3A_215, %add3A_219 : vector<256x1280xf32>
    %slice3A_221 = vector.extract_strided_slice %add3A_220 {offsets = [0, 0], sizes = [256, 512], strides = [1, 1]} : vector<256x1280xf32> to vector<256x512xf32>
    %mul3A_222 = arith.constant 5.000000e-01 : f32
    %mul3A_223 = vector.broadcast %mul3A_222 : f32 to vector<256x512xf32>
    %mul3A_224 = arith.mulf %mul3A_223, %slice3A_221 : vector<256x512xf32>
    %tanh3A_225 = math.tanh %mul3A_224 : vector<256x512xf32>
    %mul3A_226 = arith.constant 5.000000e-01 : f32
    %mul3A_227 = vector.broadcast %mul3A_226 : f32 to vector<256x512xf32>
    %mul3A_228 = arith.mulf %mul3A_227, %tanh3A_225 : vector<256x512xf32>
    %add3A_229 = arith.constant 5.000000e-01 : f32
    %add3A_230 = vector.broadcast %add3A_229 : f32 to vector<256x512xf32>
    %add3A_231 = arith.addf %mul3A_228, %add3A_230 : vector<256x512xf32>
    %mul3A_232 = arith.mulf %add3A_231, %reshape3A_209 : vector<256x512xf32>
    %slice3A_233 = vector.extract_strided_slice %mul3A_232 {offsets = [0, 0], sizes = [256, 256], strides = [1, 1]} : vector<256x512xf32> to vector<256x256xf32>
    %slice3A_234 = vector.extract_strided_slice %mul3A_232 {offsets = [0, 256], sizes = [256, 256], strides = [1, 1]} : vector<256x512xf32> to vector<256x256xf32>
    %add3A_235 = arith.addf %slice3A_233, %slice3A_234 : vector<256x256xf32>
    %slice3A_236 = vector.extract_strided_slice %add3A_220 {offsets = [0, 512], sizes = [256, 768], strides = [1, 1]} : vector<256x1280xf32> to vector<256x768xf32>
    %slice3A_237 = vector.extract_strided_slice %slice3A_236 {offsets = [0, 0], sizes = [256, 256], strides = [1, 1]} : vector<256x768xf32> to vector<256x256xf32>
    %slice3A_238 = vector.extract_strided_slice %slice3A_236 {offsets = [0, 256], sizes = [256, 256], strides = [1, 1]} : vector<256x768xf32> to vector<256x256xf32>
    %slice3A_239 = vector.extract_strided_slice %slice3A_236 {offsets = [0, 512], sizes = [256, 256], strides = [1, 1]} : vector<256x768xf32> to vector<256x256xf32>
    %mul3A_240 = arith.constant 5.000000e-01 : f32
    %mul3A_241 = vector.broadcast %mul3A_240 : f32 to vector<256x256xf32>
    %mul3A_242 = arith.mulf %mul3A_241, %slice3A_237 : vector<256x256xf32>
    %tanh3A_243 = math.tanh %mul3A_242 : vector<256x256xf32>
    %mul3A_244 = arith.constant 5.000000e-01 : f32
    %mul3A_245 = vector.broadcast %mul3A_244 : f32 to vector<256x256xf32>
    %mul3A_246 = arith.mulf %mul3A_245, %tanh3A_243 : vector<256x256xf32>
    %add3A_247 = arith.constant 5.000000e-01 : f32
    %add3A_248 = vector.broadcast %add3A_247 : f32 to vector<256x256xf32>
    %add3A_249 = arith.addf %mul3A_246, %add3A_248 : vector<256x256xf32>
    %tanh3A_250 = math.tanh %slice3A_239 : vector<256x256xf32>
    %mul3A_251 = arith.mulf %add3A_249, %tanh3A_250 : vector<256x256xf32>
    %add3A_252 = arith.addf %mul3A_251, %add3A_235 : vector<256x256xf32>
    %mul3A_253 = arith.constant 5.000000e-01 : f32
    %mul3A_254 = vector.broadcast %mul3A_253 : f32 to vector<256x256xf32>
    %mul3A_255 = arith.mulf %mul3A_254, %slice3A_238 : vector<256x256xf32>
    %tanh3A_256 = math.tanh %mul3A_255 : vector<256x256xf32>
    %mul3A_257 = arith.constant 5.000000e-01 : f32
    %mul3A_258 = vector.broadcast %mul3A_257 : f32 to vector<256x256xf32>
    %mul3A_259 = arith.mulf %mul3A_258, %tanh3A_256 : vector<256x256xf32>
    %add3A_260 = arith.constant 5.000000e-01 : f32
    %add3A_261 = vector.broadcast %add3A_260 : f32 to vector<256x256xf32>
    %add3A_262 = arith.addf %mul3A_259, %add3A_261 : vector<256x256xf32>
    %tanh3A_263 = math.tanh %add3A_252 : vector<256x256xf32>
    %mul3A_264 = arith.mulf %add3A_262, %tanh3A_263 : vector<256x256xf32>
    %mul3A_265 = arith.constant 256 : i32
    %mul3A_266 = arith.muli %arg0, %mul3A_265 : i32
    %swap3A = arith.index_cast %mul3A_266 : i32 to index
    %swap3A_267 = arith.constant 0 : index
    %swap3A_268 = vector.load %arg10[%swap3A, %swap3A_267] : memref<3072x256xf32, #tpu.memory_space<vmem>>, vector<256x256xf32>
    tpu.vector_store %arg10[%swap3A, %swap3A_267], %mul3A_264 {strides = array<i32>} : memref<3072x256xf32, #tpu.memory_space<vmem>>, vector<256x256xf32>,
    %mul3A_269 = arith.constant 256 : i32
    %mul3A_270 = arith.muli %arg0, %mul3A_269 : i32
    %swap3A_271 = arith.index_cast %mul3A_270 : i32 to index
    %swap3A_272 = arith.constant 0 : index
    %swap3A_273 = vector.load %arg11[%swap3A_271, %swap3A_272] : memref<3072x256xf32, #tpu.memory_space<vmem>>, vector<256x256xf32>
    tpu.vector_store %arg11[%swap3A_271, %swap3A_272], %add3A_252 {strides = array<i32>} : memref<3072x256xf32, #tpu.memory_space<vmem>>, vector<256x256xf32>,
    %eq3A = arith.constant 11 : i32
    %eq3A_274 = arith.cmpi eq, %arg0, %eq3A : i32
    %convert_element_type3A_275 = arith.extui %eq3A_274 : i1 to i32
    %cond3A = arith.constant 0 : i32
    %cond3A_276 = arith.cmpi ne, %convert_element_type3A_275, %cond3A : i32
    scf.if %cond3A_276 {
      %get3A_277 = arith.constant 0 : index
      %get3A_278 = arith.constant 0 : index
      %get3A_279 = vector.load %arg5[%get3A_277, %get3A_278] : memref<1024x256xf32, #tpu.memory_space<vmem>>, vector<1024x256xf32>
      %get3A_280 = arith.constant 0 : index
      %get3A_281 = arith.constant 0 : index
      %get3A_282 = vector.load %arg10[%get3A_280, %get3A_281] : memref<3072x256xf32, #tpu.memory_space<vmem>>, vector<3072x256xf32>
      %concatenate3A = tpu.concatenate %get3A_279, %get3A_282 in 0 : vector<1024x256xf32>, vector<3072x256xf32> -> vector<4096x256xf32>
      %get3A_283 = arith.constant 0 : index
      %get3A_284 = arith.constant 0 : index
      %get3A_285 = vector.load %arg6[%get3A_283, %get3A_284] : memref<1024x256xf32, #tpu.memory_space<vmem>>, vector<1024x256xf32>
      %get3A_286 = arith.constant 0 : index
      %get3A_287 = arith.constant 0 : index
      %get3A_288 = vector.load %arg11[%get3A_286, %get3A_287] : memref<3072x256xf32, #tpu.memory_space<vmem>>, vector<3072x256xf32>
      %concatenate3A_289 = tpu.concatenate %get3A_285, %get3A_288 in 0 : vector<1024x256xf32>, vector<3072x256xf32> -> vector<4096x256xf32>
      %reshape3A_290 = vector.shape_cast %concatenate3A : vector<4096x256xf32> to vector<2048x512xf32>
      %reshape3A_291 = vector.shape_cast %concatenate3A_289 : vector<4096x256xf32> to vector<2048x512xf32>
      %get3A_292 = arith.constant 0 : index
      %get3A_293 = arith.constant 0 : index
      %get3A_294 = vector.load %arg3[%get3A_292, %get3A_293] : memref<512x1280xbf16, #tpu.memory_space<vmem>>, vector<512x1280xbf16>
      %convert_element_type3A_295 = arith.truncf %reshape3A_290 : vector<2048x512xf32> to vector<2048x512xbf16>
      %dot_general3A_296 = arith.constant dense<0.000000e+00> : vector<2048x1280xf32>
      %dot_general3A_297 = tpu.matmul %convert_element_type3A_295, %get3A_294, %dot_general3A_296 {dimension_numbers = #tpu.dot_dimension_numbers<[1], [0], [0], [1], [0, 0, 1, 1], [], []>, transpose_lhs_hint = false} : vector<2048x512xbf16>, vector<512x1280xbf16>, vector<2048x1280xf32> -> vector<2048x1280xf32>
      %get3A_298 = arith.constant 0 : index
      %get3A_299 = arith.constant 0 : index
      %get3A_300 = vector.load %arg4[%get3A_298, %get3A_299] : memref<1x1280xf32, #tpu.memory_space<vmem>>, vector<1x1280xf32>
      %add3A_301 = vector.broadcast %get3A_300 : vector<1x1280xf32> to vector<2048x1280xf32>
      %add3A_302 = arith.addf %dot_general3A_297, %add3A_301 : vector<2048x1280xf32>
      %slice3A_303 = vector.extract_strided_slice %add3A_302 {offsets = [0, 0], sizes = [2048, 512], strides = [1, 1]} : vector<2048x1280xf32> to vector<2048x512xf32>
      %mul3A_304 = arith.constant 5.000000e-01 : f32
      %mul3A_305 = vector.broadcast %mul3A_304 : f32 to vector<2048x512xf32>
      %mul3A_306 = arith.mulf %mul3A_305, %slice3A_303 : vector<2048x512xf32>
      %tanh3A_307 = math.tanh %mul3A_306 : vector<2048x512xf32>
      %mul3A_308 = arith.constant 5.000000e-01 : f32
      %mul3A_309 = vector.broadcast %mul3A_308 : f32 to vector<2048x512xf32>
      %mul3A_310 = arith.mulf %mul3A_309, %tanh3A_307 : vector<2048x512xf32>
      %add3A_311 = arith.constant 5.000000e-01 : f32
      %add3A_312 = vector.broadcast %add3A_311 : f32 to vector<2048x512xf32>
      %add3A_313 = arith.addf %mul3A_310, %add3A_312 : vector<2048x512xf32>
      %mul3A_314 = arith.mulf %add3A_313, %reshape3A_291 : vector<2048x512xf32>
      %slice3A_315 = vector.extract_strided_slice %mul3A_314 {offsets = [0, 0], sizes = [2048, 256], strides = [1, 1]} : vector<2048x512xf32> to vector<2048x256xf32>
      %slice3A_316 = vector.extract_strided_slice %mul3A_314 {offsets = [0, 256], sizes = [2048, 256], strides = [1, 1]} : vector<2048x512xf32> to vector<2048x256xf32>
      %add3A_317 = arith.addf %slice3A_315, %slice3A_316 : vector<2048x256xf32>
      %slice3A_318 = vector.extract_strided_slice %add3A_302 {offsets = [0, 512], sizes = [2048, 768], strides = [1, 1]} : vector<2048x1280xf32> to vector<2048x768xf32>
      %slice3A_319 = vector.extract_strided_slice %slice3A_318 {offsets = [0, 0], sizes = [2048, 256], strides = [1, 1]} : vector<2048x768xf32> to vector<2048x256xf32>
      %slice3A_320 = vector.extract_strided_slice %slice3A_318 {offsets = [0, 256], sizes = [2048, 256], strides = [1, 1]} : vector<2048x768xf32> to vector<2048x256xf32>
      %slice3A_321 = vector.extract_strided_slice %slice3A_318 {offsets = [0, 512], sizes = [2048, 256], strides = [1, 1]} : vector<2048x768xf32> to vector<2048x256xf32>
      %mul3A_322 = arith.constant 5.000000e-01 : f32
      %mul3A_323 = vector.broadcast %mul3A_322 : f32 to vector<2048x256xf32>
      %mul3A_324 = arith.mulf %mul3A_323, %slice3A_319 : vector<2048x256xf32>
      %tanh3A_325 = math.tanh %mul3A_324 : vector<2048x256xf32>
      %mul3A_326 = arith.constant 5.000000e-01 : f32
      %mul3A_327 = vector.broadcast %mul3A_326 : f32 to vector<2048x256xf32>
      %mul3A_328 = arith.mulf %mul3A_327, %tanh3A_325 : vector<2048x256xf32>
      %add3A_329 = arith.constant 5.000000e-01 : f32
      %add3A_330 = vector.broadcast %add3A_329 : f32 to vector<2048x256xf32>
      %add3A_331 = arith.addf %mul3A_328, %add3A_330 : vector<2048x256xf32>
      %tanh3A_332 = math.tanh %slice3A_321 : vector<2048x256xf32>
      %mul3A_333 = arith.mulf %add3A_331, %tanh3A_332 : vector<2048x256xf32>
      %add3A_334 = arith.addf %mul3A_333, %add3A_317 : vector<2048x256xf32>
      %mul3A_335 = arith.constant 5.000000e-01 : f32
      %mul3A_336 = vector.broadcast %mul3A_335 : f32 to vector<2048x256xf32>
      %mul3A_337 = arith.mulf %mul3A_336, %slice3A_320 : vector<2048x256xf32>
      %tanh3A_338 = math.tanh %mul3A_337 : vector<2048x256xf32>
      %mul3A_339 = arith.constant 5.000000e-01 : f32
      %mul3A_340 = vector.broadcast %mul3A_339 : f32 to vector<2048x256xf32>
      %mul3A_341 = arith.mulf %mul3A_340, %tanh3A_338 : vector<2048x256xf32>
      %add3A_342 = arith.constant 5.000000e-01 : f32
      %add3A_343 = vector.broadcast %add3A_342 : f32 to vector<2048x256xf32>
      %add3A_344 = arith.addf %mul3A_341, %add3A_343 : vector<2048x256xf32>
      %tanh3A_345 = math.tanh %add3A_334 : vector<2048x256xf32>
      %mul3A_346 = arith.mulf %add3A_344, %tanh3A_345 : vector<2048x256xf32>
      %reshape3A_347 = vector.shape_cast %mul3A_346 : vector<2048x256xf32> to vector<1024x512xf32>
      %reshape3A_348 = vector.shape_cast %add3A_334 : vector<2048x256xf32> to vector<1024x512xf32>
      %get3A_349 = arith.constant 0 : index
      %get3A_350 = arith.constant 0 : index
      %get3A_351 = vector.load %arg3[%get3A_349, %get3A_350] : memref<512x1280xbf16, #tpu.memory_space<vmem>>, vector<512x1280xbf16>
      %convert_element_type3A_352 = arith.truncf %reshape3A_347 : vector<1024x512xf32> to vector<1024x512xbf16>
      %dot_general3A_353 = arith.constant dense<0.000000e+00> : vector<1024x1280xf32>
      %dot_general3A_354 = tpu.matmul %convert_element_type3A_352, %get3A_351, %dot_general3A_353 {dimension_numbers = #tpu.dot_dimension_numbers<[1], [0], [0], [1], [0, 0, 1, 1], [], []>, transpose_lhs_hint = false} : vector<1024x512xbf16>, vector<512x1280xbf16>, vector<1024x1280xf32> -> vector<1024x1280xf32>
      %get3A_355 = arith.constant 0 : index
      %get3A_356 = arith.constant 0 : index
      %get3A_357 = vector.load %arg4[%get3A_355, %get3A_356] : memref<1x1280xf32, #tpu.memory_space<vmem>>, vector<1x1280xf32>
      %add3A_358 = vector.broadcast %get3A_357 : vector<1x1280xf32> to vector<1024x1280xf32>
      %add3A_359 = arith.addf %dot_general3A_354, %add3A_358 : vector<1024x1280xf32>
      %slice3A_360 = vector.extract_strided_slice %add3A_359 {offsets = [0, 0], sizes = [1024, 512], strides = [1, 1]} : vector<1024x1280xf32> to vector<1024x512xf32>
      %mul3A_361 = arith.constant 5.000000e-01 : f32
      %mul3A_362 = vector.broadcast %mul3A_361 : f32 to vector<1024x512xf32>
      %mul3A_363 = arith.mulf %mul3A_362, %slice3A_360 : vector<1024x512xf32>
      %tanh3A_364 = math.tanh %mul3A_363 : vector<1024x512xf32>
      %mul3A_365 = arith.constant 5.000000e-01 : f32
      %mul3A_366 = vector.broadcast %mul3A_365 : f32 to vector<1024x512xf32>
      %mul3A_367 = arith.mulf %mul3A_366, %tanh3A_364 : vector<1024x512xf32>
      %add3A_368 = arith.constant 5.000000e-01 : f32
      %add3A_369 = vector.broadcast %add3A_368 : f32 to vector<1024x512xf32>
      %add3A_370 = arith.addf %mul3A_367, %add3A_369 : vector<1024x512xf32>
      %mul3A_371 = arith.mulf %add3A_370, %reshape3A_348 : vector<1024x512xf32>
      %slice3A_372 = vector.extract_strided_slice %mul3A_371 {offsets = [0, 0], sizes = [1024, 256], strides = [1, 1]} : vector<1024x512xf32> to vector<1024x256xf32>
      %slice3A_373 = vector.extract_strided_slice %mul3A_371 {offsets = [0, 256], sizes = [1024, 256], strides = [1, 1]} : vector<1024x512xf32> to vector<1024x256xf32>
      %add3A_374 = arith.addf %slice3A_372, %slice3A_373 : vector<1024x256xf32>
      %slice3A_375 = vector.extract_strided_slice %add3A_359 {offsets = [0, 512], sizes = [1024, 768], strides = [1, 1]} : vector<1024x1280xf32> to vector<1024x768xf32>
      %slice3A_376 = vector.extract_strided_slice %slice3A_375 {offsets = [0, 0], sizes = [1024, 256], strides = [1, 1]} : vector<1024x768xf32> to vector<1024x256xf32>
      %slice3A_377 = vector.extract_strided_slice %slice3A_375 {offsets = [0, 256], sizes = [1024, 256], strides = [1, 1]} : vector<1024x768xf32> to vector<1024x256xf32>
      %slice3A_378 = vector.extract_strided_slice %slice3A_375 {offsets = [0, 512], sizes = [1024, 256], strides = [1, 1]} : vector<1024x768xf32> to vector<1024x256xf32>
      %mul3A_379 = arith.constant 5.000000e-01 : f32
      %mul3A_380 = vector.broadcast %mul3A_379 : f32 to vector<1024x256xf32>
      %mul3A_381 = arith.mulf %mul3A_380, %slice3A_376 : vector<1024x256xf32>
      %tanh3A_382 = math.tanh %mul3A_381 : vector<1024x256xf32>
      %mul3A_383 = arith.constant 5.000000e-01 : f32
      %mul3A_384 = vector.broadcast %mul3A_383 : f32 to vector<1024x256xf32>
      %mul3A_385 = arith.mulf %mul3A_384, %tanh3A_382 : vector<1024x256xf32>
      %add3A_386 = arith.constant 5.000000e-01 : f32
      %add3A_387 = vector.broadcast %add3A_386 : f32 to vector<1024x256xf32>
      %add3A_388 = arith.addf %mul3A_385, %add3A_387 : vector<1024x256xf32>
      %tanh3A_389 = math.tanh %slice3A_378 : vector<1024x256xf32>
      %mul3A_390 = arith.mulf %add3A_388, %tanh3A_389 : vector<1024x256xf32>
      %add3A_391 = arith.addf %mul3A_390, %add3A_374 : vector<1024x256xf32>
      %mul3A_392 = arith.constant 5.000000e-01 : f32
      %mul3A_393 = vector.broadcast %mul3A_392 : f32 to vector<1024x256xf32>
      %mul3A_394 = arith.mulf %mul3A_393, %slice3A_377 : vector<1024x256xf32>
      %tanh3A_395 = math.tanh %mul3A_394 : vector<1024x256xf32>
      %mul3A_396 = arith.constant 5.000000e-01 : f32
      %mul3A_397 = vector.broadcast %mul3A_396 : f32 to vector<1024x256xf32>
      %mul3A_398 = arith.mulf %mul3A_397, %tanh3A_395 : vector<1024x256xf32>
      %add3A_399 = arith.constant 5.000000e-01 : f32
      %add3A_400 = vector.broadcast %add3A_399 : f32 to vector<1024x256xf32>
      %add3A_401 = arith.addf %mul3A_398, %add3A_400 : vector<1024x256xf32>
      %tanh3A_402 = math.tanh %add3A_391 : vector<1024x256xf32>
      %mul3A_403 = arith.mulf %add3A_401, %tanh3A_402 : vector<1024x256xf32>
      %reshape3A_404 = vector.shape_cast %mul3A_403 : vector<1024x256xf32> to vector<512x512xf32>
      %reshape3A_405 = vector.shape_cast %add3A_391 : vector<1024x256xf32> to vector<512x512xf32>
      %get3A_406 = arith.constant 0 : index
      %get3A_407 = arith.constant 0 : index
      %get3A_408 = vector.load %arg3[%get3A_406, %get3A_407] : memref<512x1280xbf16, #tpu.memory_space<vmem>>, vector<512x1280xbf16>
      %convert_element_type3A_409 = arith.truncf %reshape3A_404 : vector<512x512xf32> to vector<512x512xbf16>
      %dot_general3A_410 = arith.constant dense<0.000000e+00> : vector<512x1280xf32>
      %dot_general3A_411 = tpu.matmul %convert_element_type3A_409, %get3A_408, %dot_general3A_410 {dimension_numbers = #tpu.dot_dimension_numbers<[1], [0], [0], [1], [0, 0, 1, 1], [], []>, transpose_lhs_hint = false} : vector<512x512xbf16>, vector<512x1280xbf16>, vector<512x1280xf32> -> vector<512x1280xf32>
      %get3A_412 = arith.constant 0 : index
      %get3A_413 = arith.constant 0 : index
      %get3A_414 = vector.load %arg4[%get3A_412, %get3A_413] : memref<1x1280xf32, #tpu.memory_space<vmem>>, vector<1x1280xf32>
      %add3A_415 = vector.broadcast %get3A_414 : vector<1x1280xf32> to vector<512x1280xf32>
      %add3A_416 = arith.addf %dot_general3A_411, %add3A_415 : vector<512x1280xf32>
      %slice3A_417 = vector.extract_strided_slice %add3A_416 {offsets = [0, 0], sizes = [512, 512], strides = [1, 1]} : vector<512x1280xf32> to vector<512x512xf32>
      %mul3A_418 = arith.constant 5.000000e-01 : f32
      %mul3A_419 = vector.broadcast %mul3A_418 : f32 to vector<512x512xf32>
      %mul3A_420 = arith.mulf %mul3A_419, %slice3A_417 : vector<512x512xf32>
      %tanh3A_421 = math.tanh %mul3A_420 : vector<512x512xf32>
      %mul3A_422 = arith.constant 5.000000e-01 : f32
      %mul3A_423 = vector.broadcast %mul3A_422 : f32 to vector<512x512xf32>
      %mul3A_424 = arith.mulf %mul3A_423, %tanh3A_421 : vector<512x512xf32>
      %add3A_425 = arith.constant 5.000000e-01 : f32
      %add3A_426 = vector.broadcast %add3A_425 : f32 to vector<512x512xf32>
      %add3A_427 = arith.addf %mul3A_424, %add3A_426 : vector<512x512xf32>
      %mul3A_428 = arith.mulf %add3A_427, %reshape3A_405 : vector<512x512xf32>
      %slice3A_429 = vector.extract_strided_slice %mul3A_428 {offsets = [0, 0], sizes = [512, 256], strides = [1, 1]} : vector<512x512xf32> to vector<512x256xf32>
      %slice3A_430 = vector.extract_strided_slice %mul3A_428 {offsets = [0, 256], sizes = [512, 256], strides = [1, 1]} : vector<512x512xf32> to vector<512x256xf32>
      %add3A_431 = arith.addf %slice3A_429, %slice3A_430 : vector<512x256xf32>
      %slice3A_432 = vector.extract_strided_slice %add3A_416 {offsets = [0, 512], sizes = [512, 768], strides = [1, 1]} : vector<512x1280xf32> to vector<512x768xf32>
      %slice3A_433 = vector.extract_strided_slice %slice3A_432 {offsets = [0, 0], sizes = [512, 256], strides = [1, 1]} : vector<512x768xf32> to vector<512x256xf32>
      %slice3A_434 = vector.extract_strided_slice %slice3A_432 {offsets = [0, 256], sizes = [512, 256], strides = [1, 1]} : vector<512x768xf32> to vector<512x256xf32>
      %slice3A_435 = vector.extract_strided_slice %slice3A_432 {offsets = [0, 512], sizes = [512, 256], strides = [1, 1]} : vector<512x768xf32> to vector<512x256xf32>
      %mul3A_436 = arith.constant 5.000000e-01 : f32
      %mul3A_437 = vector.broadcast %mul3A_436 : f32 to vector<512x256xf32>
      %mul3A_438 = arith.mulf %mul3A_437, %slice3A_433 : vector<512x256xf32>
      %tanh3A_439 = math.tanh %mul3A_438 : vector<512x256xf32>
      %mul3A_440 = arith.constant 5.000000e-01 : f32
      %mul3A_441 = vector.broadcast %mul3A_440 : f32 to vector<512x256xf32>
      %mul3A_442 = arith.mulf %mul3A_441, %tanh3A_439 : vector<512x256xf32>
      %add3A_443 = arith.constant 5.000000e-01 : f32
      %add3A_444 = vector.broadcast %add3A_443 : f32 to vector<512x256xf32>
      %add3A_445 = arith.addf %mul3A_442, %add3A_444 : vector<512x256xf32>
      %tanh3A_446 = math.tanh %slice3A_435 : vector<512x256xf32>
      %mul3A_447 = arith.mulf %add3A_445, %tanh3A_446 : vector<512x256xf32>
      %add3A_448 = arith.addf %mul3A_447, %add3A_431 : vector<512x256xf32>
      %mul3A_449 = arith.constant 5.000000e-01 : f32
      %mul3A_450 = vector.broadcast %mul3A_449 : f32 to vector<512x256xf32>
      %mul3A_451 = arith.mulf %mul3A_450, %slice3A_434 : vector<512x256xf32>
      %tanh3A_452 = math.tanh %mul3A_451 : vector<512x256xf32>
      %mul3A_453 = arith.constant 5.000000e-01 : f32
      %mul3A_454 = vector.broadcast %mul3A_453 : f32 to vector<512x256xf32>
      %mul3A_455 = arith.mulf %mul3A_454, %tanh3A_452 : vector<512x256xf32>
      %add3A_456 = arith.constant 5.000000e-01 : f32
      %add3A_457 = vector.broadcast %add3A_456 : f32 to vector<512x256xf32>
      %add3A_458 = arith.addf %mul3A_455, %add3A_457 : vector<512x256xf32>
      %tanh3A_459 = math.tanh %add3A_448 : vector<512x256xf32>
      %mul3A_460 = arith.mulf %add3A_458, %tanh3A_459 : vector<512x256xf32>
      %reshape3A_461 = vector.shape_cast %mul3A_460 : vector<512x256xf32> to vector<256x512xf32>
      %reshape3A_462 = vector.shape_cast %add3A_448 : vector<512x256xf32> to vector<256x512xf32>
      %get3A_463 = arith.constant 0 : index
      %get3A_464 = arith.constant 0 : index
      %get3A_465 = vector.load %arg3[%get3A_463, %get3A_464] : memref<512x1280xbf16, #tpu.memory_space<vmem>>, vector<512x1280xbf16>
      %convert_element_type3A_466 = arith.truncf %reshape3A_461 : vector<256x512xf32> to vector<256x512xbf16>
      %dot_general3A_467 = arith.constant dense<0.000000e+00> : vector<256x1280xf32>
      %dot_general3A_468 = tpu.matmul %convert_element_type3A_466, %get3A_465, %dot_general3A_467 {dimension_numbers = #tpu.dot_dimension_numbers<[1], [0], [0], [1], [0, 0, 1, 1], [], []>, transpose_lhs_hint = false} : vector<256x512xbf16>, vector<512x1280xbf16>, vector<256x1280xf32> -> vector<256x1280xf32>
      %get3A_469 = arith.constant 0 : index
      %get3A_470 = arith.constant 0 : index
      %get3A_471 = vector.load %arg4[%get3A_469, %get3A_470] : memref<1x1280xf32, #tpu.memory_space<vmem>>, vector<1x1280xf32>
      %add3A_472 = vector.broadcast %get3A_471 : vector<1x1280xf32> to vector<256x1280xf32>
      %add3A_473 = arith.addf %dot_general3A_468, %add3A_472 : vector<256x1280xf32>
      %slice3A_474 = vector.extract_strided_slice %add3A_473 {offsets = [0, 0], sizes = [256, 512], strides = [1, 1]} : vector<256x1280xf32> to vector<256x512xf32>
      %mul3A_475 = arith.constant 5.000000e-01 : f32
      %mul3A_476 = vector.broadcast %mul3A_475 : f32 to vector<256x512xf32>
      %mul3A_477 = arith.mulf %mul3A_476, %slice3A_474 : vector<256x512xf32>
      %tanh3A_478 = math.tanh %mul3A_477 : vector<256x512xf32>
      %mul3A_479 = arith.constant 5.000000e-01 : f32
      %mul3A_480 = vector.broadcast %mul3A_479 : f32 to vector<256x512xf32>
      %mul3A_481 = arith.mulf %mul3A_480, %tanh3A_478 : vector<256x512xf32>
      %add3A_482 = arith.constant 5.000000e-01 : f32
      %add3A_483 = vector.broadcast %add3A_482 : f32 to vector<256x512xf32>
      %add3A_484 = arith.addf %mul3A_481, %add3A_483 : vector<256x512xf32>
      %mul3A_485 = arith.mulf %add3A_484, %reshape3A_462 : vector<256x512xf32>
      %slice3A_486 = vector.extract_strided_slice %mul3A_485 {offsets = [0, 0], sizes = [256, 256], strides = [1, 1]} : vector<256x512xf32> to vector<256x256xf32>
      %slice3A_487 = vector.extract_strided_slice %mul3A_485 {offsets = [0, 256], sizes = [256, 256], strides = [1, 1]} : vector<256x512xf32> to vector<256x256xf32>
      %add3A_488 = arith.addf %slice3A_486, %slice3A_487 : vector<256x256xf32>
      %slice3A_489 = vector.extract_strided_slice %add3A_473 {offsets = [0, 512], sizes = [256, 768], strides = [1, 1]} : vector<256x1280xf32> to vector<256x768xf32>
      %slice3A_490 = vector.extract_strided_slice %slice3A_489 {offsets = [0, 0], sizes = [256, 256], strides = [1, 1]} : vector<256x768xf32> to vector<256x256xf32>
      %slice3A_491 = vector.extract_strided_slice %slice3A_489 {offsets = [0, 256], sizes = [256, 256], strides = [1, 1]} : vector<256x768xf32> to vector<256x256xf32>
      %slice3A_492 = vector.extract_strided_slice %slice3A_489 {offsets = [0, 512], sizes = [256, 256], strides = [1, 1]} : vector<256x768xf32> to vector<256x256xf32>
      %mul3A_493 = arith.constant 5.000000e-01 : f32
      %mul3A_494 = vector.broadcast %mul3A_493 : f32 to vector<256x256xf32>
      %mul3A_495 = arith.mulf %mul3A_494, %slice3A_490 : vector<256x256xf32>
      %tanh3A_496 = math.tanh %mul3A_495 : vector<256x256xf32>
      %mul3A_497 = arith.constant 5.000000e-01 : f32
      %mul3A_498 = vector.broadcast %mul3A_497 : f32 to vector<256x256xf32>
      %mul3A_499 = arith.mulf %mul3A_498, %tanh3A_496 : vector<256x256xf32>
      %add3A_500 = arith.constant 5.000000e-01 : f32
      %add3A_501 = vector.broadcast %add3A_500 : f32 to vector<256x256xf32>
      %add3A_502 = arith.addf %mul3A_499, %add3A_501 : vector<256x256xf32>
      %tanh3A_503 = math.tanh %slice3A_492 : vector<256x256xf32>
      %mul3A_504 = arith.mulf %add3A_502, %tanh3A_503 : vector<256x256xf32>
      %add3A_505 = arith.addf %mul3A_504, %add3A_488 : vector<256x256xf32>
      %mul3A_506 = arith.constant 5.000000e-01 : f32
      %mul3A_507 = vector.broadcast %mul3A_506 : f32 to vector<256x256xf32>
      %mul3A_508 = arith.mulf %mul3A_507, %slice3A_491 : vector<256x256xf32>
      %tanh3A_509 = math.tanh %mul3A_508 : vector<256x256xf32>
      %mul3A_510 = arith.constant 5.000000e-01 : f32
      %mul3A_511 = vector.broadcast %mul3A_510 : f32 to vector<256x256xf32>
      %mul3A_512 = arith.mulf %mul3A_511, %tanh3A_509 : vector<256x256xf32>
      %add3A_513 = arith.constant 5.000000e-01 : f32
      %add3A_514 = vector.broadcast %add3A_513 : f32 to vector<256x256xf32>
      %add3A_515 = arith.addf %mul3A_512, %add3A_514 : vector<256x256xf32>
      %tanh3A_516 = math.tanh %add3A_505 : vector<256x256xf32>
      %mul3A_517 = arith.mulf %add3A_515, %tanh3A_516 : vector<256x256xf32>
      %reshape3A_518 = vector.shape_cast %mul3A_517 : vector<256x256xf32> to vector<128x512xf32>
      %reshape3A_519 = vector.shape_cast %add3A_505 : vector<256x256xf32> to vector<128x512xf32>
      %get3A_520 = arith.constant 0 : index
      %get3A_521 = arith.constant 0 : index
      %get3A_522 = vector.load %arg3[%get3A_520, %get3A_521] : memref<512x1280xbf16, #tpu.memory_space<vmem>>, vector<512x1280xbf16>
      %convert_element_type3A_523 = arith.truncf %reshape3A_518 : vector<128x512xf32> to vector<128x512xbf16>
      %dot_general3A_524 = arith.constant dense<0.000000e+00> : vector<128x1280xf32>
      %dot_general3A_525 = tpu.matmul %convert_element_type3A_523, %get3A_522, %dot_general3A_524 {dimension_numbers = #tpu.dot_dimension_numbers<[1], [0], [0], [1], [0, 0, 1, 1], [], []>, transpose_lhs_hint = false} : vector<128x512xbf16>, vector<512x1280xbf16>, vector<128x1280xf32> -> vector<128x1280xf32>
      %get3A_526 = arith.constant 0 : index
      %get3A_527 = arith.constant 0 : index
      %get3A_528 = vector.load %arg4[%get3A_526, %get3A_527] : memref<1x1280xf32, #tpu.memory_space<vmem>>, vector<1x1280xf32>
      %add3A_529 = vector.broadcast %get3A_528 : vector<1x1280xf32> to vector<128x1280xf32>
      %add3A_530 = arith.addf %dot_general3A_525, %add3A_529 : vector<128x1280xf32>
      %slice3A_531 = vector.extract_strided_slice %add3A_530 {offsets = [0, 0], sizes = [128, 512], strides = [1, 1]} : vector<128x1280xf32> to vector<128x512xf32>
      %mul3A_532 = arith.constant 5.000000e-01 : f32
      %mul3A_533 = vector.broadcast %mul3A_532 : f32 to vector<128x512xf32>
      %mul3A_534 = arith.mulf %mul3A_533, %slice3A_531 : vector<128x512xf32>
      %tanh3A_535 = math.tanh %mul3A_534 : vector<128x512xf32>
      %mul3A_536 = arith.constant 5.000000e-01 : f32
      %mul3A_537 = vector.broadcast %mul3A_536 : f32 to vector<128x512xf32>
      %mul3A_538 = arith.mulf %mul3A_537, %tanh3A_535 : vector<128x512xf32>
      %add3A_539 = arith.constant 5.000000e-01 : f32
      %add3A_540 = vector.broadcast %add3A_539 : f32 to vector<128x512xf32>
      %add3A_541 = arith.addf %mul3A_538, %add3A_540 : vector<128x512xf32>
      %mul3A_542 = arith.mulf %add3A_541, %reshape3A_519 : vector<128x512xf32>
      %slice3A_543 = vector.extract_strided_slice %mul3A_542 {offsets = [0, 0], sizes = [128, 256], strides = [1, 1]} : vector<128x512xf32> to vector<128x256xf32>
      %slice3A_544 = vector.extract_strided_slice %mul3A_542 {offsets = [0, 256], sizes = [128, 256], strides = [1, 1]} : vector<128x512xf32> to vector<128x256xf32>
      %add3A_545 = arith.addf %slice3A_543, %slice3A_544 : vector<128x256xf32>
      %slice3A_546 = vector.extract_strided_slice %add3A_530 {offsets = [0, 512], sizes = [128, 768], strides = [1, 1]} : vector<128x1280xf32> to vector<128x768xf32>
      %slice3A_547 = vector.extract_strided_slice %slice3A_546 {offsets = [0, 0], sizes = [128, 256], strides = [1, 1]} : vector<128x768xf32> to vector<128x256xf32>
      %slice3A_548 = vector.extract_strided_slice %slice3A_546 {offsets = [0, 256], sizes = [128, 256], strides = [1, 1]} : vector<128x768xf32> to vector<128x256xf32>
      %slice3A_549 = vector.extract_strided_slice %slice3A_546 {offsets = [0, 512], sizes = [128, 256], strides = [1, 1]} : vector<128x768xf32> to vector<128x256xf32>
      %mul3A_550 = arith.constant 5.000000e-01 : f32
      %mul3A_551 = vector.broadcast %mul3A_550 : f32 to vector<128x256xf32>
      %mul3A_552 = arith.mulf %mul3A_551, %slice3A_547 : vector<128x256xf32>
      %tanh3A_553 = math.tanh %mul3A_552 : vector<128x256xf32>
      %mul3A_554 = arith.constant 5.000000e-01 : f32
      %mul3A_555 = vector.broadcast %mul3A_554 : f32 to vector<128x256xf32>
      %mul3A_556 = arith.mulf %mul3A_555, %tanh3A_553 : vector<128x256xf32>
      %add3A_557 = arith.constant 5.000000e-01 : f32
      %add3A_558 = vector.broadcast %add3A_557 : f32 to vector<128x256xf32>
      %add3A_559 = arith.addf %mul3A_556, %add3A_558 : vector<128x256xf32>
      %tanh3A_560 = math.tanh %slice3A_549 : vector<128x256xf32>
      %mul3A_561 = arith.mulf %add3A_559, %tanh3A_560 : vector<128x256xf32>
      %add3A_562 = arith.addf %mul3A_561, %add3A_545 : vector<128x256xf32>
      %mul3A_563 = arith.constant 5.000000e-01 : f32
      %mul3A_564 = vector.broadcast %mul3A_563 : f32 to vector<128x256xf32>
      %mul3A_565 = arith.mulf %mul3A_564, %slice3A_548 : vector<128x256xf32>
      %tanh3A_566 = math.tanh %mul3A_565 : vector<128x256xf32>
      %mul3A_567 = arith.constant 5.000000e-01 : f32
      %mul3A_568 = vector.broadcast %mul3A_567 : f32 to vector<128x256xf32>
      %mul3A_569 = arith.mulf %mul3A_568, %tanh3A_566 : vector<128x256xf32>
      %add3A_570 = arith.constant 5.000000e-01 : f32
      %add3A_571 = vector.broadcast %add3A_570 : f32 to vector<128x256xf32>
      %add3A_572 = arith.addf %mul3A_569, %add3A_571 : vector<128x256xf32>
      %tanh3A_573 = math.tanh %add3A_562 : vector<128x256xf32>
      %mul3A_574 = arith.mulf %add3A_572, %tanh3A_573 : vector<128x256xf32>
      %reshape3A_575 = vector.shape_cast %mul3A_574 : vector<128x256xf32> to vector<64x512xf32>
      %reshape3A_576 = vector.shape_cast %add3A_562 : vector<128x256xf32> to vector<64x512xf32>
      %get3A_577 = arith.constant 0 : index
      %get3A_578 = arith.constant 0 : index
      %get3A_579 = vector.load %arg3[%get3A_577, %get3A_578] : memref<512x1280xbf16, #tpu.memory_space<vmem>>, vector<512x1280xbf16>
      %convert_element_type3A_580 = arith.truncf %reshape3A_575 : vector<64x512xf32> to vector<64x512xbf16>
      %dot_general3A_581 = arith.constant dense<0.000000e+00> : vector<64x1280xf32>
      %dot_general3A_582 = tpu.matmul %convert_element_type3A_580, %get3A_579, %dot_general3A_581 {dimension_numbers = #tpu.dot_dimension_numbers<[1], [0], [0], [1], [0, 0, 1, 1], [], []>, transpose_lhs_hint = false} : vector<64x512xbf16>, vector<512x1280xbf16>, vector<64x1280xf32> -> vector<64x1280xf32>
      %get3A_583 = arith.constant 0 : index
      %get3A_584 = arith.constant 0 : index
      %get3A_585 = vector.load %arg4[%get3A_583, %get3A_584] : memref<1x1280xf32, #tpu.memory_space<vmem>>, vector<1x1280xf32>
      %add3A_586 = vector.broadcast %get3A_585 : vector<1x1280xf32> to vector<64x1280xf32>
      %add3A_587 = arith.addf %dot_general3A_582, %add3A_586 : vector<64x1280xf32>
      %slice3A_588 = vector.extract_strided_slice %add3A_587 {offsets = [0, 0], sizes = [64, 512], strides = [1, 1]} : vector<64x1280xf32> to vector<64x512xf32>
      %mul3A_589 = arith.constant 5.000000e-01 : f32
      %mul3A_590 = vector.broadcast %mul3A_589 : f32 to vector<64x512xf32>
      %mul3A_591 = arith.mulf %mul3A_590, %slice3A_588 : vector<64x512xf32>
      %tanh3A_592 = math.tanh %mul3A_591 : vector<64x512xf32>
      %mul3A_593 = arith.constant 5.000000e-01 : f32
      %mul3A_594 = vector.broadcast %mul3A_593 : f32 to vector<64x512xf32>
      %mul3A_595 = arith.mulf %mul3A_594, %tanh3A_592 : vector<64x512xf32>
      %add3A_596 = arith.constant 5.000000e-01 : f32
      %add3A_597 = vector.broadcast %add3A_596 : f32 to vector<64x512xf32>
      %add3A_598 = arith.addf %mul3A_595, %add3A_597 : vector<64x512xf32>
      %mul3A_599 = arith.mulf %add3A_598, %reshape3A_576 : vector<64x512xf32>
      %slice3A_600 = vector.extract_strided_slice %mul3A_599 {offsets = [0, 0], sizes = [64, 256], strides = [1, 1]} : vector<64x512xf32> to vector<64x256xf32>
      %slice3A_601 = vector.extract_strided_slice %mul3A_599 {offsets = [0, 256], sizes = [64, 256], strides = [1, 1]} : vector<64x512xf32> to vector<64x256xf32>
      %add3A_602 = arith.addf %slice3A_600, %slice3A_601 : vector<64x256xf32>
      %slice3A_603 = vector.extract_strided_slice %add3A_587 {offsets = [0, 512], sizes = [64, 768], strides = [1, 1]} : vector<64x1280xf32> to vector<64x768xf32>
      %slice3A_604 = vector.extract_strided_slice %slice3A_603 {offsets = [0, 0], sizes = [64, 256], strides = [1, 1]} : vector<64x768xf32> to vector<64x256xf32>
      %slice3A_605 = vector.extract_strided_slice %slice3A_603 {offsets = [0, 256], sizes = [64, 256], strides = [1, 1]} : vector<64x768xf32> to vector<64x256xf32>
      %slice3A_606 = vector.extract_strided_slice %slice3A_603 {offsets = [0, 512], sizes = [64, 256], strides = [1, 1]} : vector<64x768xf32> to vector<64x256xf32>
      %mul3A_607 = arith.constant 5.000000e-01 : f32
      %mul3A_608 = vector.broadcast %mul3A_607 : f32 to vector<64x256xf32>
      %mul3A_609 = arith.mulf %mul3A_608, %slice3A_604 : vector<64x256xf32>
      %tanh3A_610 = math.tanh %mul3A_609 : vector<64x256xf32>
      %mul3A_611 = arith.constant 5.000000e-01 : f32
      %mul3A_612 = vector.broadcast %mul3A_611 : f32 to vector<64x256xf32>
      %mul3A_613 = arith.mulf %mul3A_612, %tanh3A_610 : vector<64x256xf32>
      %add3A_614 = arith.constant 5.000000e-01 : f32
      %add3A_615 = vector.broadcast %add3A_614 : f32 to vector<64x256xf32>
      %add3A_616 = arith.addf %mul3A_613, %add3A_615 : vector<64x256xf32>
      %tanh3A_617 = math.tanh %slice3A_606 : vector<64x256xf32>
      %mul3A_618 = arith.mulf %add3A_616, %tanh3A_617 : vector<64x256xf32>
      %add3A_619 = arith.addf %mul3A_618, %add3A_602 : vector<64x256xf32>
      %mul3A_620 = arith.constant 5.000000e-01 : f32
      %mul3A_621 = vector.broadcast %mul3A_620 : f32 to vector<64x256xf32>
      %mul3A_622 = arith.mulf %mul3A_621, %slice3A_605 : vector<64x256xf32>
      %tanh3A_623 = math.tanh %mul3A_622 : vector<64x256xf32>
      %mul3A_624 = arith.constant 5.000000e-01 : f32
      %mul3A_625 = vector.broadcast %mul3A_624 : f32 to vector<64x256xf32>
      %mul3A_626 = arith.mulf %mul3A_625, %tanh3A_623 : vector<64x256xf32>
      %add3A_627 = arith.constant 5.000000e-01 : f32
      %add3A_628 = vector.broadcast %add3A_627 : f32 to vector<64x256xf32>
      %add3A_629 = arith.addf %mul3A_626, %add3A_628 : vector<64x256xf32>
      %tanh3A_630 = math.tanh %add3A_619 : vector<64x256xf32>
      %mul3A_631 = arith.mulf %add3A_629, %tanh3A_630 : vector<64x256xf32>
      %get3A_632 = arith.constant 0 : index
      %get3A_633 = arith.constant 0 : index
      %get3A_634 = vector.load %arg7[%get3A_632, %get3A_633] : memref<256x128xf32, #tpu.memory_space<vmem>>, vector<256x128xf32>
      %dot_general3A_635 = arith.constant dense<0.000000e+00> : vector<64x128xf32>
      %dot_general3A_636 = tpu.matmul %mul3A_631, %get3A_634, %dot_general3A_635 {dimension_numbers = #tpu.dot_dimension_numbers<[1], [0], [0], [1], [0, 0, 1, 1], [], []>, transpose_lhs_hint = false} : vector<64x256xf32>, vector<256x128xf32>, vector<64x128xf32> -> vector<64x128xf32>
      %get3A_637 = arith.constant 0 : index
      %get3A_638 = arith.constant 0 : index
      %get3A_639 = vector.load %arg8[%get3A_637, %get3A_638] : memref<1x128xf32, #tpu.memory_space<vmem>>, vector<1x128xf32>
      %add3A_640 = vector.broadcast %get3A_639 : vector<1x128xf32> to vector<64x128xf32>
      %add3A_641 = arith.addf %dot_general3A_636, %add3A_640 : vector<64x128xf32>
      %reduce_max3A = arith.constant dense<0xFF800000> : vector<64xf32>
      %reduce_max3A_642 = vector.multi_reduction <maximumf>, %add3A_641, %reduce_max3A [1] : vector<64x128xf32> to vector<64xf32>
      %broadcast_in_dim3A = vector.shape_cast %reduce_max3A_642 : vector<64xf32> to vector<64x1xf32>
      %sub3A = vector.broadcast %broadcast_in_dim3A : vector<64x1xf32> to vector<64x128xf32>
      %sub3A_643 = arith.subf %add3A_641, %sub3A : vector<64x128xf32>
      %exp3A = math.exp %sub3A_643 : vector<64x128xf32>
      %sub3A_644 = vector.broadcast %broadcast_in_dim3A : vector<64x1xf32> to vector<64x128xf32>
      %sub3A_645 = arith.subf %add3A_641, %sub3A_644 : vector<64x128xf32>
      %reduce_sum3A = arith.constant dense<0.000000e+00> : vector<64xf32>
      %reduce_sum3A_646 = vector.multi_reduction <add>, %exp3A, %reduce_sum3A [1] : vector<64x128xf32> to vector<64xf32>
      %broadcast_in_dim3A_647 = vector.shape_cast %reduce_sum3A_646 : vector<64xf32> to vector<64x1xf32>
      %log3A = math.log %broadcast_in_dim3A_647 : vector<64x1xf32>
      %sub3A_648 = vector.broadcast %log3A : vector<64x1xf32> to vector<64x128xf32>
      %sub3A_649 = arith.subf %sub3A_645, %sub3A_648 : vector<64x128xf32>
      %swap3A_650 = arith.constant 0 : index
      %swap3A_651 = arith.constant 0 : index
      %swap3A_652 = vector.load %arg9[%swap3A_650, %swap3A_651] : memref<64x128xf32, #tpu.memory_space<vmem>>, vector<64x128xf32>
      tpu.vector_store %arg9[%swap3A_650, %swap3A_651], %sub3A_649 {strides = array<i32>} : memref<64x128xf32, #tpu.memory_space<vmem>>, vector<64x128xf32>,
    } else {
    }
    return
  }
  func.func @transform_0(%arg0: i32) -> (i32, i32) {
    %c0_i32 = arith.constant 0 : i32
    %c0_i32_0 = arith.constant 0 : i32
    return %arg0, %c0_i32 : i32, i32
  }
  func.func @transform_1(%arg0: i32) -> (i32, i32) {
    %c0_i32 = arith.constant 0 : i32
    %c0_i32_0 = arith.constant 0 : i32
    %c0_i32_1 = arith.constant 0 : i32
    return %c0_i32, %c0_i32_0 : i32, i32
  }
  func.func @transform_2(%arg0: i32) -> (i32, i32) {
    %c0_i32 = arith.constant 0 : i32
    %c0_i32_0 = arith.constant 0 : i32
    %c0_i32_1 = arith.constant 0 : i32
    return %c0_i32, %c0_i32_0 : i32, i32
  }
  func.func @transform_3(%arg0: i32) -> (i32, i32) {
    %c0_i32 = arith.constant 0 : i32
    %c0_i32_0 = arith.constant 0 : i32
    %c0_i32_1 = arith.constant 0 : i32
    return %c0_i32, %c0_i32_0 : i32, i32
  }
  func.func @transform_4(%arg0: i32) -> (i32, i32) {
    %c0_i32 = arith.constant 0 : i32
    %c0_i32_0 = arith.constant 0 : i32
    %c0_i32_1 = arith.constant 0 : i32
    return %c0_i32, %c0_i32_0 : i32, i32
  }
  func.func @transform_5(%arg0: i32) -> (i32, i32) {
    %c0_i32 = arith.constant 0 : i32
    %c0_i32_0 = arith.constant 0 : i32
    %c0_i32_1 = arith.constant 0 : i32
    return %c0_i32, %c0_i32_0 : i32, i32
  }
  func.func @transform_6(%arg0: i32) -> (i32, i32) {
    %c0_i32 = arith.constant 0 : i32
    %c0_i32_0 = arith.constant 0 : i32
    %c0_i32_1 = arith.constant 0 : i32
    return %c0_i32, %c0_i32_0 : i32, i32
  }
  func.func @transform_7(%arg0: i32) -> (i32, i32) {
    %c0_i32 = arith.constant 0 : i32
    %c0_i32_0 = arith.constant 0 : i32
    %c0_i32_1 = arith.constant 0 : i32
    return %c0_i32, %c0_i32_0 : i32, i32
  }
  func.func @transform_8(%arg0: i32) -> (i32, i32) {
    %c0_i32 = arith.constant 0 : i32
    %c0_i32_0 = arith.constant 0 : i32
    %c0_i32_1 = arith.constant 0 : i32
    return %c0_i32, %c0_i32_0 : i32, i32
  }
}

</mosaic_0001>

<sc_bundles>
// kernel: kernel.6.cloned.1.call-start
scs
__scs_entry_jumppad:
0x0: {  	(pc) =	sbr.rel $0x88, $3  }
0x1: {  	(tag) =	ssettag $0x0;
	lr =	simm.s32 $0x1  }
0x2: {  	[smem:$0x3F98] =	sst lr;
	_ =	strace $0xD0000000  }
0x3: {  	_ = 	snop  }
0x4: {  	_ = 	snop  }
0x5: {  	_ = 	snop  }
0x6: {  	_ = 	snop  }
0x7: {  	_ = 	snop  }
__scs_overlays_trampoline_lowered:
0x8: {  	[smem:$0x3FA7] =	sst s0  }
0x9: {  	[smem:$0x3FA8] =	sst s1  }
0xa: {  	[smem:$0x3FA9] =	sst s2  }
0xb: {  	[smem:$0x3FAA] =	sst s3  }
0xc: {  	[smem:$0x3FAB] =	sst s4  }
0xd: {  	[smem:$0x3FAC] =	sst s5  }
0xe: {  	[smem:$0x3FAD] =	sst s6  }
0xf: {  	[smem:$0x3FAE] =	sst s7  }
0x10: {  	[smem:$0x3FAF] =	sst s8  }
0x11: {  	[smem:$0x3FB0] =	sst s9;
	s0 =	simm.s32 @!p0 $0x0  }
0x12: {  	s1 =	sld [smem:$0x3F96];
	s0 =	simm.s32 @p0 $0x1  }
0x13: {  	[smem:$0x3FB1] =	sst s0;
	s0 =	simm.s32 @!p1 $0x0  }
0x14: {  	s2 =	sld [smem:$0x3F95];
	s0 =	simm.s32 @p1 $0x1  }
0x15: {  	[smem:$0x3FB2] =	sst s0;
	s0 =	simm.s32 @!p2 $0x0  }
0x16: {  	s3 =	sld [smem:$0x3FDB];
	s0 =	simm.s32 @p2 $0x1  }
0x17: {  	s4 =	simm.s32 $0x1BF5;
	[smem:$0x3FB4] =	sst s0  }
0x18: {  	s0 =	sld [smem:$0x3F97];
	_ =	swait.ge [sflag:s4], $0x0  }
0x19: {  	s7 =	sld [smem:$0x3F98]  }
0x1a: {  	s8 =	sadd.s32 $0xFFFFE003, lr  }
0x1b: {  	s9 =	sadd.s32 $0xFFFFFEF7, lr;
	s5 =	simm.s32 $0xFFFFFFFF;
	p2 =	slt.u32 s8, $0xFFFFF086  }
0x1c: {  	p1 =	slt.u32 s9, $0xF7A;
	s5 =	simm.s32 @!p2 $0x0  }
0x1d: {  	s5 =	simm.s32 @p1 $0x1;
	p0 =	seq.s32 s7, s2  }
0x1e: {  	s7 =	smul.u32 @!p0 $0xF7A, s2;
	p2 =	seq.s32 @!p0 s5, $0x0  }
0x1f: {  	s9 =	smul.u32 $0xF7A, s1;
	s8 =	simm.s32 @!p0 $0x1BF5;
	p2 =	por !p2, p0  }
0x20: {  	[sflag:s8] =	ssyncset.s32 @!p0 $0xFFFFF086;
	s6 =	sadd.s32 @!p0 s3, s7;
	s7 =	simm.s32 @!p0 $0x108  }
0x21: {  	s3 =	sadd.s32 s3, s9;
	s6 =	sadd.s32 @!p0 $0x88, s6;
	s7 =	simm.s32 @p2 $0x1082  }
0x22: {  	[simem:s7], [sflag:s8] =	dma.local @!p0 [hbm:s6], $0xF7A  }
0x23: {  	s9 =	sor.u32 $0xD0000000, s2;
	s6 =	simm.s32 $0x108;
	_ =	swait.ge @!p0 [sflag:s8], $0x0  }
0x24: {  	s3 =	sadd.s32 $0x88, s3;
	s6 =	simm.s32 @!p1 $0x1082;
	[sflag:s4] =	ssyncset.s32 $0xFFFFF086  }
0x25: {  	[simem:s6], [sflag:s4] =	dma.local [hbm:s3], $0xF7A  }
0x26: {  	[smem:$0x3F98] =	sst s1;
	(tag) =	ssettag s2;
	_ =	strace s9  }
0x27: {  	s1 =	sld [smem:$0x3FA8]  }
0x28: {  	s2 =	sld [smem:$0x3FA9]  }
0x29: {  	s4 =	sld [smem:$0x3FAB]  }
0x2a: {  	p0 =	seq.s32 s5, $0x0;
	s5 =	sld [smem:$0x3FAC]  }
0x2b: {  	s6 =	sld [smem:$0x3FAD]  }
0x2c: {  	s7 =	sld [smem:$0x3FAE]  }
0x2d: {  	s3 =	simm.s32 $0x108;
	s8 =	sld [smem:$0x3FAF]  }
0x2e: {  	s3 =	simm.s32 @!p0 $0x1082;
	s9 =	sld [smem:$0x3FB0]  }
0x2f: {  	lr =	sadd.s32 s0, s3;
	s0 =	sld [smem:$0x3FA7]  }
0x30: {  	s3 =	sld [smem:$0x3FAA]  }
0x31: {  	[smem:$0x3FB3] =	sst s10  }
0x32: {  	s10 =	sld [smem:$0x3FB1];
	_ =	sdelay $0x3  }
0x33: {  	p0 =	seq.s32 s10, $0x1;
	s10 =	sld [smem:$0x3FB3];
	_ =	sdelay $0x3  }
0x34: {  	[smem:$0x3FB3] =	sst s10  }
0x35: {  	s10 =	sld [smem:$0x3FB2];
	_ =	sdelay $0x3  }
0x36: {  	p1 =	seq.s32 s10, $0x1;
	s10 =	sld [smem:$0x3FB3];
	_ =	sdelay $0x3  }
0x37: {  	[smem:$0x3FB3] =	sst s10  }
0x38: {  	s10 =	sld [smem:$0x3FB4]  }
0x39: {  	_ = 	snop;
	(pc) =	sbr.ind lr, $3  }
0x3a: {  	_ = 	snop  }
0x3b: {  	_ = 	snop  }
0x3c: {  	p2 =	seq.s32 s10, $0x1;
	s10 =	sld [smem:$0x3FB3]  }
0x3d: {  	_ =	shalt  }
0x3e: {  	_ =	shalt  }
0x3f: {  	_ =	shalt  }
0x40: {  	_ =	shalt  }
0x41: {  	_ =	shalt  }
0x42: {  	_ =	shalt  }
0x43: {  	_ =	shalt  }
0x44: {  	_ =	shalt  }
0x45: {  	_ =	shalt  }
0x46: {  	_ =	shalt  }
0x47: {  	_ =	shalt  }
0x48: {  	_ =	shalt  }
0x49: {  	_ =	shalt  }
0x4a: {  	_ =	shalt  }
0x4b: {  	_ =	shalt  }
0x4c: {  	_ =	shalt  }
0x4d: {  	_ =	shalt  }
0x4e: {  	_ =	shalt  }
0x4f: {  	_ =	shalt  }
0x50: {  	_ =	shalt  }
0x51: {  	_ =	shalt  }
0x52: {  	_ =	shalt  }
0x53: {  	_ =	shalt  }
0x54: {  	_ =	shalt  }
0x55: {  	_ =	shalt  }
0x56: {  	_ =	shalt  }
0x57: {  	_ =	shalt  }
0x58: {  	_ =	shalt  }
0x59: {  	_ =	shalt  }
0x5a: {  	_ =	shalt  }
0x5b: {  	_ =	shalt  }
0x5c: {  	_ =	shalt  }
0x5d: {  	_ =	shalt  }
0x5e: {  	_ =	shalt  }
0x5f: {  	_ =	shalt  }
0x60: {  	_ =	shalt  }
0x61: {  	_ =	shalt  }
0x62: {  	_ =	shalt  }
0x63: {  	_ =	shalt  }
0x64: {  	_ =	shalt  }
0x65: {  	_ =	shalt  }
0x66: {  	_ =	shalt  }
0x67: {  	_ =	shalt  }
0x68: {  	_ =	shalt  }
0x69: {  	_ =	shalt  }
0x6a: {  	_ =	shalt  }
0x6b: {  	_ =	shalt  }
0x6c: {  	_ =	shalt  }
0x6d: {  	_ =	shalt  }
0x6e: {  	_ =	shalt  }
0x6f: {  	_ =	shalt  }
0x70: {  	_ =	shalt  }
0x71: {  	_ =	shalt  }
0x72: {  	_ =	shalt  }
0x73: {  	_ =	shalt  }
0x74: {  	_ =	shalt  }
0x75: {  	_ =	shalt  }
0x76: {  	_ =	shalt  }
0x77: {  	_ =	shalt  }
0x78: {  	_ =	shalt  }
0x79: {  	_ =	shalt  }
0x7a: {  	_ =	shalt  }
0x7b: {  	_ =	shalt  }
0x7c: {  	_ =	shalt  }
0x7d: {  	_ =	shalt  }
0x7e: {  	_ =	shalt  }
0x7f: {  	_ =	shalt  }
0x80: {  	_ =	shalt  }
0x81: {  	_ =	shalt  }
0x82: {  	_ =	shalt  }
0x83: {  	_ =	shalt  }
0x84: {  	_ =	shalt  }
0x85: {  	_ =	shalt  }
0x86: {  	_ =	shalt  }
0x87: {  	_ =	shalt  }
.Lfunc_end0:
.L_simem_size_0:
called_computation_lowered:
.L_overlay_start_0:
0x88: {  	s2 =	sld [smem:$0x3FD9]  }
0x89: {  	s3 =	sld [smem:$0x3FFE];
	_ =	sdelay $0x1  }
0x8a: {  	s1 =	srdreg.scid  }
0x8b: {  	s0 =	sand.u32 $0x1, s1  }
0x8c: {  	s17 =	sshll.u32 s0, $0xA;
	s2 =	sadd.s32 s3, s2  }
0x8d: {  	s2 =	sadd.s32 s2, s17  }
0x8e: {  	[smem:$0x3FBF] =	sst s2  }
0x8f: {  	_ = 	snop  }
0x90: {  	s2 =	sld [smem:$0x3FC8];
	(tm) =	ssettm $0x1  }
0x91: {  	s18 =	sld [smem:$0x3FFB];
	_ =	sdelay $0x3  }
0x92: {  	_ =	strace s18  }
0x93: {  	s3 =	sld [smem:$0x3FFC];
	_ =	sdelay $0x3  }
0x94: {  	_ =	strace s3  }
0x95: {  	s3 =	sld [smem:$0x3FFD];
	_ =	sdelay $0x3  }
0x96: {  	_ =	strace s3  }
0x97: {  	_ =	strace $0x8FFFFFFF  }
0x98: {  	s19 =	sld [smem:$0x3FDB];
	_ =	sdelay $0x1  }
0x99: {  	s4 =	simm.s32 $_scs_section_size  }
0x9a: {  	s5 =	simm.s32 $_size__tile_overlayer_lowered;
	s6 =	simm.s32 $_tile_overlayer_lowered  }
0x9b: {  	s22 =	simm.s32 $0x1BFF;
	s21 =	sshll.u32 s6, $0x1;
	s3 =	sadd.s32 s4, s19  }
0x9c: {  	s7 =	simm.s32 $0x0;
	s20 =	sshll.u32 s5, $0x1;
	s5 =	sadd.s32 s21, s3  }
0x9d: {  	[timem:s7], [sflag:s22] =	dma.local [hbm:s5], s20  }
0x9e: {  	_ =	swait.ge [sflag:s22], s20  }
0x9f: {  	s4 =	ssub.s32 $0x0, s20;
	[sflag:s22] =	ssyncset.done $0x0  }
0xa0: {  	[sflag:s22] =	ssyncadd.s32 s4;
	_ =	sdelay $0x1  }
0xa1: {  	s23 =	simm.s32 $0x1B8B  }
0xa2: {  	_ =	swait.ge [sflag:s23], $0x1  }
0xa3: {  	[sflag:s23] =	ssyncset.done $0x0  }
0xa4: {  	s25 =	simm.s32 $0x1B8E;
	s24 =	sld [smem:$0x3FFE];
	[sflag:s23] =	ssyncadd.s32 $0xFFFFFFFF  }
0xa5: {  	s26 =	simm.s32 $execute0_lowered;
	[smem:$0x3FD2] =	sst s25  }
0xa6: {  	s5 =	sshll.u32 s26, $0x1;
	_ =	strace $0x80000046;
	[dreg:$0x1] =	wrdreg $0xFFFFFFFF  }
0xa7: {  	s28 =	simm.s32 $_size_execute0_lowered;
	s3 =	sadd.s32 s3, s5;
	[dreg:$0x0] =	wrdreg $0x0  }
0xa8: {  	s5 =	sshll.u32 s28, $0x1;
	[dreg:$0x2] =	wrdreg s3  }
0xa9: {  	[dreg:$0x3] =	wrdreg s5  }
0xaa: {  	[dreg:$0x4] =	wrdreg $0xC0  }
0xab: {  	_ =	task [dreg:s7], $0x5FFFF  }
0xac: {  	[dreg:$0x1] =	wrdreg $0xFFFFFFFF  }
0xad: {  	[dreg:$0x0] =	wrdreg $0x60  }
0xae: {  	[dreg:$0x2] =	wrdreg s2  }
0xaf: {  	[dreg:$0x3] =	wrdreg s24  }
0xb0: {  	[dreg:$0x4] =	wrdreg $0x9  }
0xb1: {  	_ =	task.clear_ibuf [dreg:s7], $0x5FFFF;
	_ =	strace $0x90000046  }
0xb2: {  	s29 =	simm.s32 $0x9;
	_ =	strace $0x80000048  }
0xb3: {  	_ =	swait.ge [sflag:s29], $0x1  }
0xb4: {  	[sflag:s29] =	ssyncadd.s32 $0xFFFFFFFF  }
0xb5: {  	_ =	strace $0x90000048  }
0xb6: {  	_ =	sfence  }
0xb7: {  	s30 =	sld [smem:$0x0];
	_ =	sdelay $0x2  }
0xb8: {  	s31 =	sshll.u32 s1, $0xD;
	s1 =	sshrl.u32 s1, $0x2  }
0xb9: {  	s3 =	sand.u32 $0x4000, s31;
	s1 =	sadd.s32 s1, s30  }
0xba: {  	s0 =	sor.u32 s3, s0;
	s1 =	sshll.u32 s1, $0x11  }
0xbb: {  	s0 =	sor.u32 s1, s0  }
0xbc: {  	s0 =	sadd.s32 $0x8F2B, s0  }
0xbd: {  	[sflag:s0] =	ssyncadd.remote.s32 $0x1  }
0xbe: {  	_ =	sfence.sel $0xFFFF  }
0xbf: {  	[dreg:$0x0] =	wrdreg $0xFFFFFFFF;
	(pc) =	sbr.abs _section_cstart, $3  }
0xc0: {  	[dreg:$0x1] =	wrdreg $0xFFFFFFFF  }
0xc1: {  	_ =	task.clear_ibuf [dreg:s7], $0x2FFFF;
	_ =	strace $0x9FFFFFFF  }
0xc2: {  	(tm) =	ssettm $0x7FFFFFFF  }
0xc3: {  	_ =	shalt  }
tec
execute0_lowered:
.L_overlay_start_1:
0x0: {  	(tag) =	ssettag $0x1  }
0x1: {  	s1 =	srdreg.scid  }
0x2: {  	s0 =	stileid.u32;
	s1 =	sand.u32 $0x1, s1  }
0x3: {  	s2 =	rddreg [dreg:$0x0];
	s3 =	sshll.u32 s0, $0xA;
	s4 =	sshll.u32 s1, $0x9  }
0x4: {  	s5 =	rddreg [dreg:$0x1];
	s4 =	sor.u32 s4, s3;
	s3 =	simm.s32 $0x0  }
0x5: {  	s20 =	simm.s32 $0x8A00;
	s21 =	simm.s32 $0x9200;
	[smem:$0x7FF] =	sst s3  }
0x6: {  	s22 =	simm.s32 $0x9A00;
	_ =	strace $0x80000047;
	[dreg:$0x8] =	wrdreg s20  }
0x7: {  	s23 =	simm.s32 $0xA200;
	s24 =	simm.s32 $0xAA00;
	[dreg:$0x9] =	wrdreg s21  }
0x8: {  	s25 =	simm.s32 $0xB200;
	s7 =	simm.s32 $0xCA00;
	[dreg:$0xa] =	wrdreg s22  }
0x9: {  	s8 =	simm.s32 $0xD200;
	s9 =	simm.s32 $0xDA00;
	[dreg:$0xb] =	wrdreg s23  }
0xa: {  	s10 =	simm.s32 $0xE200;
	s11 =	simm.s32 $0xEA00;
	[dreg:$0xc] =	wrdreg s24  }
0xb: {  	s12 =	simm.s32 $0xF200;
	s0 =	simm.s32 $0xBA00;
	[dreg:$0xd] =	wrdreg s25  }
0xc: {  	s13 =	simm.s32 $0xFA00;
	s14 =	simm.s32 $0x10A00;
	[dreg:$0xe] =	wrdreg s0  }
0xd: {  	s15 =	simm.s32 $0x11200;
	s28 =	simm.s32 $0x4;
	[dreg:$0x10] =	wrdreg s7  }
0xe: {  	s29 =	simm.s32 $0x2;
	s30 =	simm.s32 $0x3;
	[dreg:$0x11] =	wrdreg s8  }
0xf: {  	s31 =	simm.s32 $0x5;
	s1 =	ssub.s32 $0x2, s1;
	[dreg:$0x12] =	wrdreg s9  }
0x10: {  	s26 =	sshrl.u32 s1, $0x1;
	s6 =	sshrl.u32 s4, $0x3;
	[dreg:$0x13] =	wrdreg s10  }
0x11: {  	s4 =	sshll.u32 s4, $0x5;
	s1 =	ssub.s32 s1, s26;
	[dreg:$0x14] =	wrdreg s11  }
0x12: {  	s26 =	simm.s32 $0x16A00;
	s6 =	sadd.s32 s6, s5;
	[dreg:$0x15] =	wrdreg s12  }
0x13: {  	s4 =	sadd.s32 s4, s5;
	s5 =	simm.s32 $0x7;
	[dreg:$0x16] =	wrdreg s13  }
0x14: {  	s7 =	simm.s32 $0xA00;
	s8 =	simm.s32 $0x1200;
	[dreg:$0x17] =	wrdreg s14  }
0x15: {  	s9 =	simm.s32 $0x1A00;
	s10 =	simm.s32 $0x2200;
	[dreg:$0x18] =	wrdreg s15  }
0x16: {  	s11 =	simm.s32 $0x2A00;
	s20 =	simm.s32 $0x13A00;
	[smem:$0x7FD] =	sst s26  }
0x17: {  	s12 =	simm.s32 $0x3200;
	s21 =	simm.s32 $0x14200;
	[dreg:$0x1d] =	wrdreg s20  }
0x18: {  	s13 =	simm.s32 $0x3A00;
	s22 =	simm.s32 $0x14A00;
	[dreg:$0x1e] =	wrdreg s21  }
0x19: {  	s14 =	simm.s32 $0x4200;
	s23 =	simm.s32 $0x15200;
	[dreg:$0x1f] =	wrdreg s22  }
0x1a: {  	s15 =	simm.s32 $0x4A00;
	s24 =	simm.s32 $0x15A00;
	[smem:$0x7FA] =	sst s23  }
0x1b: {  	s25 =	simm.s32 $0x16200;
	s26 =	simm.s32 $0x1;
	[smem:$0x7FB] =	sst s24  }
0x1c: {  	s16 =	sadd.s32 $0x1600, s6;
	s17 =	sadd.s32 $0x1E00, s4;
	[smem:$0x7FC] =	sst s25  }
0x1d: {  	s18 =	sadd.s32 $0x2E00, s4;
	s19 =	sadd.s32 $0x3E00, s4;
	[dreg:$0x3] =	wrdreg s16  }
0x1e: {  	s4 =	sadd.s32 $0x4E00, s4;
	s6 =	simm.s32 $0xC200;
	[dreg:$0x4] =	wrdreg s17  }
0x1f: {  	s20 =	simm.s32 $0x7200;
	s21 =	simm.s32 $0x7A00;
	[dreg:$0x5] =	wrdreg s18  }
0x20: {  	s22 =	simm.s32 $0x8200;
	s23 =	simm.s32 $0x10200;
	[dreg:$0x6] =	wrdreg s19  }
0x21: {  	s25 =	simm.s32 $0x17A00;
	[dreg:$0x7] =	wrdreg s4;
	s4 =	smax.u32 s1, $0x1  }
0x22: {  	[dreg:$0xf] =	wrdreg s6;
	s6 =	simm.s32 $0x200;
	s16 =	simm.s32 $0x11A00  }
0x23: {  	s17 =	simm.s32 $0x12200;
	s18 =	simm.s32 $0x12A00;
	[dreg:$0x19] =	wrdreg s16  }
0x24: {  	v2 =	vlaneseq.u32;
	s19 =	simm.s32 $0x13200;
	s1 =	simm.s32 $0x6;
	[dreg:$0x1a] =	wrdreg s17  }
0x25: {  	vm0 =	vmmov $0xffff;
	v1 =	vshrl.u32 v2, $0x3;
	s16 =	simm.s32 $0x5200;
	[dreg:$0x1b] =	wrdreg s18;
	s17 =	simm.s32 $0x5A00  }
0x26: {  	v0 =	vand.u32 $0x7, v2;
	v2 =	vor.u32 $0x8, v2;
	v1 =	vmul.u32 $0x8, v1;
	[dreg:$0x1c] =	wrdreg s19;
	s18 =	simm.s32 $0x6200;
	s19 =	simm.s32 $0x6A00  }
.LBB2_1:
0x27: {  	s0 =	rddreg [dreg:$0x3]  }
0x28: {  	[tilespmem:s3], [sflag:$0x7] =	stream.linear.gather [hbm4b:s0+s3], $0x200, $0x38;
	[tilespmem:$0x18200] =	vst v63  }
0x29: {  	_ =	swait.ge [sflag:s5], $0x200  }
0x2a: {  	[sflag:s5] =	ssyncset.done $0x0  }
0x2b: {  	[sflag:s5] =	ssyncadd.s32 $0xFFFFFE00  }
0x2c: {  	v3 =	vld [tilespmem:$0x0];
	_ =	sdelay $0x4  }
0x2d: {  	v4 =	vshll.u32 v3, $0x1  }
0x2e: {  	v3 =	vand.u32 $0x7, v3;
	v4 =	vand.u32 $0xFFFFFFF0, v4  }
0x2f: {  	v3 =	vor.u32 v3, v4  }
0x30: {  	v4 =	vperm.xlane v3, v0;
	_ =	sdelay $0x1  }
0x31: {  	v3 =	vperm.xlane v3, v2;
	v4 =	vadd.s32 v1, v4;
	_ =	sdelay $0x1  }
0x32: {  	v3 =	vadd.s32 v1, v3;
	_ =	sdelay $0x2  }
0x33: {  	[tilespmem:s6], [sflag:$0x1] =	stream.indirect_vreg.gather [hbm4b:s2+s3], $0x80, v4, vm0, $0xb8;
	[tilespmem:$0x18200] =	vst v63  }
0x34: {  	_ = 	snop  }
0x35: {  	[tilespmem:s7], [sflag:$0x1] =	stream.indirect_vreg.gather [hbm4b:s2+s3], $0x80, v3, vm0, $0xb8;
	[tilespmem:$0x18200] =	vst v63  }
0x36: {  	v3 =	vld [tilespmem:$0x10];
	_ =	sdelay $0x4  }
0x37: {  	v33 =	vshll.u32 v3, $0x1  }
0x38: {  	v3 =	vand.u32 $0x7, v3;
	v4 =	vand.u32 $0xFFFFFFF0, v33  }
0x39: {  	v3 =	vor.u32 v3, v4  }
0x3a: {  	v4 =	vperm.xlane v3, v0;
	_ =	sdelay $0x1  }
0x3b: {  	v3 =	vperm.xlane v3, v2;
	v4 =	vadd.s32 v1, v4;
	_ =	sdelay $0x1  }
0x3c: {  	v3 =	vadd.s32 v1, v3;
	_ =	sdelay $0x2  }
0x3d: {  	[tilespmem:s8], [sflag:$0x1] =	stream.indirect_vreg.gather [hbm4b:s2+s3], $0x80, v4, vm0, $0xb8;
	[tilespmem:$0x18200] =	vst v63  }
0x3e: {  	_ = 	snop  }
0x3f: {  	[tilespmem:s9], [sflag:$0x1] =	stream.indirect_vreg.gather [hbm4b:s2+s3], $0x80, v3, vm0, $0xb8;
	[tilespmem:$0x18200] =	vst v63  }
0x40: {  	v3 =	vld [tilespmem:$0x20];
	_ =	sdelay $0x4  }
0x41: {  	v34 =	vshll.u32 v3, $0x1  }
0x42: {  	v3 =	vand.u32 $0x7, v3;
	v4 =	vand.u32 $0xFFFFFFF0, v34  }
0x43: {  	v3 =	vor.u32 v3, v4  }
0x44: {  	v4 =	vperm.xlane v3, v0;
	_ =	sdelay $0x1  }
0x45: {  	v3 =	vperm.xlane v3, v2;
	v4 =	vadd.s32 v1, v4;
	_ =	sdelay $0x1  }
0x46: {  	v3 =	vadd.s32 v1, v3;
	_ =	sdelay $0x2  }
0x47: {  	[tilespmem:s10], [sflag:$0x1] =	stream.indirect_vreg.gather [hbm4b:s2+s3], $0x80, v4, vm0, $0xb8;
	[tilespmem:$0x18200] =	vst v63  }
0x48: {  	_ = 	snop  }
0x49: {  	[tilespmem:s11], [sflag:$0x1] =	stream.indirect_vreg.gather [hbm4b:s2+s3], $0x80, v3, vm0, $0xb8;
	[tilespmem:$0x18200] =	vst v63  }
0x4a: {  	v3 =	vld [tilespmem:$0x30];
	_ =	sdelay $0x4  }
0x4b: {  	v35 =	vshll.u32 v3, $0x1  }
0x4c: {  	v3 =	vand.u32 $0x7, v3;
	v4 =	vand.u32 $0xFFFFFFF0, v35  }
0x4d: {  	v3 =	vor.u32 v3, v4  }
0x4e: {  	v4 =	vperm.xlane v3, v0;
	_ =	sdelay $0x1  }
0x4f: {  	v3 =	vperm.xlane v3, v2;
	v4 =	vadd.s32 v1, v4;
	_ =	sdelay $0x1  }
0x50: {  	v3 =	vadd.s32 v1, v3;
	_ =	sdelay $0x2  }
0x51: {  	[tilespmem:s12], [sflag:$0x1] =	stream.indirect_vreg.gather [hbm4b:s2+s3], $0x80, v4, vm0, $0xb8;
	[tilespmem:$0x18200] =	vst v63  }
0x52: {  	_ = 	snop  }
0x53: {  	[tilespmem:s13], [sflag:$0x1] =	stream.indirect_vreg.gather [hbm4b:s2+s3], $0x80, v3, vm0, $0xb8;
	[tilespmem:$0x18200] =	vst v63  }
0x54: {  	v3 =	vld [tilespmem:$0x40];
	_ =	sdelay $0x4  }
0x55: {  	v36 =	vshll.u32 v3, $0x1  }
0x56: {  	v3 =	vand.u32 $0x7, v3;
	v4 =	vand.u32 $0xFFFFFFF0, v36  }
0x57: {  	v3 =	vor.u32 v3, v4  }
0x58: {  	v4 =	vperm.xlane v3, v0;
	_ =	sdelay $0x1  }
0x59: {  	v3 =	vperm.xlane v3, v2;
	v4 =	vadd.s32 v1, v4;
	_ =	sdelay $0x1  }
0x5a: {  	v3 =	vadd.s32 v1, v3;
	_ =	sdelay $0x2  }
0x5b: {  	[tilespmem:s14], [sflag:$0x1] =	stream.indirect_vreg.gather [hbm4b:s2+s3], $0x80, v4, vm0, $0xb8;
	[tilespmem:$0x18200] =	vst v63  }
0x5c: {  	_ = 	snop  }
0x5d: {  	[tilespmem:s15], [sflag:$0x1] =	stream.indirect_vreg.gather [hbm4b:s2+s3], $0x80, v3, vm0, $0xb8;
	[tilespmem:$0x18200] =	vst v63  }
0x5e: {  	v3 =	vld [tilespmem:$0x50];
	_ =	sdelay $0x4  }
0x5f: {  	v37 =	vshll.u32 v3, $0x1  }
0x60: {  	v3 =	vand.u32 $0x7, v3;
	v4 =	vand.u32 $0xFFFFFFF0, v37  }
0x61: {  	v3 =	vor.u32 v3, v4  }
0x62: {  	v4 =	vperm.xlane v3, v0;
	_ =	sdelay $0x1  }
0x63: {  	v3 =	vperm.xlane v3, v2;
	v4 =	vadd.s32 v1, v4;
	_ =	sdelay $0x1  }
0x64: {  	v3 =	vadd.s32 v1, v3;
	_ =	sdelay $0x2  }
0x65: {  	[tilespmem:s16], [sflag:$0x1] =	stream.indirect_vreg.gather [hbm4b:s2+s3], $0x80, v4, vm0, $0xb8;
	[tilespmem:$0x18200] =	vst v63  }
0x66: {  	_ = 	snop  }
0x67: {  	[tilespmem:s17], [sflag:$0x1] =	stream.indirect_vreg.gather [hbm4b:s2+s3], $0x80, v3, vm0, $0xb8;
	[tilespmem:$0x18200] =	vst v63  }
0x68: {  	v3 =	vld [tilespmem:$0x60];
	_ =	sdelay $0x4  }
0x69: {  	v38 =	vshll.u32 v3, $0x1  }
0x6a: {  	v3 =	vand.u32 $0x7, v3;
	v4 =	vand.u32 $0xFFFFFFF0, v38  }
0x6b: {  	v3 =	vor.u32 v3, v4  }
0x6c: {  	v4 =	vperm.xlane v3, v0;
	_ =	sdelay $0x1  }
0x6d: {  	v3 =	vperm.xlane v3, v2;
	v4 =	vadd.s32 v1, v4;
	_ =	sdelay $0x1  }
0x6e: {  	v3 =	vadd.s32 v1, v3;
	_ =	sdelay $0x2  }
0x6f: {  	[tilespmem:s18], [sflag:$0x1] =	stream.indirect_vreg.gather [hbm4b:s2+s3], $0x80, v4, vm0, $0xb8;
	[tilespmem:$0x18200] =	vst v63  }
0x70: {  	_ = 	snop  }
0x71: {  	[tilespmem:s19], [sflag:$0x1] =	stream.indirect_vreg.gather [hbm4b:s2+s3], $0x80, v3, vm0, $0xb8;
	[tilespmem:$0x18200] =	vst v63  }
0x72: {  	v3 =	vld [tilespmem:$0x70];
	_ =	sdelay $0x4  }
0x73: {  	v39 =	vshll.u32 v3, $0x1  }
0x74: {  	v3 =	vand.u32 $0x7, v3;
	v4 =	vand.u32 $0xFFFFFFF0, v39  }
0x75: {  	v3 =	vor.u32 v3, v4  }
0x76: {  	v4 =	vperm.xlane v3, v0;
	_ =	sdelay $0x1  }
0x77: {  	v3 =	vperm.xlane v3, v2;
	v4 =	vadd.s32 v1, v4;
	_ =	sdelay $0x1  }
0x78: {  	v3 =	vadd.s32 v1, v3;
	_ =	sdelay $0x2  }
0x79: {  	[tilespmem:s20], [sflag:$0x1] =	stream.indirect_vreg.gather [hbm4b:s2+s3], $0x80, v4, vm0, $0xb8;
	[tilespmem:$0x18200] =	vst v63  }
0x7a: {  	_ = 	snop  }
0x7b: {  	[tilespmem:s21], [sflag:$0x1] =	stream.indirect_vreg.gather [hbm4b:s2+s3], $0x80, v3, vm0, $0xb8;
	[tilespmem:$0x18200] =	vst v63  }
0x7c: {  	v3 =	vld [tilespmem:$0x80];
	_ =	sdelay $0x4  }
0x7d: {  	v40 =	vshll.u32 v3, $0x1  }
0x7e: {  	v3 =	vand.u32 $0x7, v3;
	v4 =	vand.u32 $0xFFFFFFF0, v40  }
0x7f: {  	v3 =	vor.u32 v3, v4  }
0x80: {  	v4 =	vperm.xlane v3, v0;
	_ =	sdelay $0x1  }
0x81: {  	v3 =	vperm.xlane v3, v2;
	v4 =	vadd.s32 v1, v4;
	_ =	sdelay $0x1  }
0x82: {  	v3 =	vadd.s32 v1, v3;
	_ =	sdelay $0x2  }
0x83: {  	[tilespmem:s22], [sflag:$0x2] =	stream.indirect_vreg.gather [hbm4b:s2+s3], $0x80, v4, vm0, $0xb8;
	[tilespmem:$0x18200] =	vst v63  }
0x84: {  	s24 =	rddreg [dreg:$0x8]  }
0x85: {  	[tilespmem:s24], [sflag:$0x2] =	stream.indirect_vreg.gather [hbm4b:s2+s3], $0x80, v3, vm0, $0xb8;
	[tilespmem:$0x18200] =	vst v63  }
0x86: {  	v3 =	vld [tilespmem:$0x90];
	_ =	sdelay $0x4  }
0x87: {  	v41 =	vshll.u32 v3, $0x1  }
0x88: {  	v3 =	vand.u32 $0x7, v3;
	v4 =	vand.u32 $0xFFFFFFF0, v41  }
0x89: {  	v3 =	vor.u32 v3, v4  }
0x8a: {  	v4 =	vperm.xlane v3, v0;
	_ =	sdelay $0x1  }
0x8b: {  	v3 =	vperm.xlane v3, v2;
	v4 =	vadd.s32 v1, v4;
	_ =	sdelay $0x1  }
0x8c: {  	v3 =	vadd.s32 v1, v3;
	_ =	sdelay $0x1  }
0x8d: {  	s0 =	rddreg [dreg:$0x9]  }
0x8e: {  	[tilespmem:s0], [sflag:$0x2] =	stream.indirect_vreg.gather [hbm4b:s2+s3], $0x80, v4, vm0, $0xb8;
	[tilespmem:$0x18200] =	vst v63  }
0x8f: {  	s24 =	rddreg [dreg:$0xa]  }
0x90: {  	[tilespmem:s24], [sflag:$0x2] =	stream.indirect_vreg.gather [hbm4b:s2+s3], $0x80, v3, vm0, $0xb8;
	[tilespmem:$0x18200] =	vst v63  }
0x91: {  	v3 =	vld [tilespmem:$0xA0];
	_ =	sdelay $0x4  }
0x92: {  	v42 =	vshll.u32 v3, $0x1  }
0x93: {  	v3 =	vand.u32 $0x7, v3;
	v4 =	vand.u32 $0xFFFFFFF0, v42  }
0x94: {  	v3 =	vor.u32 v3, v4  }
0x95: {  	v4 =	vperm.xlane v3, v0;
	_ =	sdelay $0x1  }
0x96: {  	v3 =	vperm.xlane v3, v2;
	v4 =	vadd.s32 v1, v4;
	_ =	sdelay $0x1  }
0x97: {  	v3 =	vadd.s32 v1, v3;
	_ =	sdelay $0x1  }
0x98: {  	s0 =	rddreg [dreg:$0xb]  }
0x99: {  	[tilespmem:s0], [sflag:$0x2] =	stream.indirect_vreg.gather [hbm4b:s2+s3], $0x80, v4, vm0, $0xb8;
	[tilespmem:$0x18200] =	vst v63  }
0x9a: {  	s24 =	rddreg [dreg:$0xc]  }
0x9b: {  	[tilespmem:s24], [sflag:$0x2] =	stream.indirect_vreg.gather [hbm4b:s2+s3], $0x80, v3, vm0, $0xb8;
	[tilespmem:$0x18200] =	vst v63  }
0x9c: {  	v3 =	vld [tilespmem:$0xB0];
	_ =	sdelay $0x4  }
0x9d: {  	v43 =	vshll.u32 v3, $0x1  }
0x9e: {  	v3 =	vand.u32 $0x7, v3;
	v4 =	vand.u32 $0xFFFFFFF0, v43  }
0x9f: {  	v3 =	vor.u32 v3, v4  }
0xa0: {  	v4 =	vperm.xlane v3, v0;
	_ =	sdelay $0x1  }
0xa1: {  	v3 =	vperm.xlane v3, v2;
	v4 =	vadd.s32 v1, v4;
	_ =	sdelay $0x1  }
0xa2: {  	v3 =	vadd.s32 v1, v3;
	_ =	sdelay $0x1  }
0xa3: {  	s0 =	rddreg [dreg:$0xd]  }
0xa4: {  	[tilespmem:s0], [sflag:$0x2] =	stream.indirect_vreg.gather [hbm4b:s2+s3], $0x80, v4, vm0, $0xb8;
	[tilespmem:$0x18200] =	vst v63  }
0xa5: {  	s24 =	rddreg [dreg:$0xe]  }
0xa6: {  	[tilespmem:s24], [sflag:$0x2] =	stream.indirect_vreg.gather [hbm4b:s2+s3], $0x80, v3, vm0, $0xb8;
	[tilespmem:$0x18200] =	vst v63  }
0xa7: {  	v3 =	vld [tilespmem:$0xC0];
	_ =	sdelay $0x4  }
0xa8: {  	v44 =	vshll.u32 v3, $0x1  }
0xa9: {  	v3 =	vand.u32 $0x7, v3;
	v4 =	vand.u32 $0xFFFFFFF0, v44  }
0xaa: {  	v3 =	vor.u32 v3, v4  }
0xab: {  	v4 =	vperm.xlane v3, v0;
	_ =	sdelay $0x1  }
0xac: {  	v3 =	vperm.xlane v3, v2;
	v4 =	vadd.s32 v1, v4;
	_ =	sdelay $0x1  }
0xad: {  	v3 =	vadd.s32 v1, v3;
	_ =	sdelay $0x1  }
0xae: {  	s0 =	rddreg [dreg:$0xf]  }
0xaf: {  	[tilespmem:s0], [sflag:$0x2] =	stream.indirect_vreg.gather [hbm4b:s2+s3], $0x80, v4, vm0, $0xb8;
	[tilespmem:$0x18200] =	vst v63  }
0xb0: {  	s24 =	rddreg [dreg:$0x10]  }
0xb1: {  	[tilespmem:s24], [sflag:$0x2] =	stream.indirect_vreg.gather [hbm4b:s2+s3], $0x80, v3, vm0, $0xb8;
	[tilespmem:$0x18200] =	vst v63  }
0xb2: {  	v3 =	vld [tilespmem:$0xD0];
	_ =	sdelay $0x4  }
0xb3: {  	v45 =	vshll.u32 v3, $0x1  }
0xb4: {  	v3 =	vand.u32 $0x7, v3;
	v4 =	vand.u32 $0xFFFFFFF0, v45  }
0xb5: {  	v3 =	vor.u32 v3, v4  }
0xb6: {  	v4 =	vperm.xlane v3, v0;
	_ =	sdelay $0x1  }
0xb7: {  	v3 =	vperm.xlane v3, v2;
	v4 =	vadd.s32 v1, v4;
	_ =	sdelay $0x1  }
0xb8: {  	v3 =	vadd.s32 v1, v3;
	_ =	sdelay $0x1  }
0xb9: {  	s0 =	rddreg [dreg:$0x11]  }
0xba: {  	[tilespmem:s0], [sflag:$0x2] =	stream.indirect_vreg.gather [hbm4b:s2+s3], $0x80, v4, vm0, $0xb8;
	[tilespmem:$0x18200] =	vst v63  }
0xbb: {  	s24 =	rddreg [dreg:$0x12]  }
0xbc: {  	[tilespmem:s24], [sflag:$0x2] =	stream.indirect_vreg.gather [hbm4b:s2+s3], $0x80, v3, vm0, $0xb8;
	[tilespmem:$0x18200] =	vst v63  }
0xbd: {  	v3 =	vld [tilespmem:$0xE0];
	_ =	sdelay $0x4  }
0xbe: {  	v46 =	vshll.u32 v3, $0x1  }
0xbf: {  	v3 =	vand.u32 $0x7, v3;
	v4 =	vand.u32 $0xFFFFFFF0, v46  }
0xc0: {  	v3 =	vor.u32 v3, v4  }
0xc1: {  	v4 =	vperm.xlane v3, v0;
	_ =	sdelay $0x1  }
0xc2: {  	v3 =	vperm.xlane v3, v2;
	v4 =	vadd.s32 v1, v4;
	_ =	sdelay $0x1  }
0xc3: {  	v3 =	vadd.s32 v1, v3;
	_ =	sdelay $0x1  }
0xc4: {  	s0 =	rddreg [dreg:$0x13]  }
0xc5: {  	[tilespmem:s0], [sflag:$0x2] =	stream.indirect_vreg.gather [hbm4b:s2+s3], $0x80, v4, vm0, $0xb8;
	[tilespmem:$0x18200] =	vst v63  }
0xc6: {  	s24 =	rddreg [dreg:$0x14]  }
0xc7: {  	[tilespmem:s24], [sflag:$0x2] =	stream.indirect_vreg.gather [hbm4b:s2+s3], $0x80, v3, vm0, $0xb8;
	[tilespmem:$0x18200] =	vst v63  }
0xc8: {  	v3 =	vld [tilespmem:$0xF0];
	_ =	sdelay $0x4  }
0xc9: {  	v47 =	vshll.u32 v3, $0x1  }
0xca: {  	v3 =	vand.u32 $0x7, v3;
	v4 =	vand.u32 $0xFFFFFFF0, v47  }
0xcb: {  	v3 =	vor.u32 v3, v4  }
0xcc: {  	v4 =	vperm.xlane v3, v0;
	_ =	sdelay $0x1  }
0xcd: {  	v3 =	vperm.xlane v3, v2;
	v4 =	vadd.s32 v1, v4;
	_ =	sdelay $0x1  }
0xce: {  	v3 =	vadd.s32 v1, v3;
	_ =	sdelay $0x1  }
0xcf: {  	s0 =	rddreg [dreg:$0x15]  }
0xd0: {  	[tilespmem:s0], [sflag:$0x2] =	stream.indirect_vreg.gather [hbm4b:s2+s3], $0x80, v4, vm0, $0xb8;
	[tilespmem:$0x18200] =	vst v63  }
0xd1: {  	s24 =	rddreg [dreg:$0x16]  }
0xd2: {  	[tilespmem:s24], [sflag:$0x2] =	stream.indirect_vreg.gather [hbm4b:s2+s3], $0x80, v3, vm0, $0xb8;
	[tilespmem:$0x18200] =	vst v63  }
0xd3: {  	v3 =	vld [tilespmem:$0x100];
	_ =	sdelay $0x4  }
0xd4: {  	v48 =	vshll.u32 v3, $0x1  }
0xd5: {  	v3 =	vand.u32 $0x7, v3;
	v4 =	vand.u32 $0xFFFFFFF0, v48  }
0xd6: {  	v3 =	vor.u32 v3, v4  }
0xd7: {  	v4 =	vperm.xlane v3, v0;
	_ =	sdelay $0x1  }
0xd8: {  	v3 =	vperm.xlane v3, v2;
	v4 =	vadd.s32 v1, v4;
	_ =	sdelay $0x1  }
0xd9: {  	v3 =	vadd.s32 v1, v3;
	_ =	sdelay $0x2  }
0xda: {  	[tilespmem:s23], [sflag:$0x3] =	stream.indirect_vreg.gather [hbm4b:s2+s3], $0x80, v4, vm0, $0xb8;
	[tilespmem:$0x18200] =	vst v63  }
0xdb: {  	s24 =	rddreg [dreg:$0x17]  }
0xdc: {  	[tilespmem:s24], [sflag:$0x3] =	stream.indirect_vreg.gather [hbm4b:s2+s3], $0x80, v3, vm0, $0xb8;
	[tilespmem:$0x18200] =	vst v63  }
0xdd: {  	v3 =	vld [tilespmem:$0x110];
	_ =	sdelay $0x4  }
0xde: {  	v49 =	vshll.u32 v3, $0x1  }
0xdf: {  	v3 =	vand.u32 $0x7, v3;
	v4 =	vand.u32 $0xFFFFFFF0, v49  }
0xe0: {  	v3 =	vor.u32 v3, v4  }
0xe1: {  	v4 =	vperm.xlane v3, v0;
	_ =	sdelay $0x1  }
0xe2: {  	v3 =	vperm.xlane v3, v2;
	v4 =	vadd.s32 v1, v4;
	_ =	sdelay $0x1  }
0xe3: {  	v3 =	vadd.s32 v1, v3;
	_ =	sdelay $0x1  }
0xe4: {  	s0 =	rddreg [dreg:$0x18]  }
0xe5: {  	[tilespmem:s0], [sflag:$0x3] =	stream.indirect_vreg.gather [hbm4b:s2+s3], $0x80, v4, vm0, $0xb8;
	[tilespmem:$0x18200] =	vst v63  }
0xe6: {  	s24 =	rddreg [dreg:$0x19]  }
0xe7: {  	[tilespmem:s24], [sflag:$0x3] =	stream.indirect_vreg.gather [hbm4b:s2+s3], $0x80, v3, vm0, $0xb8;
	[tilespmem:$0x18200] =	vst v63  }
0xe8: {  	v3 =	vld [tilespmem:$0x120];
	_ =	sdelay $0x4  }
0xe9: {  	v50 =	vshll.u32 v3, $0x1  }
0xea: {  	v3 =	vand.u32 $0x7, v3;
	v4 =	vand.u32 $0xFFFFFFF0, v50  }
0xeb: {  	v3 =	vor.u32 v3, v4  }
0xec: {  	v4 =	vperm.xlane v3, v0;
	_ =	sdelay $0x1  }
0xed: {  	v3 =	vperm.xlane v3, v2;
	v4 =	vadd.s32 v1, v4;
	_ =	sdelay $0x1  }
0xee: {  	v3 =	vadd.s32 v1, v3;
	_ =	sdelay $0x1  }
0xef: {  	s0 =	rddreg [dreg:$0x1a]  }
0xf0: {  	[tilespmem:s0], [sflag:$0x3] =	stream.indirect_vreg.gather [hbm4b:s2+s3], $0x80, v4, vm0, $0xb8;
	[tilespmem:$0x18200] =	vst v63  }
0xf1: {  	s24 =	rddreg [dreg:$0x1b]  }
0xf2: {  	[tilespmem:s24], [sflag:$0x3] =	stream.indirect_vreg.gather [hbm4b:s2+s3], $0x80, v3, vm0, $0xb8;
	[tilespmem:$0x18200] =	vst v63  }
0xf3: {  	v3 =	vld [tilespmem:$0x130];
	_ =	sdelay $0x4  }
0xf4: {  	v51 =	vshll.u32 v3, $0x1  }
0xf5: {  	v3 =	vand.u32 $0x7, v3;
	v4 =	vand.u32 $0xFFFFFFF0, v51  }
0xf6: {  	v3 =	vor.u32 v3, v4  }
0xf7: {  	v4 =	vperm.xlane v3, v0;
	_ =	sdelay $0x1  }
0xf8: {  	v3 =	vperm.xlane v3, v2;
	v4 =	vadd.s32 v1, v4;
	_ =	sdelay $0x1  }
0xf9: {  	v3 =	vadd.s32 v1, v3;
	_ =	sdelay $0x1  }
0xfa: {  	s0 =	rddreg [dreg:$0x1c]  }
0xfb: {  	[tilespmem:s0], [sflag:$0x3] =	stream.indirect_vreg.gather [hbm4b:s2+s3], $0x80, v4, vm0, $0xb8;
	[tilespmem:$0x18200] =	vst v63  }
0xfc: {  	s24 =	rddreg [dreg:$0x1d]  }
0xfd: {  	[tilespmem:s24], [sflag:$0x3] =	stream.indirect_vreg.gather [hbm4b:s2+s3], $0x80, v3, vm0, $0xb8;
	[tilespmem:$0x18200] =	vst v63  }
0xfe: {  	v3 =	vld [tilespmem:$0x140];
	_ =	sdelay $0x4  }
0xff: {  	v52 =	vshll.u32 v3, $0x1  }
0x100: {  	v3 =	vand.u32 $0x7, v3;
	v4 =	vand.u32 $0xFFFFFFF0, v52  }
0x101: {  	v3 =	vor.u32 v3, v4  }
0x102: {  	v4 =	vperm.xlane v3, v0;
	_ =	sdelay $0x1  }
0x103: {  	v3 =	vperm.xlane v3, v2;
	v4 =	vadd.s32 v1, v4;
	_ =	sdelay $0x1  }
0x104: {  	v3 =	vadd.s32 v1, v3;
	_ =	sdelay $0x1  }
0x105: {  	s0 =	rddreg [dreg:$0x1e]  }
0x106: {  	[tilespmem:s0], [sflag:$0x3] =	stream.indirect_vreg.gather [hbm4b:s2+s3], $0x80, v4, vm0, $0xb8;
	[tilespmem:$0x18200] =	vst v63  }
0x107: {  	s24 =	rddreg [dreg:$0x1f]  }
0x108: {  	[tilespmem:s24], [sflag:$0x3] =	stream.indirect_vreg.gather [hbm4b:s2+s3], $0x80, v3, vm0, $0xb8;
	[tilespmem:$0x18200] =	vst v63  }
0x109: {  	v3 =	vld [tilespmem:$0x150];
	_ =	sdelay $0x4  }
0x10a: {  	v53 =	vshll.u32 v3, $0x1  }
0x10b: {  	v3 =	vand.u32 $0x7, v3;
	v4 =	vand.u32 $0xFFFFFFF0, v53  }
0x10c: {  	v3 =	vor.u32 v3, v4  }
0x10d: {  	v4 =	vperm.xlane v3, v0;
	_ =	sdelay $0x1  }
0x10e: {  	v3 =	vperm.xlane v3, v2;
	v4 =	vadd.s32 v1, v4;
	_ =	sdelay $0x1  }
0x10f: {  	s0 =	sld [smem:$0x7FA];
	v3 =	vadd.s32 v1, v3;
	_ =	sdelay $0x1  }
0x110: {  	s24 =	sld [smem:$0x7FB]  }
0x111: {  	[tilespmem:s0], [sflag:$0x3] =	stream.indirect_vreg.gather [hbm4b:s2+s3], $0x80, v4, vm0, $0xb8;
	[tilespmem:$0x18200] =	vst v63  }
0x112: {  	_ = 	snop  }
0x113: {  	[tilespmem:s24], [sflag:$0x3] =	stream.indirect_vreg.gather [hbm4b:s2+s3], $0x80, v3, vm0, $0xb8;
	[tilespmem:$0x18200] =	vst v63  }
0x114: {  	v3 =	vld [tilespmem:$0x160];
	_ =	sdelay $0x4  }
0x115: {  	v54 =	vshll.u32 v3, $0x1  }
0x116: {  	v3 =	vand.u32 $0x7, v3;
	v4 =	vand.u32 $0xFFFFFFF0, v54  }
0x117: {  	v3 =	vor.u32 v3, v4  }
0x118: {  	v4 =	vperm.xlane v3, v0;
	_ =	sdelay $0x1  }
0x119: {  	v3 =	vperm.xlane v3, v2;
	v4 =	vadd.s32 v1, v4;
	_ =	sdelay $0x1  }
0x11a: {  	s0 =	sld [smem:$0x7FC];
	v3 =	vadd.s32 v1, v3;
	_ =	sdelay $0x1  }
0x11b: {  	s24 =	sld [smem:$0x7FD]  }
0x11c: {  	[tilespmem:s0], [sflag:$0x3] =	stream.indirect_vreg.gather [hbm4b:s2+s3], $0x80, v4, vm0, $0xb8;
	[tilespmem:$0x18200] =	vst v63  }
0x11d: {  	_ = 	snop  }
0x11e: {  	[tilespmem:s24], [sflag:$0x3] =	stream.indirect_vreg.gather [hbm4b:s2+s3], $0x80, v3, vm0, $0xb8;
	[tilespmem:$0x18200] =	vst v63  }
0x11f: {  	v3 =	vld [tilespmem:$0x170];
	_ =	sdelay $0x4  }
0x120: {  	v55 =	vshll.u32 v3, $0x1  }
0x121: {  	v3 =	vand.u32 $0x7, v3;
	v4 =	vand.u32 $0xFFFFFFF0, v55  }
0x122: {  	v3 =	vor.u32 v3, v4  }
0x123: {  	v4 =	vperm.xlane v3, v0;
	_ =	sdelay $0x1  }
0x124: {  	v3 =	vperm.xlane v3, v2;
	v4 =	vadd.s32 v1, v4;
	_ =	sdelay $0x1  }
0x125: {  	v3 =	vadd.s32 v1, v3;
	_ =	sdelay $0x1  }
0x126: {  	s24 =	simm.s32 $0x17200  }
0x127: {  	[tilespmem:s24], [sflag:$0x3] =	stream.indirect_vreg.gather [hbm4b:s2+s3], $0x80, v4, vm0, $0xb8;
	[tilespmem:$0x18200] =	vst v63  }
0x128: {  	_ = 	snop  }
0x129: {  	[tilespmem:s25], [sflag:$0x3] =	stream.indirect_vreg.gather [hbm4b:s2+s3], $0x80, v3, vm0, $0xb8;
	[tilespmem:$0x18200] =	vst v63  }
0x12a: {  	_ =	swait.ge [sflag:s26], $0x8000  }
0x12b: {  	[sflag:s26] =	ssyncset.done $0x0  }
0x12c: {  	s24 =	rddreg [dreg:$0x4];
	[sflag:s26] =	ssyncadd.s32 $0xFFFF8000  }
0x12d: {  	[hbm4b:s24+s3] =	stream.linear.scatter [tilespmem:s6], [sflag:$0x4], $0x8000, $0x38;
	[tilespmem:$0x18200] =	vst v63  }
0x12e: {  	_ =	swait.ge [sflag:s28], $0x8000  }
0x12f: {  	[sflag:s28] =	ssyncset.done $0x0  }
0x130: {  	[sflag:s28] =	ssyncadd.s32 $0xFFFF8000  }
0x131: {  	v3 =	vld [tilespmem:$0x180];
	_ =	sdelay $0x4  }
0x132: {  	v56 =	vshll.u32 v3, $0x1  }
0x133: {  	v3 =	vand.u32 $0x7, v3;
	v4 =	vand.u32 $0xFFFFFFF0, v56  }
0x134: {  	v3 =	vor.u32 v3, v4  }
0x135: {  	v4 =	vperm.xlane v3, v0;
	_ =	sdelay $0x1  }
0x136: {  	v3 =	vperm.xlane v3, v2;
	v4 =	vadd.s32 v1, v4;
	_ =	sdelay $0x1  }
0x137: {  	v3 =	vadd.s32 v1, v3;
	_ =	sdelay $0x2  }
0x138: {  	[tilespmem:s6], [sflag:$0x1] =	stream.indirect_vreg.gather [hbm4b:s2+s3], $0x80, v4, vm0, $0xb8;
	[tilespmem:$0x18200] =	vst v63  }
0x139: {  	_ = 	snop  }
0x13a: {  	[tilespmem:s7], [sflag:$0x1] =	stream.indirect_vreg.gather [hbm4b:s2+s3], $0x80, v3, vm0, $0xb8;
	[tilespmem:$0x18200] =	vst v63  }
0x13b: {  	v3 =	vld [tilespmem:$0x190];
	_ =	sdelay $0x4  }
0x13c: {  	v57 =	vshll.u32 v3, $0x1  }
0x13d: {  	v3 =	vand.u32 $0x7, v3;
	v4 =	vand.u32 $0xFFFFFFF0, v57  }
0x13e: {  	v3 =	vor.u32 v3, v4  }
0x13f: {  	v4 =	vperm.xlane v3, v0;
	_ =	sdelay $0x1  }
0x140: {  	v3 =	vperm.xlane v3, v2;
	v4 =	vadd.s32 v1, v4;
	_ =	sdelay $0x1  }
0x141: {  	v3 =	vadd.s32 v1, v3;
	_ =	sdelay $0x2  }
0x142: {  	[tilespmem:s8], [sflag:$0x1] =	stream.indirect_vreg.gather [hbm4b:s2+s3], $0x80, v4, vm0, $0xb8;
	[tilespmem:$0x18200] =	vst v63  }
0x143: {  	_ = 	snop  }
0x144: {  	[tilespmem:s9], [sflag:$0x1] =	stream.indirect_vreg.gather [hbm4b:s2+s3], $0x80, v3, vm0, $0xb8;
	[tilespmem:$0x18200] =	vst v63  }
0x145: {  	v3 =	vld [tilespmem:$0x1A0];
	_ =	sdelay $0x4  }
0x146: {  	v58 =	vshll.u32 v3, $0x1  }
0x147: {  	v3 =	vand.u32 $0x7, v3;
	v4 =	vand.u32 $0xFFFFFFF0, v58  }
0x148: {  	v3 =	vor.u32 v3, v4  }
0x149: {  	v4 =	vperm.xlane v3, v0;
	_ =	sdelay $0x1  }
0x14a: {  	v3 =	vperm.xlane v3, v2;
	v4 =	vadd.s32 v1, v4;
	_ =	sdelay $0x1  }
0x14b: {  	v3 =	vadd.s32 v1, v3;
	_ =	sdelay $0x2  }
0x14c: {  	[tilespmem:s10], [sflag:$0x1] =	stream.indirect_vreg.gather [hbm4b:s2+s3], $0x80, v4, vm0, $0xb8;
	[tilespmem:$0x18200] =	vst v63  }
0x14d: {  	_ = 	snop  }
0x14e: {  	[tilespmem:s11], [sflag:$0x1] =	stream.indirect_vreg.gather [hbm4b:s2+s3], $0x80, v3, vm0, $0xb8;
	[tilespmem:$0x18200] =	vst v63  }
0x14f: {  	v3 =	vld [tilespmem:$0x1B0];
	_ =	sdelay $0x4  }
0x150: {  	v59 =	vshll.u32 v3, $0x1  }
0x151: {  	v3 =	vand.u32 $0x7, v3;
	v4 =	vand.u32 $0xFFFFFFF0, v59  }
0x152: {  	v3 =	vor.u32 v3, v4  }
0x153: {  	v4 =	vperm.xlane v3, v0;
	_ =	sdelay $0x1  }
0x154: {  	v3 =	vperm.xlane v3, v2;
	v4 =	vadd.s32 v1, v4;
	_ =	sdelay $0x1  }
0x155: {  	v3 =	vadd.s32 v1, v3;
	_ =	sdelay $0x2  }
0x156: {  	[tilespmem:s12], [sflag:$0x1] =	stream.indirect_vreg.gather [hbm4b:s2+s3], $0x80, v4, vm0, $0xb8;
	[tilespmem:$0x18200] =	vst v63  }
0x157: {  	_ = 	snop  }
0x158: {  	[tilespmem:s13], [sflag:$0x1] =	stream.indirect_vreg.gather [hbm4b:s2+s3], $0x80, v3, vm0, $0xb8;
	[tilespmem:$0x18200] =	vst v63  }
0x159: {  	v3 =	vld [tilespmem:$0x1C0];
	_ =	sdelay $0x4  }
0x15a: {  	v60 =	vshll.u32 v3, $0x1  }
0x15b: {  	v3 =	vand.u32 $0x7, v3;
	v4 =	vand.u32 $0xFFFFFFF0, v60  }
0x15c: {  	v3 =	vor.u32 v3, v4  }
0x15d: {  	v4 =	vperm.xlane v3, v0;
	_ =	sdelay $0x1  }
0x15e: {  	v3 =	vperm.xlane v3, v2;
	v4 =	vadd.s32 v1, v4;
	_ =	sdelay $0x1  }
0x15f: {  	v3 =	vadd.s32 v1, v3;
	_ =	sdelay $0x2  }
0x160: {  	[tilespmem:s14], [sflag:$0x1] =	stream.indirect_vreg.gather [hbm4b:s2+s3], $0x80, v4, vm0, $0xb8;
	[tilespmem:$0x18200] =	vst v63  }
0x161: {  	_ = 	snop  }
0x162: {  	[tilespmem:s15], [sflag:$0x1] =	stream.indirect_vreg.gather [hbm4b:s2+s3], $0x80, v3, vm0, $0xb8;
	[tilespmem:$0x18200] =	vst v63  }
0x163: {  	v3 =	vld [tilespmem:$0x1D0];
	_ =	sdelay $0x4  }
0x164: {  	v61 =	vshll.u32 v3, $0x1  }
0x165: {  	v3 =	vand.u32 $0x7, v3;
	v4 =	vand.u32 $0xFFFFFFF0, v61  }
0x166: {  	v3 =	vor.u32 v3, v4  }
0x167: {  	v4 =	vperm.xlane v3, v0;
	_ =	sdelay $0x1  }
0x168: {  	v3 =	vperm.xlane v3, v2;
	v4 =	vadd.s32 v1, v4;
	_ =	sdelay $0x1  }
0x169: {  	v3 =	vadd.s32 v1, v3;
	_ =	sdelay $0x2  }
0x16a: {  	[tilespmem:s16], [sflag:$0x1] =	stream.indirect_vreg.gather [hbm4b:s2+s3], $0x80, v4, vm0, $0xb8;
	[tilespmem:$0x18200] =	vst v63  }
0x16b: {  	_ = 	snop  }
0x16c: {  	[tilespmem:s17], [sflag:$0x1] =	stream.indirect_vreg.gather [hbm4b:s2+s3], $0x80, v3, vm0, $0xb8;
	[tilespmem:$0x18200] =	vst v63  }
0x16d: {  	v3 =	vld [tilespmem:$0x1E0];
	_ =	sdelay $0x4  }
0x16e: {  	v62 =	vshll.u32 v3, $0x1  }
0x16f: {  	v3 =	vand.u32 $0x7, v3;
	v4 =	vand.u32 $0xFFFFFFF0, v62  }
0x170: {  	v3 =	vor.u32 v3, v4  }
0x171: {  	v4 =	vperm.xlane v3, v0;
	_ =	sdelay $0x1  }
0x172: {  	v3 =	vperm.xlane v3, v2;
	v4 =	vadd.s32 v1, v4;
	_ =	sdelay $0x1  }
0x173: {  	v3 =	vadd.s32 v1, v3;
	_ =	sdelay $0x2  }
0x174: {  	[tilespmem:s18], [sflag:$0x1] =	stream.indirect_vreg.gather [hbm4b:s2+s3], $0x80, v4, vm0, $0xb8;
	[tilespmem:$0x18200] =	vst v63  }
0x175: {  	_ = 	snop  }
0x176: {  	[tilespmem:s19], [sflag:$0x1] =	stream.indirect_vreg.gather [hbm4b:s2+s3], $0x80, v3, vm0, $0xb8;
	[tilespmem:$0x18200] =	vst v63  }
0x177: {  	v3 =	vld [tilespmem:$0x1F0];
	_ =	sdelay $0x4  }
0x178: {  	v63 =	vshll.u32 v3, $0x1  }
0x179: {  	v3 =	vand.u32 $0x7, v3;
	v4 =	vand.u32 $0xFFFFFFF0, v63  }
0x17a: {  	v3 =	vor.u32 v3, v4  }
0x17b: {  	v4 =	vperm.xlane v3, v0;
	_ =	sdelay $0x1  }
0x17c: {  	v3 =	vperm.xlane v3, v2;
	v4 =	vadd.s32 v1, v4;
	_ =	sdelay $0x1  }
0x17d: {  	v3 =	vadd.s32 v1, v3;
	_ =	sdelay $0x2  }
0x17e: {  	[tilespmem:s20], [sflag:$0x1] =	stream.indirect_vreg.gather [hbm4b:s2+s3], $0x80, v4, vm0, $0xb8;
	[tilespmem:$0x18200] =	vst v63  }
0x17f: {  	_ = 	snop  }
0x180: {  	[tilespmem:s21], [sflag:$0x1] =	stream.indirect_vreg.gather [hbm4b:s2+s3], $0x80, v3, vm0, $0xb8;
	[tilespmem:$0x18200] =	vst v63  }
0x181: {  	_ =	swait.ge [sflag:s29], $0x8000  }
0x182: {  	[sflag:s29] =	ssyncset.done $0x0  }
0x183: {  	s24 =	rddreg [dreg:$0x5];
	[sflag:s29] =	ssyncadd.s32 $0xFFFF8000  }
0x184: {  	[hbm4b:s24+s3] =	stream.linear.scatter [tilespmem:s22], [sflag:$0x5], $0x8000, $0x38;
	[tilespmem:$0x18200] =	vst v63  }
0x185: {  	_ =	swait.ge [sflag:s30], $0x8000  }
0x186: {  	[sflag:s30] =	ssyncset.done $0x0  }
0x187: {  	s24 =	rddreg [dreg:$0x6];
	[sflag:s30] =	ssyncadd.s32 $0xFFFF8000  }
0x188: {  	[hbm4b:s24+s3] =	stream.linear.scatter [tilespmem:s23], [sflag:$0x6], $0x8000, $0x38;
	[tilespmem:$0x18200] =	vst v63  }
0x189: {  	_ =	swait.ge [sflag:s26], $0x8000  }
0x18a: {  	[sflag:s26] =	ssyncset.done $0x0  }
0x18b: {  	s24 =	rddreg [dreg:$0x7];
	[sflag:s26] =	ssyncadd.s32 $0xFFFF8000  }
0x18c: {  	[hbm4b:s24+s3] =	stream.linear.scatter [tilespmem:s6], [sflag:$0x4], $0x8000, $0x38;
	[tilespmem:$0x18200] =	vst v63  }
0x18d: {  	_ =	swait.ge [sflag:s28], $0x8000  }
0x18e: {  	[sflag:s28] =	ssyncset.done $0x0  }
0x18f: {  	[sflag:s28] =	ssyncadd.s32 $0xFFFF8000  }
0x190: {  	p0 =	sne.s32 s4, $0x1;
	_ =	swait.ge [sflag:s31], $0x8000  }
.Ltmp0:
0x191: {  	[sflag:s31] =	ssyncset.done $0x0;
	(pc) =	sbr.rel @p0 .LBB2_1-.Ltmp0, $4  }
0x192: {  	[sflag:s31] =	ssyncadd.s32 $0xFFFF8000  }
0x193: {  	_ =	swait.ge [sflag:s1], $0x8000  }
0x194: {  	[sflag:s1] =	ssyncset.done $0x0  }
0x195: {  	s4 =	sadd.s32 $0xFFFFFFFF, s4;
	[sflag:s1] =	ssyncadd.s32 $0xFFFF8000  }
0x196: {  	_ =	sfence.sel $0x180000  }
0x197: {  	[bflag:$0x0] =	sbarrier.arrive $0xFFFF  }
0x198: {  	_ =	strace $0x90000047  }
0x199: {  	s0 =	stileid.u32;
	[bflag:$0x2] =	sbarrier.arrive $0xFFFF  }
0x19a: {  	p0 =	sne.s32 s0, $0x0;
	s0 =	rddreg [dreg:$0x2]  }
0x19b: {  	s0 =	sadd.s32 @!p0 $0x100000, s0  }
0x19c: {  	[sflag:s0] =	ssyncadd.tile.s32 @!p0 $0x1;
	_ =	shalt  }
.Lfunc_end2:
_tile_overlayer_lowered:
.L_overlay_start_2:
0x19d: {  	(tag) =	ssettag $0x2  }
0x19e: {  	s0 =	rddreg [dreg:$0x0];
	s2 =	stileid.u32  }
0x19f: {  	s1 =	rddreg [dreg:$0x1];
	p0 =	sne.s32 s2, $0x0  }
0x1a0: {  	s3 =	rddreg [dreg:$0x2];
	[bflag:$0x3] =	sbarrier.arrive $0xFFFF;
	s2 =	simm.s32 @!p0 $0x1C07  }
0x1a1: {  	[timem:s3], [sflag:s2] =	dma.local @!p0 [hbm:s0], s1  }
0x1a2: {  	s0 =	simm.s32 @!p0 $0x7  }
0x1a3: {  	_ =	swait.ge @!p0 [sflag:s0], s1  }
0x1a4: {  	s1 =	ssub.s32 @!p0 $0x0, s1;
	[sflag:s0] =	ssyncset.done @!p0 $0x0  }
0x1a5: {  	[sflag:s0] =	ssyncadd.s32 @!p0 s1  }
0x1a6: {  	[bflag:$0x3] =	sbarrier.arrive $0xFFFF  }
0x1a7: {  	_ =	shalt  }

// kernel: kernel.9.cloned.1.call-start
scs
__scs_entry_jumppad:
0x0: {  	(pc) =	sbr.rel $0x88, $3  }
0x1: {  	(tag) =	ssettag $0x0;
	lr =	simm.s32 $0x1  }
0x2: {  	[smem:$0x3F98] =	sst lr;
	_ =	strace $0xD0000000  }
0x3: {  	_ = 	snop  }
0x4: {  	_ = 	snop  }
0x5: {  	_ = 	snop  }
0x6: {  	_ = 	snop  }
0x7: {  	_ = 	snop  }
__scs_overlays_trampoline_lowered:
0x8: {  	[smem:$0x3FA7] =	sst s0  }
0x9: {  	[smem:$0x3FA8] =	sst s1  }
0xa: {  	[smem:$0x3FA9] =	sst s2  }
0xb: {  	[smem:$0x3FAA] =	sst s3  }
0xc: {  	[smem:$0x3FAB] =	sst s4  }
0xd: {  	[smem:$0x3FAC] =	sst s5  }
0xe: {  	[smem:$0x3FAD] =	sst s6  }
0xf: {  	[smem:$0x3FAE] =	sst s7  }
0x10: {  	[smem:$0x3FAF] =	sst s8  }
0x11: {  	[smem:$0x3FB0] =	sst s9;
	s0 =	simm.s32 @!p0 $0x0  }
0x12: {  	s1 =	sld [smem:$0x3F96];
	s0 =	simm.s32 @p0 $0x1  }
0x13: {  	[smem:$0x3FB1] =	sst s0;
	s0 =	simm.s32 @!p1 $0x0  }
0x14: {  	s2 =	sld [smem:$0x3F95];
	s0 =	simm.s32 @p1 $0x1  }
0x15: {  	[smem:$0x3FB2] =	sst s0;
	s0 =	simm.s32 @!p2 $0x0  }
0x16: {  	s3 =	sld [smem:$0x3FDB];
	s0 =	simm.s32 @p2 $0x1  }
0x17: {  	s4 =	simm.s32 $0x1BF5;
	[smem:$0x3FB4] =	sst s0  }
0x18: {  	s0 =	sld [smem:$0x3F97];
	_ =	swait.ge [sflag:s4], $0x0  }
0x19: {  	s7 =	sld [smem:$0x3F98]  }
0x1a: {  	s8 =	sadd.s32 $0xFFFFE003, lr  }
0x1b: {  	s9 =	sadd.s32 $0xFFFFFEF7, lr;
	s5 =	simm.s32 $0xFFFFFFFF;
	p2 =	slt.u32 s8, $0xFFFFF086  }
0x1c: {  	p1 =	slt.u32 s9, $0xF7A;
	s5 =	simm.s32 @!p2 $0x0  }
0x1d: {  	s5 =	simm.s32 @p1 $0x1;
	p0 =	seq.s32 s7, s2  }
0x1e: {  	s7 =	smul.u32 @!p0 $0xF7A, s2;
	p2 =	seq.s32 @!p0 s5, $0x0  }
0x1f: {  	s9 =	smul.u32 $0xF7A, s1;
	s8 =	simm.s32 @!p0 $0x1BF5;
	p2 =	por !p2, p0  }
0x20: {  	[sflag:s8] =	ssyncset.s32 @!p0 $0xFFFFF086;
	s6 =	sadd.s32 @!p0 s3, s7;
	s7 =	simm.s32 @!p0 $0x108  }
0x21: {  	s3 =	sadd.s32 s3, s9;
	s6 =	sadd.s32 @!p0 $0x88, s6;
	s7 =	simm.s32 @p2 $0x1082  }
0x22: {  	[simem:s7], [sflag:s8] =	dma.local @!p0 [hbm:s6], $0xF7A  }
0x23: {  	s9 =	sor.u32 $0xD0000000, s2;
	s6 =	simm.s32 $0x108;
	_ =	swait.ge @!p0 [sflag:s8], $0x0  }
0x24: {  	s3 =	sadd.s32 $0x88, s3;
	s6 =	simm.s32 @!p1 $0x1082;
	[sflag:s4] =	ssyncset.s32 $0xFFFFF086  }
0x25: {  	[simem:s6], [sflag:s4] =	dma.local [hbm:s3], $0xF7A  }
0x26: {  	[smem:$0x3F98] =	sst s1;
	(tag) =	ssettag s2;
	_ =	strace s9  }
0x27: {  	s1 =	sld [smem:$0x3FA8]  }
0x28: {  	s2 =	sld [smem:$0x3FA9]  }
0x29: {  	s4 =	sld [smem:$0x3FAB]  }
0x2a: {  	p0 =	seq.s32 s5, $0x0;
	s5 =	sld [smem:$0x3FAC]  }
0x2b: {  	s6 =	sld [smem:$0x3FAD]  }
0x2c: {  	s7 =	sld [smem:$0x3FAE]  }
0x2d: {  	s3 =	simm.s32 $0x108;
	s8 =	sld [smem:$0x3FAF]  }
0x2e: {  	s3 =	simm.s32 @!p0 $0x1082;
	s9 =	sld [smem:$0x3FB0]  }
0x2f: {  	lr =	sadd.s32 s0, s3;
	s0 =	sld [smem:$0x3FA7]  }
0x30: {  	s3 =	sld [smem:$0x3FAA]  }
0x31: {  	[smem:$0x3FB3] =	sst s10  }
0x32: {  	s10 =	sld [smem:$0x3FB1];
	_ =	sdelay $0x3  }
0x33: {  	p0 =	seq.s32 s10, $0x1;
	s10 =	sld [smem:$0x3FB3];
	_ =	sdelay $0x3  }
0x34: {  	[smem:$0x3FB3] =	sst s10  }
0x35: {  	s10 =	sld [smem:$0x3FB2];
	_ =	sdelay $0x3  }
0x36: {  	p1 =	seq.s32 s10, $0x1;
	s10 =	sld [smem:$0x3FB3];
	_ =	sdelay $0x3  }
0x37: {  	[smem:$0x3FB3] =	sst s10  }
0x38: {  	s10 =	sld [smem:$0x3FB4]  }
0x39: {  	_ = 	snop;
	(pc) =	sbr.ind lr, $3  }
0x3a: {  	_ = 	snop  }
0x3b: {  	_ = 	snop  }
0x3c: {  	p2 =	seq.s32 s10, $0x1;
	s10 =	sld [smem:$0x3FB3]  }
0x3d: {  	_ =	shalt  }
0x3e: {  	_ =	shalt  }
0x3f: {  	_ =	shalt  }
0x40: {  	_ =	shalt  }
0x41: {  	_ =	shalt  }
0x42: {  	_ =	shalt  }
0x43: {  	_ =	shalt  }
0x44: {  	_ =	shalt  }
0x45: {  	_ =	shalt  }
0x46: {  	_ =	shalt  }
0x47: {  	_ =	shalt  }
0x48: {  	_ =	shalt  }
0x49: {  	_ =	shalt  }
0x4a: {  	_ =	shalt  }
0x4b: {  	_ =	shalt  }
0x4c: {  	_ =	shalt  }
0x4d: {  	_ =	shalt  }
0x4e: {  	_ =	shalt  }
0x4f: {  	_ =	shalt  }
0x50: {  	_ =	shalt  }
0x51: {  	_ =	shalt  }
0x52: {  	_ =	shalt  }
0x53: {  	_ =	shalt  }
0x54: {  	_ =	shalt  }
0x55: {  	_ =	shalt  }
0x56: {  	_ =	shalt  }
0x57: {  	_ =	shalt  }
0x58: {  	_ =	shalt  }
0x59: {  	_ =	shalt  }
0x5a: {  	_ =	shalt  }
0x5b: {  	_ =	shalt  }
0x5c: {  	_ =	shalt  }
0x5d: {  	_ =	shalt  }
0x5e: {  	_ =	shalt  }
0x5f: {  	_ =	shalt  }
0x60: {  	_ =	shalt  }
0x61: {  	_ =	shalt  }
0x62: {  	_ =	shalt  }
0x63: {  	_ =	shalt  }
0x64: {  	_ =	shalt  }
0x65: {  	_ =	shalt  }
0x66: {  	_ =	shalt  }
0x67: {  	_ =	shalt  }
0x68: {  	_ =	shalt  }
0x69: {  	_ =	shalt  }
0x6a: {  	_ =	shalt  }
0x6b: {  	_ =	shalt  }
0x6c: {  	_ =	shalt  }
0x6d: {  	_ =	shalt  }
0x6e: {  	_ =	shalt  }
0x6f: {  	_ =	shalt  }
0x70: {  	_ =	shalt  }
0x71: {  	_ =	shalt  }
0x72: {  	_ =	shalt  }
0x73: {  	_ =	shalt  }
0x74: {  	_ =	shalt  }
0x75: {  	_ =	shalt  }
0x76: {  	_ =	shalt  }
0x77: {  	_ =	shalt  }
0x78: {  	_ =	shalt  }
0x79: {  	_ =	shalt  }
0x7a: {  	_ =	shalt  }
0x7b: {  	_ =	shalt  }
0x7c: {  	_ =	shalt  }
0x7d: {  	_ =	shalt  }
0x7e: {  	_ =	shalt  }
0x7f: {  	_ =	shalt  }
0x80: {  	_ =	shalt  }
0x81: {  	_ =	shalt  }
0x82: {  	_ =	shalt  }
0x83: {  	_ =	shalt  }
0x84: {  	_ =	shalt  }
0x85: {  	_ =	shalt  }
0x86: {  	_ =	shalt  }
0x87: {  	_ =	shalt  }
.Lfunc_end0:
.L_simem_size_0:
called_computation.1_lowered:
.L_overlay_start_0:
0x88: {  	s2 =	sld [smem:$0x3FD9]  }
0x89: {  	s3 =	sld [smem:$0x3FFE];
	_ =	sdelay $0x1  }
0x8a: {  	s1 =	srdreg.scid  }
0x8b: {  	s0 =	sand.u32 $0x1, s1  }
0x8c: {  	s17 =	sshll.u32 s0, $0xA;
	s2 =	sadd.s32 s3, s2  }
0x8d: {  	s2 =	sadd.s32 s2, s17  }
0x8e: {  	[smem:$0x3FBF] =	sst s2  }
0x8f: {  	_ = 	snop  }
0x90: {  	s18 =	sld [smem:$0x3FC8];
	(tm) =	ssettm $0x1  }
0x91: {  	s19 =	sld [smem:$0x3FFB];
	_ =	sdelay $0x3  }
0x92: {  	_ =	strace s19  }
0x93: {  	s2 =	sld [smem:$0x3FFC];
	_ =	sdelay $0x3  }
0x94: {  	_ =	strace s2  }
0x95: {  	s2 =	sld [smem:$0x3FFD];
	_ =	sdelay $0x3  }
0x96: {  	_ =	strace s2  }
0x97: {  	_ =	strace $0x8FFFFFFF  }
0x98: {  	s20 =	sld [smem:$0x3FDB];
	_ =	sdelay $0x1  }
0x99: {  	s4 =	simm.s32 $_scs_section_size  }
0x9a: {  	s5 =	simm.s32 $_size__tile_overlayer_lowered;
	s6 =	simm.s32 $_tile_overlayer_lowered  }
0x9b: {  	s7 =	simm.s32 $0x1BFF;
	s21 =	sshll.u32 s6, $0x1;
	s4 =	sadd.s32 s4, s20  }
0x9c: {  	s22 =	simm.s32 $0x0;
	s5 =	sshll.u32 s5, $0x1;
	s6 =	sadd.s32 s21, s4  }
0x9d: {  	[timem:s22], [sflag:s7] =	dma.local [hbm:s6], s5  }
0x9e: {  	_ =	swait.ge [sflag:s7], s5  }
0x9f: {  	s5 =	ssub.s32 $0x0, s5;
	[sflag:s7] =	ssyncset.done $0x0  }
0xa0: {  	[sflag:s7] =	ssyncadd.s32 s5;
	_ =	sdelay $0x1  }
0xa1: {  	s23 =	simm.s32 $0x1B8B  }
0xa2: {  	_ =	swait.ge [sflag:s23], $0x1  }
0xa3: {  	[sflag:s23] =	ssyncset.done $0x0  }
0xa4: {  	[sflag:s23] =	ssyncadd.s32 $0xFFFFFFFF  }
0xa5: {  	s5 =	sld [smem:$0x0]  }
0xa6: {  	s6 =	sand.u32 $0xFFFFFFFE, s1  }
0xa7: {  	p0 =	sne.s32 s1, s6  }
0xa8: {  	s6 =	sshll.u32 @p0 s6, $0xE  }
0xa9: {  	s6 =	sadd.s32 @p0 $0x11B8D, s6;
	s7 =	sshll.u32 @p0 s5, $0x11  }
0xaa: {  	s6 =	sor.u32 @p0 s7, s6  }
0xab: {  	[sflag:s6] =	ssyncadd.remote.s32 @p0 $0x1;
	_ =	sdelay $0x1  }
0xac: {  	s6 =	simm.s32 @p0 $0x1B8D  }
0xad: {  	_ =	swait.eq @p0 [sflag:s6], $0x1  }
0xae: {  	[sflag:s6] =	ssyncadd.s32 @p0 $0xFFFFFFFF  }
0xaf: {  	s7 =	sshll.u32 @!p0 s1, $0xE  }
0xb0: {  	s7 =	sor.u32 @!p0 $0x4000, s7;
	s6 =	simm.s32 @!p0 $0x1B8D  }
0xb1: {  	s5 =	sshll.u32 @!p0 s5, $0x11;
	s7 =	sadd.s32 @!p0 $0x11B8D, s7;
	_ =	swait.eq @!p0 [sflag:s6], $0x1  }
0xb2: {  	s5 =	sor.u32 @!p0 s5, s7;
	[sflag:s6] =	ssyncadd.s32 @!p0 $0xFFFFFFFF  }
0xb3: {  	s25 =	simm.s32 $0x1B8E;
	s24 =	sld [smem:$0x3FFE];
	[sflag:s5] =	ssyncadd.remote.s32 @!p0 $0x1  }
0xb4: {  	s26 =	simm.s32 $execute0_lowered;
	[smem:$0x3FD2] =	sst s25  }
0xb5: {  	s6 =	sshll.u32 s26, $0x1;
	_ =	strace $0x80000049;
	[dreg:$0x1] =	wrdreg $0xFFFFFFFF  }
0xb6: {  	s28 =	simm.s32 $_size_execute0_lowered;
	s4 =	sadd.s32 s4, s6;
	[dreg:$0x0] =	wrdreg $0x0  }
0xb7: {  	s6 =	sshll.u32 s28, $0x1;
	[dreg:$0x2] =	wrdreg s4  }
0xb8: {  	[dreg:$0x3] =	wrdreg s6  }
0xb9: {  	[dreg:$0x4] =	wrdreg $0xC0  }
0xba: {  	_ =	task [dreg:s22], $0x5FFFF  }
0xbb: {  	[dreg:$0x1] =	wrdreg $0xFFFFFFFF  }
0xbc: {  	[dreg:$0x0] =	wrdreg $0x60  }
0xbd: {  	[dreg:$0x2] =	wrdreg s18  }
0xbe: {  	[dreg:$0x3] =	wrdreg s24  }
0xbf: {  	[dreg:$0x4] =	wrdreg $0xA  }
0xc0: {  	_ =	task.clear_ibuf [dreg:s22], $0x5FFFF;
	_ =	strace $0x90000049  }
0xc1: {  	s29 =	simm.s32 $0xA;
	_ =	strace $0x8000004B  }
0xc2: {  	_ =	swait.ge [sflag:s29], $0x1  }
0xc3: {  	[sflag:s29] =	ssyncadd.s32 $0xFFFFFFFF  }
0xc4: {  	_ =	strace $0x9000004B  }
0xc5: {  	_ =	sfence  }
0xc6: {  	s30 =	sld [smem:$0x0];
	_ =	sdelay $0x2  }
0xc7: {  	s31 =	sshll.u32 s1, $0xD;
	s1 =	sshrl.u32 s1, $0x2  }
0xc8: {  	s4 =	sand.u32 $0x4000, s31;
	s1 =	sadd.s32 s1, s30  }
0xc9: {  	s0 =	sor.u32 s4, s0;
	s1 =	sshll.u32 s1, $0x11  }
0xca: {  	s0 =	sor.u32 s1, s0  }
0xcb: {  	s0 =	sadd.s32 $0x8F2B, s0  }
0xcc: {  	[sflag:s0] =	ssyncadd.remote.s32 $0x1  }
0xcd: {  	_ =	sfence.sel $0xFFFF  }
0xce: {  	[dreg:$0x0] =	wrdreg $0xFFFFFFFF;
	(pc) =	sbr.abs _section_cstart, $3  }
0xcf: {  	[dreg:$0x1] =	wrdreg $0xFFFFFFFF  }
0xd0: {  	_ =	task.clear_ibuf [dreg:s22], $0x2FFFF;
	_ =	strace $0x9FFFFFFF  }
0xd1: {  	(tm) =	ssettm $0x7FFFFFFF  }
tec
execute0_lowered:
.L_overlay_start_1:
0x0: {  	(tag) =	ssettag $0x1  }
0x1: {  	s0 =	srdreg.scid;
	s3 =	stileid.u32  }
0x2: {  	s0 =	sand.u32 $0x1, s0;
	s4 =	sshll.u32 s3, $0x1  }
0x3: {  	s2 =	rddreg [dreg:$0x0];
	s4 =	sor.u32 s0, s4  }
0x4: {  	s1 =	rddreg [dreg:$0x1];
	s3 =	simm.s32 $0x0;
	s5 =	sshll.u32 s4, $0x8  }
0x5: {  	[smem:$0x7FF] =	sst s3;
	s6 =	smul.u32 $0xC000, s4;
	s5 =	sadd.s32 s5, s1  }
0x6: {  	_ =	strace $0x8000004A;
	s1 =	sadd.s32 $0x83E00, s1;
	s5 =	sadd.s32 $0x81E00, s5  }
0x7: {  	s4 =	smul.u32 $0x60000, s4;
	s6 =	sadd.s32 s1, s6;
	[dreg:$0x3] =	wrdreg s5  }
0x8: {  	s19 =	sadd.s32 $0x1000, s6;
	[dreg:$0xf] =	wrdreg s6  }
0x9: {  	s4 =	sshrl.u32 s4, $0x3;
	s20 =	sadd.s32 $0x2000, s6;
	[dreg:$0x4] =	wrdreg s19  }
0xa: {  	s21 =	sadd.s32 $0x3000, s6;
	s1 =	sadd.s32 s1, s4;
	[dreg:$0x5] =	wrdreg s20  }
0xb: {  	[dreg:$0x6] =	wrdreg s21;
	s4 =	sadd.s32 $0x4000, s1  }
0xc: {  	s16 =	simm.s32 $0x10800;
	s22 =	sadd.s32 $0x5000, s1;
	[dreg:$0x7] =	wrdreg s4  }
0xd: {  	s30 =	simm.s32 $0x1;
	s23 =	sadd.s32 $0x6000, s1;
	[dreg:$0x8] =	wrdreg s22  }
0xe: {  	s31 =	simm.s32 $0x4;
	s24 =	sadd.s32 $0x7000, s1;
	[dreg:$0x9] =	wrdreg s23  }
0xf: {  	s0 =	ssub.s32 $0x2, s0;
	s25 =	sadd.s32 $0x8000, s1;
	[dreg:$0xa] =	wrdreg s24  }
0x10: {  	s28 =	sshrl.u32 s0, $0x1;
	s26 =	sadd.s32 $0x9000, s1;
	[dreg:$0xb] =	wrdreg s25  }
0x11: {  	s0 =	ssub.s32 s0, s28;
	s29 =	sadd.s32 $0xA000, s1;
	[dreg:$0xc] =	wrdreg s26  }
0x12: {  	v2 =	vlaneseq.u32;
	s5 =	smax.u32 s0, $0x1;
	s1 =	sadd.s32 $0xB000, s1;
	[dreg:$0xd] =	wrdreg s29  }
0x13: {  	vm0 =	vmmov $0xffff;
	v1 =	vshrl.u32 v2, $0x3;
	s0 =	simm.s32 $0x5;
	s6 =	simm.s32 $0x6;
	[dreg:$0xe] =	wrdreg s1  }
0x14: {  	v0 =	vand.u32 $0x7, v2;
	v2 =	vor.u32 $0x8, v2;
	v1 =	vmul.u32 $0x8, v1;
	s1 =	simm.s32 $0x2;
	s4 =	simm.s32 $0x3;
	s23 =	simm.s32 $0x800  }
.LBB2_1:
0x15: {  	s8 =	rddreg [dreg:$0x3];
	s18 =	simm.s32 $0x7  }
0x16: {  	[tilespmem:s3], [sflag:$0x7] =	stream.linear.gather [hbm4b:s8+s3], $0x600, $0x38;
	[tilespmem:$0x18800] =	vst v63  }
0x17: {  	_ =	swait.ge [sflag:s18], $0x600  }
0x18: {  	[sflag:s18] =	ssyncset.done $0x0  }
0x19: {  	[sflag:s18] =	ssyncadd.s32 $0xFFFFFA00  }
0x1a: {  	v3 =	vld [tilespmem:$0x0];
	_ =	sdelay $0x4  }
0x1b: {  	v4 =	vshll.u32 v3, $0x1  }
0x1c: {  	v3 =	vand.u32 $0x7, v3;
	v4 =	vand.u32 $0xFFFFFFF0, v4  }
0x1d: {  	v3 =	vor.u32 v3, v4  }
0x1e: {  	v4 =	vperm.xlane v3, v0;
	_ =	sdelay $0x1  }
0x1f: {  	v3 =	vperm.xlane v3, v2;
	v4 =	vadd.s32 v1, v4;
	_ =	sdelay $0x1  }
0x20: {  	v3 =	vadd.s32 v1, v3;
	_ =	sdelay $0x2  }
0x21: {  	[tilespmem:s23], [sflag:$0x1] =	stream.indirect_vreg.gather [hbm4b:s2+s3], $0x80, v4, vm0, $0xb8;
	[tilespmem:$0x18800] =	vst v63  }
0x22: {  	s7 =	simm.s32 $0x1000  }
0x23: {  	[tilespmem:s7], [sflag:$0x1] =	stream.indirect_vreg.gather [hbm4b:s2+s3], $0x80, v3, vm0, $0xb8;
	[tilespmem:$0x18800] =	vst v63  }
0x24: {  	v3 =	vld [tilespmem:$0x10];
	_ =	sdelay $0x4  }
0x25: {  	v25 =	vshll.u32 v3, $0x1  }
0x26: {  	v3 =	vand.u32 $0x7, v3;
	v4 =	vand.u32 $0xFFFFFFF0, v25  }
0x27: {  	v3 =	vor.u32 v3, v4  }
0x28: {  	v4 =	vperm.xlane v3, v0;
	_ =	sdelay $0x1  }
0x29: {  	v3 =	vperm.xlane v3, v2;
	v4 =	vadd.s32 v1, v4;
	_ =	sdelay $0x1  }
0x2a: {  	v3 =	vadd.s32 v1, v3;
	_ =	sdelay $0x1  }
0x2b: {  	s19 =	simm.s32 $0x1800  }
0x2c: {  	[tilespmem:s19], [sflag:$0x1] =	stream.indirect_vreg.gather [hbm4b:s2+s3], $0x80, v4, vm0, $0xb8;
	[tilespmem:$0x18800] =	vst v63  }
0x2d: {  	s20 =	simm.s32 $0x2000  }
0x2e: {  	[tilespmem:s20], [sflag:$0x1] =	stream.indirect_vreg.gather [hbm4b:s2+s3], $0x80, v3, vm0, $0xb8;
	[tilespmem:$0x18800] =	vst v63  }
0x2f: {  	v3 =	vld [tilespmem:$0x20];
	_ =	sdelay $0x4  }
0x30: {  	v26 =	vshll.u32 v3, $0x1  }
0x31: {  	v3 =	vand.u32 $0x7, v3;
	v4 =	vand.u32 $0xFFFFFFF0, v26  }
0x32: {  	v3 =	vor.u32 v3, v4  }
0x33: {  	v4 =	vperm.xlane v3, v0;
	_ =	sdelay $0x1  }
0x34: {  	v3 =	vperm.xlane v3, v2;
	v4 =	vadd.s32 v1, v4;
	_ =	sdelay $0x1  }
0x35: {  	v3 =	vadd.s32 v1, v3;
	_ =	sdelay $0x1  }
0x36: {  	s21 =	simm.s32 $0x2800  }
0x37: {  	[tilespmem:s21], [sflag:$0x1] =	stream.indirect_vreg.gather [hbm4b:s2+s3], $0x80, v4, vm0, $0xb8;
	[tilespmem:$0x18800] =	vst v63  }
0x38: {  	s22 =	simm.s32 $0x3000  }
0x39: {  	[tilespmem:s22], [sflag:$0x1] =	stream.indirect_vreg.gather [hbm4b:s2+s3], $0x80, v3, vm0, $0xb8;
	[tilespmem:$0x18800] =	vst v63  }
0x3a: {  	v3 =	vld [tilespmem:$0x30];
	_ =	sdelay $0x4  }
0x3b: {  	v27 =	vshll.u32 v3, $0x1  }
0x3c: {  	v3 =	vand.u32 $0x7, v3;
	v4 =	vand.u32 $0xFFFFFFF0, v27  }
0x3d: {  	v3 =	vor.u32 v3, v4  }
0x3e: {  	v4 =	vperm.xlane v3, v0;
	_ =	sdelay $0x1  }
0x3f: {  	v3 =	vperm.xlane v3, v2;
	v4 =	vadd.s32 v1, v4;
	_ =	sdelay $0x1  }
0x40: {  	v3 =	vadd.s32 v1, v3;
	_ =	sdelay $0x1  }
0x41: {  	s24 =	simm.s32 $0x3800  }
0x42: {  	[tilespmem:s24], [sflag:$0x1] =	stream.indirect_vreg.gather [hbm4b:s2+s3], $0x80, v4, vm0, $0xb8;
	[tilespmem:$0x18800] =	vst v63  }
0x43: {  	s25 =	simm.s32 $0x4000  }
0x44: {  	[tilespmem:s25], [sflag:$0x1] =	stream.indirect_vreg.gather [hbm4b:s2+s3], $0x80, v3, vm0, $0xb8;
	[tilespmem:$0x18800] =	vst v63  }
0x45: {  	v3 =	vld [tilespmem:$0x40];
	_ =	sdelay $0x4  }
0x46: {  	v28 =	vshll.u32 v3, $0x1  }
0x47: {  	v3 =	vand.u32 $0x7, v3;
	v4 =	vand.u32 $0xFFFFFFF0, v28  }
0x48: {  	v3 =	vor.u32 v3, v4  }
0x49: {  	v4 =	vperm.xlane v3, v0;
	_ =	sdelay $0x1  }
0x4a: {  	v3 =	vperm.xlane v3, v2;
	v4 =	vadd.s32 v1, v4;
	_ =	sdelay $0x1  }
0x4b: {  	v3 =	vadd.s32 v1, v3;
	_ =	sdelay $0x1  }
0x4c: {  	s26 =	simm.s32 $0x4800  }
0x4d: {  	[tilespmem:s26], [sflag:$0x1] =	stream.indirect_vreg.gather [hbm4b:s2+s3], $0x80, v4, vm0, $0xb8;
	[tilespmem:$0x18800] =	vst v63  }
0x4e: {  	s28 =	simm.s32 $0x5000  }
0x4f: {  	[tilespmem:s28], [sflag:$0x1] =	stream.indirect_vreg.gather [hbm4b:s2+s3], $0x80, v3, vm0, $0xb8;
	[tilespmem:$0x18800] =	vst v63  }
0x50: {  	v3 =	vld [tilespmem:$0x50];
	_ =	sdelay $0x4  }
0x51: {  	v29 =	vshll.u32 v3, $0x1  }
0x52: {  	v3 =	vand.u32 $0x7, v3;
	v4 =	vand.u32 $0xFFFFFFF0, v29  }
0x53: {  	v3 =	vor.u32 v3, v4  }
0x54: {  	v4 =	vperm.xlane v3, v0;
	_ =	sdelay $0x1  }
0x55: {  	v3 =	vperm.xlane v3, v2;
	v4 =	vadd.s32 v1, v4;
	_ =	sdelay $0x1  }
0x56: {  	v3 =	vadd.s32 v1, v3;
	_ =	sdelay $0x1  }
0x57: {  	s29 =	simm.s32 $0x5800  }
0x58: {  	[tilespmem:s29], [sflag:$0x1] =	stream.indirect_vreg.gather [hbm4b:s2+s3], $0x80, v4, vm0, $0xb8;
	[tilespmem:$0x18800] =	vst v63  }
0x59: {  	s8 =	simm.s32 $0x6000  }
0x5a: {  	[tilespmem:s8], [sflag:$0x1] =	stream.indirect_vreg.gather [hbm4b:s2+s3], $0x80, v3, vm0, $0xb8;
	[tilespmem:$0x18800] =	vst v63  }
0x5b: {  	v3 =	vld [tilespmem:$0x60];
	_ =	sdelay $0x4  }
0x5c: {  	v30 =	vshll.u32 v3, $0x1  }
0x5d: {  	v3 =	vand.u32 $0x7, v3;
	v4 =	vand.u32 $0xFFFFFFF0, v30  }
0x5e: {  	v3 =	vor.u32 v3, v4  }
0x5f: {  	v4 =	vperm.xlane v3, v0;
	_ =	sdelay $0x1  }
0x60: {  	v3 =	vperm.xlane v3, v2;
	v4 =	vadd.s32 v1, v4;
	_ =	sdelay $0x1  }
0x61: {  	v3 =	vadd.s32 v1, v3;
	_ =	sdelay $0x1  }
0x62: {  	s11 =	simm.s32 $0x6800  }
0x63: {  	[tilespmem:s11], [sflag:$0x1] =	stream.indirect_vreg.gather [hbm4b:s2+s3], $0x80, v4, vm0, $0xb8;
	[tilespmem:$0x18800] =	vst v63  }
0x64: {  	s13 =	simm.s32 $0x7000  }
0x65: {  	[tilespmem:s13], [sflag:$0x1] =	stream.indirect_vreg.gather [hbm4b:s2+s3], $0x80, v3, vm0, $0xb8;
	[tilespmem:$0x18800] =	vst v63  }
0x66: {  	v3 =	vld [tilespmem:$0x70];
	_ =	sdelay $0x4  }
0x67: {  	v31 =	vshll.u32 v3, $0x1  }
0x68: {  	v3 =	vand.u32 $0x7, v3;
	v4 =	vand.u32 $0xFFFFFFF0, v31  }
0x69: {  	v3 =	vor.u32 v3, v4  }
0x6a: {  	v4 =	vperm.xlane v3, v0;
	_ =	sdelay $0x1  }
0x6b: {  	v3 =	vperm.xlane v3, v2;
	v4 =	vadd.s32 v1, v4;
	_ =	sdelay $0x1  }
0x6c: {  	v3 =	vadd.s32 v1, v3;
	_ =	sdelay $0x1  }
0x6d: {  	s14 =	simm.s32 $0x7800  }
0x6e: {  	[tilespmem:s14], [sflag:$0x1] =	stream.indirect_vreg.gather [hbm4b:s2+s3], $0x80, v4, vm0, $0xb8;
	[tilespmem:$0x18800] =	vst v63  }
0x6f: {  	s15 =	simm.s32 $0x8000  }
0x70: {  	[tilespmem:s15], [sflag:$0x1] =	stream.indirect_vreg.gather [hbm4b:s2+s3], $0x80, v3, vm0, $0xb8;
	[tilespmem:$0x18800] =	vst v63  }
0x71: {  	v3 =	vld [tilespmem:$0x80];
	_ =	sdelay $0x4  }
0x72: {  	v32 =	vshll.u32 v3, $0x1  }
0x73: {  	v3 =	vand.u32 $0x7, v3;
	v4 =	vand.u32 $0xFFFFFFF0, v32  }
0x74: {  	v3 =	vor.u32 v3, v4  }
0x75: {  	v4 =	vperm.xlane v3, v0;
	_ =	sdelay $0x1  }
0x76: {  	v3 =	vperm.xlane v3, v2;
	v4 =	vadd.s32 v1, v4;
	_ =	sdelay $0x1  }
0x77: {  	v3 =	vadd.s32 v1, v3;
	_ =	sdelay $0x1  }
0x78: {  	s7 =	simm.s32 $0x8800  }
0x79: {  	[tilespmem:s7], [sflag:$0x2] =	stream.indirect_vreg.gather [hbm4b:s2+s3], $0x80, v4, vm0, $0xb8;
	[tilespmem:$0x18800] =	vst v63  }
0x7a: {  	s17 =	simm.s32 $0x9000  }
0x7b: {  	[tilespmem:s17], [sflag:$0x2] =	stream.indirect_vreg.gather [hbm4b:s2+s3], $0x80, v3, vm0, $0xb8;
	[tilespmem:$0x18800] =	vst v63  }
0x7c: {  	v3 =	vld [tilespmem:$0x90];
	_ =	sdelay $0x4  }
0x7d: {  	v33 =	vshll.u32 v3, $0x1  }
0x7e: {  	v3 =	vand.u32 $0x7, v3;
	v4 =	vand.u32 $0xFFFFFFF0, v33  }
0x7f: {  	v3 =	vor.u32 v3, v4  }
0x80: {  	v4 =	vperm.xlane v3, v0;
	_ =	sdelay $0x1  }
0x81: {  	v3 =	vperm.xlane v3, v2;
	v4 =	vadd.s32 v1, v4;
	_ =	sdelay $0x1  }
0x82: {  	v3 =	vadd.s32 v1, v3;
	_ =	sdelay $0x1  }
0x83: {  	s18 =	simm.s32 $0x9800  }
0x84: {  	[tilespmem:s18], [sflag:$0x2] =	stream.indirect_vreg.gather [hbm4b:s2+s3], $0x80, v4, vm0, $0xb8;
	[tilespmem:$0x18800] =	vst v63  }
0x85: {  	s19 =	simm.s32 $0xA000  }
0x86: {  	[tilespmem:s19], [sflag:$0x2] =	stream.indirect_vreg.gather [hbm4b:s2+s3], $0x80, v3, vm0, $0xb8;
	[tilespmem:$0x18800] =	vst v63  }
0x87: {  	v3 =	vld [tilespmem:$0xA0];
	_ =	sdelay $0x4  }
0x88: {  	v34 =	vshll.u32 v3, $0x1  }
0x89: {  	v3 =	vand.u32 $0x7, v3;
	v4 =	vand.u32 $0xFFFFFFF0, v34  }
0x8a: {  	v3 =	vor.u32 v3, v4  }
0x8b: {  	v4 =	vperm.xlane v3, v0;
	_ =	sdelay $0x1  }
0x8c: {  	v3 =	vperm.xlane v3, v2;
	v4 =	vadd.s32 v1, v4;
	_ =	sdelay $0x1  }
0x8d: {  	v3 =	vadd.s32 v1, v3;
	_ =	sdelay $0x1  }
0x8e: {  	s20 =	simm.s32 $0xA800  }
0x8f: {  	[tilespmem:s20], [sflag:$0x2] =	stream.indirect_vreg.gather [hbm4b:s2+s3], $0x80, v4, vm0, $0xb8;
	[tilespmem:$0x18800] =	vst v63  }
0x90: {  	s21 =	simm.s32 $0xB000  }
0x91: {  	[tilespmem:s21], [sflag:$0x2] =	stream.indirect_vreg.gather [hbm4b:s2+s3], $0x80, v3, vm0, $0xb8;
	[tilespmem:$0x18800] =	vst v63  }
0x92: {  	v3 =	vld [tilespmem:$0xB0];
	_ =	sdelay $0x4  }
0x93: {  	v35 =	vshll.u32 v3, $0x1  }
0x94: {  	v3 =	vand.u32 $0x7, v3;
	v4 =	vand.u32 $0xFFFFFFF0, v35  }
0x95: {  	v3 =	vor.u32 v3, v4  }
0x96: {  	v4 =	vperm.xlane v3, v0;
	_ =	sdelay $0x1  }
0x97: {  	v3 =	vperm.xlane v3, v2;
	v4 =	vadd.s32 v1, v4;
	_ =	sdelay $0x1  }
0x98: {  	v3 =	vadd.s32 v1, v3;
	_ =	sdelay $0x1  }
0x99: {  	s22 =	simm.s32 $0xB800  }
0x9a: {  	[tilespmem:s22], [sflag:$0x2] =	stream.indirect_vreg.gather [hbm4b:s2+s3], $0x80, v4, vm0, $0xb8;
	[tilespmem:$0x18800] =	vst v63  }
0x9b: {  	s29 =	simm.s32 $0xC000  }
0x9c: {  	[tilespmem:s29], [sflag:$0x2] =	stream.indirect_vreg.gather [hbm4b:s2+s3], $0x80, v3, vm0, $0xb8;
	[tilespmem:$0x18800] =	vst v63  }
0x9d: {  	v3 =	vld [tilespmem:$0xC0];
	_ =	sdelay $0x4  }
0x9e: {  	v36 =	vshll.u32 v3, $0x1  }
0x9f: {  	v3 =	vand.u32 $0x7, v3;
	v4 =	vand.u32 $0xFFFFFFF0, v36  }
0xa0: {  	v3 =	vor.u32 v3, v4  }
0xa1: {  	v4 =	vperm.xlane v3, v0;
	_ =	sdelay $0x1  }
0xa2: {  	v3 =	vperm.xlane v3, v2;
	v4 =	vadd.s32 v1, v4;
	_ =	sdelay $0x1  }
0xa3: {  	v3 =	vadd.s32 v1, v3;
	_ =	sdelay $0x1  }
0xa4: {  	s11 =	simm.s32 $0xC800  }
0xa5: {  	[tilespmem:s11], [sflag:$0x2] =	stream.indirect_vreg.gather [hbm4b:s2+s3], $0x80, v4, vm0, $0xb8;
	[tilespmem:$0x18800] =	vst v63  }
0xa6: {  	s13 =	simm.s32 $0xD000  }
0xa7: {  	[tilespmem:s13], [sflag:$0x2] =	stream.indirect_vreg.gather [hbm4b:s2+s3], $0x80, v3, vm0, $0xb8;
	[tilespmem:$0x18800] =	vst v63  }
0xa8: {  	v3 =	vld [tilespmem:$0xD0];
	_ =	sdelay $0x4  }
0xa9: {  	v37 =	vshll.u32 v3, $0x1  }
0xaa: {  	v3 =	vand.u32 $0x7, v3;
	v4 =	vand.u32 $0xFFFFFFF0, v37  }
0xab: {  	v3 =	vor.u32 v3, v4  }
0xac: {  	v4 =	vperm.xlane v3, v0;
	_ =	sdelay $0x1  }
0xad: {  	v3 =	vperm.xlane v3, v2;
	v4 =	vadd.s32 v1, v4;
	_ =	sdelay $0x1  }
0xae: {  	v3 =	vadd.s32 v1, v3;
	_ =	sdelay $0x1  }
0xaf: {  	s14 =	simm.s32 $0xD800  }
0xb0: {  	[tilespmem:s14], [sflag:$0x2] =	stream.indirect_vreg.gather [hbm4b:s2+s3], $0x80, v4, vm0, $0xb8;
	[tilespmem:$0x18800] =	vst v63  }
0xb1: {  	s17 =	simm.s32 $0xE000  }
0xb2: {  	[tilespmem:s17], [sflag:$0x2] =	stream.indirect_vreg.gather [hbm4b:s2+s3], $0x80, v3, vm0, $0xb8;
	[tilespmem:$0x18800] =	vst v63  }
0xb3: {  	v3 =	vld [tilespmem:$0xE0];
	_ =	sdelay $0x4  }
0xb4: {  	v38 =	vshll.u32 v3, $0x1  }
0xb5: {  	v3 =	vand.u32 $0x7, v3;
	v4 =	vand.u32 $0xFFFFFFF0, v38  }
0xb6: {  	v3 =	vor.u32 v3, v4  }
0xb7: {  	v4 =	vperm.xlane v3, v0;
	_ =	sdelay $0x1  }
0xb8: {  	v3 =	vperm.xlane v3, v2;
	v4 =	vadd.s32 v1, v4;
	_ =	sdelay $0x1  }
0xb9: {  	v3 =	vadd.s32 v1, v3;
	_ =	sdelay $0x1  }
0xba: {  	s18 =	simm.s32 $0xE800  }
0xbb: {  	[tilespmem:s18], [sflag:$0x2] =	stream.indirect_vreg.gather [hbm4b:s2+s3], $0x80, v4, vm0, $0xb8;
	[tilespmem:$0x18800] =	vst v63  }
0xbc: {  	s19 =	simm.s32 $0xF000  }
0xbd: {  	[tilespmem:s19], [sflag:$0x2] =	stream.indirect_vreg.gather [hbm4b:s2+s3], $0x80, v3, vm0, $0xb8;
	[tilespmem:$0x18800] =	vst v63  }
0xbe: {  	v3 =	vld [tilespmem:$0xF0];
	_ =	sdelay $0x4  }
0xbf: {  	v39 =	vshll.u32 v3, $0x1  }
0xc0: {  	v3 =	vand.u32 $0x7, v3;
	v4 =	vand.u32 $0xFFFFFFF0, v39  }
0xc1: {  	v3 =	vor.u32 v3, v4  }
0xc2: {  	v4 =	vperm.xlane v3, v0;
	_ =	sdelay $0x1  }
0xc3: {  	v3 =	vperm.xlane v3, v2;
	v4 =	vadd.s32 v1, v4;
	_ =	sdelay $0x1  }
0xc4: {  	v3 =	vadd.s32 v1, v3;
	_ =	sdelay $0x1  }
0xc5: {  	s20 =	simm.s32 $0xF800  }
0xc6: {  	[tilespmem:s20], [sflag:$0x2] =	stream.indirect_vreg.gather [hbm4b:s2+s3], $0x80, v4, vm0, $0xb8;
	[tilespmem:$0x18800] =	vst v63  }
0xc7: {  	s21 =	simm.s32 $0x10000  }
0xc8: {  	[tilespmem:s21], [sflag:$0x2] =	stream.indirect_vreg.gather [hbm4b:s2+s3], $0x80, v3, vm0, $0xb8;
	[tilespmem:$0x18800] =	vst v63  }
0xc9: {  	v3 =	vld [tilespmem:$0x100];
	_ =	sdelay $0x4  }
0xca: {  	v40 =	vshll.u32 v3, $0x1  }
0xcb: {  	v3 =	vand.u32 $0x7, v3;
	v4 =	vand.u32 $0xFFFFFFF0, v40  }
0xcc: {  	v3 =	vor.u32 v3, v4  }
0xcd: {  	v4 =	vperm.xlane v3, v0;
	_ =	sdelay $0x1  }
0xce: {  	v3 =	vperm.xlane v3, v2;
	v4 =	vadd.s32 v1, v4;
	_ =	sdelay $0x1  }
0xcf: {  	v3 =	vadd.s32 v1, v3;
	_ =	sdelay $0x2  }
0xd0: {  	[tilespmem:s16], [sflag:$0x3] =	stream.indirect_vreg.gather [hbm4b:s2+s3], $0x80, v4, vm0, $0xb8;
	[tilespmem:$0x18800] =	vst v63  }
0xd1: {  	s22 =	simm.s32 $0x11000  }
0xd2: {  	[tilespmem:s22], [sflag:$0x3] =	stream.indirect_vreg.gather [hbm4b:s2+s3], $0x80, v3, vm0, $0xb8;
	[tilespmem:$0x18800] =	vst v63  }
0xd3: {  	v3 =	vld [tilespmem:$0x110];
	_ =	sdelay $0x4  }
0xd4: {  	v41 =	vshll.u32 v3, $0x1  }
0xd5: {  	v3 =	vand.u32 $0x7, v3;
	v4 =	vand.u32 $0xFFFFFFF0, v41  }
0xd6: {  	v3 =	vor.u32 v3, v4  }
0xd7: {  	v4 =	vperm.xlane v3, v0;
	_ =	sdelay $0x1  }
0xd8: {  	v3 =	vperm.xlane v3, v2;
	v4 =	vadd.s32 v1, v4;
	_ =	sdelay $0x1  }
0xd9: {  	v3 =	vadd.s32 v1, v3;
	_ =	sdelay $0x1  }
0xda: {  	s11 =	simm.s32 $0x11800  }
0xdb: {  	[tilespmem:s11], [sflag:$0x3] =	stream.indirect_vreg.gather [hbm4b:s2+s3], $0x80, v4, vm0, $0xb8;
	[tilespmem:$0x18800] =	vst v63  }
0xdc: {  	s13 =	simm.s32 $0x12000  }
0xdd: {  	[tilespmem:s13], [sflag:$0x3] =	stream.indirect_vreg.gather [hbm4b:s2+s3], $0x80, v3, vm0, $0xb8;
	[tilespmem:$0x18800] =	vst v63  }
0xde: {  	v3 =	vld [tilespmem:$0x120];
	_ =	sdelay $0x4  }
0xdf: {  	v42 =	vshll.u32 v3, $0x1  }
0xe0: {  	v3 =	vand.u32 $0x7, v3;
	v4 =	vand.u32 $0xFFFFFFF0, v42  }
0xe1: {  	v3 =	vor.u32 v3, v4  }
0xe2: {  	v4 =	vperm.xlane v3, v0;
	_ =	sdelay $0x1  }
0xe3: {  	v3 =	vperm.xlane v3, v2;
	v4 =	vadd.s32 v1, v4;
	_ =	sdelay $0x1  }
0xe4: {  	v3 =	vadd.s32 v1, v3;
	_ =	sdelay $0x1  }
0xe5: {  	s14 =	simm.s32 $0x12800  }
0xe6: {  	[tilespmem:s14], [sflag:$0x3] =	stream.indirect_vreg.gather [hbm4b:s2+s3], $0x80, v4, vm0, $0xb8;
	[tilespmem:$0x18800] =	vst v63  }
0xe7: {  	s20 =	simm.s32 $0x13000  }
0xe8: {  	[tilespmem:s20], [sflag:$0x3] =	stream.indirect_vreg.gather [hbm4b:s2+s3], $0x80, v3, vm0, $0xb8;
	[tilespmem:$0x18800] =	vst v63  }
0xe9: {  	v3 =	vld [tilespmem:$0x130];
	_ =	sdelay $0x4  }
0xea: {  	v43 =	vshll.u32 v3, $0x1  }
0xeb: {  	v3 =	vand.u32 $0x7, v3;
	v4 =	vand.u32 $0xFFFFFFF0, v43  }
0xec: {  	v3 =	vor.u32 v3, v4  }
0xed: {  	v4 =	vperm.xlane v3, v0;
	_ =	sdelay $0x1  }
0xee: {  	v3 =	vperm.xlane v3, v2;
	v4 =	vadd.s32 v1, v4;
	_ =	sdelay $0x1  }
0xef: {  	v3 =	vadd.s32 v1, v3;
	_ =	sdelay $0x1  }
0xf0: {  	s21 =	simm.s32 $0x13800  }
0xf1: {  	[tilespmem:s21], [sflag:$0x3] =	stream.indirect_vreg.gather [hbm4b:s2+s3], $0x80, v4, vm0, $0xb8;
	[tilespmem:$0x18800] =	vst v63  }
0xf2: {  	s22 =	simm.s32 $0x14000  }
0xf3: {  	[tilespmem:s22], [sflag:$0x3] =	stream.indirect_vreg.gather [hbm4b:s2+s3], $0x80, v3, vm0, $0xb8;
	[tilespmem:$0x18800] =	vst v63  }
0xf4: {  	v3 =	vld [tilespmem:$0x140];
	_ =	sdelay $0x4  }
0xf5: {  	v44 =	vshll.u32 v3, $0x1  }
0xf6: {  	v3 =	vand.u32 $0x7, v3;
	v4 =	vand.u32 $0xFFFFFFF0, v44  }
0xf7: {  	v3 =	vor.u32 v3, v4  }
0xf8: {  	v4 =	vperm.xlane v3, v0;
	_ =	sdelay $0x1  }
0xf9: {  	v3 =	vperm.xlane v3, v2;
	v4 =	vadd.s32 v1, v4;
	_ =	sdelay $0x1  }
0xfa: {  	v3 =	vadd.s32 v1, v3;
	_ =	sdelay $0x1  }
0xfb: {  	s11 =	simm.s32 $0x14800  }
0xfc: {  	[tilespmem:s11], [sflag:$0x3] =	stream.indirect_vreg.gather [hbm4b:s2+s3], $0x80, v4, vm0, $0xb8;
	[tilespmem:$0x18800] =	vst v63  }
0xfd: {  	s13 =	simm.s32 $0x15000  }
0xfe: {  	[tilespmem:s13], [sflag:$0x3] =	stream.indirect_vreg.gather [hbm4b:s2+s3], $0x80, v3, vm0, $0xb8;
	[tilespmem:$0x18800] =	vst v63  }
0xff: {  	v3 =	vld [tilespmem:$0x150];
	_ =	sdelay $0x4  }
0x100: {  	v45 =	vshll.u32 v3, $0x1  }
0x101: {  	v3 =	vand.u32 $0x7, v3;
	v4 =	vand.u32 $0xFFFFFFF0, v45  }
0x102: {  	v3 =	vor.u32 v3, v4  }
0x103: {  	v4 =	vperm.xlane v3, v0;
	_ =	sdelay $0x1  }
0x104: {  	v3 =	vperm.xlane v3, v2;
	v4 =	vadd.s32 v1, v4;
	_ =	sdelay $0x1  }
0x105: {  	v3 =	vadd.s32 v1, v3;
	_ =	sdelay $0x1  }
0x106: {  	s14 =	simm.s32 $0x15800  }
0x107: {  	[tilespmem:s14], [sflag:$0x3] =	stream.indirect_vreg.gather [hbm4b:s2+s3], $0x80, v4, vm0, $0xb8;
	[tilespmem:$0x18800] =	vst v63  }
0x108: {  	s20 =	simm.s32 $0x16000  }
0x109: {  	[tilespmem:s20], [sflag:$0x3] =	stream.indirect_vreg.gather [hbm4b:s2+s3], $0x80, v3, vm0, $0xb8;
	[tilespmem:$0x18800] =	vst v63  }
0x10a: {  	v3 =	vld [tilespmem:$0x160];
	_ =	sdelay $0x4  }
0x10b: {  	v46 =	vshll.u32 v3, $0x1  }
0x10c: {  	v3 =	vand.u32 $0x7, v3;
	v4 =	vand.u32 $0xFFFFFFF0, v46  }
0x10d: {  	v3 =	vor.u32 v3, v4  }
0x10e: {  	v4 =	vperm.xlane v3, v0;
	_ =	sdelay $0x1  }
0x10f: {  	v3 =	vperm.xlane v3, v2;
	v4 =	vadd.s32 v1, v4;
	_ =	sdelay $0x1  }
0x110: {  	v3 =	vadd.s32 v1, v3;
	_ =	sdelay $0x1  }
0x111: {  	s21 =	simm.s32 $0x16800  }
0x112: {  	[tilespmem:s21], [sflag:$0x3] =	stream.indirect_vreg.gather [hbm4b:s2+s3], $0x80, v4, vm0, $0xb8;
	[tilespmem:$0x18800] =	vst v63  }
0x113: {  	s22 =	simm.s32 $0x17000  }
0x114: {  	[tilespmem:s22], [sflag:$0x3] =	stream.indirect_vreg.gather [hbm4b:s2+s3], $0x80, v3, vm0, $0xb8;
	[tilespmem:$0x18800] =	vst v63  }
0x115: {  	v3 =	vld [tilespmem:$0x170];
	_ =	sdelay $0x4  }
0x116: {  	v47 =	vshll.u32 v3, $0x1  }
0x117: {  	v3 =	vand.u32 $0x7, v3;
	v4 =	vand.u32 $0xFFFFFFF0, v47  }
0x118: {  	v3 =	vor.u32 v3, v4  }
0x119: {  	v4 =	vperm.xlane v3, v0;
	_ =	sdelay $0x1  }
0x11a: {  	v3 =	vperm.xlane v3, v2;
	v4 =	vadd.s32 v1, v4;
	_ =	sdelay $0x1  }
0x11b: {  	v3 =	vadd.s32 v1, v3;
	_ =	sdelay $0x1  }
0x11c: {  	s11 =	simm.s32 $0x17800  }
0x11d: {  	[tilespmem:s11], [sflag:$0x3] =	stream.indirect_vreg.gather [hbm4b:s2+s3], $0x80, v4, vm0, $0xb8;
	[tilespmem:$0x18800] =	vst v63  }
0x11e: {  	s13 =	simm.s32 $0x18000  }
0x11f: {  	[tilespmem:s13], [sflag:$0x3] =	stream.indirect_vreg.gather [hbm4b:s2+s3], $0x80, v3, vm0, $0xb8;
	[tilespmem:$0x18800] =	vst v63  }
0x120: {  	_ =	swait.ge [sflag:s30], $0x8000  }
0x121: {  	[sflag:s30] =	ssyncset.done $0x0  }
0x122: {  	s14 =	rddreg [dreg:$0xf];
	[sflag:s30] =	ssyncadd.s32 $0xFFFF8000  }
0x123: {  	[hbm4b:s14+s3] =	stream.linear.scatter [tilespmem:s23], [sflag:$0x4], $0x8000, $0x38;
	[tilespmem:$0x18800] =	vst v63  }
0x124: {  	_ =	swait.ge [sflag:s31], $0x8000  }
0x125: {  	[sflag:s31] =	ssyncset.done $0x0  }
0x126: {  	[sflag:s31] =	ssyncadd.s32 $0xFFFF8000  }
0x127: {  	v3 =	vld [tilespmem:$0x180];
	_ =	sdelay $0x4  }
0x128: {  	v48 =	vshll.u32 v3, $0x1  }
0x129: {  	v3 =	vand.u32 $0x7, v3;
	v4 =	vand.u32 $0xFFFFFFF0, v48  }
0x12a: {  	v3 =	vor.u32 v3, v4  }
0x12b: {  	v4 =	vperm.xlane v3, v0;
	_ =	sdelay $0x1  }
0x12c: {  	v3 =	vperm.xlane v3, v2;
	v4 =	vadd.s32 v1, v4;
	_ =	sdelay $0x1  }
0x12d: {  	v3 =	vadd.s32 v1, v3;
	_ =	sdelay $0x2  }
0x12e: {  	[tilespmem:s23], [sflag:$0x1] =	stream.indirect_vreg.gather [hbm4b:s2+s3], $0x80, v4, vm0, $0xb8;
	[tilespmem:$0x18800] =	vst v63  }
0x12f: {  	s9 =	simm.s32 $0x1000  }
0x130: {  	[tilespmem:s9], [sflag:$0x1] =	stream.indirect_vreg.gather [hbm4b:s2+s3], $0x80, v3, vm0, $0xb8;
	[tilespmem:$0x18800] =	vst v63  }
0x131: {  	v3 =	vld [tilespmem:$0x190];
	_ =	sdelay $0x4  }
0x132: {  	v49 =	vshll.u32 v3, $0x1  }
0x133: {  	v3 =	vand.u32 $0x7, v3;
	v4 =	vand.u32 $0xFFFFFFF0, v49  }
0x134: {  	v3 =	vor.u32 v3, v4  }
0x135: {  	v4 =	vperm.xlane v3, v0;
	_ =	sdelay $0x1  }
0x136: {  	v3 =	vperm.xlane v3, v2;
	v4 =	vadd.s32 v1, v4;
	_ =	sdelay $0x1  }
0x137: {  	v3 =	vadd.s32 v1, v3;
	_ =	sdelay $0x1  }
0x138: {  	s20 =	simm.s32 $0x1800  }
0x139: {  	[tilespmem:s20], [sflag:$0x1] =	stream.indirect_vreg.gather [hbm4b:s2+s3], $0x80, v4, vm0, $0xb8;
	[tilespmem:$0x18800] =	vst v63  }
0x13a: {  	s10 =	simm.s32 $0x2000  }
0x13b: {  	[tilespmem:s10], [sflag:$0x1] =	stream.indirect_vreg.gather [hbm4b:s2+s3], $0x80, v3, vm0, $0xb8;
	[tilespmem:$0x18800] =	vst v63  }
0x13c: {  	v3 =	vld [tilespmem:$0x1A0];
	_ =	sdelay $0x4  }
0x13d: {  	v50 =	vshll.u32 v3, $0x1  }
0x13e: {  	v3 =	vand.u32 $0x7, v3;
	v4 =	vand.u32 $0xFFFFFFF0, v50  }
0x13f: {  	v3 =	vor.u32 v3, v4  }
0x140: {  	v4 =	vperm.xlane v3, v0;
	_ =	sdelay $0x1  }
0x141: {  	v3 =	vperm.xlane v3, v2;
	v4 =	vadd.s32 v1, v4;
	_ =	sdelay $0x1  }
0x142: {  	v3 =	vadd.s32 v1, v3;
	_ =	sdelay $0x1  }
0x143: {  	s21 =	simm.s32 $0x2800  }
0x144: {  	[tilespmem:s21], [sflag:$0x1] =	stream.indirect_vreg.gather [hbm4b:s2+s3], $0x80, v4, vm0, $0xb8;
	[tilespmem:$0x18800] =	vst v63  }
0x145: {  	s12 =	simm.s32 $0x3000  }
0x146: {  	[tilespmem:s12], [sflag:$0x1] =	stream.indirect_vreg.gather [hbm4b:s2+s3], $0x80, v3, vm0, $0xb8;
	[tilespmem:$0x18800] =	vst v63  }
0x147: {  	v3 =	vld [tilespmem:$0x1B0];
	_ =	sdelay $0x4  }
0x148: {  	v51 =	vshll.u32 v3, $0x1  }
0x149: {  	v3 =	vand.u32 $0x7, v3;
	v4 =	vand.u32 $0xFFFFFFF0, v51  }
0x14a: {  	v3 =	vor.u32 v3, v4  }
0x14b: {  	v4 =	vperm.xlane v3, v0;
	_ =	sdelay $0x1  }
0x14c: {  	v3 =	vperm.xlane v3, v2;
	v4 =	vadd.s32 v1, v4;
	_ =	sdelay $0x1  }
0x14d: {  	v3 =	vadd.s32 v1, v3;
	_ =	sdelay $0x1  }
0x14e: {  	s22 =	simm.s32 $0x3800  }
0x14f: {  	[tilespmem:s22], [sflag:$0x1] =	stream.indirect_vreg.gather [hbm4b:s2+s3], $0x80, v4, vm0, $0xb8;
	[tilespmem:$0x18800] =	vst v63  }
0x150: {  	s24 =	simm.s32 $0x4000  }
0x151: {  	[tilespmem:s24], [sflag:$0x1] =	stream.indirect_vreg.gather [hbm4b:s2+s3], $0x80, v3, vm0, $0xb8;
	[tilespmem:$0x18800] =	vst v63  }
0x152: {  	v3 =	vld [tilespmem:$0x1C0];
	_ =	sdelay $0x4  }
0x153: {  	v52 =	vshll.u32 v3, $0x1  }
0x154: {  	v3 =	vand.u32 $0x7, v3;
	v4 =	vand.u32 $0xFFFFFFF0, v52  }
0x155: {  	v3 =	vor.u32 v3, v4  }
0x156: {  	v4 =	vperm.xlane v3, v0;
	_ =	sdelay $0x1  }
0x157: {  	v3 =	vperm.xlane v3, v2;
	v4 =	vadd.s32 v1, v4;
	_ =	sdelay $0x1  }
0x158: {  	v3 =	vadd.s32 v1, v3;
	_ =	sdelay $0x1  }
0x159: {  	s24 =	simm.s32 $0x4800  }
0x15a: {  	[tilespmem:s24], [sflag:$0x1] =	stream.indirect_vreg.gather [hbm4b:s2+s3], $0x80, v4, vm0, $0xb8;
	[tilespmem:$0x18800] =	vst v63  }
0x15b: {  	s11 =	simm.s32 $0x5000  }
0x15c: {  	[tilespmem:s11], [sflag:$0x1] =	stream.indirect_vreg.gather [hbm4b:s2+s3], $0x80, v3, vm0, $0xb8;
	[tilespmem:$0x18800] =	vst v63  }
0x15d: {  	v3 =	vld [tilespmem:$0x1D0];
	_ =	sdelay $0x4  }
0x15e: {  	v53 =	vshll.u32 v3, $0x1  }
0x15f: {  	v3 =	vand.u32 $0x7, v3;
	v4 =	vand.u32 $0xFFFFFFF0, v53  }
0x160: {  	v3 =	vor.u32 v3, v4  }
0x161: {  	v4 =	vperm.xlane v3, v0;
	_ =	sdelay $0x1  }
0x162: {  	v3 =	vperm.xlane v3, v2;
	v4 =	vadd.s32 v1, v4;
	_ =	sdelay $0x1  }
0x163: {  	v3 =	vadd.s32 v1, v3;
	_ =	sdelay $0x1  }
0x164: {  	s12 =	simm.s32 $0x5800  }
0x165: {  	[tilespmem:s12], [sflag:$0x1] =	stream.indirect_vreg.gather [hbm4b:s2+s3], $0x80, v4, vm0, $0xb8;
	[tilespmem:$0x18800] =	vst v63  }
0x166: {  	s13 =	simm.s32 $0x6000  }
0x167: {  	[tilespmem:s13], [sflag:$0x1] =	stream.indirect_vreg.gather [hbm4b:s2+s3], $0x80, v3, vm0, $0xb8;
	[tilespmem:$0x18800] =	vst v63  }
0x168: {  	v3 =	vld [tilespmem:$0x1E0];
	_ =	sdelay $0x4  }
0x169: {  	v54 =	vshll.u32 v3, $0x1  }
0x16a: {  	v3 =	vand.u32 $0x7, v3;
	v4 =	vand.u32 $0xFFFFFFF0, v54  }
0x16b: {  	v3 =	vor.u32 v3, v4  }
0x16c: {  	v4 =	vperm.xlane v3, v0;
	_ =	sdelay $0x1  }
0x16d: {  	v3 =	vperm.xlane v3, v2;
	v4 =	vadd.s32 v1, v4;
	_ =	sdelay $0x1  }
0x16e: {  	v3 =	vadd.s32 v1, v3;
	_ =	sdelay $0x1  }
0x16f: {  	s9 =	simm.s32 $0x6800  }
0x170: {  	[tilespmem:s9], [sflag:$0x1] =	stream.indirect_vreg.gather [hbm4b:s2+s3], $0x80, v4, vm0, $0xb8;
	[tilespmem:$0x18800] =	vst v63  }
0x171: {  	s14 =	simm.s32 $0x7000  }
0x172: {  	[tilespmem:s14], [sflag:$0x1] =	stream.indirect_vreg.gather [hbm4b:s2+s3], $0x80, v3, vm0, $0xb8;
	[tilespmem:$0x18800] =	vst v63  }
0x173: {  	v3 =	vld [tilespmem:$0x1F0];
	_ =	sdelay $0x4  }
0x174: {  	v55 =	vshll.u32 v3, $0x1  }
0x175: {  	v3 =	vand.u32 $0x7, v3;
	v4 =	vand.u32 $0xFFFFFFF0, v55  }
0x176: {  	v3 =	vor.u32 v3, v4  }
0x177: {  	v4 =	vperm.xlane v3, v0;
	_ =	sdelay $0x1  }
0x178: {  	v3 =	vperm.xlane v3, v2;
	v4 =	vadd.s32 v1, v4;
	_ =	sdelay $0x1  }
0x179: {  	v3 =	vadd.s32 v1, v3;
	_ =	sdelay $0x1  }
0x17a: {  	s10 =	simm.s32 $0x7800  }
0x17b: {  	[tilespmem:s10], [sflag:$0x1] =	stream.indirect_vreg.gather [hbm4b:s2+s3], $0x80, v4, vm0, $0xb8;
	[tilespmem:$0x18800] =	vst v63  }
0x17c: {  	s15 =	simm.s32 $0x8000  }
0x17d: {  	[tilespmem:s15], [sflag:$0x1] =	stream.indirect_vreg.gather [hbm4b:s2+s3], $0x80, v3, vm0, $0xb8;
	[tilespmem:$0x18800] =	vst v63  }
0x17e: {  	_ =	swait.ge [sflag:s1], $0x8000  }
0x17f: {  	[sflag:s1] =	ssyncset.done $0x0  }
0x180: {  	s15 =	rddreg [dreg:$0x4];
	[sflag:s1] =	ssyncadd.s32 $0xFFFF8000  }
0x181: {  	[hbm4b:s15+s3] =	stream.linear.scatter [tilespmem:s7], [sflag:$0x5], $0x8000, $0x38;
	[tilespmem:$0x18800] =	vst v63  }
0x182: {  	_ =	swait.ge [sflag:s0], $0x8000  }
0x183: {  	[sflag:s0] =	ssyncset.done $0x0  }
0x184: {  	[sflag:s0] =	ssyncadd.s32 $0xFFFF8000  }
0x185: {  	v3 =	vld [tilespmem:$0x200];
	_ =	sdelay $0x4  }
0x186: {  	v56 =	vshll.u32 v3, $0x1  }
0x187: {  	v3 =	vand.u32 $0x7, v3;
	v4 =	vand.u32 $0xFFFFFFF0, v56  }
0x188: {  	v3 =	vor.u32 v3, v4  }
0x189: {  	v4 =	vperm.xlane v3, v0;
	_ =	sdelay $0x1  }
0x18a: {  	v3 =	vperm.xlane v3, v2;
	v4 =	vadd.s32 v1, v4;
	_ =	sdelay $0x1  }
0x18b: {  	v3 =	vadd.s32 v1, v3;
	_ =	sdelay $0x2  }
0x18c: {  	[tilespmem:s7], [sflag:$0x2] =	stream.indirect_vreg.gather [hbm4b:s2+s3], $0x80, v4, vm0, $0xb8;
	[tilespmem:$0x18800] =	vst v63  }
0x18d: {  	s26 =	simm.s32 $0x9000  }
0x18e: {  	[tilespmem:s26], [sflag:$0x2] =	stream.indirect_vreg.gather [hbm4b:s2+s3], $0x80, v3, vm0, $0xb8;
	[tilespmem:$0x18800] =	vst v63  }
0x18f: {  	v3 =	vld [tilespmem:$0x210];
	_ =	sdelay $0x4  }
0x190: {  	v57 =	vshll.u32 v3, $0x1  }
0x191: {  	v3 =	vand.u32 $0x7, v3;
	v4 =	vand.u32 $0xFFFFFFF0, v57  }
0x192: {  	v3 =	vor.u32 v3, v4  }
0x193: {  	v4 =	vperm.xlane v3, v0;
	_ =	sdelay $0x1  }
0x194: {  	v3 =	vperm.xlane v3, v2;
	v4 =	vadd.s32 v1, v4;
	_ =	sdelay $0x1  }
0x195: {  	v3 =	vadd.s32 v1, v3;
	_ =	sdelay $0x1  }
0x196: {  	s15 =	simm.s32 $0x9800  }
0x197: {  	[tilespmem:s15], [sflag:$0x2] =	stream.indirect_vreg.gather [hbm4b:s2+s3], $0x80, v4, vm0, $0xb8;
	[tilespmem:$0x18800] =	vst v63  }
0x198: {  	s25 =	simm.s32 $0xA000  }
0x199: {  	[tilespmem:s25], [sflag:$0x2] =	stream.indirect_vreg.gather [hbm4b:s2+s3], $0x80, v3, vm0, $0xb8;
	[tilespmem:$0x18800] =	vst v63  }
0x19a: {  	v3 =	vld [tilespmem:$0x220];
	_ =	sdelay $0x4  }
0x19b: {  	v58 =	vshll.u32 v3, $0x1  }
0x19c: {  	v3 =	vand.u32 $0x7, v3;
	v4 =	vand.u32 $0xFFFFFFF0, v58  }
0x19d: {  	v3 =	vor.u32 v3, v4  }
0x19e: {  	v4 =	vperm.xlane v3, v0;
	_ =	sdelay $0x1  }
0x19f: {  	v3 =	vperm.xlane v3, v2;
	v4 =	vadd.s32 v1, v4;
	_ =	sdelay $0x1  }
0x1a0: {  	v3 =	vadd.s32 v1, v3;
	_ =	sdelay $0x1  }
0x1a1: {  	s26 =	simm.s32 $0xA800  }
0x1a2: {  	[tilespmem:s26], [sflag:$0x2] =	stream.indirect_vreg.gather [hbm4b:s2+s3], $0x80, v4, vm0, $0xb8;
	[tilespmem:$0x18800] =	vst v63  }
0x1a3: {  	s28 =	simm.s32 $0xB000  }
0x1a4: {  	[tilespmem:s28], [sflag:$0x2] =	stream.indirect_vreg.gather [hbm4b:s2+s3], $0x80, v3, vm0, $0xb8;
	[tilespmem:$0x18800] =	vst v63  }
0x1a5: {  	v3 =	vld [tilespmem:$0x230];
	_ =	sdelay $0x4  }
0x1a6: {  	v59 =	vshll.u32 v3, $0x1  }
0x1a7: {  	v3 =	vand.u32 $0x7, v3;
	v4 =	vand.u32 $0xFFFFFFF0, v59  }
0x1a8: {  	v3 =	vor.u32 v3, v4  }
0x1a9: {  	v4 =	vperm.xlane v3, v0;
	_ =	sdelay $0x1  }
0x1aa: {  	v3 =	vperm.xlane v3, v2;
	v4 =	vadd.s32 v1, v4;
	_ =	sdelay $0x1  }
0x1ab: {  	v3 =	vadd.s32 v1, v3;
	_ =	sdelay $0x1  }
0x1ac: {  	s28 =	simm.s32 $0xB800  }
0x1ad: {  	[tilespmem:s28], [sflag:$0x2] =	stream.indirect_vreg.gather [hbm4b:s2+s3], $0x80, v4, vm0, $0xb8;
	[tilespmem:$0x18800] =	vst v63  }
0x1ae: {  	s29 =	simm.s32 $0xC000  }
0x1af: {  	[tilespmem:s29], [sflag:$0x2] =	stream.indirect_vreg.gather [hbm4b:s2+s3], $0x80, v3, vm0, $0xb8;
	[tilespmem:$0x18800] =	vst v63  }
0x1b0: {  	v3 =	vld [tilespmem:$0x240];
	_ =	sdelay $0x4  }
0x1b1: {  	v60 =	vshll.u32 v3, $0x1  }
0x1b2: {  	v3 =	vand.u32 $0x7, v3;
	v4 =	vand.u32 $0xFFFFFFF0, v60  }
0x1b3: {  	v3 =	vor.u32 v3, v4  }
0x1b4: {  	v4 =	vperm.xlane v3, v0;
	_ =	sdelay $0x1  }
0x1b5: {  	v3 =	vperm.xlane v3, v2;
	v4 =	vadd.s32 v1, v4;
	_ =	sdelay $0x1  }
0x1b6: {  	v3 =	vadd.s32 v1, v3;
	_ =	sdelay $0x1  }
0x1b7: {  	s29 =	simm.s32 $0xC800  }
0x1b8: {  	[tilespmem:s29], [sflag:$0x2] =	stream.indirect_vreg.gather [hbm4b:s2+s3], $0x80, v4, vm0, $0xb8;
	[tilespmem:$0x18800] =	vst v63  }
0x1b9: {  	s15 =	simm.s32 $0xD000  }
0x1ba: {  	[tilespmem:s15], [sflag:$0x2] =	stream.indirect_vreg.gather [hbm4b:s2+s3], $0x80, v3, vm0, $0xb8;
	[tilespmem:$0x18800] =	vst v63  }
0x1bb: {  	v3 =	vld [tilespmem:$0x250];
	_ =	sdelay $0x4  }
0x1bc: {  	v61 =	vshll.u32 v3, $0x1  }
0x1bd: {  	v3 =	vand.u32 $0x7, v3;
	v4 =	vand.u32 $0xFFFFFFF0, v61  }
0x1be: {  	v3 =	vor.u32 v3, v4  }
0x1bf: {  	v4 =	vperm.xlane v3, v0;
	_ =	sdelay $0x1  }
0x1c0: {  	v3 =	vperm.xlane v3, v2;
	v4 =	vadd.s32 v1, v4;
	_ =	sdelay $0x1  }
0x1c1: {  	v3 =	vadd.s32 v1, v3;
	_ =	sdelay $0x1  }
0x1c2: {  	s25 =	simm.s32 $0xD800  }
0x1c3: {  	[tilespmem:s25], [sflag:$0x2] =	stream.indirect_vreg.gather [hbm4b:s2+s3], $0x80, v4, vm0, $0xb8;
	[tilespmem:$0x18800] =	vst v63  }
0x1c4: {  	s17 =	simm.s32 $0xE000  }
0x1c5: {  	[tilespmem:s17], [sflag:$0x2] =	stream.indirect_vreg.gather [hbm4b:s2+s3], $0x80, v3, vm0, $0xb8;
	[tilespmem:$0x18800] =	vst v63  }
0x1c6: {  	v3 =	vld [tilespmem:$0x260];
	_ =	sdelay $0x4  }
0x1c7: {  	v62 =	vshll.u32 v3, $0x1  }
0x1c8: {  	v3 =	vand.u32 $0x7, v3;
	v4 =	vand.u32 $0xFFFFFFF0, v62  }
0x1c9: {  	v3 =	vor.u32 v3, v4  }
0x1ca: {  	v4 =	vperm.xlane v3, v0;
	_ =	sdelay $0x1  }
0x1cb: {  	v3 =	vperm.xlane v3, v2;
	v4 =	vadd.s32 v1, v4;
	_ =	sdelay $0x1  }
0x1cc: {  	v3 =	vadd.s32 v1, v3;
	_ =	sdelay $0x1  }
0x1cd: {  	s26 =	simm.s32 $0xE800  }
0x1ce: {  	[tilespmem:s26], [sflag:$0x2] =	stream.indirect_vreg.gather [hbm4b:s2+s3], $0x80, v4, vm0, $0xb8;
	[tilespmem:$0x18800] =	vst v63  }
0x1cf: {  	s18 =	simm.s32 $0xF000  }
0x1d0: {  	[tilespmem:s18], [sflag:$0x2] =	stream.indirect_vreg.gather [hbm4b:s2+s3], $0x80, v3, vm0, $0xb8;
	[tilespmem:$0x18800] =	vst v63  }
0x1d1: {  	v3 =	vld [tilespmem:$0x270];
	_ =	sdelay $0x4  }
0x1d2: {  	v63 =	vshll.u32 v3, $0x1  }
0x1d3: {  	v3 =	vand.u32 $0x7, v3;
	v4 =	vand.u32 $0xFFFFFFF0, v63  }
0x1d4: {  	v3 =	vor.u32 v3, v4  }
0x1d5: {  	v4 =	vperm.xlane v3, v0;
	_ =	sdelay $0x1  }
0x1d6: {  	v3 =	vperm.xlane v3, v2;
	v4 =	vadd.s32 v1, v4;
	_ =	sdelay $0x1  }
0x1d7: {  	v3 =	vadd.s32 v1, v3;
	_ =	sdelay $0x1  }
0x1d8: {  	s28 =	simm.s32 $0xF800  }
0x1d9: {  	[tilespmem:s28], [sflag:$0x2] =	stream.indirect_vreg.gather [hbm4b:s2+s3], $0x80, v4, vm0, $0xb8;
	[tilespmem:$0x18800] =	vst v63  }
0x1da: {  	s19 =	simm.s32 $0x10000  }
0x1db: {  	[tilespmem:s19], [sflag:$0x2] =	stream.indirect_vreg.gather [hbm4b:s2+s3], $0x80, v3, vm0, $0xb8;
	[tilespmem:$0x18800] =	vst v63  }
0x1dc: {  	_ =	swait.ge [sflag:s4], $0x8000  }
0x1dd: {  	[sflag:s4] =	ssyncset.done $0x0  }
0x1de: {  	s29 =	rddreg [dreg:$0x5];
	[sflag:s4] =	ssyncadd.s32 $0xFFFF8000  }
0x1df: {  	[hbm4b:s29+s3] =	stream.linear.scatter [tilespmem:s16], [sflag:$0x6], $0x8000, $0x38;
	[tilespmem:$0x18800] =	vst v63  }
0x1e0: {  	_ =	swait.ge [sflag:s6], $0x8000  }
0x1e1: {  	[sflag:s6] =	ssyncset.done $0x0  }
0x1e2: {  	[sflag:s6] =	ssyncadd.s32 $0xFFFF8000  }
0x1e3: {  	v3 =	vld [tilespmem:$0x280];
	_ =	sdelay $0x4  }
0x1e4: {  	v8 =	vshll.u32 v3, $0x1  }
0x1e5: {  	v3 =	vand.u32 $0x7, v3;
	v4 =	vand.u32 $0xFFFFFFF0, v8  }
0x1e6: {  	v3 =	vor.u32 v3, v4  }
0x1e7: {  	v4 =	vperm.xlane v3, v0;
	_ =	sdelay $0x1  }
0x1e8: {  	v3 =	vperm.xlane v3, v2;
	v4 =	vadd.s32 v1, v4;
	_ =	sdelay $0x1  }
0x1e9: {  	v3 =	vadd.s32 v1, v3;
	_ =	sdelay $0x2  }
0x1ea: {  	[tilespmem:s16], [sflag:$0x3] =	stream.indirect_vreg.gather [hbm4b:s2+s3], $0x80, v4, vm0, $0xb8;
	[tilespmem:$0x18800] =	vst v63  }
0x1eb: {  	s15 =	simm.s32 $0x11000  }
0x1ec: {  	[tilespmem:s15], [sflag:$0x3] =	stream.indirect_vreg.gather [hbm4b:s2+s3], $0x80, v3, vm0, $0xb8;
	[tilespmem:$0x18800] =	vst v63  }
0x1ed: {  	v3 =	vld [tilespmem:$0x290];
	_ =	sdelay $0x4  }
0x1ee: {  	v9 =	vshll.u32 v3, $0x1  }
0x1ef: {  	v3 =	vand.u32 $0x7, v3;
	v4 =	vand.u32 $0xFFFFFFF0, v9  }
0x1f0: {  	v3 =	vor.u32 v3, v4  }
0x1f1: {  	v4 =	vperm.xlane v3, v0;
	_ =	sdelay $0x1  }
0x1f2: {  	v3 =	vperm.xlane v3, v2;
	v4 =	vadd.s32 v1, v4;
	_ =	sdelay $0x1  }
0x1f3: {  	v3 =	vadd.s32 v1, v3;
	_ =	sdelay $0x1  }
0x1f4: {  	s17 =	simm.s32 $0x11800  }
0x1f5: {  	[tilespmem:s17], [sflag:$0x3] =	stream.indirect_vreg.gather [hbm4b:s2+s3], $0x80, v4, vm0, $0xb8;
	[tilespmem:$0x18800] =	vst v63  }
0x1f6: {  	s18 =	simm.s32 $0x12000  }
0x1f7: {  	[tilespmem:s18], [sflag:$0x3] =	stream.indirect_vreg.gather [hbm4b:s2+s3], $0x80, v3, vm0, $0xb8;
	[tilespmem:$0x18800] =	vst v63  }
0x1f8: {  	v3 =	vld [tilespmem:$0x2A0];
	_ =	sdelay $0x4  }
0x1f9: {  	v10 =	vshll.u32 v3, $0x1  }
0x1fa: {  	v3 =	vand.u32 $0x7, v3;
	v4 =	vand.u32 $0xFFFFFFF0, v10  }
0x1fb: {  	v3 =	vor.u32 v3, v4  }
0x1fc: {  	v4 =	vperm.xlane v3, v0;
	_ =	sdelay $0x1  }
0x1fd: {  	v3 =	vperm.xlane v3, v2;
	v4 =	vadd.s32 v1, v4;
	_ =	sdelay $0x1  }
0x1fe: {  	v3 =	vadd.s32 v1, v3;
	_ =	sdelay $0x1  }
0x1ff: {  	s19 =	simm.s32 $0x12800  }
0x200: {  	[tilespmem:s19], [sflag:$0x3] =	stream.indirect_vreg.gather [hbm4b:s2+s3], $0x80, v4, vm0, $0xb8;
	[tilespmem:$0x18800] =	vst v63  }
0x201: {  	s25 =	simm.s32 $0x13000  }
0x202: {  	[tilespmem:s25], [sflag:$0x3] =	stream.indirect_vreg.gather [hbm4b:s2+s3], $0x80, v3, vm0, $0xb8;
	[tilespmem:$0x18800] =	vst v63  }
0x203: {  	v3 =	vld [tilespmem:$0x2B0];
	_ =	sdelay $0x4  }
0x204: {  	v11 =	vshll.u32 v3, $0x1  }
0x205: {  	v3 =	vand.u32 $0x7, v3;
	v4 =	vand.u32 $0xFFFFFFF0, v11  }
0x206: {  	v3 =	vor.u32 v3, v4  }
0x207: {  	v4 =	vperm.xlane v3, v0;
	_ =	sdelay $0x1  }
0x208: {  	v3 =	vperm.xlane v3, v2;
	v4 =	vadd.s32 v1, v4;
	_ =	sdelay $0x1  }
0x209: {  	v3 =	vadd.s32 v1, v3;
	_ =	sdelay $0x1  }
0x20a: {  	s26 =	simm.s32 $0x13800  }
0x20b: {  	[tilespmem:s26], [sflag:$0x3] =	stream.indirect_vreg.gather [hbm4b:s2+s3], $0x80, v4, vm0, $0xb8;
	[tilespmem:$0x18800] =	vst v63  }
0x20c: {  	s28 =	simm.s32 $0x14000  }
0x20d: {  	[tilespmem:s28], [sflag:$0x3] =	stream.indirect_vreg.gather [hbm4b:s2+s3], $0x80, v3, vm0, $0xb8;
	[tilespmem:$0x18800] =	vst v63  }
0x20e: {  	v3 =	vld [tilespmem:$0x2C0];
	_ =	sdelay $0x4  }
0x20f: {  	v12 =	vshll.u32 v3, $0x1  }
0x210: {  	v3 =	vand.u32 $0x7, v3;
	v4 =	vand.u32 $0xFFFFFFF0, v12  }
0x211: {  	v3 =	vor.u32 v3, v4  }
0x212: {  	v4 =	vperm.xlane v3, v0;
	_ =	sdelay $0x1  }
0x213: {  	v3 =	vperm.xlane v3, v2;
	v4 =	vadd.s32 v1, v4;
	_ =	sdelay $0x1  }
0x214: {  	v3 =	vadd.s32 v1, v3;
	_ =	sdelay $0x1  }
0x215: {  	s19 =	simm.s32 $0x14800  }
0x216: {  	[tilespmem:s19], [sflag:$0x3] =	stream.indirect_vreg.gather [hbm4b:s2+s3], $0x80, v4, vm0, $0xb8;
	[tilespmem:$0x18800] =	vst v63  }
0x217: {  	s25 =	simm.s32 $0x15000  }
0x218: {  	[tilespmem:s25], [sflag:$0x3] =	stream.indirect_vreg.gather [hbm4b:s2+s3], $0x80, v3, vm0, $0xb8;
	[tilespmem:$0x18800] =	vst v63  }
0x219: {  	v3 =	vld [tilespmem:$0x2D0];
	_ =	sdelay $0x4  }
0x21a: {  	v13 =	vshll.u32 v3, $0x1  }
0x21b: {  	v3 =	vand.u32 $0x7, v3;
	v4 =	vand.u32 $0xFFFFFFF0, v13  }
0x21c: {  	v3 =	vor.u32 v3, v4  }
0x21d: {  	v4 =	vperm.xlane v3, v0;
	_ =	sdelay $0x1  }
0x21e: {  	v3 =	vperm.xlane v3, v2;
	v4 =	vadd.s32 v1, v4;
	_ =	sdelay $0x1  }
0x21f: {  	v3 =	vadd.s32 v1, v3;
	_ =	sdelay $0x1  }
0x220: {  	s26 =	simm.s32 $0x15800  }
0x221: {  	[tilespmem:s26], [sflag:$0x3] =	stream.indirect_vreg.gather [hbm4b:s2+s3], $0x80, v4, vm0, $0xb8;
	[tilespmem:$0x18800] =	vst v63  }
0x222: {  	s28 =	simm.s32 $0x16000  }
0x223: {  	[tilespmem:s28], [sflag:$0x3] =	stream.indirect_vreg.gather [hbm4b:s2+s3], $0x80, v3, vm0, $0xb8;
	[tilespmem:$0x18800] =	vst v63  }
0x224: {  	v3 =	vld [tilespmem:$0x2E0];
	_ =	sdelay $0x4  }
0x225: {  	v14 =	vshll.u32 v3, $0x1  }
0x226: {  	v3 =	vand.u32 $0x7, v3;
	v4 =	vand.u32 $0xFFFFFFF0, v14  }
0x227: {  	v3 =	vor.u32 v3, v4  }
0x228: {  	v4 =	vperm.xlane v3, v0;
	_ =	sdelay $0x1  }
0x229: {  	v3 =	vperm.xlane v3, v2;
	v4 =	vadd.s32 v1, v4;
	_ =	sdelay $0x1  }
0x22a: {  	v3 =	vadd.s32 v1, v3;
	_ =	sdelay $0x1  }
0x22b: {  	s26 =	simm.s32 $0x16800  }
0x22c: {  	[tilespmem:s26], [sflag:$0x3] =	stream.indirect_vreg.gather [hbm4b:s2+s3], $0x80, v4, vm0, $0xb8;
	[tilespmem:$0x18800] =	vst v63  }
0x22d: {  	s28 =	simm.s32 $0x17000  }
0x22e: {  	[tilespmem:s28], [sflag:$0x3] =	stream.indirect_vreg.gather [hbm4b:s2+s3], $0x80, v3, vm0, $0xb8;
	[tilespmem:$0x18800] =	vst v63  }
0x22f: {  	v3 =	vld [tilespmem:$0x2F0];
	_ =	sdelay $0x4  }
0x230: {  	v15 =	vshll.u32 v3, $0x1  }
0x231: {  	v3 =	vand.u32 $0x7, v3;
	v4 =	vand.u32 $0xFFFFFFF0, v15  }
0x232: {  	v3 =	vor.u32 v3, v4  }
0x233: {  	v4 =	vperm.xlane v3, v0;
	_ =	sdelay $0x1  }
0x234: {  	v3 =	vperm.xlane v3, v2;
	v4 =	vadd.s32 v1, v4;
	_ =	sdelay $0x1  }
0x235: {  	v3 =	vadd.s32 v1, v3;
	_ =	sdelay $0x1  }
0x236: {  	s28 =	simm.s32 $0x17800  }
0x237: {  	[tilespmem:s28], [sflag:$0x3] =	stream.indirect_vreg.gather [hbm4b:s2+s3], $0x80, v4, vm0, $0xb8;
	[tilespmem:$0x18800] =	vst v63  }
0x238: {  	s8 =	simm.s32 $0x18000  }
0x239: {  	[tilespmem:s8], [sflag:$0x3] =	stream.indirect_vreg.gather [hbm4b:s2+s3], $0x80, v3, vm0, $0xb8;
	[tilespmem:$0x18800] =	vst v63  }
0x23a: {  	_ =	swait.ge [sflag:s30], $0x8000  }
0x23b: {  	[sflag:s30] =	ssyncset.done $0x0  }
0x23c: {  	s8 =	rddreg [dreg:$0x6];
	[sflag:s30] =	ssyncadd.s32 $0xFFFF8000  }
0x23d: {  	[hbm4b:s8+s3] =	stream.linear.scatter [tilespmem:s23], [sflag:$0x4], $0x8000, $0x38;
	[tilespmem:$0x18800] =	vst v63  }
0x23e: {  	_ =	swait.ge [sflag:s31], $0x8000  }
0x23f: {  	[sflag:s31] =	ssyncset.done $0x0  }
0x240: {  	[sflag:s31] =	ssyncadd.s32 $0xFFFF8000  }
0x241: {  	v3 =	vld [tilespmem:$0x300];
	_ =	sdelay $0x4  }
0x242: {  	v16 =	vshll.u32 v3, $0x1  }
0x243: {  	v3 =	vand.u32 $0x7, v3;
	v4 =	vand.u32 $0xFFFFFFF0, v16  }
0x244: {  	v3 =	vor.u32 v3, v4  }
0x245: {  	v4 =	vperm.xlane v3, v0;
	_ =	sdelay $0x1  }
0x246: {  	v3 =	vperm.xlane v3, v2;
	v4 =	vadd.s32 v1, v4;
	_ =	sdelay $0x1  }
0x247: {  	v3 =	vadd.s32 v1, v3;
	_ =	sdelay $0x2  }
0x248: {  	[tilespmem:s23], [sflag:$0x1] =	stream.indirect_vreg.gather [hbm4b:s2+s3], $0x80, v4, vm0, $0xb8;
	[tilespmem:$0x18800] =	vst v63  }
0x249: {  	s8 =	simm.s32 $0x1000  }
0x24a: {  	[tilespmem:s8], [sflag:$0x1] =	stream.indirect_vreg.gather [hbm4b:s2+s3], $0x80, v3, vm0, $0xb8;
	[tilespmem:$0x18800] =	vst v63  }
0x24b: {  	v3 =	vld [tilespmem:$0x310];
	_ =	sdelay $0x4  }
0x24c: {  	v17 =	vshll.u32 v3, $0x1  }
0x24d: {  	v3 =	vand.u32 $0x7, v3;
	v4 =	vand.u32 $0xFFFFFFF0, v17  }
0x24e: {  	v3 =	vor.u32 v3, v4  }
0x24f: {  	v4 =	vperm.xlane v3, v0;
	_ =	sdelay $0x1  }
0x250: {  	v3 =	vperm.xlane v3, v2;
	v4 =	vadd.s32 v1, v4;
	_ =	sdelay $0x1  }
0x251: {  	v3 =	vadd.s32 v1, v3;
	_ =	sdelay $0x2  }
0x252: {  	[tilespmem:s20], [sflag:$0x1] =	stream.indirect_vreg.gather [hbm4b:s2+s3], $0x80, v4, vm0, $0xb8;
	[tilespmem:$0x18800] =	vst v63  }
0x253: {  	s8 =	simm.s32 $0x2000  }
0x254: {  	[tilespmem:s8], [sflag:$0x1] =	stream.indirect_vreg.gather [hbm4b:s2+s3], $0x80, v3, vm0, $0xb8;
	[tilespmem:$0x18800] =	vst v63  }
0x255: {  	v3 =	vld [tilespmem:$0x320];
	_ =	sdelay $0x4  }
0x256: {  	v18 =	vshll.u32 v3, $0x1  }
0x257: {  	v3 =	vand.u32 $0x7, v3;
	v4 =	vand.u32 $0xFFFFFFF0, v18  }
0x258: {  	v3 =	vor.u32 v3, v4  }
0x259: {  	v4 =	vperm.xlane v3, v0;
	_ =	sdelay $0x1  }
0x25a: {  	v3 =	vperm.xlane v3, v2;
	v4 =	vadd.s32 v1, v4;
	_ =	sdelay $0x1  }
0x25b: {  	v3 =	vadd.s32 v1, v3;
	_ =	sdelay $0x2  }
0x25c: {  	[tilespmem:s21], [sflag:$0x1] =	stream.indirect_vreg.gather [hbm4b:s2+s3], $0x80, v4, vm0, $0xb8;
	[tilespmem:$0x18800] =	vst v63  }
0x25d: {  	s8 =	simm.s32 $0x3000  }
0x25e: {  	[tilespmem:s8], [sflag:$0x1] =	stream.indirect_vreg.gather [hbm4b:s2+s3], $0x80, v3, vm0, $0xb8;
	[tilespmem:$0x18800] =	vst v63  }
0x25f: {  	v3 =	vld [tilespmem:$0x330];
	_ =	sdelay $0x4  }
0x260: {  	v19 =	vshll.u32 v3, $0x1  }
0x261: {  	v3 =	vand.u32 $0x7, v3;
	v4 =	vand.u32 $0xFFFFFFF0, v19  }
0x262: {  	v3 =	vor.u32 v3, v4  }
0x263: {  	v4 =	vperm.xlane v3, v0;
	_ =	sdelay $0x1  }
0x264: {  	v3 =	vperm.xlane v3, v2;
	v4 =	vadd.s32 v1, v4;
	_ =	sdelay $0x1  }
0x265: {  	v3 =	vadd.s32 v1, v3;
	_ =	sdelay $0x2  }
0x266: {  	[tilespmem:s22], [sflag:$0x1] =	stream.indirect_vreg.gather [hbm4b:s2+s3], $0x80, v4, vm0, $0xb8;
	[tilespmem:$0x18800] =	vst v63  }
0x267: {  	s8 =	simm.s32 $0x4000  }
0x268: {  	[tilespmem:s8], [sflag:$0x1] =	stream.indirect_vreg.gather [hbm4b:s2+s3], $0x80, v3, vm0, $0xb8;
	[tilespmem:$0x18800] =	vst v63  }
0x269: {  	v3 =	vld [tilespmem:$0x340];
	_ =	sdelay $0x4  }
0x26a: {  	v20 =	vshll.u32 v3, $0x1  }
0x26b: {  	v3 =	vand.u32 $0x7, v3;
	v4 =	vand.u32 $0xFFFFFFF0, v20  }
0x26c: {  	v3 =	vor.u32 v3, v4  }
0x26d: {  	v4 =	vperm.xlane v3, v0;
	_ =	sdelay $0x1  }
0x26e: {  	v3 =	vperm.xlane v3, v2;
	v4 =	vadd.s32 v1, v4;
	_ =	sdelay $0x1  }
0x26f: {  	v3 =	vadd.s32 v1, v3;
	_ =	sdelay $0x2  }
0x270: {  	[tilespmem:s24], [sflag:$0x1] =	stream.indirect_vreg.gather [hbm4b:s2+s3], $0x80, v4, vm0, $0xb8;
	[tilespmem:$0x18800] =	vst v63  }
0x271: {  	_ = 	snop  }
0x272: {  	[tilespmem:s11], [sflag:$0x1] =	stream.indirect_vreg.gather [hbm4b:s2+s3], $0x80, v3, vm0, $0xb8;
	[tilespmem:$0x18800] =	vst v63  }
0x273: {  	v3 =	vld [tilespmem:$0x350];
	_ =	sdelay $0x4  }
0x274: {  	v21 =	vshll.u32 v3, $0x1  }
0x275: {  	v3 =	vand.u32 $0x7, v3;
	v4 =	vand.u32 $0xFFFFFFF0, v21  }
0x276: {  	v3 =	vor.u32 v3, v4  }
0x277: {  	v4 =	vperm.xlane v3, v0;
	_ =	sdelay $0x1  }
0x278: {  	v3 =	vperm.xlane v3, v2;
	v4 =	vadd.s32 v1, v4;
	_ =	sdelay $0x1  }
0x279: {  	v3 =	vadd.s32 v1, v3;
	_ =	sdelay $0x2  }
0x27a: {  	[tilespmem:s12], [sflag:$0x1] =	stream.indirect_vreg.gather [hbm4b:s2+s3], $0x80, v4, vm0, $0xb8;
	[tilespmem:$0x18800] =	vst v63  }
0x27b: {  	_ = 	snop  }
0x27c: {  	[tilespmem:s13], [sflag:$0x1] =	stream.indirect_vreg.gather [hbm4b:s2+s3], $0x80, v3, vm0, $0xb8;
	[tilespmem:$0x18800] =	vst v63  }
0x27d: {  	v3 =	vld [tilespmem:$0x360];
	_ =	sdelay $0x4  }
0x27e: {  	v22 =	vshll.u32 v3, $0x1  }
0x27f: {  	v3 =	vand.u32 $0x7, v3;
	v4 =	vand.u32 $0xFFFFFFF0, v22  }
0x280: {  	v3 =	vor.u32 v3, v4  }
0x281: {  	v4 =	vperm.xlane v3, v0;
	_ =	sdelay $0x1  }
0x282: {  	v3 =	vperm.xlane v3, v2;
	v4 =	vadd.s32 v1, v4;
	_ =	sdelay $0x1  }
0x283: {  	v3 =	vadd.s32 v1, v3;
	_ =	sdelay $0x2  }
0x284: {  	[tilespmem:s9], [sflag:$0x1] =	stream.indirect_vreg.gather [hbm4b:s2+s3], $0x80, v4, vm0, $0xb8;
	[tilespmem:$0x18800] =	vst v63  }
0x285: {  	_ = 	snop  }
0x286: {  	[tilespmem:s14], [sflag:$0x1] =	stream.indirect_vreg.gather [hbm4b:s2+s3], $0x80, v3, vm0, $0xb8;
	[tilespmem:$0x18800] =	vst v63  }
0x287: {  	v3 =	vld [tilespmem:$0x370];
	_ =	sdelay $0x4  }
0x288: {  	v23 =	vshll.u32 v3, $0x1  }
0x289: {  	v3 =	vand.u32 $0x7, v3;
	v4 =	vand.u32 $0xFFFFFFF0, v23  }
0x28a: {  	v3 =	vor.u32 v3, v4  }
0x28b: {  	v4 =	vperm.xlane v3, v0;
	_ =	sdelay $0x1  }
0x28c: {  	v3 =	vperm.xlane v3, v2;
	v4 =	vadd.s32 v1, v4;
	_ =	sdelay $0x1  }
0x28d: {  	v3 =	vadd.s32 v1, v3;
	_ =	sdelay $0x2  }
0x28e: {  	[tilespmem:s10], [sflag:$0x1] =	stream.indirect_vreg.gather [hbm4b:s2+s3], $0x80, v4, vm0, $0xb8;
	[tilespmem:$0x18800] =	vst v63  }
0x28f: {  	s8 =	simm.s32 $0x8000  }
0x290: {  	[tilespmem:s8], [sflag:$0x1] =	stream.indirect_vreg.gather [hbm4b:s2+s3], $0x80, v3, vm0, $0xb8;
	[tilespmem:$0x18800] =	vst v63  }
0x291: {  	_ =	swait.ge [sflag:s1], $0x8000  }
0x292: {  	[sflag:s1] =	ssyncset.done $0x0  }
0x293: {  	s8 =	rddreg [dreg:$0x7];
	[sflag:s1] =	ssyncadd.s32 $0xFFFF8000  }
0x294: {  	[hbm4b:s8+s3] =	stream.linear.scatter [tilespmem:s7], [sflag:$0x5], $0x8000, $0x38;
	[tilespmem:$0x18800] =	vst v63  }
0x295: {  	_ =	swait.ge [sflag:s0], $0x8000  }
0x296: {  	[sflag:s0] =	ssyncset.done $0x0  }
0x297: {  	[sflag:s0] =	ssyncadd.s32 $0xFFFF8000  }
0x298: {  	v3 =	vld [tilespmem:$0x380];
	_ =	sdelay $0x4  }
0x299: {  	v24 =	vshll.u32 v3, $0x1  }
0x29a: {  	v3 =	vand.u32 $0x7, v3;
	v4 =	vand.u32 $0xFFFFFFF0, v24  }
0x29b: {  	v3 =	vor.u32 v3, v4  }
0x29c: {  	v4 =	vperm.xlane v3, v0;
	_ =	sdelay $0x1  }
0x29d: {  	v3 =	vperm.xlane v3, v2;
	v4 =	vadd.s32 v1, v4;
	_ =	sdelay $0x1  }
0x29e: {  	v3 =	vadd.s32 v1, v3;
	_ =	sdelay $0x2  }
0x29f: {  	[tilespmem:s7], [sflag:$0x2] =	stream.indirect_vreg.gather [hbm4b:s2+s3], $0x80, v4, vm0, $0xb8;
	[tilespmem:$0x18800] =	vst v63  }
0x2a0: {  	s8 =	simm.s32 $0x9000  }
0x2a1: {  	[tilespmem:s8], [sflag:$0x2] =	stream.indirect_vreg.gather [hbm4b:s2+s3], $0x80, v3, vm0, $0xb8;
	[tilespmem:$0x18800] =	vst v63  }
0x2a2: {  	v3 =	vld [tilespmem:$0x390];
	_ =	sdelay $0x4  }
0x2a3: {  	v25 =	vshll.u32 v3, $0x1  }
0x2a4: {  	v3 =	vand.u32 $0x7, v3;
	v4 =	vand.u32 $0xFFFFFFF0, v25  }
0x2a5: {  	v3 =	vor.u32 v3, v4  }
0x2a6: {  	v4 =	vperm.xlane v3, v0;
	_ =	sdelay $0x1  }
0x2a7: {  	v3 =	vperm.xlane v3, v2;
	v4 =	vadd.s32 v1, v4;
	_ =	sdelay $0x1  }
0x2a8: {  	v3 =	vadd.s32 v1, v3;
	_ =	sdelay $0x1  }
0x2a9: {  	s8 =	simm.s32 $0x9800  }
0x2aa: {  	[tilespmem:s8], [sflag:$0x2] =	stream.indirect_vreg.gather [hbm4b:s2+s3], $0x80, v4, vm0, $0xb8;
	[tilespmem:$0x18800] =	vst v63  }
0x2ab: {  	s8 =	simm.s32 $0xA000  }
0x2ac: {  	[tilespmem:s8], [sflag:$0x2] =	stream.indirect_vreg.gather [hbm4b:s2+s3], $0x80, v3, vm0, $0xb8;
	[tilespmem:$0x18800] =	vst v63  }
0x2ad: {  	v3 =	vld [tilespmem:$0x3A0];
	_ =	sdelay $0x4  }
0x2ae: {  	v26 =	vshll.u32 v3, $0x1  }
0x2af: {  	v3 =	vand.u32 $0x7, v3;
	v4 =	vand.u32 $0xFFFFFFF0, v26  }
0x2b0: {  	v3 =	vor.u32 v3, v4  }
0x2b1: {  	v4 =	vperm.xlane v3, v0;
	_ =	sdelay $0x1  }
0x2b2: {  	v3 =	vperm.xlane v3, v2;
	v4 =	vadd.s32 v1, v4;
	_ =	sdelay $0x1  }
0x2b3: {  	v3 =	vadd.s32 v1, v3;
	_ =	sdelay $0x1  }
0x2b4: {  	s8 =	simm.s32 $0xA800  }
0x2b5: {  	[tilespmem:s8], [sflag:$0x2] =	stream.indirect_vreg.gather [hbm4b:s2+s3], $0x80, v4, vm0, $0xb8;
	[tilespmem:$0x18800] =	vst v63  }
0x2b6: {  	s8 =	simm.s32 $0xB000  }
0x2b7: {  	[tilespmem:s8], [sflag:$0x2] =	stream.indirect_vreg.gather [hbm4b:s2+s3], $0x80, v3, vm0, $0xb8;
	[tilespmem:$0x18800] =	vst v63  }
0x2b8: {  	v3 =	vld [tilespmem:$0x3B0];
	_ =	sdelay $0x4  }
0x2b9: {  	v27 =	vshll.u32 v3, $0x1  }
0x2ba: {  	v3 =	vand.u32 $0x7, v3;
	v4 =	vand.u32 $0xFFFFFFF0, v27  }
0x2bb: {  	v3 =	vor.u32 v3, v4  }
0x2bc: {  	v4 =	vperm.xlane v3, v0;
	_ =	sdelay $0x1  }
0x2bd: {  	v3 =	vperm.xlane v3, v2;
	v4 =	vadd.s32 v1, v4;
	_ =	sdelay $0x1  }
0x2be: {  	v3 =	vadd.s32 v1, v3;
	_ =	sdelay $0x1  }
0x2bf: {  	s8 =	simm.s32 $0xB800  }
0x2c0: {  	[tilespmem:s8], [sflag:$0x2] =	stream.indirect_vreg.gather [hbm4b:s2+s3], $0x80, v4, vm0, $0xb8;
	[tilespmem:$0x18800] =	vst v63  }
0x2c1: {  	s8 =	simm.s32 $0xC000  }
0x2c2: {  	[tilespmem:s8], [sflag:$0x2] =	stream.indirect_vreg.gather [hbm4b:s2+s3], $0x80, v3, vm0, $0xb8;
	[tilespmem:$0x18800] =	vst v63  }
0x2c3: {  	v3 =	vld [tilespmem:$0x3C0];
	_ =	sdelay $0x4  }
0x2c4: {  	v28 =	vshll.u32 v3, $0x1  }
0x2c5: {  	v3 =	vand.u32 $0x7, v3;
	v4 =	vand.u32 $0xFFFFFFF0, v28  }
0x2c6: {  	v3 =	vor.u32 v3, v4  }
0x2c7: {  	v4 =	vperm.xlane v3, v0;
	_ =	sdelay $0x1  }
0x2c8: {  	v3 =	vperm.xlane v3, v2;
	v4 =	vadd.s32 v1, v4;
	_ =	sdelay $0x1  }
0x2c9: {  	v3 =	vadd.s32 v1, v3;
	_ =	sdelay $0x1  }
0x2ca: {  	s8 =	simm.s32 $0xC800  }
0x2cb: {  	[tilespmem:s8], [sflag:$0x2] =	stream.indirect_vreg.gather [hbm4b:s2+s3], $0x80, v4, vm0, $0xb8;
	[tilespmem:$0x18800] =	vst v63  }
0x2cc: {  	s8 =	simm.s32 $0xD000  }
0x2cd: {  	[tilespmem:s8], [sflag:$0x2] =	stream.indirect_vreg.gather [hbm4b:s2+s3], $0x80, v3, vm0, $0xb8;
	[tilespmem:$0x18800] =	vst v63  }
0x2ce: {  	v3 =	vld [tilespmem:$0x3D0];
	_ =	sdelay $0x4  }
0x2cf: {  	v29 =	vshll.u32 v3, $0x1  }
0x2d0: {  	v3 =	vand.u32 $0x7, v3;
	v4 =	vand.u32 $0xFFFFFFF0, v29  }
0x2d1: {  	v3 =	vor.u32 v3, v4  }
0x2d2: {  	v4 =	vperm.xlane v3, v0;
	_ =	sdelay $0x1  }
0x2d3: {  	v3 =	vperm.xlane v3, v2;
	v4 =	vadd.s32 v1, v4;
	_ =	sdelay $0x1  }
0x2d4: {  	v3 =	vadd.s32 v1, v3;
	_ =	sdelay $0x1  }
0x2d5: {  	s8 =	simm.s32 $0xD800  }
0x2d6: {  	[tilespmem:s8], [sflag:$0x2] =	stream.indirect_vreg.gather [hbm4b:s2+s3], $0x80, v4, vm0, $0xb8;
	[tilespmem:$0x18800] =	vst v63  }
0x2d7: {  	s8 =	simm.s32 $0xE000  }
0x2d8: {  	[tilespmem:s8], [sflag:$0x2] =	stream.indirect_vreg.gather [hbm4b:s2+s3], $0x80, v3, vm0, $0xb8;
	[tilespmem:$0x18800] =	vst v63  }
0x2d9: {  	v3 =	vld [tilespmem:$0x3E0];
	_ =	sdelay $0x4  }
0x2da: {  	v30 =	vshll.u32 v3, $0x1  }
0x2db: {  	v3 =	vand.u32 $0x7, v3;
	v4 =	vand.u32 $0xFFFFFFF0, v30  }
0x2dc: {  	v3 =	vor.u32 v3, v4  }
0x2dd: {  	v4 =	vperm.xlane v3, v0;
	_ =	sdelay $0x1  }
0x2de: {  	v3 =	vperm.xlane v3, v2;
	v4 =	vadd.s32 v1, v4;
	_ =	sdelay $0x1  }
0x2df: {  	v3 =	vadd.s32 v1, v3;
	_ =	sdelay $0x1  }
0x2e0: {  	s8 =	simm.s32 $0xE800  }
0x2e1: {  	[tilespmem:s8], [sflag:$0x2] =	stream.indirect_vreg.gather [hbm4b:s2+s3], $0x80, v4, vm0, $0xb8;
	[tilespmem:$0x18800] =	vst v63  }
0x2e2: {  	s8 =	simm.s32 $0xF000  }
0x2e3: {  	[tilespmem:s8], [sflag:$0x2] =	stream.indirect_vreg.gather [hbm4b:s2+s3], $0x80, v3, vm0, $0xb8;
	[tilespmem:$0x18800] =	vst v63  }
0x2e4: {  	v3 =	vld [tilespmem:$0x3F0];
	_ =	sdelay $0x4  }
0x2e5: {  	v31 =	vshll.u32 v3, $0x1  }
0x2e6: {  	v3 =	vand.u32 $0x7, v3;
	v4 =	vand.u32 $0xFFFFFFF0, v31  }
0x2e7: {  	v3 =	vor.u32 v3, v4  }
0x2e8: {  	v4 =	vperm.xlane v3, v0;
	_ =	sdelay $0x1  }
0x2e9: {  	v3 =	vperm.xlane v3, v2;
	v4 =	vadd.s32 v1, v4;
	_ =	sdelay $0x1  }
0x2ea: {  	v3 =	vadd.s32 v1, v3;
	_ =	sdelay $0x1  }
0x2eb: {  	s8 =	simm.s32 $0xF800  }
0x2ec: {  	[tilespmem:s8], [sflag:$0x2] =	stream.indirect_vreg.gather [hbm4b:s2+s3], $0x80, v4, vm0, $0xb8;
	[tilespmem:$0x18800] =	vst v63  }
0x2ed: {  	s8 =	simm.s32 $0x10000  }
0x2ee: {  	[tilespmem:s8], [sflag:$0x2] =	stream.indirect_vreg.gather [hbm4b:s2+s3], $0x80, v3, vm0, $0xb8;
	[tilespmem:$0x18800] =	vst v63  }
0x2ef: {  	_ =	swait.ge [sflag:s4], $0x8000  }
0x2f0: {  	[sflag:s4] =	ssyncset.done $0x0  }
0x2f1: {  	s8 =	rddreg [dreg:$0x8];
	[sflag:s4] =	ssyncadd.s32 $0xFFFF8000  }
0x2f2: {  	[hbm4b:s8+s3] =	stream.linear.scatter [tilespmem:s16], [sflag:$0x6], $0x8000, $0x38;
	[tilespmem:$0x18800] =	vst v63  }
0x2f3: {  	_ =	swait.ge [sflag:s6], $0x8000  }
0x2f4: {  	[sflag:s6] =	ssyncset.done $0x0  }
0x2f5: {  	[sflag:s6] =	ssyncadd.s32 $0xFFFF8000  }
0x2f6: {  	v3 =	vld [tilespmem:$0x400];
	_ =	sdelay $0x4  }
0x2f7: {  	v32 =	vshll.u32 v3, $0x1  }
0x2f8: {  	v3 =	vand.u32 $0x7, v3;
	v4 =	vand.u32 $0xFFFFFFF0, v32  }
0x2f9: {  	v3 =	vor.u32 v3, v4  }
0x2fa: {  	v4 =	vperm.xlane v3, v0;
	_ =	sdelay $0x1  }
0x2fb: {  	v3 =	vperm.xlane v3, v2;
	v4 =	vadd.s32 v1, v4;
	_ =	sdelay $0x1  }
0x2fc: {  	v3 =	vadd.s32 v1, v3;
	_ =	sdelay $0x2  }
0x2fd: {  	[tilespmem:s16], [sflag:$0x3] =	stream.indirect_vreg.gather [hbm4b:s2+s3], $0x80, v4, vm0, $0xb8;
	[tilespmem:$0x18800] =	vst v63  }
0x2fe: {  	s29 =	simm.s32 $0x11000  }
0x2ff: {  	[tilespmem:s29], [sflag:$0x3] =	stream.indirect_vreg.gather [hbm4b:s2+s3], $0x80, v3, vm0, $0xb8;
	[tilespmem:$0x18800] =	vst v63  }
0x300: {  	v3 =	vld [tilespmem:$0x410];
	_ =	sdelay $0x4  }
0x301: {  	v33 =	vshll.u32 v3, $0x1  }
0x302: {  	v3 =	vand.u32 $0x7, v3;
	v4 =	vand.u32 $0xFFFFFFF0, v33  }
0x303: {  	v3 =	vor.u32 v3, v4  }
0x304: {  	v4 =	vperm.xlane v3, v0;
	_ =	sdelay $0x1  }
0x305: {  	v3 =	vperm.xlane v3, v2;
	v4 =	vadd.s32 v1, v4;
	_ =	sdelay $0x1  }
0x306: {  	v3 =	vadd.s32 v1, v3;
	_ =	sdelay $0x1  }
0x307: {  	s15 =	simm.s32 $0x11800  }
0x308: {  	[tilespmem:s15], [sflag:$0x3] =	stream.indirect_vreg.gather [hbm4b:s2+s3], $0x80, v4, vm0, $0xb8;
	[tilespmem:$0x18800] =	vst v63  }
0x309: {  	s8 =	simm.s32 $0x12000  }
0x30a: {  	[tilespmem:s8], [sflag:$0x3] =	stream.indirect_vreg.gather [hbm4b:s2+s3], $0x80, v3, vm0, $0xb8;
	[tilespmem:$0x18800] =	vst v63  }
0x30b: {  	v3 =	vld [tilespmem:$0x420];
	_ =	sdelay $0x4  }
0x30c: {  	v34 =	vshll.u32 v3, $0x1  }
0x30d: {  	v3 =	vand.u32 $0x7, v3;
	v4 =	vand.u32 $0xFFFFFFF0, v34  }
0x30e: {  	v3 =	vor.u32 v3, v4  }
0x30f: {  	v4 =	vperm.xlane v3, v0;
	_ =	sdelay $0x1  }
0x310: {  	v3 =	vperm.xlane v3, v2;
	v4 =	vadd.s32 v1, v4;
	_ =	sdelay $0x1  }
0x311: {  	v3 =	vadd.s32 v1, v3;
	_ =	sdelay $0x1  }
0x312: {  	s17 =	simm.s32 $0x12800  }
0x313: {  	[tilespmem:s17], [sflag:$0x3] =	stream.indirect_vreg.gather [hbm4b:s2+s3], $0x80, v4, vm0, $0xb8;
	[tilespmem:$0x18800] =	vst v63  }
0x314: {  	s8 =	simm.s32 $0x13000  }
0x315: {  	[tilespmem:s8], [sflag:$0x3] =	stream.indirect_vreg.gather [hbm4b:s2+s3], $0x80, v3, vm0, $0xb8;
	[tilespmem:$0x18800] =	vst v63  }
0x316: {  	v3 =	vld [tilespmem:$0x430];
	_ =	sdelay $0x4  }
0x317: {  	v35 =	vshll.u32 v3, $0x1  }
0x318: {  	v3 =	vand.u32 $0x7, v3;
	v4 =	vand.u32 $0xFFFFFFF0, v35  }
0x319: {  	v3 =	vor.u32 v3, v4  }
0x31a: {  	v4 =	vperm.xlane v3, v0;
	_ =	sdelay $0x1  }
0x31b: {  	v3 =	vperm.xlane v3, v2;
	v4 =	vadd.s32 v1, v4;
	_ =	sdelay $0x1  }
0x31c: {  	v3 =	vadd.s32 v1, v3;
	_ =	sdelay $0x1  }
0x31d: {  	s18 =	simm.s32 $0x13800  }
0x31e: {  	[tilespmem:s18], [sflag:$0x3] =	stream.indirect_vreg.gather [hbm4b:s2+s3], $0x80, v4, vm0, $0xb8;
	[tilespmem:$0x18800] =	vst v63  }
0x31f: {  	s8 =	simm.s32 $0x14000  }
0x320: {  	[tilespmem:s8], [sflag:$0x3] =	stream.indirect_vreg.gather [hbm4b:s2+s3], $0x80, v3, vm0, $0xb8;
	[tilespmem:$0x18800] =	vst v63  }
0x321: {  	v3 =	vld [tilespmem:$0x440];
	_ =	sdelay $0x4  }
0x322: {  	v36 =	vshll.u32 v3, $0x1  }
0x323: {  	v3 =	vand.u32 $0x7, v3;
	v4 =	vand.u32 $0xFFFFFFF0, v36  }
0x324: {  	v3 =	vor.u32 v3, v4  }
0x325: {  	v4 =	vperm.xlane v3, v0;
	_ =	sdelay $0x1  }
0x326: {  	v3 =	vperm.xlane v3, v2;
	v4 =	vadd.s32 v1, v4;
	_ =	sdelay $0x1  }
0x327: {  	v3 =	vadd.s32 v1, v3;
	_ =	sdelay $0x1  }
0x328: {  	s19 =	simm.s32 $0x14800  }
0x329: {  	[tilespmem:s19], [sflag:$0x3] =	stream.indirect_vreg.gather [hbm4b:s2+s3], $0x80, v4, vm0, $0xb8;
	[tilespmem:$0x18800] =	vst v63  }
0x32a: {  	s8 =	simm.s32 $0x15000  }
0x32b: {  	[tilespmem:s8], [sflag:$0x3] =	stream.indirect_vreg.gather [hbm4b:s2+s3], $0x80, v3, vm0, $0xb8;
	[tilespmem:$0x18800] =	vst v63  }
0x32c: {  	v3 =	vld [tilespmem:$0x450];
	_ =	sdelay $0x4  }
0x32d: {  	v37 =	vshll.u32 v3, $0x1  }
0x32e: {  	v3 =	vand.u32 $0x7, v3;
	v4 =	vand.u32 $0xFFFFFFF0, v37  }
0x32f: {  	v3 =	vor.u32 v3, v4  }
0x330: {  	v4 =	vperm.xlane v3, v0;
	_ =	sdelay $0x1  }
0x331: {  	v3 =	vperm.xlane v3, v2;
	v4 =	vadd.s32 v1, v4;
	_ =	sdelay $0x1  }
0x332: {  	v3 =	vadd.s32 v1, v3;
	_ =	sdelay $0x1  }
0x333: {  	s25 =	simm.s32 $0x15800  }
0x334: {  	[tilespmem:s25], [sflag:$0x3] =	stream.indirect_vreg.gather [hbm4b:s2+s3], $0x80, v4, vm0, $0xb8;
	[tilespmem:$0x18800] =	vst v63  }
0x335: {  	s8 =	simm.s32 $0x16000  }
0x336: {  	[tilespmem:s8], [sflag:$0x3] =	stream.indirect_vreg.gather [hbm4b:s2+s3], $0x80, v3, vm0, $0xb8;
	[tilespmem:$0x18800] =	vst v63  }
0x337: {  	v3 =	vld [tilespmem:$0x460];
	_ =	sdelay $0x4  }
0x338: {  	v38 =	vshll.u32 v3, $0x1  }
0x339: {  	v3 =	vand.u32 $0x7, v3;
	v4 =	vand.u32 $0xFFFFFFF0, v38  }
0x33a: {  	v3 =	vor.u32 v3, v4  }
0x33b: {  	v4 =	vperm.xlane v3, v0;
	_ =	sdelay $0x1  }
0x33c: {  	v3 =	vperm.xlane v3, v2;
	v4 =	vadd.s32 v1, v4;
	_ =	sdelay $0x1  }
0x33d: {  	v3 =	vadd.s32 v1, v3;
	_ =	sdelay $0x1  }
0x33e: {  	s26 =	simm.s32 $0x16800  }
0x33f: {  	[tilespmem:s26], [sflag:$0x3] =	stream.indirect_vreg.gather [hbm4b:s2+s3], $0x80, v4, vm0, $0xb8;
	[tilespmem:$0x18800] =	vst v63  }
0x340: {  	s8 =	simm.s32 $0x17000  }
0x341: {  	[tilespmem:s8], [sflag:$0x3] =	stream.indirect_vreg.gather [hbm4b:s2+s3], $0x80, v3, vm0, $0xb8;
	[tilespmem:$0x18800] =	vst v63  }
0x342: {  	v3 =	vld [tilespmem:$0x470];
	_ =	sdelay $0x4  }
0x343: {  	v39 =	vshll.u32 v3, $0x1  }
0x344: {  	v3 =	vand.u32 $0x7, v3;
	v4 =	vand.u32 $0xFFFFFFF0, v39  }
0x345: {  	v3 =	vor.u32 v3, v4  }
0x346: {  	v4 =	vperm.xlane v3, v0;
	_ =	sdelay $0x1  }
0x347: {  	v3 =	vperm.xlane v3, v2;
	v4 =	vadd.s32 v1, v4;
	_ =	sdelay $0x1  }
0x348: {  	v3 =	vadd.s32 v1, v3;
	_ =	sdelay $0x1  }
0x349: {  	s28 =	simm.s32 $0x17800  }
0x34a: {  	[tilespmem:s28], [sflag:$0x3] =	stream.indirect_vreg.gather [hbm4b:s2+s3], $0x80, v4, vm0, $0xb8;
	[tilespmem:$0x18800] =	vst v63  }
0x34b: {  	s8 =	simm.s32 $0x18000  }
0x34c: {  	[tilespmem:s8], [sflag:$0x3] =	stream.indirect_vreg.gather [hbm4b:s2+s3], $0x80, v3, vm0, $0xb8;
	[tilespmem:$0x18800] =	vst v63  }
0x34d: {  	_ =	swait.ge [sflag:s30], $0x8000  }
0x34e: {  	[sflag:s30] =	ssyncset.done $0x0  }
0x34f: {  	s8 =	rddreg [dreg:$0x9];
	[sflag:s30] =	ssyncadd.s32 $0xFFFF8000  }
0x350: {  	[hbm4b:s8+s3] =	stream.linear.scatter [tilespmem:s23], [sflag:$0x4], $0x8000, $0x38;
	[tilespmem:$0x18800] =	vst v63  }
0x351: {  	_ =	swait.ge [sflag:s31], $0x8000  }
0x352: {  	[sflag:s31] =	ssyncset.done $0x0  }
0x353: {  	[sflag:s31] =	ssyncadd.s32 $0xFFFF8000  }
0x354: {  	v3 =	vld [tilespmem:$0x480];
	_ =	sdelay $0x4  }
0x355: {  	v40 =	vshll.u32 v3, $0x1  }
0x356: {  	v3 =	vand.u32 $0x7, v3;
	v4 =	vand.u32 $0xFFFFFFF0, v40  }
0x357: {  	v3 =	vor.u32 v3, v4  }
0x358: {  	v4 =	vperm.xlane v3, v0;
	_ =	sdelay $0x1  }
0x359: {  	v3 =	vperm.xlane v3, v2;
	v4 =	vadd.s32 v1, v4;
	_ =	sdelay $0x1  }
0x35a: {  	v3 =	vadd.s32 v1, v3;
	_ =	sdelay $0x2  }
0x35b: {  	[tilespmem:s23], [sflag:$0x1] =	stream.indirect_vreg.gather [hbm4b:s2+s3], $0x80, v4, vm0, $0xb8;
	[tilespmem:$0x18800] =	vst v63  }
0x35c: {  	s8 =	simm.s32 $0x1000  }
0x35d: {  	[tilespmem:s8], [sflag:$0x1] =	stream.indirect_vreg.gather [hbm4b:s2+s3], $0x80, v3, vm0, $0xb8;
	[tilespmem:$0x18800] =	vst v63  }
0x35e: {  	v3 =	vld [tilespmem:$0x490];
	_ =	sdelay $0x4  }
0x35f: {  	v41 =	vshll.u32 v3, $0x1  }
0x360: {  	v3 =	vand.u32 $0x7, v3;
	v4 =	vand.u32 $0xFFFFFFF0, v41  }
0x361: {  	v3 =	vor.u32 v3, v4  }
0x362: {  	v4 =	vperm.xlane v3, v0;
	_ =	sdelay $0x1  }
0x363: {  	v3 =	vperm.xlane v3, v2;
	v4 =	vadd.s32 v1, v4;
	_ =	sdelay $0x1  }
0x364: {  	v3 =	vadd.s32 v1, v3;
	_ =	sdelay $0x1  }
0x365: {  	s20 =	simm.s32 $0x1800  }
0x366: {  	[tilespmem:s20], [sflag:$0x1] =	stream.indirect_vreg.gather [hbm4b:s2+s3], $0x80, v4, vm0, $0xb8;
	[tilespmem:$0x18800] =	vst v63  }
0x367: {  	s20 =	simm.s32 $0x2000  }
0x368: {  	[tilespmem:s20], [sflag:$0x1] =	stream.indirect_vreg.gather [hbm4b:s2+s3], $0x80, v3, vm0, $0xb8;
	[tilespmem:$0x18800] =	vst v63  }
0x369: {  	v3 =	vld [tilespmem:$0x4A0];
	_ =	sdelay $0x4  }
0x36a: {  	v42 =	vshll.u32 v3, $0x1  }
0x36b: {  	v3 =	vand.u32 $0x7, v3;
	v4 =	vand.u32 $0xFFFFFFF0, v42  }
0x36c: {  	v3 =	vor.u32 v3, v4  }
0x36d: {  	v4 =	vperm.xlane v3, v0;
	_ =	sdelay $0x1  }
0x36e: {  	v3 =	vperm.xlane v3, v2;
	v4 =	vadd.s32 v1, v4;
	_ =	sdelay $0x1  }
0x36f: {  	v3 =	vadd.s32 v1, v3;
	_ =	sdelay $0x1  }
0x370: {  	s21 =	simm.s32 $0x2800  }
0x371: {  	[tilespmem:s21], [sflag:$0x1] =	stream.indirect_vreg.gather [hbm4b:s2+s3], $0x80, v4, vm0, $0xb8;
	[tilespmem:$0x18800] =	vst v63  }
0x372: {  	s20 =	simm.s32 $0x3000  }
0x373: {  	[tilespmem:s20], [sflag:$0x1] =	stream.indirect_vreg.gather [hbm4b:s2+s3], $0x80, v3, vm0, $0xb8;
	[tilespmem:$0x18800] =	vst v63  }
0x374: {  	v3 =	vld [tilespmem:$0x4B0];
	_ =	sdelay $0x4  }
0x375: {  	v43 =	vshll.u32 v3, $0x1  }
0x376: {  	v3 =	vand.u32 $0x7, v3;
	v4 =	vand.u32 $0xFFFFFFF0, v43  }
0x377: {  	v3 =	vor.u32 v3, v4  }
0x378: {  	v4 =	vperm.xlane v3, v0;
	_ =	sdelay $0x1  }
0x379: {  	v3 =	vperm.xlane v3, v2;
	v4 =	vadd.s32 v1, v4;
	_ =	sdelay $0x1  }
0x37a: {  	v3 =	vadd.s32 v1, v3;
	_ =	sdelay $0x1  }
0x37b: {  	s22 =	simm.s32 $0x3800  }
0x37c: {  	[tilespmem:s22], [sflag:$0x1] =	stream.indirect_vreg.gather [hbm4b:s2+s3], $0x80, v4, vm0, $0xb8;
	[tilespmem:$0x18800] =	vst v63  }
0x37d: {  	s21 =	simm.s32 $0x4000  }
0x37e: {  	[tilespmem:s21], [sflag:$0x1] =	stream.indirect_vreg.gather [hbm4b:s2+s3], $0x80, v3, vm0, $0xb8;
	[tilespmem:$0x18800] =	vst v63  }
0x37f: {  	v3 =	vld [tilespmem:$0x4C0];
	_ =	sdelay $0x4  }
0x380: {  	v44 =	vshll.u32 v3, $0x1  }
0x381: {  	v3 =	vand.u32 $0x7, v3;
	v4 =	vand.u32 $0xFFFFFFF0, v44  }
0x382: {  	v3 =	vor.u32 v3, v4  }
0x383: {  	v4 =	vperm.xlane v3, v0;
	_ =	sdelay $0x1  }
0x384: {  	v3 =	vperm.xlane v3, v2;
	v4 =	vadd.s32 v1, v4;
	_ =	sdelay $0x1  }
0x385: {  	v3 =	vadd.s32 v1, v3;
	_ =	sdelay $0x1  }
0x386: {  	s24 =	simm.s32 $0x4800  }
0x387: {  	[tilespmem:s24], [sflag:$0x1] =	stream.indirect_vreg.gather [hbm4b:s2+s3], $0x80, v4, vm0, $0xb8;
	[tilespmem:$0x18800] =	vst v63  }
0x388: {  	s11 =	simm.s32 $0x5000  }
0x389: {  	[tilespmem:s11], [sflag:$0x1] =	stream.indirect_vreg.gather [hbm4b:s2+s3], $0x80, v3, vm0, $0xb8;
	[tilespmem:$0x18800] =	vst v63  }
0x38a: {  	v3 =	vld [tilespmem:$0x4D0];
	_ =	sdelay $0x4  }
0x38b: {  	v45 =	vshll.u32 v3, $0x1  }
0x38c: {  	v3 =	vand.u32 $0x7, v3;
	v4 =	vand.u32 $0xFFFFFFF0, v45  }
0x38d: {  	v3 =	vor.u32 v3, v4  }
0x38e: {  	v4 =	vperm.xlane v3, v0;
	_ =	sdelay $0x1  }
0x38f: {  	v3 =	vperm.xlane v3, v2;
	v4 =	vadd.s32 v1, v4;
	_ =	sdelay $0x1  }
0x390: {  	v3 =	vadd.s32 v1, v3;
	_ =	sdelay $0x1  }
0x391: {  	s12 =	simm.s32 $0x5800  }
0x392: {  	[tilespmem:s12], [sflag:$0x1] =	stream.indirect_vreg.gather [hbm4b:s2+s3], $0x80, v4, vm0, $0xb8;
	[tilespmem:$0x18800] =	vst v63  }
0x393: {  	s13 =	simm.s32 $0x6000  }
0x394: {  	[tilespmem:s13], [sflag:$0x1] =	stream.indirect_vreg.gather [hbm4b:s2+s3], $0x80, v3, vm0, $0xb8;
	[tilespmem:$0x18800] =	vst v63  }
0x395: {  	v3 =	vld [tilespmem:$0x4E0];
	_ =	sdelay $0x4  }
0x396: {  	v46 =	vshll.u32 v3, $0x1  }
0x397: {  	v3 =	vand.u32 $0x7, v3;
	v4 =	vand.u32 $0xFFFFFFF0, v46  }
0x398: {  	v3 =	vor.u32 v3, v4  }
0x399: {  	v4 =	vperm.xlane v3, v0;
	_ =	sdelay $0x1  }
0x39a: {  	v3 =	vperm.xlane v3, v2;
	v4 =	vadd.s32 v1, v4;
	_ =	sdelay $0x1  }
0x39b: {  	v3 =	vadd.s32 v1, v3;
	_ =	sdelay $0x1  }
0x39c: {  	s9 =	simm.s32 $0x6800  }
0x39d: {  	[tilespmem:s9], [sflag:$0x1] =	stream.indirect_vreg.gather [hbm4b:s2+s3], $0x80, v4, vm0, $0xb8;
	[tilespmem:$0x18800] =	vst v63  }
0x39e: {  	s14 =	simm.s32 $0x7000  }
0x39f: {  	[tilespmem:s14], [sflag:$0x1] =	stream.indirect_vreg.gather [hbm4b:s2+s3], $0x80, v3, vm0, $0xb8;
	[tilespmem:$0x18800] =	vst v63  }
0x3a0: {  	v3 =	vld [tilespmem:$0x4F0];
	_ =	sdelay $0x4  }
0x3a1: {  	v47 =	vshll.u32 v3, $0x1  }
0x3a2: {  	v3 =	vand.u32 $0x7, v3;
	v4 =	vand.u32 $0xFFFFFFF0, v47  }
0x3a3: {  	v3 =	vor.u32 v3, v4  }
0x3a4: {  	v4 =	vperm.xlane v3, v0;
	_ =	sdelay $0x1  }
0x3a5: {  	v3 =	vperm.xlane v3, v2;
	v4 =	vadd.s32 v1, v4;
	_ =	sdelay $0x1  }
0x3a6: {  	v3 =	vadd.s32 v1, v3;
	_ =	sdelay $0x1  }
0x3a7: {  	s10 =	simm.s32 $0x7800  }
0x3a8: {  	[tilespmem:s10], [sflag:$0x1] =	stream.indirect_vreg.gather [hbm4b:s2+s3], $0x80, v4, vm0, $0xb8;
	[tilespmem:$0x18800] =	vst v63  }
0x3a9: {  	s22 =	simm.s32 $0x8000  }
0x3aa: {  	[tilespmem:s22], [sflag:$0x1] =	stream.indirect_vreg.gather [hbm4b:s2+s3], $0x80, v3, vm0, $0xb8;
	[tilespmem:$0x18800] =	vst v63  }
0x3ab: {  	_ =	swait.ge [sflag:s1], $0x8000  }
0x3ac: {  	[sflag:s1] =	ssyncset.done $0x0  }
0x3ad: {  	s24 =	rddreg [dreg:$0xa];
	[sflag:s1] =	ssyncadd.s32 $0xFFFF8000  }
0x3ae: {  	[hbm4b:s24+s3] =	stream.linear.scatter [tilespmem:s7], [sflag:$0x5], $0x8000, $0x38;
	[tilespmem:$0x18800] =	vst v63  }
0x3af: {  	_ =	swait.ge [sflag:s0], $0x8000  }
0x3b0: {  	[sflag:s0] =	ssyncset.done $0x0  }
0x3b1: {  	[sflag:s0] =	ssyncadd.s32 $0xFFFF8000  }
0x3b2: {  	v3 =	vld [tilespmem:$0x500];
	_ =	sdelay $0x4  }
0x3b3: {  	v48 =	vshll.u32 v3, $0x1  }
0x3b4: {  	v3 =	vand.u32 $0x7, v3;
	v4 =	vand.u32 $0xFFFFFFF0, v48  }
0x3b5: {  	v3 =	vor.u32 v3, v4  }
0x3b6: {  	v4 =	vperm.xlane v3, v0;
	_ =	sdelay $0x1  }
0x3b7: {  	v3 =	vperm.xlane v3, v2;
	v4 =	vadd.s32 v1, v4;
	_ =	sdelay $0x1  }
0x3b8: {  	v3 =	vadd.s32 v1, v3;
	_ =	sdelay $0x2  }
0x3b9: {  	[tilespmem:s7], [sflag:$0x2] =	stream.indirect_vreg.gather [hbm4b:s2+s3], $0x80, v4, vm0, $0xb8;
	[tilespmem:$0x18800] =	vst v63  }
0x3ba: {  	s9 =	simm.s32 $0x9000  }
0x3bb: {  	[tilespmem:s9], [sflag:$0x2] =	stream.indirect_vreg.gather [hbm4b:s2+s3], $0x80, v3, vm0, $0xb8;
	[tilespmem:$0x18800] =	vst v63  }
0x3bc: {  	v3 =	vld [tilespmem:$0x510];
	_ =	sdelay $0x4  }
0x3bd: {  	v49 =	vshll.u32 v3, $0x1  }
0x3be: {  	v3 =	vand.u32 $0x7, v3;
	v4 =	vand.u32 $0xFFFFFFF0, v49  }
0x3bf: {  	v3 =	vor.u32 v3, v4  }
0x3c0: {  	v4 =	vperm.xlane v3, v0;
	_ =	sdelay $0x1  }
0x3c1: {  	v3 =	vperm.xlane v3, v2;
	v4 =	vadd.s32 v1, v4;
	_ =	sdelay $0x1  }
0x3c2: {  	v3 =	vadd.s32 v1, v3;
	_ =	sdelay $0x1  }
0x3c3: {  	s10 =	simm.s32 $0x9800  }
0x3c4: {  	[tilespmem:s10], [sflag:$0x2] =	stream.indirect_vreg.gather [hbm4b:s2+s3], $0x80, v4, vm0, $0xb8;
	[tilespmem:$0x18800] =	vst v63  }
0x3c5: {  	s11 =	simm.s32 $0xA000  }
0x3c6: {  	[tilespmem:s11], [sflag:$0x2] =	stream.indirect_vreg.gather [hbm4b:s2+s3], $0x80, v3, vm0, $0xb8;
	[tilespmem:$0x18800] =	vst v63  }
0x3c7: {  	v3 =	vld [tilespmem:$0x520];
	_ =	sdelay $0x4  }
0x3c8: {  	v50 =	vshll.u32 v3, $0x1  }
0x3c9: {  	v3 =	vand.u32 $0x7, v3;
	v4 =	vand.u32 $0xFFFFFFF0, v50  }
0x3ca: {  	v3 =	vor.u32 v3, v4  }
0x3cb: {  	v4 =	vperm.xlane v3, v0;
	_ =	sdelay $0x1  }
0x3cc: {  	v3 =	vperm.xlane v3, v2;
	v4 =	vadd.s32 v1, v4;
	_ =	sdelay $0x1  }
0x3cd: {  	v3 =	vadd.s32 v1, v3;
	_ =	sdelay $0x1  }
0x3ce: {  	s12 =	simm.s32 $0xA800  }
0x3cf: {  	[tilespmem:s12], [sflag:$0x2] =	stream.indirect_vreg.gather [hbm4b:s2+s3], $0x80, v4, vm0, $0xb8;
	[tilespmem:$0x18800] =	vst v63  }
0x3d0: {  	s13 =	simm.s32 $0xB000  }
0x3d1: {  	[tilespmem:s13], [sflag:$0x2] =	stream.indirect_vreg.gather [hbm4b:s2+s3], $0x80, v3, vm0, $0xb8;
	[tilespmem:$0x18800] =	vst v63  }
0x3d2: {  	v3 =	vld [tilespmem:$0x530];
	_ =	sdelay $0x4  }
0x3d3: {  	v51 =	vshll.u32 v3, $0x1  }
0x3d4: {  	v3 =	vand.u32 $0x7, v3;
	v4 =	vand.u32 $0xFFFFFFF0, v51  }
0x3d5: {  	v3 =	vor.u32 v3, v4  }
0x3d6: {  	v4 =	vperm.xlane v3, v0;
	_ =	sdelay $0x1  }
0x3d7: {  	v3 =	vperm.xlane v3, v2;
	v4 =	vadd.s32 v1, v4;
	_ =	sdelay $0x1  }
0x3d8: {  	v3 =	vadd.s32 v1, v3;
	_ =	sdelay $0x1  }
0x3d9: {  	s14 =	simm.s32 $0xB800  }
0x3da: {  	[tilespmem:s14], [sflag:$0x2] =	stream.indirect_vreg.gather [hbm4b:s2+s3], $0x80, v4, vm0, $0xb8;
	[tilespmem:$0x18800] =	vst v63  }
0x3db: {  	s20 =	simm.s32 $0xC000  }
0x3dc: {  	[tilespmem:s20], [sflag:$0x2] =	stream.indirect_vreg.gather [hbm4b:s2+s3], $0x80, v3, vm0, $0xb8;
	[tilespmem:$0x18800] =	vst v63  }
0x3dd: {  	v3 =	vld [tilespmem:$0x540];
	_ =	sdelay $0x4  }
0x3de: {  	v52 =	vshll.u32 v3, $0x1  }
0x3df: {  	v3 =	vand.u32 $0x7, v3;
	v4 =	vand.u32 $0xFFFFFFF0, v52  }
0x3e0: {  	v3 =	vor.u32 v3, v4  }
0x3e1: {  	v4 =	vperm.xlane v3, v0;
	_ =	sdelay $0x1  }
0x3e2: {  	v3 =	vperm.xlane v3, v2;
	v4 =	vadd.s32 v1, v4;
	_ =	sdelay $0x1  }
0x3e3: {  	v3 =	vadd.s32 v1, v3;
	_ =	sdelay $0x1  }
0x3e4: {  	s21 =	simm.s32 $0xC800  }
0x3e5: {  	[tilespmem:s21], [sflag:$0x2] =	stream.indirect_vreg.gather [hbm4b:s2+s3], $0x80, v4, vm0, $0xb8;
	[tilespmem:$0x18800] =	vst v63  }
0x3e6: {  	s22 =	simm.s32 $0xD000  }
0x3e7: {  	[tilespmem:s22], [sflag:$0x2] =	stream.indirect_vreg.gather [hbm4b:s2+s3], $0x80, v3, vm0, $0xb8;
	[tilespmem:$0x18800] =	vst v63  }
0x3e8: {  	v3 =	vld [tilespmem:$0x550];
	_ =	sdelay $0x4  }
0x3e9: {  	v53 =	vshll.u32 v3, $0x1  }
0x3ea: {  	v3 =	vand.u32 $0x7, v3;
	v4 =	vand.u32 $0xFFFFFFF0, v53  }
0x3eb: {  	v3 =	vor.u32 v3, v4  }
0x3ec: {  	v4 =	vperm.xlane v3, v0;
	_ =	sdelay $0x1  }
0x3ed: {  	v3 =	vperm.xlane v3, v2;
	v4 =	vadd.s32 v1, v4;
	_ =	sdelay $0x1  }
0x3ee: {  	v3 =	vadd.s32 v1, v3;
	_ =	sdelay $0x1  }
0x3ef: {  	s24 =	simm.s32 $0xD800  }
0x3f0: {  	[tilespmem:s24], [sflag:$0x2] =	stream.indirect_vreg.gather [hbm4b:s2+s3], $0x80, v4, vm0, $0xb8;
	[tilespmem:$0x18800] =	vst v63  }
0x3f1: {  	s9 =	simm.s32 $0xE000  }
0x3f2: {  	[tilespmem:s9], [sflag:$0x2] =	stream.indirect_vreg.gather [hbm4b:s2+s3], $0x80, v3, vm0, $0xb8;
	[tilespmem:$0x18800] =	vst v63  }
0x3f3: {  	v3 =	vld [tilespmem:$0x560];
	_ =	sdelay $0x4  }
0x3f4: {  	v54 =	vshll.u32 v3, $0x1  }
0x3f5: {  	v3 =	vand.u32 $0x7, v3;
	v4 =	vand.u32 $0xFFFFFFF0, v54  }
0x3f6: {  	v3 =	vor.u32 v3, v4  }
0x3f7: {  	v4 =	vperm.xlane v3, v0;
	_ =	sdelay $0x1  }
0x3f8: {  	v3 =	vperm.xlane v3, v2;
	v4 =	vadd.s32 v1, v4;
	_ =	sdelay $0x1  }
0x3f9: {  	v3 =	vadd.s32 v1, v3;
	_ =	sdelay $0x1  }
0x3fa: {  	s10 =	simm.s32 $0xE800  }
0x3fb: {  	[tilespmem:s10], [sflag:$0x2] =	stream.indirect_vreg.gather [hbm4b:s2+s3], $0x80, v4, vm0, $0xb8;
	[tilespmem:$0x18800] =	vst v63  }
0x3fc: {  	s11 =	simm.s32 $0xF000  }
0x3fd: {  	[tilespmem:s11], [sflag:$0x2] =	stream.indirect_vreg.gather [hbm4b:s2+s3], $0x80, v3, vm0, $0xb8;
	[tilespmem:$0x18800] =	vst v63  }
0x3fe: {  	v3 =	vld [tilespmem:$0x570];
	_ =	sdelay $0x4  }
0x3ff: {  	v55 =	vshll.u32 v3, $0x1  }
0x400: {  	v3 =	vand.u32 $0x7, v3;
	v4 =	vand.u32 $0xFFFFFFF0, v55  }
0x401: {  	v3 =	vor.u32 v3, v4  }
0x402: {  	v4 =	vperm.xlane v3, v0;
	_ =	sdelay $0x1  }
0x403: {  	v3 =	vperm.xlane v3, v2;
	v4 =	vadd.s32 v1, v4;
	_ =	sdelay $0x1  }
0x404: {  	v3 =	vadd.s32 v1, v3;
	_ =	sdelay $0x1  }
0x405: {  	s12 =	simm.s32 $0xF800  }
0x406: {  	[tilespmem:s12], [sflag:$0x2] =	stream.indirect_vreg.gather [hbm4b:s2+s3], $0x80, v4, vm0, $0xb8;
	[tilespmem:$0x18800] =	vst v63  }
0x407: {  	s13 =	simm.s32 $0x10000  }
0x408: {  	[tilespmem:s13], [sflag:$0x2] =	stream.indirect_vreg.gather [hbm4b:s2+s3], $0x80, v3, vm0, $0xb8;
	[tilespmem:$0x18800] =	vst v63  }
0x409: {  	_ =	swait.ge [sflag:s4], $0x8000  }
0x40a: {  	[sflag:s4] =	ssyncset.done $0x0  }
0x40b: {  	s14 =	rddreg [dreg:$0xb];
	[sflag:s4] =	ssyncadd.s32 $0xFFFF8000  }
0x40c: {  	[hbm4b:s14+s3] =	stream.linear.scatter [tilespmem:s16], [sflag:$0x6], $0x8000, $0x38;
	[tilespmem:$0x18800] =	vst v63  }
0x40d: {  	_ =	swait.ge [sflag:s6], $0x8000  }
0x40e: {  	[sflag:s6] =	ssyncset.done $0x0  }
0x40f: {  	[sflag:s6] =	ssyncadd.s32 $0xFFFF8000  }
0x410: {  	v3 =	vld [tilespmem:$0x580];
	_ =	sdelay $0x4  }
0x411: {  	v56 =	vshll.u32 v3, $0x1  }
0x412: {  	v3 =	vand.u32 $0x7, v3;
	v4 =	vand.u32 $0xFFFFFFF0, v56  }
0x413: {  	v3 =	vor.u32 v3, v4  }
0x414: {  	v4 =	vperm.xlane v3, v0;
	_ =	sdelay $0x1  }
0x415: {  	v3 =	vperm.xlane v3, v2;
	v4 =	vadd.s32 v1, v4;
	_ =	sdelay $0x1  }
0x416: {  	v3 =	vadd.s32 v1, v3;
	_ =	sdelay $0x2  }
0x417: {  	[tilespmem:s16], [sflag:$0x3] =	stream.indirect_vreg.gather [hbm4b:s2+s3], $0x80, v4, vm0, $0xb8;
	[tilespmem:$0x18800] =	vst v63  }
0x418: {  	s29 =	simm.s32 $0x11000  }
0x419: {  	[tilespmem:s29], [sflag:$0x3] =	stream.indirect_vreg.gather [hbm4b:s2+s3], $0x80, v3, vm0, $0xb8;
	[tilespmem:$0x18800] =	vst v63  }
0x41a: {  	v3 =	vld [tilespmem:$0x590];
	_ =	sdelay $0x4  }
0x41b: {  	v57 =	vshll.u32 v3, $0x1  }
0x41c: {  	v3 =	vand.u32 $0x7, v3;
	v4 =	vand.u32 $0xFFFFFFF0, v57  }
0x41d: {  	v3 =	vor.u32 v3, v4  }
0x41e: {  	v4 =	vperm.xlane v3, v0;
	_ =	sdelay $0x1  }
0x41f: {  	v3 =	vperm.xlane v3, v2;
	v4 =	vadd.s32 v1, v4;
	_ =	sdelay $0x1  }
0x420: {  	v3 =	vadd.s32 v1, v3;
	_ =	sdelay $0x1  }
0x421: {  	s15 =	simm.s32 $0x11800  }
0x422: {  	[tilespmem:s15], [sflag:$0x3] =	stream.indirect_vreg.gather [hbm4b:s2+s3], $0x80, v4, vm0, $0xb8;
	[tilespmem:$0x18800] =	vst v63  }
0x423: {  	s15 =	simm.s32 $0x12000  }
0x424: {  	[tilespmem:s15], [sflag:$0x3] =	stream.indirect_vreg.gather [hbm4b:s2+s3], $0x80, v3, vm0, $0xb8;
	[tilespmem:$0x18800] =	vst v63  }
0x425: {  	v3 =	vld [tilespmem:$0x5A0];
	_ =	sdelay $0x4  }
0x426: {  	v58 =	vshll.u32 v3, $0x1  }
0x427: {  	v3 =	vand.u32 $0x7, v3;
	v4 =	vand.u32 $0xFFFFFFF0, v58  }
0x428: {  	v3 =	vor.u32 v3, v4  }
0x429: {  	v4 =	vperm.xlane v3, v0;
	_ =	sdelay $0x1  }
0x42a: {  	v3 =	vperm.xlane v3, v2;
	v4 =	vadd.s32 v1, v4;
	_ =	sdelay $0x1  }
0x42b: {  	v3 =	vadd.s32 v1, v3;
	_ =	sdelay $0x1  }
0x42c: {  	s17 =	simm.s32 $0x12800  }
0x42d: {  	[tilespmem:s17], [sflag:$0x3] =	stream.indirect_vreg.gather [hbm4b:s2+s3], $0x80, v4, vm0, $0xb8;
	[tilespmem:$0x18800] =	vst v63  }
0x42e: {  	s17 =	simm.s32 $0x13000  }
0x42f: {  	[tilespmem:s17], [sflag:$0x3] =	stream.indirect_vreg.gather [hbm4b:s2+s3], $0x80, v3, vm0, $0xb8;
	[tilespmem:$0x18800] =	vst v63  }
0x430: {  	v3 =	vld [tilespmem:$0x5B0];
	_ =	sdelay $0x4  }
0x431: {  	v59 =	vshll.u32 v3, $0x1  }
0x432: {  	v3 =	vand.u32 $0x7, v3;
	v4 =	vand.u32 $0xFFFFFFF0, v59  }
0x433: {  	v3 =	vor.u32 v3, v4  }
0x434: {  	v4 =	vperm.xlane v3, v0;
	_ =	sdelay $0x1  }
0x435: {  	v3 =	vperm.xlane v3, v2;
	v4 =	vadd.s32 v1, v4;
	_ =	sdelay $0x1  }
0x436: {  	v3 =	vadd.s32 v1, v3;
	_ =	sdelay $0x1  }
0x437: {  	s18 =	simm.s32 $0x13800  }
0x438: {  	[tilespmem:s18], [sflag:$0x3] =	stream.indirect_vreg.gather [hbm4b:s2+s3], $0x80, v4, vm0, $0xb8;
	[tilespmem:$0x18800] =	vst v63  }
0x439: {  	s20 =	simm.s32 $0x14000  }
0x43a: {  	[tilespmem:s20], [sflag:$0x3] =	stream.indirect_vreg.gather [hbm4b:s2+s3], $0x80, v3, vm0, $0xb8;
	[tilespmem:$0x18800] =	vst v63  }
0x43b: {  	v3 =	vld [tilespmem:$0x5C0];
	_ =	sdelay $0x4  }
0x43c: {  	v60 =	vshll.u32 v3, $0x1  }
0x43d: {  	v3 =	vand.u32 $0x7, v3;
	v4 =	vand.u32 $0xFFFFFFF0, v60  }
0x43e: {  	v3 =	vor.u32 v3, v4  }
0x43f: {  	v4 =	vperm.xlane v3, v0;
	_ =	sdelay $0x1  }
0x440: {  	v3 =	vperm.xlane v3, v2;
	v4 =	vadd.s32 v1, v4;
	_ =	sdelay $0x1  }
0x441: {  	v3 =	vadd.s32 v1, v3;
	_ =	sdelay $0x1  }
0x442: {  	s19 =	simm.s32 $0x14800  }
0x443: {  	[tilespmem:s19], [sflag:$0x3] =	stream.indirect_vreg.gather [hbm4b:s2+s3], $0x80, v4, vm0, $0xb8;
	[tilespmem:$0x18800] =	vst v63  }
0x444: {  	s21 =	simm.s32 $0x15000  }
0x445: {  	[tilespmem:s21], [sflag:$0x3] =	stream.indirect_vreg.gather [hbm4b:s2+s3], $0x80, v3, vm0, $0xb8;
	[tilespmem:$0x18800] =	vst v63  }
0x446: {  	v3 =	vld [tilespmem:$0x5D0];
	_ =	sdelay $0x4  }
0x447: {  	v61 =	vshll.u32 v3, $0x1  }
0x448: {  	v3 =	vand.u32 $0x7, v3;
	v4 =	vand.u32 $0xFFFFFFF0, v61  }
0x449: {  	v3 =	vor.u32 v3, v4  }
0x44a: {  	v4 =	vperm.xlane v3, v0;
	_ =	sdelay $0x1  }
0x44b: {  	v3 =	vperm.xlane v3, v2;
	v4 =	vadd.s32 v1, v4;
	_ =	sdelay $0x1  }
0x44c: {  	v3 =	vadd.s32 v1, v3;
	_ =	sdelay $0x1  }
0x44d: {  	s25 =	simm.s32 $0x15800  }
0x44e: {  	[tilespmem:s25], [sflag:$0x3] =	stream.indirect_vreg.gather [hbm4b:s2+s3], $0x80, v4, vm0, $0xb8;
	[tilespmem:$0x18800] =	vst v63  }
0x44f: {  	s22 =	simm.s32 $0x16000  }
0x450: {  	[tilespmem:s22], [sflag:$0x3] =	stream.indirect_vreg.gather [hbm4b:s2+s3], $0x80, v3, vm0, $0xb8;
	[tilespmem:$0x18800] =	vst v63  }
0x451: {  	v3 =	vld [tilespmem:$0x5E0];
	_ =	sdelay $0x4  }
0x452: {  	v62 =	vshll.u32 v3, $0x1  }
0x453: {  	v3 =	vand.u32 $0x7, v3;
	v4 =	vand.u32 $0xFFFFFFF0, v62  }
0x454: {  	v3 =	vor.u32 v3, v4  }
0x455: {  	v4 =	vperm.xlane v3, v0;
	_ =	sdelay $0x1  }
0x456: {  	v3 =	vperm.xlane v3, v2;
	v4 =	vadd.s32 v1, v4;
	_ =	sdelay $0x1  }
0x457: {  	v3 =	vadd.s32 v1, v3;
	_ =	sdelay $0x1  }
0x458: {  	s26 =	simm.s32 $0x16800  }
0x459: {  	[tilespmem:s26], [sflag:$0x3] =	stream.indirect_vreg.gather [hbm4b:s2+s3], $0x80, v4, vm0, $0xb8;
	[tilespmem:$0x18800] =	vst v63  }
0x45a: {  	s24 =	simm.s32 $0x17000  }
0x45b: {  	[tilespmem:s24], [sflag:$0x3] =	stream.indirect_vreg.gather [hbm4b:s2+s3], $0x80, v3, vm0, $0xb8;
	[tilespmem:$0x18800] =	vst v63  }
0x45c: {  	v3 =	vld [tilespmem:$0x5F0];
	_ =	sdelay $0x4  }
0x45d: {  	v63 =	vshll.u32 v3, $0x1  }
0x45e: {  	v3 =	vand.u32 $0x7, v3;
	v4 =	vand.u32 $0xFFFFFFF0, v63  }
0x45f: {  	v3 =	vor.u32 v3, v4  }
0x460: {  	v4 =	vperm.xlane v3, v0;
	_ =	sdelay $0x1  }
0x461: {  	v3 =	vperm.xlane v3, v2;
	v4 =	vadd.s32 v1, v4;
	_ =	sdelay $0x1  }
0x462: {  	v3 =	vadd.s32 v1, v3;
	_ =	sdelay $0x1  }
0x463: {  	s28 =	simm.s32 $0x17800  }
0x464: {  	[tilespmem:s28], [sflag:$0x3] =	stream.indirect_vreg.gather [hbm4b:s2+s3], $0x80, v4, vm0, $0xb8;
	[tilespmem:$0x18800] =	vst v63  }
0x465: {  	s25 =	simm.s32 $0x18000  }
0x466: {  	[tilespmem:s25], [sflag:$0x3] =	stream.indirect_vreg.gather [hbm4b:s2+s3], $0x80, v3, vm0, $0xb8;
	[tilespmem:$0x18800] =	vst v63  }
0x467: {  	_ =	swait.ge [sflag:s30], $0x8000  }
0x468: {  	[sflag:s30] =	ssyncset.done $0x0  }
0x469: {  	s26 =	rddreg [dreg:$0xc];
	[sflag:s30] =	ssyncadd.s32 $0xFFFF8000  }
0x46a: {  	[hbm4b:s26+s3] =	stream.linear.scatter [tilespmem:s23], [sflag:$0x4], $0x8000, $0x38;
	[tilespmem:$0x18800] =	vst v63  }
0x46b: {  	_ =	swait.ge [sflag:s1], $0x8000  }
0x46c: {  	[sflag:s1] =	ssyncset.done $0x0  }
0x46d: {  	s28 =	rddreg [dreg:$0xd];
	[sflag:s1] =	ssyncadd.s32 $0xFFFF8000  }
0x46e: {  	[hbm4b:s28+s3] =	stream.linear.scatter [tilespmem:s7], [sflag:$0x5], $0x8000, $0x38;
	[tilespmem:$0x18800] =	vst v63  }
0x46f: {  	_ =	swait.ge [sflag:s4], $0x8000  }
0x470: {  	[sflag:s4] =	ssyncset.done $0x0  }
0x471: {  	s29 =	rddreg [dreg:$0xe];
	[sflag:s4] =	ssyncadd.s32 $0xFFFF8000  }
0x472: {  	[hbm4b:s29+s3] =	stream.linear.scatter [tilespmem:s16], [sflag:$0x6], $0x8000, $0x38;
	[tilespmem:$0x18800] =	vst v63  }
0x473: {  	_ =	swait.ge [sflag:s31], $0x8000  }
0x474: {  	[sflag:s31] =	ssyncset.done $0x0  }
0x475: {  	[sflag:s31] =	ssyncadd.s32 $0xFFFF8000  }
0x476: {  	p0 =	sne.s32 s5, $0x1;
	_ =	swait.ge [sflag:s0], $0x8000  }
.Ltmp0:
0x477: {  	[sflag:s0] =	ssyncset.done $0x0;
	(pc) =	sbr.rel @p0 .LBB2_1-.Ltmp0, $4  }
0x478: {  	[sflag:s0] =	ssyncadd.s32 $0xFFFF8000  }
0x479: {  	_ =	swait.ge [sflag:s6], $0x8000  }
0x47a: {  	[sflag:s6] =	ssyncset.done $0x0  }
0x47b: {  	s5 =	sadd.s32 $0xFFFFFFFF, s5;
	[sflag:s6] =	ssyncadd.s32 $0xFFFF8000  }
0x47c: {  	_ =	sfence.sel $0x180000  }
0x47d: {  	[bflag:$0x0] =	sbarrier.arrive $0xFFFF  }
0x47e: {  	_ =	strace $0x9000004A  }
0x47f: {  	s0 =	stileid.u32;
	[bflag:$0x2] =	sbarrier.arrive $0xFFFF  }
0x480: {  	p0 =	sne.s32 s0, $0x0;
	s0 =	rddreg [dreg:$0x2]  }
0x481: {  	s0 =	sadd.s32 @!p0 $0x100000, s0  }
0x482: {  	[sflag:s0] =	ssyncadd.tile.s32 @!p0 $0x1;
	_ =	shalt  }
.Lfunc_end2:
_tile_overlayer_lowered:
.L_overlay_start_2:
0x483: {  	(tag) =	ssettag $0x2  }
0x484: {  	s0 =	rddreg [dreg:$0x0];
	s2 =	stileid.u32  }
0x485: {  	s1 =	rddreg [dreg:$0x1];
	p0 =	sne.s32 s2, $0x0  }
0x486: {  	s3 =	rddreg [dreg:$0x2];
	[bflag:$0x3] =	sbarrier.arrive $0xFFFF;
	s2 =	simm.s32 @!p0 $0x1C07  }
0x487: {  	[timem:s3], [sflag:s2] =	dma.local @!p0 [hbm:s0], s1  }
0x488: {  	s0 =	simm.s32 @!p0 $0x7  }
0x489: {  	_ =	swait.ge @!p0 [sflag:s0], s1  }
0x48a: {  	s1 =	ssub.s32 @!p0 $0x0, s1;
	[sflag:s0] =	ssyncset.done @!p0 $0x0  }
0x48b: {  	[sflag:s0] =	ssyncadd.s32 @!p0 s1  }
0x48c: {  	[bflag:$0x3] =	sbarrier.arrive $0xFFFF  }
0x48d: {  	_ =	shalt  }

</sc_bundles>
